<compile_context>
chip_gen: v7x
topology: tpu7x:2x2x1
jax: 0.10.2.dev20260603
libtpu: 0.0.44.dev20260713+nightly
codegen_flags: <defaults>
</compile_context>

<pallas_src>
import functools

import jax
import jax.numpy as jnp
from jax import lax
from jax.experimental import pallas as pl
from jax.experimental.pallas import tpu as pltpu
from jax.experimental.pallas import tpu_sc as plsc

N = 10000
F = 128
E = 320000

NC = 2
NS = 16
FH = F // NC
CH = 32

N_PAD = 10240
E_PAD = 327680
K = E_PAD // NS // CH
NB = 4
KG = K + NB
HK = K // 2
RPT = N_PAD // NS
RB = 128

_mesh = plsc.VectorSubcoreMesh(core_axis_name="c", subcore_axis_name="s")


def _rsqrt16(x):
    i = plsc.bitcast(x, jnp.int32)
    y = plsc.bitcast(jnp.int32(0x5F3759DF) - (i >> 1), jnp.float32)
    for _ in range(3):
        y = y * (1.5 - 0.5 * x * y * y)
    return y


@functools.partial(
    pl.kernel,
    out_type=[
        jax.ShapeDtypeStruct((NC, N_PAD, FH), jnp.float32),
        jax.ShapeDtypeStruct((NC, N_PAD, FH), jnp.float32),
    ],
    mesh=_mesh,
    compiler_params=pltpu.CompilerParams(
        needs_layout_passes=False, use_tc_tiling_on_sc=False),
    scratch_types=[
        pltpu.VMEM((HK + NB, CH), jnp.int32),
        pltpu.VMEM((HK, CH), jnp.int32),
        pltpu.VMEM((NB, CH, FH), jnp.float32),
        pltpu.VMEM((RB, FH), jnp.float32),
        pltpu.VMEM((RPT,), jnp.float32),
        pltpu.VMEM((CH,), jnp.float32),
        pltpu.VMEM_SHARED((N_PAD, FH), jnp.float32),
        pltpu.VMEM_SHARED((N_PAD, FH), jnp.float32),
        pltpu.VMEM_SHARED((N_PAD,), jnp.float32),
        pltpu.SemaphoreType.DMA((NB,)),
        pltpu.SemaphoreType.DMA((NB,)),
        pltpu.SemaphoreType.DMA,
    ],
)
def _mixhop_sc(x_hbm, src_hbm, dst_hbm, zeros1_hbm, zeros2_hbm,
               h1_hbm, h2_hbm,
               src_v, dst_v, ring_v, sbuf_v, dinv_v, ones_v,
               acc_sh, u_sh, deg_sh, semg, sems, semd):
    cid = lax.axis_index("c")
    sid = lax.axis_index("s")

    pltpu.sync_copy(zeros2_hbm.at[pl.ds(sid * RPT, RPT)],
                    acc_sh.at[pl.ds(sid * RPT, RPT)])
    pltpu.sync_copy(zeros1_hbm.at[pl.ds(sid * RPT, RPT)],
                    deg_sh.at[pl.ds(sid * RPT, RPT)])
    for i in range(CH // 16):
        ones_v[pl.ds(i * 16, 16)] = jnp.full((16,), 1.0, jnp.float32)
    plsc.subcore_barrier()

    def deg_half(h):
        pltpu.sync_copy(dst_hbm.at[sid, pl.ds(h * HK, HK)], dst_v)

        def deg_body(j, _):
            pltpu.async_copy(ones_v, deg_sh.at[dst_v.at[j]], semd, add=True)
            return ()

        lax.fori_loop(0, HK, deg_body, ())

        def deg_drain(j, _):
            pltpu.make_async_copy(ones_v, deg_sh.at[dst_v.at[0]], semd).wait()
            return ()

        lax.fori_loop(0, HK, deg_drain, ())

    deg_half(0)
    deg_half(1)
    plsc.subcore_barrier()

    base = sid * RPT
    pltpu.sync_copy(deg_sh.at[pl.ds(base, RPT)], dinv_v)

    def dinv_body(i, _):
        d = dinv_v[pl.ds(i * 16, 16)]
        dinv_v[pl.ds(i * 16, 16)] = _rsqrt16(jnp.maximum(d, 1.0))
        return ()

    lax.fori_loop(0, RPT // 16, dinv_body, ())

    def scale_block(b):
        def row_body(r, _):
            rf = lax.convert_element_type(b * RB + r, jnp.float32)
            ridx = lax.convert_element_type(
                jnp.zeros((16,), jnp.float32) + rf, jnp.int32)
            dv = plsc.load_gather(dinv_v, [ridx])
            for i in range(FH // 16):
                v = sbuf_v[r, pl.ds(i * 16, 16)]
                sbuf_v[r, pl.ds(i * 16, 16)] = v * dv
            return ()
        lax.fori_loop(0, RB, row_body, ())

    def u0_block(b, _):
        row0 = base + b * RB
        pltpu.sync_copy(x_hbm.at[cid, pl.ds(row0, RB)], sbuf_v)
        scale_block(b)
        pltpu.sync_copy(sbuf_v, u_sh.at[pl.ds(row0, RB)])
        return ()

    lax.fori_loop(0, RPT // RB, u0_block, ())
    plsc.subcore_barrier()

    def gather(i, b):
        pltpu.async_copy(u_sh.at[src_v.at[i]], ring_v.at[b], semg.at[b])

    def wait_g(b):
        pltpu.make_async_copy(u_sh.at[src_v.at[0]], ring_v.at[b],
                              semg.at[b]).wait()

    def scatter(i, b):
        pltpu.async_copy(ring_v.at[b], acc_sh.at[dst_v.at[i]], sems.at[b],
                         add=True)

    def wait_s(b):
        pltpu.make_async_copy(ring_v.at[b], acc_sh.at[dst_v.at[0]],
                              sems.at[b]).wait()

    def spmm():
        def half(h):
            pltpu.sync_copy(src_hbm.at[sid, pl.ds(h * HK, HK + NB)], src_v)
            pltpu.sync_copy(dst_hbm.at[sid, pl.ds(h * HK, HK)], dst_v)
            gather(0, 0)
            gather(1, 1)
            wait_g(0); scatter(0, 0); gather(2, 2)
            wait_g(1); scatter(1, 1); gather(3, 3)
            wait_g(2); scatter(2, 2); wait_s(0); gather(4, 0)
            wait_g(3); scatter(3, 3); wait_s(1); gather(5, 1)

            def body(g, _):
                for t in range(NB):
                    i = NB + g * NB + t
                    wait_g(t)
                    scatter(i, t)
                    b2 = (t + 2) % NB
                    wait_s(b2)
                    gather(i + 2, b2)
                return ()

            lax.fori_loop(0, (HK - NB) // NB, body, ())
            wait_s(2)
            wait_s(3)
            wait_g(0)
            wait_g(1)

        half(0)
        half(1)

    spmm()
    plsc.subcore_barrier()

    def h1_block(b, _):
        row0 = base + b * RB
        pltpu.sync_copy(acc_sh.at[pl.ds(row0, RB)], sbuf_v)
        scale_block(b)
        pltpu.sync_copy(sbuf_v, h1_hbm.at[cid, pl.ds(row0, RB)])
        scale_block(b)
        pltpu.sync_copy(sbuf_v, u_sh.at[pl.ds(row0, RB)])
        return ()

    lax.fori_loop(0, RPT // RB, h1_block, ())
    pltpu.sync_copy(zeros2_hbm.at[pl.ds(sid * RPT, RPT)],
                    acc_sh.at[pl.ds(sid * RPT, RPT)])
    plsc.subcore_barrier()

    spmm()
    plsc.subcore_barrier()

    def h2_block(b, _):
        row0 = base + b * RB
        pltpu.sync_copy(acc_sh.at[pl.ds(row0, RB)], sbuf_v)
        scale_block(b)
        pltpu.sync_copy(sbuf_v, h2_hbm.at[cid, pl.ds(row0, RB)])
        return ()

    lax.fori_loop(0, RPT // RB, h2_block, ())


BN = 1000


def _tc_body(x_ref, h1_ref, h2_ref, w0_ref, w1_ref, w2_ref,
             b0_ref, b1_ref, b2_ref, out_ref):
    out_ref[:, 0:F] = jnp.dot(x_ref[...], w0_ref[...],
                              preferred_element_type=jnp.float32) + b0_ref[...]
    out_ref[:, F:2 * F] = (
        jnp.dot(h1_ref[0], w1_ref[0:FH, :], preferred_element_type=jnp.float32)
        + jnp.dot(h1_ref[1], w1_ref[FH:F, :], preferred_element_type=jnp.float32)
        + b1_ref[...])
    out_ref[:, 2 * F:3 * F] = (
        jnp.dot(h2_ref[0], w2_ref[0:FH, :], preferred_element_type=jnp.float32)
        + jnp.dot(h2_ref[1], w2_ref[FH:F, :], preferred_element_type=jnp.float32)
        + b2_ref[...])


_ROW_SPEC = pl.BlockSpec((BN, F), lambda i: (i, 0))
_HALF_SPEC = pl.BlockSpec((NC, BN, FH), lambda i: (0, i, 0))
_W_SPEC = pl.BlockSpec((F, F), lambda i: (0, 0))
_B_SPEC = pl.BlockSpec((1, F), lambda i: (0, 0))

_tc_all = pl.pallas_call(
    _tc_body,
    grid=(N // BN,),
    in_specs=[_ROW_SPEC, _HALF_SPEC, _HALF_SPEC,
              _W_SPEC, _W_SPEC, _W_SPEC, _B_SPEC, _B_SPEC, _B_SPEC],
    out_specs=pl.BlockSpec((BN, 3 * F), lambda i: (i, 0)),
    out_shape=jax.ShapeDtypeStruct((N, 3 * F), jnp.float32),
)


@jax.jit
def kernel(x, edge_index, W0, b0, W1, b1, W2, b2):
    pad = E_PAD - E
    src = jnp.concatenate(
        [edge_index[0], jnp.zeros((pad,), jnp.int32)]).reshape(NS, K, CH)
    src = jnp.concatenate([src, jnp.zeros((NS, NB, CH), jnp.int32)], axis=1)
    dst = jnp.concatenate(
        [edge_index[1], jnp.full((pad,), N, jnp.int32)]).reshape(NS, K, CH)
    zeros1 = jnp.zeros((N_PAD,), jnp.float32)
    zeros2 = jnp.zeros((N_PAD, FH), jnp.float32)

    x_pad = jnp.pad(x, ((0, N_PAD - N), (0, 0)))
    xc = jnp.moveaxis(x_pad.reshape(N_PAD, NC, FH), 1, 0)
    h1, h2 = _mixhop_sc(xc, src, dst, zeros1, zeros2)
    return _tc_all(x, h1, h2, W0, W1, W2,
                   b0.reshape(1, F), b1.reshape(1, F), b2.reshape(1, F))

# --- scband reference (transcript-rebuilt; emitter-appended) ---
"""Pipeline reference for scband-mix-hop-layer-66245575573680 (READ-ONLY COPY).

The authoritative reference and input builder live on the scoring server;
editing this copy changes nothing except your own understanding.
"""

import jax, jax.numpy as jnp
import numpy as np

N = 10000
E = 320000
F = 128
POWS = [0, 1, 2]
DIMS = [128, 128, 128]


def setup_inputs(seed: int = 0) -> dict:
    key = jax.random.key(seed)
    ks = jax.random.split(key, 2 + 2 * len(DIMS))
    x = jax.random.normal(ks[0], (N, F), dtype=jnp.float32)
    edge_index = jax.random.randint(ks[1], (2, E), 0, N, dtype=jnp.int32)
    inp = {"x": x, "edge_index": edge_index}
    for i, d in enumerate(DIMS):
        bound = 1.0 / np.sqrt(F)
        W = jax.random.uniform(ks[2 + 2 * i], (F, d), dtype=jnp.float32, minval=-bound, maxval=bound)
        b = jax.random.uniform(ks[3 + 2 * i], (d,), dtype=jnp.float32, minval=-bound, maxval=bound)
        inp[f"W{i}"] = W
        inp[f"b{i}"] = b
    return inp


def _sym_norm(edge_index):
    # graph.sym_norm(): edge weight = 1/sqrt(deg(src)) * 1/sqrt(deg(dst))
    src = edge_index[0]
    dst = edge_index[1]
    ones = jnp.ones((E,), dtype=jnp.float32)
    deg = jax.ops.segment_sum(ones, dst, num_segments=N)
    deg = jnp.maximum(deg, 1.0)
    dinv = 1.0 / jnp.sqrt(deg)
    return dinv[src] * dinv[dst]


def _spmm(edge_index, norm, x):
    # out[dst] += norm_e * x[src]
    src = edge_index[0]
    dst = edge_index[1]
    msgs = x[src] * norm[:, None]
    return jax.ops.segment_sum(msgs, dst, num_segments=N)


def reference(x, edge_index, W0, b0, W1, b1, W2, b2):
    norm = _sym_norm(edge_index)
    params = [(W0, b0), (W1, b1), (W2, b2)]
    outs = []
    for p, (W, b) in zip(POWS, params):
        h = x
        for _ in range(p):
            h = _spmm(edge_index, norm, h)
        outs.append(h @ W + b)
    return jnp.concatenate(outs, axis=1)

if __name__ == "__main__":
    import jax
    _d = setup_inputs()
    print(jax.jit(kernel)(*tuple(_d.values())))

</pallas_src>

<mosaic_0001>
#map = affine_map<(d0, d1) -> (0, 0, 0)>
#map1 = affine_map<(d0, d1) -> (0)>
#map2 = affine_map<(d0, d1) -> (0, 0)>
module attributes {stable_mosaic.version = 14 : i64} {
  func.func @_mixhop_sc(%arg0: i32, %arg1: i32, %arg2: memref<2x10240x64xf32, #tpu.memory_space<hbm>>, %arg3: memref<16x644x32xi32, #tpu.memory_space<hbm>>, %arg4: memref<16x640x32xi32, #tpu.memory_space<hbm>>, %arg5: memref<10240xf32, #tpu.memory_space<hbm>>, %arg6: memref<10240x64xf32, #tpu.memory_space<hbm>>, %arg7: memref<2x10240x64xf32, #tpu.memory_space<hbm>>, %arg8: memref<2x10240x64xf32, #tpu.memory_space<hbm>>, %arg9: memref<324x32xi32, #tpu.memory_space<vmem>>, %arg10: memref<320x32xi32, #tpu.memory_space<vmem>>, %arg11: memref<4x32x64xf32, #tpu.memory_space<vmem>>, %arg12: memref<128x64xf32, #tpu.memory_space<vmem>>, %arg13: memref<640xf32, #tpu.memory_space<vmem>>, %arg14: memref<32xf32, #tpu.memory_space<vmem>>, %arg15: memref<10240x64xf32, #tpu.memory_space<vmem_shared>>, %arg16: memref<10240x64xf32, #tpu.memory_space<vmem_shared>>, %arg17: memref<10240xf32, #tpu.memory_space<vmem_shared>>, %arg18: memref<4x!tpu.dma_semaphore, #tpu.memory_space<semaphore_mem>>, %arg19: memref<4x!tpu.dma_semaphore, #tpu.memory_space<semaphore_mem>>, %arg20: memref<!tpu.dma_semaphore, #tpu.memory_space<semaphore_mem>>) attributes {dimension_semantics = [#tpu.dimension_semantics<core_parallel>, #tpu.dimension_semantics<subcore_parallel>], iteration_bounds = array<i64: 2, 16>, scalar_prefetch = 0 : i64, scratch_operands = 12 : i64, tpu.core_type = #tpu.core_type<sc_vector_subcore>, window_params = [{transform_indices = #map}, {transform_indices = #map}, {transform_indices = #map}, {transform_indices = #map1}, {transform_indices = #map2}, {transform_indices = #map}, {transform_indices = #map}]} {
    %mul3A = arith.constant 640 : i32
    %mul3A_0 = arith.muli %arg1, %mul3A : i32
    %mul3A_1 = arith.constant 640 : i32
    %mul3A_2 = arith.muli %arg1, %mul3A_1 : i32
    "tpu.region"() ({
      %run_scoped3A = tpu.sem_alloc : memref<!tpu.dma_semaphore, #tpu.memory_space<semaphore_mem>>
      %dma_start3A_1281 = arith.constant 0 : i32
      %dma_start3A_1282 = tpu.memref_slice %arg15[%mul3A_2, %dma_start3A_1281] : memref<10240x64xf32, #tpu.memory_space<vmem_shared>> -> memref<640x64xf32, #tpu.memory_space<vmem_shared>>
      %dma_start3A_1283 = arith.constant 0 : i32
      %dma_start3A_1284 = tpu.memref_slice %arg6[%mul3A_0, %dma_start3A_1283] : memref<10240x64xf32, #tpu.memory_space<hbm>> -> memref<640x64xf32, #tpu.memory_space<hbm>>
      tpu.enqueue_dma source(%dma_start3A_1284 : memref<640x64xf32, #tpu.memory_space<hbm>>) target(%dma_start3A_1282 : memref<640x64xf32, #tpu.memory_space<vmem_shared>>) target_semaphore(%run_scoped3A : memref<!tpu.dma_semaphore, #tpu.memory_space<semaphore_mem>>)
      %dma_wait3A_1285 = arith.constant 0 : i32
      %dma_wait3A_1286 = tpu.memref_slice %arg15[%mul3A_2, %dma_wait3A_1285] : memref<10240x64xf32, #tpu.memory_space<vmem_shared>> -> memref<640x64xf32, #tpu.memory_space<vmem_shared>>
      %dma_wait3A_1287 = arith.constant 0 : i32
      %dma_wait3A_1288 = tpu.memref_slice %arg6[%mul3A_0, %dma_wait3A_1287] : memref<10240x64xf32, #tpu.memory_space<hbm>> -> memref<640x64xf32, #tpu.memory_space<hbm>>
      tpu.wait_dma2 semaphore(%run_scoped3A : memref<!tpu.dma_semaphore, #tpu.memory_space<semaphore_mem>>) src(%dma_wait3A_1288 : memref<640x64xf32, #tpu.memory_space<hbm>>) dst(%dma_wait3A_1286 : memref<640x64xf32, #tpu.memory_space<vmem_shared>>)
      tpu.yield
    }) : () -> ()
    %mul3A_3 = arith.constant 640 : i32
    %mul3A_4 = arith.muli %arg1, %mul3A_3 : i32
    %mul3A_5 = arith.constant 640 : i32
    %mul3A_6 = arith.muli %arg1, %mul3A_5 : i32
    "tpu.region"() ({
      %run_scoped3A = tpu.sem_alloc : memref<!tpu.dma_semaphore, #tpu.memory_space<semaphore_mem>>
      %dma_start3A_1281 = tpu.memref_slice %arg17[%mul3A_6] : memref<10240xf32, #tpu.memory_space<vmem_shared>> -> memref<640xf32, #tpu.memory_space<vmem_shared>>
      %dma_start3A_1282 = tpu.memref_slice %arg5[%mul3A_4] : memref<10240xf32, #tpu.memory_space<hbm>> -> memref<640xf32, #tpu.memory_space<hbm>>
      tpu.enqueue_dma source(%dma_start3A_1282 : memref<640xf32, #tpu.memory_space<hbm>>) target(%dma_start3A_1281 : memref<640xf32, #tpu.memory_space<vmem_shared>>) target_semaphore(%run_scoped3A : memref<!tpu.dma_semaphore, #tpu.memory_space<semaphore_mem>>)
      %dma_wait3A_1283 = tpu.memref_slice %arg17[%mul3A_6] : memref<10240xf32, #tpu.memory_space<vmem_shared>> -> memref<640xf32, #tpu.memory_space<vmem_shared>>
      %dma_wait3A_1284 = tpu.memref_slice %arg5[%mul3A_4] : memref<10240xf32, #tpu.memory_space<hbm>> -> memref<640xf32, #tpu.memory_space<hbm>>
      tpu.wait_dma2 semaphore(%run_scoped3A : memref<!tpu.dma_semaphore, #tpu.memory_space<semaphore_mem>>) src(%dma_wait3A_1284 : memref<640xf32, #tpu.memory_space<hbm>>) dst(%dma_wait3A_1283 : memref<640xf32, #tpu.memory_space<vmem_shared>>)
      tpu.yield
    }) : () -> ()
    %broadcast_in_dim3A = arith.constant 1.000000e+00 : f32
    %broadcast_in_dim3A_7 = vector.broadcast %broadcast_in_dim3A : f32 to vector<16xf32>
    %swap3A = arith.constant 0 : index
    %swap3A_8 = tpu.vector_load %arg14[%swap3A] {strides = array<i32>} : memref<32xf32, #tpu.memory_space<vmem>>, vector<16xf32>,
    tpu.vector_store %arg14[%swap3A], %broadcast_in_dim3A_7 {strides = array<i32>} : memref<32xf32, #tpu.memory_space<vmem>>, vector<16xf32>,
    %broadcast_in_dim3A_9 = arith.constant 1.000000e+00 : f32
    %broadcast_in_dim3A_10 = vector.broadcast %broadcast_in_dim3A_9 : f32 to vector<16xf32>
    %swap3A_11 = arith.constant 16 : index
    %swap3A_12 = tpu.vector_load %arg14[%swap3A_11] {strides = array<i32>} : memref<32xf32, #tpu.memory_space<vmem>>, vector<16xf32>,
    tpu.vector_store %arg14[%swap3A_11], %broadcast_in_dim3A_10 {strides = array<i32>} : memref<32xf32, #tpu.memory_space<vmem>>, vector<16xf32>,
    %barrier3A = arith.constant 0 : index
    tpu.barrier barrier_id(%barrier3A)
    "tpu.region"() ({
      %run_scoped3A = tpu.sem_alloc : memref<!tpu.dma_semaphore, #tpu.memory_space<semaphore_mem>>
      %dma_start3A_1281 = arith.constant 0 : i32
      %dma_start3A_1282 = arith.constant 0 : i32
      %dma_start3A_1283 = tpu.memref_slice %arg4[%arg1, %dma_start3A_1281, %dma_start3A_1282] : memref<16x640x32xi32, #tpu.memory_space<hbm>> -> memref<1x320x32xi32, #tpu.memory_space<hbm>>
      %dma_start3A_1284 = tpu.memref_squeeze %dma_start3A_1283 : memref<1x320x32xi32, #tpu.memory_space<hbm>> -> memref<320x32xi32, #tpu.memory_space<hbm>>
      %dma_start3A_1285 = arith.constant 0 : i32
      %dma_start3A_1286 = arith.constant 0 : i32
      %dma_start3A_1287 = tpu.memref_slice %arg4[%arg1, %dma_start3A_1285, %dma_start3A_1286] : memref<16x640x32xi32, #tpu.memory_space<hbm>> -> memref<1x320x32xi32, #tpu.memory_space<hbm>>
      %dma_start3A_1288 = tpu.memref_squeeze %dma_start3A_1287 : memref<1x320x32xi32, #tpu.memory_space<hbm>> -> memref<320x32xi32, #tpu.memory_space<hbm>>
      tpu.enqueue_dma source(%dma_start3A_1288 : memref<320x32xi32, #tpu.memory_space<hbm>>) target(%arg10 : memref<320x32xi32, #tpu.memory_space<vmem>>) target_semaphore(%run_scoped3A : memref<!tpu.dma_semaphore, #tpu.memory_space<semaphore_mem>>)
      %dma_wait3A_1289 = arith.constant 0 : i32
      %dma_wait3A_1290 = arith.constant 0 : i32
      %dma_wait3A_1291 = tpu.memref_slice %arg4[%arg1, %dma_wait3A_1289, %dma_wait3A_1290] : memref<16x640x32xi32, #tpu.memory_space<hbm>> -> memref<1x320x32xi32, #tpu.memory_space<hbm>>
      %dma_wait3A_1292 = tpu.memref_squeeze %dma_wait3A_1291 : memref<1x320x32xi32, #tpu.memory_space<hbm>> -> memref<320x32xi32, #tpu.memory_space<hbm>>
      %dma_wait3A_1293 = arith.constant 0 : i32
      %dma_wait3A_1294 = arith.constant 0 : i32
      %dma_wait3A_1295 = tpu.memref_slice %arg4[%arg1, %dma_wait3A_1293, %dma_wait3A_1294] : memref<16x640x32xi32, #tpu.memory_space<hbm>> -> memref<1x320x32xi32, #tpu.memory_space<hbm>>
      %dma_wait3A_1296 = tpu.memref_squeeze %dma_wait3A_1295 : memref<1x320x32xi32, #tpu.memory_space<hbm>> -> memref<320x32xi32, #tpu.memory_space<hbm>>
      tpu.wait_dma2 semaphore(%run_scoped3A : memref<!tpu.dma_semaphore, #tpu.memory_space<semaphore_mem>>) src(%dma_wait3A_1296 : memref<320x32xi32, #tpu.memory_space<hbm>>) dst(%arg10 : memref<320x32xi32, #tpu.memory_space<vmem>>)
      tpu.yield
    }) : () -> ()
    %scan3A = arith.constant 0 : i32
    %scan3A_13 = arith.constant 320 : i32
    %scan3A_14 = arith.addi %scan3A, %scan3A_13 : i32
    %scan3A_15 = arith.constant 1 : i32
    scf.for %scan3A_1281 = %scan3A to %scan3A_14 step %scan3A_15  : i32 {
      %dma_start3A_1282 = arith.constant 0 : i32
      %dma_start3A_1283 = tpu.memref_slice %arg10[%scan3A_1281, %dma_start3A_1282] : memref<320x32xi32, #tpu.memory_space<vmem>> -> memref<1x32xi32, #tpu.memory_space<vmem>>
      %dma_start3A_1284 = tpu.memref_squeeze %dma_start3A_1283 : memref<1x32xi32, #tpu.memory_space<vmem>> -> memref<32xi32, #tpu.memory_space<vmem>>
      %dma_start3A_1285 = arith.constant 0 : i32
      %dma_start3A_1286 = tpu.memref_slice %arg17[%dma_start3A_1285] : memref<10240xf32, #tpu.memory_space<vmem_shared>> -> memref<10240xf32, #tpu.memory_space<vmem_shared>>
      tpu.enqueue_indirect_dma source(%arg14 : memref<32xf32, #tpu.memory_space<vmem>>) target(%dma_start3A_1286 : memref<10240xf32, #tpu.memory_space<vmem_shared>>) offsets(%dma_start3A_1284 : memref<32xi32, #tpu.memory_space<vmem>>) semaphore(%arg20 : memref<!tpu.dma_semaphore, #tpu.memory_space<semaphore_mem>>) {add = true}
    }
    %scan3A_16 = arith.constant 320 : i32
    %scan3A_17 = arith.constant 0 : i32
    %scan3A_18 = arith.constant 320 : i32
    %scan3A_19 = arith.addi %scan3A_17, %scan3A_18 : i32
    %scan3A_20 = arith.constant 1 : i32
    scf.for %scan3A_1281 = %scan3A_17 to %scan3A_19 step %scan3A_20  : i32 {
      %dma_wait3A_1282 = arith.constant 0 : i32
      %dma_wait3A_1283 = arith.constant 0 : i32
      %dma_wait3A_1284 = tpu.memref_slice %arg10[%dma_wait3A_1282, %dma_wait3A_1283] : memref<320x32xi32, #tpu.memory_space<vmem>> -> memref<1x32xi32, #tpu.memory_space<vmem>>
      %dma_wait3A_1285 = tpu.memref_squeeze %dma_wait3A_1284 : memref<1x32xi32, #tpu.memory_space<vmem>> -> memref<32xi32, #tpu.memory_space<vmem>>
      %dma_wait3A_1286 = arith.constant 0 : i32
      %dma_wait3A_1287 = tpu.memref_slice %arg17[%dma_wait3A_1286] : memref<10240xf32, #tpu.memory_space<vmem_shared>> -> memref<10240xf32, #tpu.memory_space<vmem_shared>>
      tpu.wait_indirect_dma semaphore(%arg20 : memref<!tpu.dma_semaphore, #tpu.memory_space<semaphore_mem>>) src(%arg14 : memref<32xf32, #tpu.memory_space<vmem>>) dst(%dma_wait3A_1287 : memref<10240xf32, #tpu.memory_space<vmem_shared>>)
    }
    %scan3A_21 = arith.constant 320 : i32
    "tpu.region"() ({
      %run_scoped3A = tpu.sem_alloc : memref<!tpu.dma_semaphore, #tpu.memory_space<semaphore_mem>>
      %dma_start3A_1281 = arith.constant 320 : i32
      %dma_start3A_1282 = arith.constant 0 : i32
      %dma_start3A_1283 = tpu.memref_slice %arg4[%arg1, %dma_start3A_1281, %dma_start3A_1282] : memref<16x640x32xi32, #tpu.memory_space<hbm>> -> memref<1x320x32xi32, #tpu.memory_space<hbm>>
      %dma_start3A_1284 = tpu.memref_squeeze %dma_start3A_1283 : memref<1x320x32xi32, #tpu.memory_space<hbm>> -> memref<320x32xi32, #tpu.memory_space<hbm>>
      %dma_start3A_1285 = arith.constant 320 : i32
      %dma_start3A_1286 = arith.constant 0 : i32
      %dma_start3A_1287 = tpu.memref_slice %arg4[%arg1, %dma_start3A_1285, %dma_start3A_1286] : memref<16x640x32xi32, #tpu.memory_space<hbm>> -> memref<1x320x32xi32, #tpu.memory_space<hbm>>
      %dma_start3A_1288 = tpu.memref_squeeze %dma_start3A_1287 : memref<1x320x32xi32, #tpu.memory_space<hbm>> -> memref<320x32xi32, #tpu.memory_space<hbm>>
      tpu.enqueue_dma source(%dma_start3A_1288 : memref<320x32xi32, #tpu.memory_space<hbm>>) target(%arg10 : memref<320x32xi32, #tpu.memory_space<vmem>>) target_semaphore(%run_scoped3A : memref<!tpu.dma_semaphore, #tpu.memory_space<semaphore_mem>>)
      %dma_wait3A_1289 = arith.constant 320 : i32
      %dma_wait3A_1290 = arith.constant 0 : i32
      %dma_wait3A_1291 = tpu.memref_slice %arg4[%arg1, %dma_wait3A_1289, %dma_wait3A_1290] : memref<16x640x32xi32, #tpu.memory_space<hbm>> -> memref<1x320x32xi32, #tpu.memory_space<hbm>>
      %dma_wait3A_1292 = tpu.memref_squeeze %dma_wait3A_1291 : memref<1x320x32xi32, #tpu.memory_space<hbm>> -> memref<320x32xi32, #tpu.memory_space<hbm>>
      %dma_wait3A_1293 = arith.constant 320 : i32
      %dma_wait3A_1294 = arith.constant 0 : i32
      %dma_wait3A_1295 = tpu.memref_slice %arg4[%arg1, %dma_wait3A_1293, %dma_wait3A_1294] : memref<16x640x32xi32, #tpu.memory_space<hbm>> -> memref<1x320x32xi32, #tpu.memory_space<hbm>>
      %dma_wait3A_1296 = tpu.memref_squeeze %dma_wait3A_1295 : memref<1x320x32xi32, #tpu.memory_space<hbm>> -> memref<320x32xi32, #tpu.memory_space<hbm>>
      tpu.wait_dma2 semaphore(%run_scoped3A : memref<!tpu.dma_semaphore, #tpu.memory_space<semaphore_mem>>) src(%dma_wait3A_1296 : memref<320x32xi32, #tpu.memory_space<hbm>>) dst(%arg10 : memref<320x32xi32, #tpu.memory_space<vmem>>)
      tpu.yield
    }) : () -> ()
    %scan3A_22 = arith.constant 0 : i32
    %scan3A_23 = arith.constant 320 : i32
    %scan3A_24 = arith.addi %scan3A_22, %scan3A_23 : i32
    %scan3A_25 = arith.constant 1 : i32
    scf.for %scan3A_1281 = %scan3A_22 to %scan3A_24 step %scan3A_25  : i32 {
      %dma_start3A_1282 = arith.constant 0 : i32
      %dma_start3A_1283 = tpu.memref_slice %arg10[%scan3A_1281, %dma_start3A_1282] : memref<320x32xi32, #tpu.memory_space<vmem>> -> memref<1x32xi32, #tpu.memory_space<vmem>>
      %dma_start3A_1284 = tpu.memref_squeeze %dma_start3A_1283 : memref<1x32xi32, #tpu.memory_space<vmem>> -> memref<32xi32, #tpu.memory_space<vmem>>
      %dma_start3A_1285 = arith.constant 0 : i32
      %dma_start3A_1286 = tpu.memref_slice %arg17[%dma_start3A_1285] : memref<10240xf32, #tpu.memory_space<vmem_shared>> -> memref<10240xf32, #tpu.memory_space<vmem_shared>>
      tpu.enqueue_indirect_dma source(%arg14 : memref<32xf32, #tpu.memory_space<vmem>>) target(%dma_start3A_1286 : memref<10240xf32, #tpu.memory_space<vmem_shared>>) offsets(%dma_start3A_1284 : memref<32xi32, #tpu.memory_space<vmem>>) semaphore(%arg20 : memref<!tpu.dma_semaphore, #tpu.memory_space<semaphore_mem>>) {add = true}
    }
    %scan3A_26 = arith.constant 320 : i32
    %scan3A_27 = arith.constant 0 : i32
    %scan3A_28 = arith.constant 320 : i32
    %scan3A_29 = arith.addi %scan3A_27, %scan3A_28 : i32
    %scan3A_30 = arith.constant 1 : i32
    scf.for %scan3A_1281 = %scan3A_27 to %scan3A_29 step %scan3A_30  : i32 {
      %dma_wait3A_1282 = arith.constant 0 : i32
      %dma_wait3A_1283 = arith.constant 0 : i32
      %dma_wait3A_1284 = tpu.memref_slice %arg10[%dma_wait3A_1282, %dma_wait3A_1283] : memref<320x32xi32, #tpu.memory_space<vmem>> -> memref<1x32xi32, #tpu.memory_space<vmem>>
      %dma_wait3A_1285 = tpu.memref_squeeze %dma_wait3A_1284 : memref<1x32xi32, #tpu.memory_space<vmem>> -> memref<32xi32, #tpu.memory_space<vmem>>
      %dma_wait3A_1286 = arith.constant 0 : i32
      %dma_wait3A_1287 = tpu.memref_slice %arg17[%dma_wait3A_1286] : memref<10240xf32, #tpu.memory_space<vmem_shared>> -> memref<10240xf32, #tpu.memory_space<vmem_shared>>
      tpu.wait_indirect_dma semaphore(%arg20 : memref<!tpu.dma_semaphore, #tpu.memory_space<semaphore_mem>>) src(%arg14 : memref<32xf32, #tpu.memory_space<vmem>>) dst(%dma_wait3A_1287 : memref<10240xf32, #tpu.memory_space<vmem_shared>>)
    }
    %scan3A_31 = arith.constant 320 : i32
    %barrier3A_32 = arith.constant 0 : index
    tpu.barrier barrier_id(%barrier3A_32)
    %mul3A_33 = arith.constant 640 : i32
    %mul3A_34 = arith.muli %arg1, %mul3A_33 : i32
    "tpu.region"() ({
      %run_scoped3A = tpu.sem_alloc : memref<!tpu.dma_semaphore, #tpu.memory_space<semaphore_mem>>
      %dma_start3A_1281 = tpu.memref_slice %arg17[%mul3A_34] : memref<10240xf32, #tpu.memory_space<vmem_shared>> -> memref<640xf32, #tpu.memory_space<vmem_shared>>
      %dma_start3A_1282 = tpu.memref_slice %arg17[%mul3A_34] : memref<10240xf32, #tpu.memory_space<vmem_shared>> -> memref<640xf32, #tpu.memory_space<vmem_shared>>
      tpu.enqueue_dma source(%dma_start3A_1282 : memref<640xf32, #tpu.memory_space<vmem_shared>>) target(%arg13 : memref<640xf32, #tpu.memory_space<vmem>>) target_semaphore(%run_scoped3A : memref<!tpu.dma_semaphore, #tpu.memory_space<semaphore_mem>>)
      %dma_wait3A_1283 = tpu.memref_slice %arg17[%mul3A_34] : memref<10240xf32, #tpu.memory_space<vmem_shared>> -> memref<640xf32, #tpu.memory_space<vmem_shared>>
      %dma_wait3A_1284 = tpu.memref_slice %arg17[%mul3A_34] : memref<10240xf32, #tpu.memory_space<vmem_shared>> -> memref<640xf32, #tpu.memory_space<vmem_shared>>
      tpu.wait_dma2 semaphore(%run_scoped3A : memref<!tpu.dma_semaphore, #tpu.memory_space<semaphore_mem>>) src(%dma_wait3A_1284 : memref<640xf32, #tpu.memory_space<vmem_shared>>) dst(%arg13 : memref<640xf32, #tpu.memory_space<vmem>>)
      tpu.yield
    }) : () -> ()
    %scan3A_35 = arith.constant 0 : i32
    %scan3A_36 = arith.constant 40 : i32
    %scan3A_37 = arith.addi %scan3A_35, %scan3A_36 : i32
    %scan3A_38 = arith.constant 1 : i32
    scf.for %scan3A_1281 = %scan3A_35 to %scan3A_37 step %scan3A_38  : i32 {
      %mul3A_1282 = arith.constant 16 : i32
      %mul3A_1283 = arith.muli %scan3A_1281, %mul3A_1282 : i32
      %get3A = arith.index_cast %mul3A_1283 : i32 to index
      %get3A_1284 = tpu.vector_load %arg13[%get3A] {strides = array<i32>} : memref<640xf32, #tpu.memory_space<vmem>>, vector<16xf32>,
      %max3A = arith.constant 1.000000e+00 : f32
      %max3A_1285 = vector.broadcast %max3A : f32 to vector<16xf32>
      %max3A_1286 = arith.maximumf %get3A_1284, %max3A_1285 : vector<16xf32>
      %bitcast3A = vector.bitcast %max3A_1286 : vector<16xf32> to vector<16xi32>
      %shift_right_arithmetic3A = arith.constant 1 : i32
      %shift_right_arithmetic3A_1287 = vector.broadcast %shift_right_arithmetic3A : i32 to vector<16xi32>
      %shift_right_arithmetic3A_1288 = arith.shrsi %bitcast3A, %shift_right_arithmetic3A_1287 : vector<16xi32>
      %sub3A = arith.constant 1597463007 : i32
      %sub3A_1289 = vector.broadcast %sub3A : i32 to vector<16xi32>
      %sub3A_1290 = arith.subi %sub3A_1289, %shift_right_arithmetic3A_1288 : vector<16xi32>
      %bitcast3A_1291 = vector.bitcast %sub3A_1290 : vector<16xi32> to vector<16xf32>
      %mul3A_1292 = arith.constant 5.000000e-01 : f32
      %mul3A_1293 = vector.broadcast %mul3A_1292 : f32 to vector<16xf32>
      %mul3A_1294 = arith.mulf %mul3A_1293, %max3A_1286 : vector<16xf32>
      %mul3A_1295 = arith.mulf %mul3A_1294, %bitcast3A_1291 : vector<16xf32>
      %mul3A_1296 = arith.mulf %mul3A_1295, %bitcast3A_1291 : vector<16xf32>
      %sub3A_1297 = arith.constant 1.500000e+00 : f32
      %sub3A_1298 = vector.broadcast %sub3A_1297 : f32 to vector<16xf32>
      %sub3A_1299 = arith.subf %sub3A_1298, %mul3A_1296 : vector<16xf32>
      %mul3A_1300 = arith.mulf %bitcast3A_1291, %sub3A_1299 : vector<16xf32>
      %mul3A_1301 = arith.constant 5.000000e-01 : f32
      %mul3A_1302 = vector.broadcast %mul3A_1301 : f32 to vector<16xf32>
      %mul3A_1303 = arith.mulf %mul3A_1302, %max3A_1286 : vector<16xf32>
      %mul3A_1304 = arith.mulf %mul3A_1303, %mul3A_1300 : vector<16xf32>
      %mul3A_1305 = arith.mulf %mul3A_1304, %mul3A_1300 : vector<16xf32>
      %sub3A_1306 = arith.constant 1.500000e+00 : f32
      %sub3A_1307 = vector.broadcast %sub3A_1306 : f32 to vector<16xf32>
      %sub3A_1308 = arith.subf %sub3A_1307, %mul3A_1305 : vector<16xf32>
      %mul3A_1309 = arith.mulf %mul3A_1300, %sub3A_1308 : vector<16xf32>
      %mul3A_1310 = arith.constant 5.000000e-01 : f32
      %mul3A_1311 = vector.broadcast %mul3A_1310 : f32 to vector<16xf32>
      %mul3A_1312 = arith.mulf %mul3A_1311, %max3A_1286 : vector<16xf32>
      %mul3A_1313 = arith.mulf %mul3A_1312, %mul3A_1309 : vector<16xf32>
      %mul3A_1314 = arith.mulf %mul3A_1313, %mul3A_1309 : vector<16xf32>
      %sub3A_1315 = arith.constant 1.500000e+00 : f32
      %sub3A_1316 = vector.broadcast %sub3A_1315 : f32 to vector<16xf32>
      %sub3A_1317 = arith.subf %sub3A_1316, %mul3A_1314 : vector<16xf32>
      %mul3A_1318 = arith.mulf %mul3A_1309, %sub3A_1317 : vector<16xf32>
      %mul3A_1319 = arith.constant 16 : i32
      %mul3A_1320 = arith.muli %scan3A_1281, %mul3A_1319 : i32
      %swap3A_1321 = arith.index_cast %mul3A_1320 : i32 to index
      %swap3A_1322 = tpu.vector_load %arg13[%swap3A_1321] {strides = array<i32>} : memref<640xf32, #tpu.memory_space<vmem>>, vector<16xf32>,
      tpu.vector_store %arg13[%swap3A_1321], %mul3A_1318 {strides = array<i32>} : memref<640xf32, #tpu.memory_space<vmem>>, vector<16xf32>,
    }
    %scan3A_39 = arith.constant 40 : i32
    %scan3A_40 = arith.constant 0 : i32
    %scan3A_41 = arith.constant 5 : i32
    %scan3A_42 = arith.addi %scan3A_40, %scan3A_41 : i32
    %scan3A_43 = arith.constant 1 : i32
    scf.for %scan3A_1281 = %scan3A_40 to %scan3A_42 step %scan3A_43  : i32 {
      %mul3A_1282 = arith.constant 128 : i32
      %mul3A_1283 = arith.muli %scan3A_1281, %mul3A_1282 : i32
      %add3A = arith.addi %mul3A_34, %mul3A_1283 : i32
      "tpu.region"() ({
        %run_scoped3A = tpu.sem_alloc : memref<!tpu.dma_semaphore, #tpu.memory_space<semaphore_mem>>
        %dma_start3A_1289 = arith.constant 0 : i32
        %dma_start3A_1290 = tpu.memref_slice %arg2[%arg0, %add3A, %dma_start3A_1289] : memref<2x10240x64xf32, #tpu.memory_space<hbm>> -> memref<1x128x64xf32, #tpu.memory_space<hbm>>
        %dma_start3A_1291 = tpu.memref_squeeze %dma_start3A_1290 : memref<1x128x64xf32, #tpu.memory_space<hbm>> -> memref<128x64xf32, #tpu.memory_space<hbm>>
        %dma_start3A_1292 = arith.constant 0 : i32
        %dma_start3A_1293 = tpu.memref_slice %arg2[%arg0, %add3A, %dma_start3A_1292] : memref<2x10240x64xf32, #tpu.memory_space<hbm>> -> memref<1x128x64xf32, #tpu.memory_space<hbm>>
        %dma_start3A_1294 = tpu.memref_squeeze %dma_start3A_1293 : memref<1x128x64xf32, #tpu.memory_space<hbm>> -> memref<128x64xf32, #tpu.memory_space<hbm>>
        tpu.enqueue_dma source(%dma_start3A_1294 : memref<128x64xf32, #tpu.memory_space<hbm>>) target(%arg12 : memref<128x64xf32, #tpu.memory_space<vmem>>) target_semaphore(%run_scoped3A : memref<!tpu.dma_semaphore, #tpu.memory_space<semaphore_mem>>)
        %dma_wait3A_1295 = arith.constant 0 : i32
        %dma_wait3A_1296 = tpu.memref_slice %arg2[%arg0, %add3A, %dma_wait3A_1295] : memref<2x10240x64xf32, #tpu.memory_space<hbm>> -> memref<1x128x64xf32, #tpu.memory_space<hbm>>
        %dma_wait3A_1297 = tpu.memref_squeeze %dma_wait3A_1296 : memref<1x128x64xf32, #tpu.memory_space<hbm>> -> memref<128x64xf32, #tpu.memory_space<hbm>>
        %dma_wait3A_1298 = arith.constant 0 : i32
        %dma_wait3A_1299 = tpu.memref_slice %arg2[%arg0, %add3A, %dma_wait3A_1298] : memref<2x10240x64xf32, #tpu.memory_space<hbm>> -> memref<1x128x64xf32, #tpu.memory_space<hbm>>
        %dma_wait3A_1300 = tpu.memref_squeeze %dma_wait3A_1299 : memref<1x128x64xf32, #tpu.memory_space<hbm>> -> memref<128x64xf32, #tpu.memory_space<hbm>>
        tpu.wait_dma2 semaphore(%run_scoped3A : memref<!tpu.dma_semaphore, #tpu.memory_space<semaphore_mem>>) src(%dma_wait3A_1300 : memref<128x64xf32, #tpu.memory_space<hbm>>) dst(%arg12 : memref<128x64xf32, #tpu.memory_space<vmem>>)
        tpu.yield
      }) : () -> ()
      %scan3A_1284 = arith.constant 0 : i32
      %scan3A_1285 = arith.constant 128 : i32
      %scan3A_1286 = arith.addi %scan3A_1284, %scan3A_1285 : i32
      %scan3A_1287 = arith.constant 1 : i32
      scf.for %scan3A_1289 = %scan3A_1284 to %scan3A_1286 step %scan3A_1287  : i32 {
        %mul3A_1290 = arith.constant 128 : i32
        %mul3A_1291 = arith.muli %scan3A_1281, %mul3A_1290 : i32
        %add3A_1292 = arith.addi %mul3A_1291, %scan3A_1289 : i32
        %convert_element_type3A = arith.sitofp %add3A_1292 : i32 to f32
        %broadcast_in_dim3A_1293 = arith.constant 0.000000e+00 : f32
        %broadcast_in_dim3A_1294 = vector.broadcast %broadcast_in_dim3A_1293 : f32 to vector<16xf32>
        %add3A_1295 = vector.broadcast %convert_element_type3A : f32 to vector<16xf32>
        %add3A_1296 = arith.addf %broadcast_in_dim3A_1294, %add3A_1295 : vector<16xf32>
        %convert_element_type3A_1297 = arith.fptosi %add3A_1296 : vector<16xf32> to vector<16xi32>
        %gather3A = tpu.vector_load_idx %arg13[%convert_element_type3A_1297] : memref<640xf32, #tpu.memory_space<vmem>>[vector<16xi32>], vector<16xf32>,
        %get3A = arith.index_cast %scan3A_1289 : i32 to index
        %get3A_1298 = arith.constant 0 : index
        %get3A_1299 = tpu.vector_load %arg12[%get3A, %get3A_1298] {strides = array<i32>} : memref<128x64xf32, #tpu.memory_space<vmem>>, vector<16xf32>,
        %mul3A_1300 = arith.mulf %get3A_1299, %gather3A : vector<16xf32>
        %swap3A_1301 = arith.index_cast %scan3A_1289 : i32 to index
        %swap3A_1302 = arith.constant 0 : index
        %swap3A_1303 = tpu.vector_load %arg12[%swap3A_1301, %swap3A_1302] {strides = array<i32>} : memref<128x64xf32, #tpu.memory_space<vmem>>, vector<16xf32>,
        tpu.vector_store %arg12[%swap3A_1301, %swap3A_1302], %mul3A_1300 {strides = array<i32>} : memref<128x64xf32, #tpu.memory_space<vmem>>, vector<16xf32>,
        %get3A_1304 = arith.index_cast %scan3A_1289 : i32 to index
        %get3A_1305 = arith.constant 16 : index
        %get3A_1306 = tpu.vector_load %arg12[%get3A_1304, %get3A_1305] {strides = array<i32>} : memref<128x64xf32, #tpu.memory_space<vmem>>, vector<16xf32>,
        %mul3A_1307 = arith.mulf %get3A_1306, %gather3A : vector<16xf32>
        %swap3A_1308 = arith.index_cast %scan3A_1289 : i32 to index
        %swap3A_1309 = arith.constant 16 : index
        %swap3A_1310 = tpu.vector_load %arg12[%swap3A_1308, %swap3A_1309] {strides = array<i32>} : memref<128x64xf32, #tpu.memory_space<vmem>>, vector<16xf32>,
        tpu.vector_store %arg12[%swap3A_1308, %swap3A_1309], %mul3A_1307 {strides = array<i32>} : memref<128x64xf32, #tpu.memory_space<vmem>>, vector<16xf32>,
        %get3A_1311 = arith.index_cast %scan3A_1289 : i32 to index
        %get3A_1312 = arith.constant 32 : index
        %get3A_1313 = tpu.vector_load %arg12[%get3A_1311, %get3A_1312] {strides = array<i32>} : memref<128x64xf32, #tpu.memory_space<vmem>>, vector<16xf32>,
        %mul3A_1314 = arith.mulf %get3A_1313, %gather3A : vector<16xf32>
        %swap3A_1315 = arith.index_cast %scan3A_1289 : i32 to index
        %swap3A_1316 = arith.constant 32 : index
        %swap3A_1317 = tpu.vector_load %arg12[%swap3A_1315, %swap3A_1316] {strides = array<i32>} : memref<128x64xf32, #tpu.memory_space<vmem>>, vector<16xf32>,
        tpu.vector_store %arg12[%swap3A_1315, %swap3A_1316], %mul3A_1314 {strides = array<i32>} : memref<128x64xf32, #tpu.memory_space<vmem>>, vector<16xf32>,
        %get3A_1318 = arith.index_cast %scan3A_1289 : i32 to index
        %get3A_1319 = arith.constant 48 : index
        %get3A_1320 = tpu.vector_load %arg12[%get3A_1318, %get3A_1319] {strides = array<i32>} : memref<128x64xf32, #tpu.memory_space<vmem>>, vector<16xf32>,
        %mul3A_1321 = arith.mulf %get3A_1320, %gather3A : vector<16xf32>
        %swap3A_1322 = arith.index_cast %scan3A_1289 : i32 to index
        %swap3A_1323 = arith.constant 48 : index
        %swap3A_1324 = tpu.vector_load %arg12[%swap3A_1322, %swap3A_1323] {strides = array<i32>} : memref<128x64xf32, #tpu.memory_space<vmem>>, vector<16xf32>,
        tpu.vector_store %arg12[%swap3A_1322, %swap3A_1323], %mul3A_1321 {strides = array<i32>} : memref<128x64xf32, #tpu.memory_space<vmem>>, vector<16xf32>,
      }
      %scan3A_1288 = arith.constant 128 : i32
      "tpu.region"() ({
        %run_scoped3A = tpu.sem_alloc : memref<!tpu.dma_semaphore, #tpu.memory_space<semaphore_mem>>
        %dma_start3A_1289 = arith.constant 0 : i32
        %dma_start3A_1290 = tpu.memref_slice %arg16[%add3A, %dma_start3A_1289] : memref<10240x64xf32, #tpu.memory_space<vmem_shared>> -> memref<128x64xf32, #tpu.memory_space<vmem_shared>>
        %dma_start3A_1291 = arith.constant 0 : i32
        %dma_start3A_1292 = tpu.memref_slice %arg16[%add3A, %dma_start3A_1291] : memref<10240x64xf32, #tpu.memory_space<vmem_shared>> -> memref<128x64xf32, #tpu.memory_space<vmem_shared>>
        tpu.enqueue_dma source(%arg12 : memref<128x64xf32, #tpu.memory_space<vmem>>) target(%dma_start3A_1292 : memref<128x64xf32, #tpu.memory_space<vmem_shared>>) target_semaphore(%run_scoped3A : memref<!tpu.dma_semaphore, #tpu.memory_space<semaphore_mem>>)
        %dma_wait3A_1293 = arith.constant 0 : i32
        %dma_wait3A_1294 = tpu.memref_slice %arg16[%add3A, %dma_wait3A_1293] : memref<10240x64xf32, #tpu.memory_space<vmem_shared>> -> memref<128x64xf32, #tpu.memory_space<vmem_shared>>
        %dma_wait3A_1295 = arith.constant 0 : i32
        %dma_wait3A_1296 = tpu.memref_slice %arg16[%add3A, %dma_wait3A_1295] : memref<10240x64xf32, #tpu.memory_space<vmem_shared>> -> memref<128x64xf32, #tpu.memory_space<vmem_shared>>
        tpu.wait_dma2 semaphore(%run_scoped3A : memref<!tpu.dma_semaphore, #tpu.memory_space<semaphore_mem>>) src(%arg12 : memref<128x64xf32, #tpu.memory_space<vmem>>) dst(%dma_wait3A_1296 : memref<128x64xf32, #tpu.memory_space<vmem_shared>>)
        tpu.yield
      }) : () -> ()
    }
    %scan3A_44 = arith.constant 5 : i32
    %barrier3A_45 = arith.constant 0 : index
    tpu.barrier barrier_id(%barrier3A_45)
    "tpu.region"() ({
      %run_scoped3A = tpu.sem_alloc : memref<!tpu.dma_semaphore, #tpu.memory_space<semaphore_mem>>
      %dma_start3A_1281 = arith.constant 0 : i32
      %dma_start3A_1282 = arith.constant 0 : i32
      %dma_start3A_1283 = tpu.memref_slice %arg3[%arg1, %dma_start3A_1281, %dma_start3A_1282] : memref<16x644x32xi32, #tpu.memory_space<hbm>> -> memref<1x324x32xi32, #tpu.memory_space<hbm>>
      %dma_start3A_1284 = tpu.memref_squeeze %dma_start3A_1283 : memref<1x324x32xi32, #tpu.memory_space<hbm>> -> memref<324x32xi32, #tpu.memory_space<hbm>>
      %dma_start3A_1285 = arith.constant 0 : i32
      %dma_start3A_1286 = arith.constant 0 : i32
      %dma_start3A_1287 = tpu.memref_slice %arg3[%arg1, %dma_start3A_1285, %dma_start3A_1286] : memref<16x644x32xi32, #tpu.memory_space<hbm>> -> memref<1x324x32xi32, #tpu.memory_space<hbm>>
      %dma_start3A_1288 = tpu.memref_squeeze %dma_start3A_1287 : memref<1x324x32xi32, #tpu.memory_space<hbm>> -> memref<324x32xi32, #tpu.memory_space<hbm>>
      tpu.enqueue_dma source(%dma_start3A_1288 : memref<324x32xi32, #tpu.memory_space<hbm>>) target(%arg9 : memref<324x32xi32, #tpu.memory_space<vmem>>) target_semaphore(%run_scoped3A : memref<!tpu.dma_semaphore, #tpu.memory_space<semaphore_mem>>)
      %dma_wait3A_1289 = arith.constant 0 : i32
      %dma_wait3A_1290 = arith.constant 0 : i32
      %dma_wait3A_1291 = tpu.memref_slice %arg3[%arg1, %dma_wait3A_1289, %dma_wait3A_1290] : memref<16x644x32xi32, #tpu.memory_space<hbm>> -> memref<1x324x32xi32, #tpu.memory_space<hbm>>
      %dma_wait3A_1292 = tpu.memref_squeeze %dma_wait3A_1291 : memref<1x324x32xi32, #tpu.memory_space<hbm>> -> memref<324x32xi32, #tpu.memory_space<hbm>>
      %dma_wait3A_1293 = arith.constant 0 : i32
      %dma_wait3A_1294 = arith.constant 0 : i32
      %dma_wait3A_1295 = tpu.memref_slice %arg3[%arg1, %dma_wait3A_1293, %dma_wait3A_1294] : memref<16x644x32xi32, #tpu.memory_space<hbm>> -> memref<1x324x32xi32, #tpu.memory_space<hbm>>
      %dma_wait3A_1296 = tpu.memref_squeeze %dma_wait3A_1295 : memref<1x324x32xi32, #tpu.memory_space<hbm>> -> memref<324x32xi32, #tpu.memory_space<hbm>>
      tpu.wait_dma2 semaphore(%run_scoped3A : memref<!tpu.dma_semaphore, #tpu.memory_space<semaphore_mem>>) src(%dma_wait3A_1296 : memref<324x32xi32, #tpu.memory_space<hbm>>) dst(%arg9 : memref<324x32xi32, #tpu.memory_space<vmem>>)
      tpu.yield
    }) : () -> ()
    "tpu.region"() ({
      %run_scoped3A = tpu.sem_alloc : memref<!tpu.dma_semaphore, #tpu.memory_space<semaphore_mem>>
      %dma_start3A_1281 = arith.constant 0 : i32
      %dma_start3A_1282 = arith.constant 0 : i32
      %dma_start3A_1283 = tpu.memref_slice %arg4[%arg1, %dma_start3A_1281, %dma_start3A_1282] : memref<16x640x32xi32, #tpu.memory_space<hbm>> -> memref<1x320x32xi32, #tpu.memory_space<hbm>>
      %dma_start3A_1284 = tpu.memref_squeeze %dma_start3A_1283 : memref<1x320x32xi32, #tpu.memory_space<hbm>> -> memref<320x32xi32, #tpu.memory_space<hbm>>
      %dma_start3A_1285 = arith.constant 0 : i32
      %dma_start3A_1286 = arith.constant 0 : i32
      %dma_start3A_1287 = tpu.memref_slice %arg4[%arg1, %dma_start3A_1285, %dma_start3A_1286] : memref<16x640x32xi32, #tpu.memory_space<hbm>> -> memref<1x320x32xi32, #tpu.memory_space<hbm>>
      %dma_start3A_1288 = tpu.memref_squeeze %dma_start3A_1287 : memref<1x320x32xi32, #tpu.memory_space<hbm>> -> memref<320x32xi32, #tpu.memory_space<hbm>>
      tpu.enqueue_dma source(%dma_start3A_1288 : memref<320x32xi32, #tpu.memory_space<hbm>>) target(%arg10 : memref<320x32xi32, #tpu.memory_space<vmem>>) target_semaphore(%run_scoped3A : memref<!tpu.dma_semaphore, #tpu.memory_space<semaphore_mem>>)
      %dma_wait3A_1289 = arith.constant 0 : i32
      %dma_wait3A_1290 = arith.constant 0 : i32
      %dma_wait3A_1291 = tpu.memref_slice %arg4[%arg1, %dma_wait3A_1289, %dma_wait3A_1290] : memref<16x640x32xi32, #tpu.memory_space<hbm>> -> memref<1x320x32xi32, #tpu.memory_space<hbm>>
      %dma_wait3A_1292 = tpu.memref_squeeze %dma_wait3A_1291 : memref<1x320x32xi32, #tpu.memory_space<hbm>> -> memref<320x32xi32, #tpu.memory_space<hbm>>
      %dma_wait3A_1293 = arith.constant 0 : i32
      %dma_wait3A_1294 = arith.constant 0 : i32
      %dma_wait3A_1295 = tpu.memref_slice %arg4[%arg1, %dma_wait3A_1293, %dma_wait3A_1294] : memref<16x640x32xi32, #tpu.memory_space<hbm>> -> memref<1x320x32xi32, #tpu.memory_space<hbm>>
      %dma_wait3A_1296 = tpu.memref_squeeze %dma_wait3A_1295 : memref<1x320x32xi32, #tpu.memory_space<hbm>> -> memref<320x32xi32, #tpu.memory_space<hbm>>
      tpu.wait_dma2 semaphore(%run_scoped3A : memref<!tpu.dma_semaphore, #tpu.memory_space<semaphore_mem>>) src(%dma_wait3A_1296 : memref<320x32xi32, #tpu.memory_space<hbm>>) dst(%arg10 : memref<320x32xi32, #tpu.memory_space<vmem>>)
      tpu.yield
    }) : () -> ()
    %dma_start3A = arith.constant 0 : i32
    %dma_start3A_46 = arith.constant 0 : i32
    %dma_start3A_47 = arith.constant 0 : i32
    %dma_start3A_48 = arith.constant 0 : i32
    %dma_start3A_49 = arith.constant 0 : i32
    %dma_start3A_50 = tpu.memref_slice %arg11[%dma_start3A_46, %dma_start3A_48, %dma_start3A_49] : memref<4x32x64xf32, #tpu.memory_space<vmem>> -> memref<1x32x64xf32, #tpu.memory_space<vmem>>
    %dma_start3A_51 = tpu.memref_squeeze %dma_start3A_50 : memref<1x32x64xf32, #tpu.memory_space<vmem>> -> memref<32x64xf32, #tpu.memory_space<vmem>>
    %dma_start3A_52 = arith.constant 0 : i32
    %dma_start3A_53 = tpu.memref_slice %arg9[%dma_start3A, %dma_start3A_52] : memref<324x32xi32, #tpu.memory_space<vmem>> -> memref<1x32xi32, #tpu.memory_space<vmem>>
    %dma_start3A_54 = tpu.memref_squeeze %dma_start3A_53 : memref<1x32xi32, #tpu.memory_space<vmem>> -> memref<32xi32, #tpu.memory_space<vmem>>
    %dma_start3A_55 = arith.constant 0 : i32
    %dma_start3A_56 = arith.constant 0 : i32
    %dma_start3A_57 = tpu.memref_slice %arg16[%dma_start3A_55, %dma_start3A_56] : memref<10240x64xf32, #tpu.memory_space<vmem_shared>> -> memref<10240x64xf32, #tpu.memory_space<vmem_shared>>
    %dma_start3A_58 = tpu.memref_slice %arg18[%dma_start3A_47] : memref<4x!tpu.dma_semaphore, #tpu.memory_space<semaphore_mem>> -> memref<1x!tpu.dma_semaphore, #tpu.memory_space<semaphore_mem>>
    %dma_start3A_59 = tpu.memref_squeeze %dma_start3A_58 : memref<1x!tpu.dma_semaphore, #tpu.memory_space<semaphore_mem>> -> memref<!tpu.dma_semaphore, #tpu.memory_space<semaphore_mem>>
    tpu.enqueue_indirect_dma source(%dma_start3A_57 : memref<10240x64xf32, #tpu.memory_space<vmem_shared>>) target(%dma_start3A_51 : memref<32x64xf32, #tpu.memory_space<vmem>>) offsets(%dma_start3A_54 : memref<32xi32, #tpu.memory_space<vmem>>) semaphore(%dma_start3A_59 : memref<!tpu.dma_semaphore, #tpu.memory_space<semaphore_mem>>)
    %dma_start3A_60 = arith.constant 1 : i32
    %dma_start3A_61 = arith.constant 1 : i32
    %dma_start3A_62 = arith.constant 1 : i32
    %dma_start3A_63 = arith.constant 0 : i32
    %dma_start3A_64 = arith.constant 0 : i32
    %dma_start3A_65 = tpu.memref_slice %arg11[%dma_start3A_61, %dma_start3A_63, %dma_start3A_64] : memref<4x32x64xf32, #tpu.memory_space<vmem>> -> memref<1x32x64xf32, #tpu.memory_space<vmem>>
    %dma_start3A_66 = tpu.memref_squeeze %dma_start3A_65 : memref<1x32x64xf32, #tpu.memory_space<vmem>> -> memref<32x64xf32, #tpu.memory_space<vmem>>
    %dma_start3A_67 = arith.constant 0 : i32
    %dma_start3A_68 = tpu.memref_slice %arg9[%dma_start3A_60, %dma_start3A_67] : memref<324x32xi32, #tpu.memory_space<vmem>> -> memref<1x32xi32, #tpu.memory_space<vmem>>
    %dma_start3A_69 = tpu.memref_squeeze %dma_start3A_68 : memref<1x32xi32, #tpu.memory_space<vmem>> -> memref<32xi32, #tpu.memory_space<vmem>>
    %dma_start3A_70 = arith.constant 0 : i32
    %dma_start3A_71 = arith.constant 0 : i32
    %dma_start3A_72 = tpu.memref_slice %arg16[%dma_start3A_70, %dma_start3A_71] : memref<10240x64xf32, #tpu.memory_space<vmem_shared>> -> memref<10240x64xf32, #tpu.memory_space<vmem_shared>>
    %dma_start3A_73 = tpu.memref_slice %arg18[%dma_start3A_62] : memref<4x!tpu.dma_semaphore, #tpu.memory_space<semaphore_mem>> -> memref<1x!tpu.dma_semaphore, #tpu.memory_space<semaphore_mem>>
    %dma_start3A_74 = tpu.memref_squeeze %dma_start3A_73 : memref<1x!tpu.dma_semaphore, #tpu.memory_space<semaphore_mem>> -> memref<!tpu.dma_semaphore, #tpu.memory_space<semaphore_mem>>
    tpu.enqueue_indirect_dma source(%dma_start3A_72 : memref<10240x64xf32, #tpu.memory_space<vmem_shared>>) target(%dma_start3A_66 : memref<32x64xf32, #tpu.memory_space<vmem>>) offsets(%dma_start3A_69 : memref<32xi32, #tpu.memory_space<vmem>>) semaphore(%dma_start3A_74 : memref<!tpu.dma_semaphore, #tpu.memory_space<semaphore_mem>>)
    %dma_wait3A = arith.constant 0 : i32
    %dma_wait3A_75 = arith.constant 0 : i32
    %dma_wait3A_76 = arith.constant 0 : i32
    %dma_wait3A_77 = arith.constant 0 : i32
    %dma_wait3A_78 = arith.constant 0 : i32
    %dma_wait3A_79 = tpu.memref_slice %arg11[%dma_wait3A_75, %dma_wait3A_77, %dma_wait3A_78] : memref<4x32x64xf32, #tpu.memory_space<vmem>> -> memref<1x32x64xf32, #tpu.memory_space<vmem>>
    %dma_wait3A_80 = tpu.memref_squeeze %dma_wait3A_79 : memref<1x32x64xf32, #tpu.memory_space<vmem>> -> memref<32x64xf32, #tpu.memory_space<vmem>>
    %dma_wait3A_81 = arith.constant 0 : i32
    %dma_wait3A_82 = tpu.memref_slice %arg9[%dma_wait3A, %dma_wait3A_81] : memref<324x32xi32, #tpu.memory_space<vmem>> -> memref<1x32xi32, #tpu.memory_space<vmem>>
    %dma_wait3A_83 = tpu.memref_squeeze %dma_wait3A_82 : memref<1x32xi32, #tpu.memory_space<vmem>> -> memref<32xi32, #tpu.memory_space<vmem>>
    %dma_wait3A_84 = arith.constant 0 : i32
    %dma_wait3A_85 = arith.constant 0 : i32
    %dma_wait3A_86 = tpu.memref_slice %arg16[%dma_wait3A_84, %dma_wait3A_85] : memref<10240x64xf32, #tpu.memory_space<vmem_shared>> -> memref<10240x64xf32, #tpu.memory_space<vmem_shared>>
    %dma_wait3A_87 = tpu.memref_slice %arg18[%dma_wait3A_76] : memref<4x!tpu.dma_semaphore, #tpu.memory_space<semaphore_mem>> -> memref<1x!tpu.dma_semaphore, #tpu.memory_space<semaphore_mem>>
    %dma_wait3A_88 = tpu.memref_squeeze %dma_wait3A_87 : memref<1x!tpu.dma_semaphore, #tpu.memory_space<semaphore_mem>> -> memref<!tpu.dma_semaphore, #tpu.memory_space<semaphore_mem>>
    tpu.wait_indirect_dma semaphore(%dma_wait3A_88 : memref<!tpu.dma_semaphore, #tpu.memory_space<semaphore_mem>>) src(%dma_wait3A_86 : memref<10240x64xf32, #tpu.memory_space<vmem_shared>>) dst(%dma_wait3A_80 : memref<32x64xf32, #tpu.memory_space<vmem>>)
    %dma_start3A_89 = arith.constant 0 : i32
    %dma_start3A_90 = arith.constant 0 : i32
    %dma_start3A_91 = arith.constant 0 : i32
    %dma_start3A_92 = arith.constant 0 : i32
    %dma_start3A_93 = arith.constant 0 : i32
    %dma_start3A_94 = tpu.memref_slice %arg11[%dma_start3A_89, %dma_start3A_92, %dma_start3A_93] : memref<4x32x64xf32, #tpu.memory_space<vmem>> -> memref<1x32x64xf32, #tpu.memory_space<vmem>>
    %dma_start3A_95 = tpu.memref_squeeze %dma_start3A_94 : memref<1x32x64xf32, #tpu.memory_space<vmem>> -> memref<32x64xf32, #tpu.memory_space<vmem>>
    %dma_start3A_96 = arith.constant 0 : i32
    %dma_start3A_97 = tpu.memref_slice %arg10[%dma_start3A_90, %dma_start3A_96] : memref<320x32xi32, #tpu.memory_space<vmem>> -> memref<1x32xi32, #tpu.memory_space<vmem>>
    %dma_start3A_98 = tpu.memref_squeeze %dma_start3A_97 : memref<1x32xi32, #tpu.memory_space<vmem>> -> memref<32xi32, #tpu.memory_space<vmem>>
    %dma_start3A_99 = arith.constant 0 : i32
    %dma_start3A_100 = arith.constant 0 : i32
    %dma_start3A_101 = tpu.memref_slice %arg15[%dma_start3A_99, %dma_start3A_100] : memref<10240x64xf32, #tpu.memory_space<vmem_shared>> -> memref<10240x64xf32, #tpu.memory_space<vmem_shared>>
    %dma_start3A_102 = tpu.memref_slice %arg19[%dma_start3A_91] : memref<4x!tpu.dma_semaphore, #tpu.memory_space<semaphore_mem>> -> memref<1x!tpu.dma_semaphore, #tpu.memory_space<semaphore_mem>>
    %dma_start3A_103 = tpu.memref_squeeze %dma_start3A_102 : memref<1x!tpu.dma_semaphore, #tpu.memory_space<semaphore_mem>> -> memref<!tpu.dma_semaphore, #tpu.memory_space<semaphore_mem>>
    tpu.enqueue_indirect_dma source(%dma_start3A_95 : memref<32x64xf32, #tpu.memory_space<vmem>>) target(%dma_start3A_101 : memref<10240x64xf32, #tpu.memory_space<vmem_shared>>) offsets(%dma_start3A_98 : memref<32xi32, #tpu.memory_space<vmem>>) semaphore(%dma_start3A_103 : memref<!tpu.dma_semaphore, #tpu.memory_space<semaphore_mem>>) {add = true}
    %dma_start3A_104 = arith.constant 2 : i32
    %dma_start3A_105 = arith.constant 2 : i32
    %dma_start3A_106 = arith.constant 2 : i32
    %dma_start3A_107 = arith.constant 0 : i32
    %dma_start3A_108 = arith.constant 0 : i32
    %dma_start3A_109 = tpu.memref_slice %arg11[%dma_start3A_105, %dma_start3A_107, %dma_start3A_108] : memref<4x32x64xf32, #tpu.memory_space<vmem>> -> memref<1x32x64xf32, #tpu.memory_space<vmem>>
    %dma_start3A_110 = tpu.memref_squeeze %dma_start3A_109 : memref<1x32x64xf32, #tpu.memory_space<vmem>> -> memref<32x64xf32, #tpu.memory_space<vmem>>
    %dma_start3A_111 = arith.constant 0 : i32
    %dma_start3A_112 = tpu.memref_slice %arg9[%dma_start3A_104, %dma_start3A_111] : memref<324x32xi32, #tpu.memory_space<vmem>> -> memref<1x32xi32, #tpu.memory_space<vmem>>
    %dma_start3A_113 = tpu.memref_squeeze %dma_start3A_112 : memref<1x32xi32, #tpu.memory_space<vmem>> -> memref<32xi32, #tpu.memory_space<vmem>>
    %dma_start3A_114 = arith.constant 0 : i32
    %dma_start3A_115 = arith.constant 0 : i32
    %dma_start3A_116 = tpu.memref_slice %arg16[%dma_start3A_114, %dma_start3A_115] : memref<10240x64xf32, #tpu.memory_space<vmem_shared>> -> memref<10240x64xf32, #tpu.memory_space<vmem_shared>>
    %dma_start3A_117 = tpu.memref_slice %arg18[%dma_start3A_106] : memref<4x!tpu.dma_semaphore, #tpu.memory_space<semaphore_mem>> -> memref<1x!tpu.dma_semaphore, #tpu.memory_space<semaphore_mem>>
    %dma_start3A_118 = tpu.memref_squeeze %dma_start3A_117 : memref<1x!tpu.dma_semaphore, #tpu.memory_space<semaphore_mem>> -> memref<!tpu.dma_semaphore, #tpu.memory_space<semaphore_mem>>
    tpu.enqueue_indirect_dma source(%dma_start3A_116 : memref<10240x64xf32, #tpu.memory_space<vmem_shared>>) target(%dma_start3A_110 : memref<32x64xf32, #tpu.memory_space<vmem>>) offsets(%dma_start3A_113 : memref<32xi32, #tpu.memory_space<vmem>>) semaphore(%dma_start3A_118 : memref<!tpu.dma_semaphore, #tpu.memory_space<semaphore_mem>>)
    %dma_wait3A_119 = arith.constant 0 : i32
    %dma_wait3A_120 = arith.constant 1 : i32
    %dma_wait3A_121 = arith.constant 1 : i32
    %dma_wait3A_122 = arith.constant 0 : i32
    %dma_wait3A_123 = arith.constant 0 : i32
    %dma_wait3A_124 = tpu.memref_slice %arg11[%dma_wait3A_120, %dma_wait3A_122, %dma_wait3A_123] : memref<4x32x64xf32, #tpu.memory_space<vmem>> -> memref<1x32x64xf32, #tpu.memory_space<vmem>>
    %dma_wait3A_125 = tpu.memref_squeeze %dma_wait3A_124 : memref<1x32x64xf32, #tpu.memory_space<vmem>> -> memref<32x64xf32, #tpu.memory_space<vmem>>
    %dma_wait3A_126 = arith.constant 0 : i32
    %dma_wait3A_127 = tpu.memref_slice %arg9[%dma_wait3A_119, %dma_wait3A_126] : memref<324x32xi32, #tpu.memory_space<vmem>> -> memref<1x32xi32, #tpu.memory_space<vmem>>
    %dma_wait3A_128 = tpu.memref_squeeze %dma_wait3A_127 : memref<1x32xi32, #tpu.memory_space<vmem>> -> memref<32xi32, #tpu.memory_space<vmem>>
    %dma_wait3A_129 = arith.constant 0 : i32
    %dma_wait3A_130 = arith.constant 0 : i32
    %dma_wait3A_131 = tpu.memref_slice %arg16[%dma_wait3A_129, %dma_wait3A_130] : memref<10240x64xf32, #tpu.memory_space<vmem_shared>> -> memref<10240x64xf32, #tpu.memory_space<vmem_shared>>
    %dma_wait3A_132 = tpu.memref_slice %arg18[%dma_wait3A_121] : memref<4x!tpu.dma_semaphore, #tpu.memory_space<semaphore_mem>> -> memref<1x!tpu.dma_semaphore, #tpu.memory_space<semaphore_mem>>
    %dma_wait3A_133 = tpu.memref_squeeze %dma_wait3A_132 : memref<1x!tpu.dma_semaphore, #tpu.memory_space<semaphore_mem>> -> memref<!tpu.dma_semaphore, #tpu.memory_space<semaphore_mem>>
    tpu.wait_indirect_dma semaphore(%dma_wait3A_133 : memref<!tpu.dma_semaphore, #tpu.memory_space<semaphore_mem>>) src(%dma_wait3A_131 : memref<10240x64xf32, #tpu.memory_space<vmem_shared>>) dst(%dma_wait3A_125 : memref<32x64xf32, #tpu.memory_space<vmem>>)
    %dma_start3A_134 = arith.constant 1 : i32
    %dma_start3A_135 = arith.constant 1 : i32
    %dma_start3A_136 = arith.constant 1 : i32
    %dma_start3A_137 = arith.constant 0 : i32
    %dma_start3A_138 = arith.constant 0 : i32
    %dma_start3A_139 = tpu.memref_slice %arg11[%dma_start3A_134, %dma_start3A_137, %dma_start3A_138] : memref<4x32x64xf32, #tpu.memory_space<vmem>> -> memref<1x32x64xf32, #tpu.memory_space<vmem>>
    %dma_start3A_140 = tpu.memref_squeeze %dma_start3A_139 : memref<1x32x64xf32, #tpu.memory_space<vmem>> -> memref<32x64xf32, #tpu.memory_space<vmem>>
    %dma_start3A_141 = arith.constant 0 : i32
    %dma_start3A_142 = tpu.memref_slice %arg10[%dma_start3A_135, %dma_start3A_141] : memref<320x32xi32, #tpu.memory_space<vmem>> -> memref<1x32xi32, #tpu.memory_space<vmem>>
    %dma_start3A_143 = tpu.memref_squeeze %dma_start3A_142 : memref<1x32xi32, #tpu.memory_space<vmem>> -> memref<32xi32, #tpu.memory_space<vmem>>
    %dma_start3A_144 = arith.constant 0 : i32
    %dma_start3A_145 = arith.constant 0 : i32
    %dma_start3A_146 = tpu.memref_slice %arg15[%dma_start3A_144, %dma_start3A_145] : memref<10240x64xf32, #tpu.memory_space<vmem_shared>> -> memref<10240x64xf32, #tpu.memory_space<vmem_shared>>
    %dma_start3A_147 = tpu.memref_slice %arg19[%dma_start3A_136] : memref<4x!tpu.dma_semaphore, #tpu.memory_space<semaphore_mem>> -> memref<1x!tpu.dma_semaphore, #tpu.memory_space<semaphore_mem>>
    %dma_start3A_148 = tpu.memref_squeeze %dma_start3A_147 : memref<1x!tpu.dma_semaphore, #tpu.memory_space<semaphore_mem>> -> memref<!tpu.dma_semaphore, #tpu.memory_space<semaphore_mem>>
    tpu.enqueue_indirect_dma source(%dma_start3A_140 : memref<32x64xf32, #tpu.memory_space<vmem>>) target(%dma_start3A_146 : memref<10240x64xf32, #tpu.memory_space<vmem_shared>>) offsets(%dma_start3A_143 : memref<32xi32, #tpu.memory_space<vmem>>) semaphore(%dma_start3A_148 : memref<!tpu.dma_semaphore, #tpu.memory_space<semaphore_mem>>) {add = true}
    %dma_start3A_149 = arith.constant 3 : i32
    %dma_start3A_150 = arith.constant 3 : i32
    %dma_start3A_151 = arith.constant 3 : i32
    %dma_start3A_152 = arith.constant 0 : i32
    %dma_start3A_153 = arith.constant 0 : i32
    %dma_start3A_154 = tpu.memref_slice %arg11[%dma_start3A_150, %dma_start3A_152, %dma_start3A_153] : memref<4x32x64xf32, #tpu.memory_space<vmem>> -> memref<1x32x64xf32, #tpu.memory_space<vmem>>
    %dma_start3A_155 = tpu.memref_squeeze %dma_start3A_154 : memref<1x32x64xf32, #tpu.memory_space<vmem>> -> memref<32x64xf32, #tpu.memory_space<vmem>>
    %dma_start3A_156 = arith.constant 0 : i32
    %dma_start3A_157 = tpu.memref_slice %arg9[%dma_start3A_149, %dma_start3A_156] : memref<324x32xi32, #tpu.memory_space<vmem>> -> memref<1x32xi32, #tpu.memory_space<vmem>>
    %dma_start3A_158 = tpu.memref_squeeze %dma_start3A_157 : memref<1x32xi32, #tpu.memory_space<vmem>> -> memref<32xi32, #tpu.memory_space<vmem>>
    %dma_start3A_159 = arith.constant 0 : i32
    %dma_start3A_160 = arith.constant 0 : i32
    %dma_start3A_161 = tpu.memref_slice %arg16[%dma_start3A_159, %dma_start3A_160] : memref<10240x64xf32, #tpu.memory_space<vmem_shared>> -> memref<10240x64xf32, #tpu.memory_space<vmem_shared>>
    %dma_start3A_162 = tpu.memref_slice %arg18[%dma_start3A_151] : memref<4x!tpu.dma_semaphore, #tpu.memory_space<semaphore_mem>> -> memref<1x!tpu.dma_semaphore, #tpu.memory_space<semaphore_mem>>
    %dma_start3A_163 = tpu.memref_squeeze %dma_start3A_162 : memref<1x!tpu.dma_semaphore, #tpu.memory_space<semaphore_mem>> -> memref<!tpu.dma_semaphore, #tpu.memory_space<semaphore_mem>>
    tpu.enqueue_indirect_dma source(%dma_start3A_161 : memref<10240x64xf32, #tpu.memory_space<vmem_shared>>) target(%dma_start3A_155 : memref<32x64xf32, #tpu.memory_space<vmem>>) offsets(%dma_start3A_158 : memref<32xi32, #tpu.memory_space<vmem>>) semaphore(%dma_start3A_163 : memref<!tpu.dma_semaphore, #tpu.memory_space<semaphore_mem>>)
    %dma_wait3A_164 = arith.constant 0 : i32
    %dma_wait3A_165 = arith.constant 2 : i32
    %dma_wait3A_166 = arith.constant 2 : i32
    %dma_wait3A_167 = arith.constant 0 : i32
    %dma_wait3A_168 = arith.constant 0 : i32
    %dma_wait3A_169 = tpu.memref_slice %arg11[%dma_wait3A_165, %dma_wait3A_167, %dma_wait3A_168] : memref<4x32x64xf32, #tpu.memory_space<vmem>> -> memref<1x32x64xf32, #tpu.memory_space<vmem>>
    %dma_wait3A_170 = tpu.memref_squeeze %dma_wait3A_169 : memref<1x32x64xf32, #tpu.memory_space<vmem>> -> memref<32x64xf32, #tpu.memory_space<vmem>>
    %dma_wait3A_171 = arith.constant 0 : i32
    %dma_wait3A_172 = tpu.memref_slice %arg9[%dma_wait3A_164, %dma_wait3A_171] : memref<324x32xi32, #tpu.memory_space<vmem>> -> memref<1x32xi32, #tpu.memory_space<vmem>>
    %dma_wait3A_173 = tpu.memref_squeeze %dma_wait3A_172 : memref<1x32xi32, #tpu.memory_space<vmem>> -> memref<32xi32, #tpu.memory_space<vmem>>
    %dma_wait3A_174 = arith.constant 0 : i32
    %dma_wait3A_175 = arith.constant 0 : i32
    %dma_wait3A_176 = tpu.memref_slice %arg16[%dma_wait3A_174, %dma_wait3A_175] : memref<10240x64xf32, #tpu.memory_space<vmem_shared>> -> memref<10240x64xf32, #tpu.memory_space<vmem_shared>>
    %dma_wait3A_177 = tpu.memref_slice %arg18[%dma_wait3A_166] : memref<4x!tpu.dma_semaphore, #tpu.memory_space<semaphore_mem>> -> memref<1x!tpu.dma_semaphore, #tpu.memory_space<semaphore_mem>>
    %dma_wait3A_178 = tpu.memref_squeeze %dma_wait3A_177 : memref<1x!tpu.dma_semaphore, #tpu.memory_space<semaphore_mem>> -> memref<!tpu.dma_semaphore, #tpu.memory_space<semaphore_mem>>
    tpu.wait_indirect_dma semaphore(%dma_wait3A_178 : memref<!tpu.dma_semaphore, #tpu.memory_space<semaphore_mem>>) src(%dma_wait3A_176 : memref<10240x64xf32, #tpu.memory_space<vmem_shared>>) dst(%dma_wait3A_170 : memref<32x64xf32, #tpu.memory_space<vmem>>)
    %dma_start3A_179 = arith.constant 2 : i32
    %dma_start3A_180 = arith.constant 2 : i32
    %dma_start3A_181 = arith.constant 2 : i32
    %dma_start3A_182 = arith.constant 0 : i32
    %dma_start3A_183 = arith.constant 0 : i32
    %dma_start3A_184 = tpu.memref_slice %arg11[%dma_start3A_179, %dma_start3A_182, %dma_start3A_183] : memref<4x32x64xf32, #tpu.memory_space<vmem>> -> memref<1x32x64xf32, #tpu.memory_space<vmem>>
    %dma_start3A_185 = tpu.memref_squeeze %dma_start3A_184 : memref<1x32x64xf32, #tpu.memory_space<vmem>> -> memref<32x64xf32, #tpu.memory_space<vmem>>
    %dma_start3A_186 = arith.constant 0 : i32
    %dma_start3A_187 = tpu.memref_slice %arg10[%dma_start3A_180, %dma_start3A_186] : memref<320x32xi32, #tpu.memory_space<vmem>> -> memref<1x32xi32, #tpu.memory_space<vmem>>
    %dma_start3A_188 = tpu.memref_squeeze %dma_start3A_187 : memref<1x32xi32, #tpu.memory_space<vmem>> -> memref<32xi32, #tpu.memory_space<vmem>>
    %dma_start3A_189 = arith.constant 0 : i32
    %dma_start3A_190 = arith.constant 0 : i32
    %dma_start3A_191 = tpu.memref_slice %arg15[%dma_start3A_189, %dma_start3A_190] : memref<10240x64xf32, #tpu.memory_space<vmem_shared>> -> memref<10240x64xf32, #tpu.memory_space<vmem_shared>>
    %dma_start3A_192 = tpu.memref_slice %arg19[%dma_start3A_181] : memref<4x!tpu.dma_semaphore, #tpu.memory_space<semaphore_mem>> -> memref<1x!tpu.dma_semaphore, #tpu.memory_space<semaphore_mem>>
    %dma_start3A_193 = tpu.memref_squeeze %dma_start3A_192 : memref<1x!tpu.dma_semaphore, #tpu.memory_space<semaphore_mem>> -> memref<!tpu.dma_semaphore, #tpu.memory_space<semaphore_mem>>
    tpu.enqueue_indirect_dma source(%dma_start3A_185 : memref<32x64xf32, #tpu.memory_space<vmem>>) target(%dma_start3A_191 : memref<10240x64xf32, #tpu.memory_space<vmem_shared>>) offsets(%dma_start3A_188 : memref<32xi32, #tpu.memory_space<vmem>>) semaphore(%dma_start3A_193 : memref<!tpu.dma_semaphore, #tpu.memory_space<semaphore_mem>>) {add = true}
    %dma_wait3A_194 = arith.constant 0 : i32
    %dma_wait3A_195 = arith.constant 0 : i32
    %dma_wait3A_196 = arith.constant 0 : i32
    %dma_wait3A_197 = arith.constant 0 : i32
    %dma_wait3A_198 = arith.constant 0 : i32
    %dma_wait3A_199 = tpu.memref_slice %arg11[%dma_wait3A_194, %dma_wait3A_197, %dma_wait3A_198] : memref<4x32x64xf32, #tpu.memory_space<vmem>> -> memref<1x32x64xf32, #tpu.memory_space<vmem>>
    %dma_wait3A_200 = tpu.memref_squeeze %dma_wait3A_199 : memref<1x32x64xf32, #tpu.memory_space<vmem>> -> memref<32x64xf32, #tpu.memory_space<vmem>>
    %dma_wait3A_201 = arith.constant 0 : i32
    %dma_wait3A_202 = tpu.memref_slice %arg10[%dma_wait3A_195, %dma_wait3A_201] : memref<320x32xi32, #tpu.memory_space<vmem>> -> memref<1x32xi32, #tpu.memory_space<vmem>>
    %dma_wait3A_203 = tpu.memref_squeeze %dma_wait3A_202 : memref<1x32xi32, #tpu.memory_space<vmem>> -> memref<32xi32, #tpu.memory_space<vmem>>
    %dma_wait3A_204 = arith.constant 0 : i32
    %dma_wait3A_205 = arith.constant 0 : i32
    %dma_wait3A_206 = tpu.memref_slice %arg15[%dma_wait3A_204, %dma_wait3A_205] : memref<10240x64xf32, #tpu.memory_space<vmem_shared>> -> memref<10240x64xf32, #tpu.memory_space<vmem_shared>>
    %dma_wait3A_207 = tpu.memref_slice %arg19[%dma_wait3A_196] : memref<4x!tpu.dma_semaphore, #tpu.memory_space<semaphore_mem>> -> memref<1x!tpu.dma_semaphore, #tpu.memory_space<semaphore_mem>>
    %dma_wait3A_208 = tpu.memref_squeeze %dma_wait3A_207 : memref<1x!tpu.dma_semaphore, #tpu.memory_space<semaphore_mem>> -> memref<!tpu.dma_semaphore, #tpu.memory_space<semaphore_mem>>
    tpu.wait_indirect_dma semaphore(%dma_wait3A_208 : memref<!tpu.dma_semaphore, #tpu.memory_space<semaphore_mem>>) src(%dma_wait3A_200 : memref<32x64xf32, #tpu.memory_space<vmem>>) dst(%dma_wait3A_206 : memref<10240x64xf32, #tpu.memory_space<vmem_shared>>)
    %dma_start3A_209 = arith.constant 4 : i32
    %dma_start3A_210 = arith.constant 0 : i32
    %dma_start3A_211 = arith.constant 0 : i32
    %dma_start3A_212 = arith.constant 0 : i32
    %dma_start3A_213 = arith.constant 0 : i32
    %dma_start3A_214 = tpu.memref_slice %arg11[%dma_start3A_210, %dma_start3A_212, %dma_start3A_213] : memref<4x32x64xf32, #tpu.memory_space<vmem>> -> memref<1x32x64xf32, #tpu.memory_space<vmem>>
    %dma_start3A_215 = tpu.memref_squeeze %dma_start3A_214 : memref<1x32x64xf32, #tpu.memory_space<vmem>> -> memref<32x64xf32, #tpu.memory_space<vmem>>
    %dma_start3A_216 = arith.constant 0 : i32
    %dma_start3A_217 = tpu.memref_slice %arg9[%dma_start3A_209, %dma_start3A_216] : memref<324x32xi32, #tpu.memory_space<vmem>> -> memref<1x32xi32, #tpu.memory_space<vmem>>
    %dma_start3A_218 = tpu.memref_squeeze %dma_start3A_217 : memref<1x32xi32, #tpu.memory_space<vmem>> -> memref<32xi32, #tpu.memory_space<vmem>>
    %dma_start3A_219 = arith.constant 0 : i32
    %dma_start3A_220 = arith.constant 0 : i32
    %dma_start3A_221 = tpu.memref_slice %arg16[%dma_start3A_219, %dma_start3A_220] : memref<10240x64xf32, #tpu.memory_space<vmem_shared>> -> memref<10240x64xf32, #tpu.memory_space<vmem_shared>>
    %dma_start3A_222 = tpu.memref_slice %arg18[%dma_start3A_211] : memref<4x!tpu.dma_semaphore, #tpu.memory_space<semaphore_mem>> -> memref<1x!tpu.dma_semaphore, #tpu.memory_space<semaphore_mem>>
    %dma_start3A_223 = tpu.memref_squeeze %dma_start3A_222 : memref<1x!tpu.dma_semaphore, #tpu.memory_space<semaphore_mem>> -> memref<!tpu.dma_semaphore, #tpu.memory_space<semaphore_mem>>
    tpu.enqueue_indirect_dma source(%dma_start3A_221 : memref<10240x64xf32, #tpu.memory_space<vmem_shared>>) target(%dma_start3A_215 : memref<32x64xf32, #tpu.memory_space<vmem>>) offsets(%dma_start3A_218 : memref<32xi32, #tpu.memory_space<vmem>>) semaphore(%dma_start3A_223 : memref<!tpu.dma_semaphore, #tpu.memory_space<semaphore_mem>>)
    %dma_wait3A_224 = arith.constant 0 : i32
    %dma_wait3A_225 = arith.constant 3 : i32
    %dma_wait3A_226 = arith.constant 3 : i32
    %dma_wait3A_227 = arith.constant 0 : i32
    %dma_wait3A_228 = arith.constant 0 : i32
    %dma_wait3A_229 = tpu.memref_slice %arg11[%dma_wait3A_225, %dma_wait3A_227, %dma_wait3A_228] : memref<4x32x64xf32, #tpu.memory_space<vmem>> -> memref<1x32x64xf32, #tpu.memory_space<vmem>>
    %dma_wait3A_230 = tpu.memref_squeeze %dma_wait3A_229 : memref<1x32x64xf32, #tpu.memory_space<vmem>> -> memref<32x64xf32, #tpu.memory_space<vmem>>
    %dma_wait3A_231 = arith.constant 0 : i32
    %dma_wait3A_232 = tpu.memref_slice %arg9[%dma_wait3A_224, %dma_wait3A_231] : memref<324x32xi32, #tpu.memory_space<vmem>> -> memref<1x32xi32, #tpu.memory_space<vmem>>
    %dma_wait3A_233 = tpu.memref_squeeze %dma_wait3A_232 : memref<1x32xi32, #tpu.memory_space<vmem>> -> memref<32xi32, #tpu.memory_space<vmem>>
    %dma_wait3A_234 = arith.constant 0 : i32
    %dma_wait3A_235 = arith.constant 0 : i32
    %dma_wait3A_236 = tpu.memref_slice %arg16[%dma_wait3A_234, %dma_wait3A_235] : memref<10240x64xf32, #tpu.memory_space<vmem_shared>> -> memref<10240x64xf32, #tpu.memory_space<vmem_shared>>
    %dma_wait3A_237 = tpu.memref_slice %arg18[%dma_wait3A_226] : memref<4x!tpu.dma_semaphore, #tpu.memory_space<semaphore_mem>> -> memref<1x!tpu.dma_semaphore, #tpu.memory_space<semaphore_mem>>
    %dma_wait3A_238 = tpu.memref_squeeze %dma_wait3A_237 : memref<1x!tpu.dma_semaphore, #tpu.memory_space<semaphore_mem>> -> memref<!tpu.dma_semaphore, #tpu.memory_space<semaphore_mem>>
    tpu.wait_indirect_dma semaphore(%dma_wait3A_238 : memref<!tpu.dma_semaphore, #tpu.memory_space<semaphore_mem>>) src(%dma_wait3A_236 : memref<10240x64xf32, #tpu.memory_space<vmem_shared>>) dst(%dma_wait3A_230 : memref<32x64xf32, #tpu.memory_space<vmem>>)
    %dma_start3A_239 = arith.constant 3 : i32
    %dma_start3A_240 = arith.constant 3 : i32
    %dma_start3A_241 = arith.constant 3 : i32
    %dma_start3A_242 = arith.constant 0 : i32
    %dma_start3A_243 = arith.constant 0 : i32
    %dma_start3A_244 = tpu.memref_slice %arg11[%dma_start3A_239, %dma_start3A_242, %dma_start3A_243] : memref<4x32x64xf32, #tpu.memory_space<vmem>> -> memref<1x32x64xf32, #tpu.memory_space<vmem>>
    %dma_start3A_245 = tpu.memref_squeeze %dma_start3A_244 : memref<1x32x64xf32, #tpu.memory_space<vmem>> -> memref<32x64xf32, #tpu.memory_space<vmem>>
    %dma_start3A_246 = arith.constant 0 : i32
    %dma_start3A_247 = tpu.memref_slice %arg10[%dma_start3A_240, %dma_start3A_246] : memref<320x32xi32, #tpu.memory_space<vmem>> -> memref<1x32xi32, #tpu.memory_space<vmem>>
    %dma_start3A_248 = tpu.memref_squeeze %dma_start3A_247 : memref<1x32xi32, #tpu.memory_space<vmem>> -> memref<32xi32, #tpu.memory_space<vmem>>
    %dma_start3A_249 = arith.constant 0 : i32
    %dma_start3A_250 = arith.constant 0 : i32
    %dma_start3A_251 = tpu.memref_slice %arg15[%dma_start3A_249, %dma_start3A_250] : memref<10240x64xf32, #tpu.memory_space<vmem_shared>> -> memref<10240x64xf32, #tpu.memory_space<vmem_shared>>
    %dma_start3A_252 = tpu.memref_slice %arg19[%dma_start3A_241] : memref<4x!tpu.dma_semaphore, #tpu.memory_space<semaphore_mem>> -> memref<1x!tpu.dma_semaphore, #tpu.memory_space<semaphore_mem>>
    %dma_start3A_253 = tpu.memref_squeeze %dma_start3A_252 : memref<1x!tpu.dma_semaphore, #tpu.memory_space<semaphore_mem>> -> memref<!tpu.dma_semaphore, #tpu.memory_space<semaphore_mem>>
    tpu.enqueue_indirect_dma source(%dma_start3A_245 : memref<32x64xf32, #tpu.memory_space<vmem>>) target(%dma_start3A_251 : memref<10240x64xf32, #tpu.memory_space<vmem_shared>>) offsets(%dma_start3A_248 : memref<32xi32, #tpu.memory_space<vmem>>) semaphore(%dma_start3A_253 : memref<!tpu.dma_semaphore, #tpu.memory_space<semaphore_mem>>) {add = true}
    %dma_wait3A_254 = arith.constant 1 : i32
    %dma_wait3A_255 = arith.constant 0 : i32
    %dma_wait3A_256 = arith.constant 1 : i32
    %dma_wait3A_257 = arith.constant 0 : i32
    %dma_wait3A_258 = arith.constant 0 : i32
    %dma_wait3A_259 = tpu.memref_slice %arg11[%dma_wait3A_254, %dma_wait3A_257, %dma_wait3A_258] : memref<4x32x64xf32, #tpu.memory_space<vmem>> -> memref<1x32x64xf32, #tpu.memory_space<vmem>>
    %dma_wait3A_260 = tpu.memref_squeeze %dma_wait3A_259 : memref<1x32x64xf32, #tpu.memory_space<vmem>> -> memref<32x64xf32, #tpu.memory_space<vmem>>
    %dma_wait3A_261 = arith.constant 0 : i32
    %dma_wait3A_262 = tpu.memref_slice %arg10[%dma_wait3A_255, %dma_wait3A_261] : memref<320x32xi32, #tpu.memory_space<vmem>> -> memref<1x32xi32, #tpu.memory_space<vmem>>
    %dma_wait3A_263 = tpu.memref_squeeze %dma_wait3A_262 : memref<1x32xi32, #tpu.memory_space<vmem>> -> memref<32xi32, #tpu.memory_space<vmem>>
    %dma_wait3A_264 = arith.constant 0 : i32
    %dma_wait3A_265 = arith.constant 0 : i32
    %dma_wait3A_266 = tpu.memref_slice %arg15[%dma_wait3A_264, %dma_wait3A_265] : memref<10240x64xf32, #tpu.memory_space<vmem_shared>> -> memref<10240x64xf32, #tpu.memory_space<vmem_shared>>
    %dma_wait3A_267 = tpu.memref_slice %arg19[%dma_wait3A_256] : memref<4x!tpu.dma_semaphore, #tpu.memory_space<semaphore_mem>> -> memref<1x!tpu.dma_semaphore, #tpu.memory_space<semaphore_mem>>
    %dma_wait3A_268 = tpu.memref_squeeze %dma_wait3A_267 : memref<1x!tpu.dma_semaphore, #tpu.memory_space<semaphore_mem>> -> memref<!tpu.dma_semaphore, #tpu.memory_space<semaphore_mem>>
    tpu.wait_indirect_dma semaphore(%dma_wait3A_268 : memref<!tpu.dma_semaphore, #tpu.memory_space<semaphore_mem>>) src(%dma_wait3A_260 : memref<32x64xf32, #tpu.memory_space<vmem>>) dst(%dma_wait3A_266 : memref<10240x64xf32, #tpu.memory_space<vmem_shared>>)
    %dma_start3A_269 = arith.constant 5 : i32
    %dma_start3A_270 = arith.constant 1 : i32
    %dma_start3A_271 = arith.constant 1 : i32
    %dma_start3A_272 = arith.constant 0 : i32
    %dma_start3A_273 = arith.constant 0 : i32
    %dma_start3A_274 = tpu.memref_slice %arg11[%dma_start3A_270, %dma_start3A_272, %dma_start3A_273] : memref<4x32x64xf32, #tpu.memory_space<vmem>> -> memref<1x32x64xf32, #tpu.memory_space<vmem>>
    %dma_start3A_275 = tpu.memref_squeeze %dma_start3A_274 : memref<1x32x64xf32, #tpu.memory_space<vmem>> -> memref<32x64xf32, #tpu.memory_space<vmem>>
    %dma_start3A_276 = arith.constant 0 : i32
    %dma_start3A_277 = tpu.memref_slice %arg9[%dma_start3A_269, %dma_start3A_276] : memref<324x32xi32, #tpu.memory_space<vmem>> -> memref<1x32xi32, #tpu.memory_space<vmem>>
    %dma_start3A_278 = tpu.memref_squeeze %dma_start3A_277 : memref<1x32xi32, #tpu.memory_space<vmem>> -> memref<32xi32, #tpu.memory_space<vmem>>
    %dma_start3A_279 = arith.constant 0 : i32
    %dma_start3A_280 = arith.constant 0 : i32
    %dma_start3A_281 = tpu.memref_slice %arg16[%dma_start3A_279, %dma_start3A_280] : memref<10240x64xf32, #tpu.memory_space<vmem_shared>> -> memref<10240x64xf32, #tpu.memory_space<vmem_shared>>
    %dma_start3A_282 = tpu.memref_slice %arg18[%dma_start3A_271] : memref<4x!tpu.dma_semaphore, #tpu.memory_space<semaphore_mem>> -> memref<1x!tpu.dma_semaphore, #tpu.memory_space<semaphore_mem>>
    %dma_start3A_283 = tpu.memref_squeeze %dma_start3A_282 : memref<1x!tpu.dma_semaphore, #tpu.memory_space<semaphore_mem>> -> memref<!tpu.dma_semaphore, #tpu.memory_space<semaphore_mem>>
    tpu.enqueue_indirect_dma source(%dma_start3A_281 : memref<10240x64xf32, #tpu.memory_space<vmem_shared>>) target(%dma_start3A_275 : memref<32x64xf32, #tpu.memory_space<vmem>>) offsets(%dma_start3A_278 : memref<32xi32, #tpu.memory_space<vmem>>) semaphore(%dma_start3A_283 : memref<!tpu.dma_semaphore, #tpu.memory_space<semaphore_mem>>)
    %scan3A_284 = arith.constant 0 : i32
    %scan3A_285 = arith.constant 79 : i32
    %scan3A_286 = arith.addi %scan3A_284, %scan3A_285 : i32
    %scan3A_287 = arith.constant 1 : i32
    scf.for %scan3A_1281 = %scan3A_284 to %scan3A_286 step %scan3A_287  : i32 {
      %mul3A_1282 = arith.constant 4 : i32
      %mul3A_1283 = arith.muli %scan3A_1281, %mul3A_1282 : i32
      %add3A = arith.constant 4 : i32
      %add3A_1284 = arith.addi %add3A, %mul3A_1283 : i32
      %add3A_1285 = arith.constant 0 : i32
      %add3A_1286 = arith.addi %add3A_1284, %add3A_1285 : i32
      %dma_wait3A_1287 = arith.constant 0 : i32
      %dma_wait3A_1288 = arith.constant 0 : i32
      %dma_wait3A_1289 = arith.constant 0 : i32
      %dma_wait3A_1290 = arith.constant 0 : i32
      %dma_wait3A_1291 = arith.constant 0 : i32
      %dma_wait3A_1292 = tpu.memref_slice %arg11[%dma_wait3A_1288, %dma_wait3A_1290, %dma_wait3A_1291] : memref<4x32x64xf32, #tpu.memory_space<vmem>> -> memref<1x32x64xf32, #tpu.memory_space<vmem>>
      %dma_wait3A_1293 = tpu.memref_squeeze %dma_wait3A_1292 : memref<1x32x64xf32, #tpu.memory_space<vmem>> -> memref<32x64xf32, #tpu.memory_space<vmem>>
      %dma_wait3A_1294 = arith.constant 0 : i32
      %dma_wait3A_1295 = tpu.memref_slice %arg9[%dma_wait3A_1287, %dma_wait3A_1294] : memref<324x32xi32, #tpu.memory_space<vmem>> -> memref<1x32xi32, #tpu.memory_space<vmem>>
      %dma_wait3A_1296 = tpu.memref_squeeze %dma_wait3A_1295 : memref<1x32xi32, #tpu.memory_space<vmem>> -> memref<32xi32, #tpu.memory_space<vmem>>
      %dma_wait3A_1297 = arith.constant 0 : i32
      %dma_wait3A_1298 = arith.constant 0 : i32
      %dma_wait3A_1299 = tpu.memref_slice %arg16[%dma_wait3A_1297, %dma_wait3A_1298] : memref<10240x64xf32, #tpu.memory_space<vmem_shared>> -> memref<10240x64xf32, #tpu.memory_space<vmem_shared>>
      %dma_wait3A_1300 = tpu.memref_slice %arg18[%dma_wait3A_1289] : memref<4x!tpu.dma_semaphore, #tpu.memory_space<semaphore_mem>> -> memref<1x!tpu.dma_semaphore, #tpu.memory_space<semaphore_mem>>
      %dma_wait3A_1301 = tpu.memref_squeeze %dma_wait3A_1300 : memref<1x!tpu.dma_semaphore, #tpu.memory_space<semaphore_mem>> -> memref<!tpu.dma_semaphore, #tpu.memory_space<semaphore_mem>>
      tpu.wait_indirect_dma semaphore(%dma_wait3A_1301 : memref<!tpu.dma_semaphore, #tpu.memory_space<semaphore_mem>>) src(%dma_wait3A_1299 : memref<10240x64xf32, #tpu.memory_space<vmem_shared>>) dst(%dma_wait3A_1293 : memref<32x64xf32, #tpu.memory_space<vmem>>)
      %dma_start3A_1302 = arith.constant 0 : i32
      %dma_start3A_1303 = arith.constant 0 : i32
      %dma_start3A_1304 = arith.constant 0 : i32
      %dma_start3A_1305 = arith.constant 0 : i32
      %dma_start3A_1306 = tpu.memref_slice %arg11[%dma_start3A_1302, %dma_start3A_1304, %dma_start3A_1305] : memref<4x32x64xf32, #tpu.memory_space<vmem>> -> memref<1x32x64xf32, #tpu.memory_space<vmem>>
      %dma_start3A_1307 = tpu.memref_squeeze %dma_start3A_1306 : memref<1x32x64xf32, #tpu.memory_space<vmem>> -> memref<32x64xf32, #tpu.memory_space<vmem>>
      %dma_start3A_1308 = arith.constant 0 : i32
      %dma_start3A_1309 = tpu.memref_slice %arg10[%add3A_1286, %dma_start3A_1308] : memref<320x32xi32, #tpu.memory_space<vmem>> -> memref<1x32xi32, #tpu.memory_space<vmem>>
      %dma_start3A_1310 = tpu.memref_squeeze %dma_start3A_1309 : memref<1x32xi32, #tpu.memory_space<vmem>> -> memref<32xi32, #tpu.memory_space<vmem>>
      %dma_start3A_1311 = arith.constant 0 : i32
      %dma_start3A_1312 = arith.constant 0 : i32
      %dma_start3A_1313 = tpu.memref_slice %arg15[%dma_start3A_1311, %dma_start3A_1312] : memref<10240x64xf32, #tpu.memory_space<vmem_shared>> -> memref<10240x64xf32, #tpu.memory_space<vmem_shared>>
      %dma_start3A_1314 = tpu.memref_slice %arg19[%dma_start3A_1303] : memref<4x!tpu.dma_semaphore, #tpu.memory_space<semaphore_mem>> -> memref<1x!tpu.dma_semaphore, #tpu.memory_space<semaphore_mem>>
      %dma_start3A_1315 = tpu.memref_squeeze %dma_start3A_1314 : memref<1x!tpu.dma_semaphore, #tpu.memory_space<semaphore_mem>> -> memref<!tpu.dma_semaphore, #tpu.memory_space<semaphore_mem>>
      tpu.enqueue_indirect_dma source(%dma_start3A_1307 : memref<32x64xf32, #tpu.memory_space<vmem>>) target(%dma_start3A_1313 : memref<10240x64xf32, #tpu.memory_space<vmem_shared>>) offsets(%dma_start3A_1310 : memref<32xi32, #tpu.memory_space<vmem>>) semaphore(%dma_start3A_1315 : memref<!tpu.dma_semaphore, #tpu.memory_space<semaphore_mem>>) {add = true}
      %dma_wait3A_1316 = arith.constant 2 : i32
      %dma_wait3A_1317 = arith.constant 0 : i32
      %dma_wait3A_1318 = arith.constant 2 : i32
      %dma_wait3A_1319 = arith.constant 0 : i32
      %dma_wait3A_1320 = arith.constant 0 : i32
      %dma_wait3A_1321 = tpu.memref_slice %arg11[%dma_wait3A_1316, %dma_wait3A_1319, %dma_wait3A_1320] : memref<4x32x64xf32, #tpu.memory_space<vmem>> -> memref<1x32x64xf32, #tpu.memory_space<vmem>>
      %dma_wait3A_1322 = tpu.memref_squeeze %dma_wait3A_1321 : memref<1x32x64xf32, #tpu.memory_space<vmem>> -> memref<32x64xf32, #tpu.memory_space<vmem>>
      %dma_wait3A_1323 = arith.constant 0 : i32
      %dma_wait3A_1324 = tpu.memref_slice %arg10[%dma_wait3A_1317, %dma_wait3A_1323] : memref<320x32xi32, #tpu.memory_space<vmem>> -> memref<1x32xi32, #tpu.memory_space<vmem>>
      %dma_wait3A_1325 = tpu.memref_squeeze %dma_wait3A_1324 : memref<1x32xi32, #tpu.memory_space<vmem>> -> memref<32xi32, #tpu.memory_space<vmem>>
      %dma_wait3A_1326 = arith.constant 0 : i32
      %dma_wait3A_1327 = arith.constant 0 : i32
      %dma_wait3A_1328 = tpu.memref_slice %arg15[%dma_wait3A_1326, %dma_wait3A_1327] : memref<10240x64xf32, #tpu.memory_space<vmem_shared>> -> memref<10240x64xf32, #tpu.memory_space<vmem_shared>>
      %dma_wait3A_1329 = tpu.memref_slice %arg19[%dma_wait3A_1318] : memref<4x!tpu.dma_semaphore, #tpu.memory_space<semaphore_mem>> -> memref<1x!tpu.dma_semaphore, #tpu.memory_space<semaphore_mem>>
      %dma_wait3A_1330 = tpu.memref_squeeze %dma_wait3A_1329 : memref<1x!tpu.dma_semaphore, #tpu.memory_space<semaphore_mem>> -> memref<!tpu.dma_semaphore, #tpu.memory_space<semaphore_mem>>
      tpu.wait_indirect_dma semaphore(%dma_wait3A_1330 : memref<!tpu.dma_semaphore, #tpu.memory_space<semaphore_mem>>) src(%dma_wait3A_1322 : memref<32x64xf32, #tpu.memory_space<vmem>>) dst(%dma_wait3A_1328 : memref<10240x64xf32, #tpu.memory_space<vmem_shared>>)
      %add3A_1331 = arith.constant 2 : i32
      %add3A_1332 = arith.addi %add3A_1286, %add3A_1331 : i32
      %dma_start3A_1333 = arith.constant 2 : i32
      %dma_start3A_1334 = arith.constant 2 : i32
      %dma_start3A_1335 = arith.constant 0 : i32
      %dma_start3A_1336 = arith.constant 0 : i32
      %dma_start3A_1337 = tpu.memref_slice %arg11[%dma_start3A_1333, %dma_start3A_1335, %dma_start3A_1336] : memref<4x32x64xf32, #tpu.memory_space<vmem>> -> memref<1x32x64xf32, #tpu.memory_space<vmem>>
      %dma_start3A_1338 = tpu.memref_squeeze %dma_start3A_1337 : memref<1x32x64xf32, #tpu.memory_space<vmem>> -> memref<32x64xf32, #tpu.memory_space<vmem>>
      %dma_start3A_1339 = arith.constant 0 : i32
      %dma_start3A_1340 = tpu.memref_slice %arg9[%add3A_1332, %dma_start3A_1339] : memref<324x32xi32, #tpu.memory_space<vmem>> -> memref<1x32xi32, #tpu.memory_space<vmem>>
      %dma_start3A_1341 = tpu.memref_squeeze %dma_start3A_1340 : memref<1x32xi32, #tpu.memory_space<vmem>> -> memref<32xi32, #tpu.memory_space<vmem>>
      %dma_start3A_1342 = arith.constant 0 : i32
      %dma_start3A_1343 = arith.constant 0 : i32
      %dma_start3A_1344 = tpu.memref_slice %arg16[%dma_start3A_1342, %dma_start3A_1343] : memref<10240x64xf32, #tpu.memory_space<vmem_shared>> -> memref<10240x64xf32, #tpu.memory_space<vmem_shared>>
      %dma_start3A_1345 = tpu.memref_slice %arg18[%dma_start3A_1334] : memref<4x!tpu.dma_semaphore, #tpu.memory_space<semaphore_mem>> -> memref<1x!tpu.dma_semaphore, #tpu.memory_space<semaphore_mem>>
      %dma_start3A_1346 = tpu.memref_squeeze %dma_start3A_1345 : memref<1x!tpu.dma_semaphore, #tpu.memory_space<semaphore_mem>> -> memref<!tpu.dma_semaphore, #tpu.memory_space<semaphore_mem>>
      tpu.enqueue_indirect_dma source(%dma_start3A_1344 : memref<10240x64xf32, #tpu.memory_space<vmem_shared>>) target(%dma_start3A_1338 : memref<32x64xf32, #tpu.memory_space<vmem>>) offsets(%dma_start3A_1341 : memref<32xi32, #tpu.memory_space<vmem>>) semaphore(%dma_start3A_1346 : memref<!tpu.dma_semaphore, #tpu.memory_space<semaphore_mem>>)
      %mul3A_1347 = arith.constant 4 : i32
      %mul3A_1348 = arith.muli %scan3A_1281, %mul3A_1347 : i32
      %add3A_1349 = arith.constant 4 : i32
      %add3A_1350 = arith.addi %add3A_1349, %mul3A_1348 : i32
      %add3A_1351 = arith.constant 1 : i32
      %add3A_1352 = arith.addi %add3A_1350, %add3A_1351 : i32
      %dma_wait3A_1353 = arith.constant 0 : i32
      %dma_wait3A_1354 = arith.constant 1 : i32
      %dma_wait3A_1355 = arith.constant 1 : i32
      %dma_wait3A_1356 = arith.constant 0 : i32
      %dma_wait3A_1357 = arith.constant 0 : i32
      %dma_wait3A_1358 = tpu.memref_slice %arg11[%dma_wait3A_1354, %dma_wait3A_1356, %dma_wait3A_1357] : memref<4x32x64xf32, #tpu.memory_space<vmem>> -> memref<1x32x64xf32, #tpu.memory_space<vmem>>
      %dma_wait3A_1359 = tpu.memref_squeeze %dma_wait3A_1358 : memref<1x32x64xf32, #tpu.memory_space<vmem>> -> memref<32x64xf32, #tpu.memory_space<vmem>>
      %dma_wait3A_1360 = arith.constant 0 : i32
      %dma_wait3A_1361 = tpu.memref_slice %arg9[%dma_wait3A_1353, %dma_wait3A_1360] : memref<324x32xi32, #tpu.memory_space<vmem>> -> memref<1x32xi32, #tpu.memory_space<vmem>>
      %dma_wait3A_1362 = tpu.memref_squeeze %dma_wait3A_1361 : memref<1x32xi32, #tpu.memory_space<vmem>> -> memref<32xi32, #tpu.memory_space<vmem>>
      %dma_wait3A_1363 = arith.constant 0 : i32
      %dma_wait3A_1364 = arith.constant 0 : i32
      %dma_wait3A_1365 = tpu.memref_slice %arg16[%dma_wait3A_1363, %dma_wait3A_1364] : memref<10240x64xf32, #tpu.memory_space<vmem_shared>> -> memref<10240x64xf32, #tpu.memory_space<vmem_shared>>
      %dma_wait3A_1366 = tpu.memref_slice %arg18[%dma_wait3A_1355] : memref<4x!tpu.dma_semaphore, #tpu.memory_space<semaphore_mem>> -> memref<1x!tpu.dma_semaphore, #tpu.memory_space<semaphore_mem>>
      %dma_wait3A_1367 = tpu.memref_squeeze %dma_wait3A_1366 : memref<1x!tpu.dma_semaphore, #tpu.memory_space<semaphore_mem>> -> memref<!tpu.dma_semaphore, #tpu.memory_space<semaphore_mem>>
      tpu.wait_indirect_dma semaphore(%dma_wait3A_1367 : memref<!tpu.dma_semaphore, #tpu.memory_space<semaphore_mem>>) src(%dma_wait3A_1365 : memref<10240x64xf32, #tpu.memory_space<vmem_shared>>) dst(%dma_wait3A_1359 : memref<32x64xf32, #tpu.memory_space<vmem>>)
      %dma_start3A_1368 = arith.constant 1 : i32
      %dma_start3A_1369 = arith.constant 1 : i32
      %dma_start3A_1370 = arith.constant 0 : i32
      %dma_start3A_1371 = arith.constant 0 : i32
      %dma_start3A_1372 = tpu.memref_slice %arg11[%dma_start3A_1368, %dma_start3A_1370, %dma_start3A_1371] : memref<4x32x64xf32, #tpu.memory_space<vmem>> -> memref<1x32x64xf32, #tpu.memory_space<vmem>>
      %dma_start3A_1373 = tpu.memref_squeeze %dma_start3A_1372 : memref<1x32x64xf32, #tpu.memory_space<vmem>> -> memref<32x64xf32, #tpu.memory_space<vmem>>
      %dma_start3A_1374 = arith.constant 0 : i32
      %dma_start3A_1375 = tpu.memref_slice %arg10[%add3A_1352, %dma_start3A_1374] : memref<320x32xi32, #tpu.memory_space<vmem>> -> memref<1x32xi32, #tpu.memory_space<vmem>>
      %dma_start3A_1376 = tpu.memref_squeeze %dma_start3A_1375 : memref<1x32xi32, #tpu.memory_space<vmem>> -> memref<32xi32, #tpu.memory_space<vmem>>
      %dma_start3A_1377 = arith.constant 0 : i32
      %dma_start3A_1378 = arith.constant 0 : i32
      %dma_start3A_1379 = tpu.memref_slice %arg15[%dma_start3A_1377, %dma_start3A_1378] : memref<10240x64xf32, #tpu.memory_space<vmem_shared>> -> memref<10240x64xf32, #tpu.memory_space<vmem_shared>>
      %dma_start3A_1380 = tpu.memref_slice %arg19[%dma_start3A_1369] : memref<4x!tpu.dma_semaphore, #tpu.memory_space<semaphore_mem>> -> memref<1x!tpu.dma_semaphore, #tpu.memory_space<semaphore_mem>>
      %dma_start3A_1381 = tpu.memref_squeeze %dma_start3A_1380 : memref<1x!tpu.dma_semaphore, #tpu.memory_space<semaphore_mem>> -> memref<!tpu.dma_semaphore, #tpu.memory_space<semaphore_mem>>
      tpu.enqueue_indirect_dma source(%dma_start3A_1373 : memref<32x64xf32, #tpu.memory_space<vmem>>) target(%dma_start3A_1379 : memref<10240x64xf32, #tpu.memory_space<vmem_shared>>) offsets(%dma_start3A_1376 : memref<32xi32, #tpu.memory_space<vmem>>) semaphore(%dma_start3A_1381 : memref<!tpu.dma_semaphore, #tpu.memory_space<semaphore_mem>>) {add = true}
      %dma_wait3A_1382 = arith.constant 3 : i32
      %dma_wait3A_1383 = arith.constant 0 : i32
      %dma_wait3A_1384 = arith.constant 3 : i32
      %dma_wait3A_1385 = arith.constant 0 : i32
      %dma_wait3A_1386 = arith.constant 0 : i32
      %dma_wait3A_1387 = tpu.memref_slice %arg11[%dma_wait3A_1382, %dma_wait3A_1385, %dma_wait3A_1386] : memref<4x32x64xf32, #tpu.memory_space<vmem>> -> memref<1x32x64xf32, #tpu.memory_space<vmem>>
      %dma_wait3A_1388 = tpu.memref_squeeze %dma_wait3A_1387 : memref<1x32x64xf32, #tpu.memory_space<vmem>> -> memref<32x64xf32, #tpu.memory_space<vmem>>
      %dma_wait3A_1389 = arith.constant 0 : i32
      %dma_wait3A_1390 = tpu.memref_slice %arg10[%dma_wait3A_1383, %dma_wait3A_1389] : memref<320x32xi32, #tpu.memory_space<vmem>> -> memref<1x32xi32, #tpu.memory_space<vmem>>
      %dma_wait3A_1391 = tpu.memref_squeeze %dma_wait3A_1390 : memref<1x32xi32, #tpu.memory_space<vmem>> -> memref<32xi32, #tpu.memory_space<vmem>>
      %dma_wait3A_1392 = arith.constant 0 : i32
      %dma_wait3A_1393 = arith.constant 0 : i32
      %dma_wait3A_1394 = tpu.memref_slice %arg15[%dma_wait3A_1392, %dma_wait3A_1393] : memref<10240x64xf32, #tpu.memory_space<vmem_shared>> -> memref<10240x64xf32, #tpu.memory_space<vmem_shared>>
      %dma_wait3A_1395 = tpu.memref_slice %arg19[%dma_wait3A_1384] : memref<4x!tpu.dma_semaphore, #tpu.memory_space<semaphore_mem>> -> memref<1x!tpu.dma_semaphore, #tpu.memory_space<semaphore_mem>>
      %dma_wait3A_1396 = tpu.memref_squeeze %dma_wait3A_1395 : memref<1x!tpu.dma_semaphore, #tpu.memory_space<semaphore_mem>> -> memref<!tpu.dma_semaphore, #tpu.memory_space<semaphore_mem>>
      tpu.wait_indirect_dma semaphore(%dma_wait3A_1396 : memref<!tpu.dma_semaphore, #tpu.memory_space<semaphore_mem>>) src(%dma_wait3A_1388 : memref<32x64xf32, #tpu.memory_space<vmem>>) dst(%dma_wait3A_1394 : memref<10240x64xf32, #tpu.memory_space<vmem_shared>>)
      %add3A_1397 = arith.constant 2 : i32
      %add3A_1398 = arith.addi %add3A_1352, %add3A_1397 : i32
      %dma_start3A_1399 = arith.constant 3 : i32
      %dma_start3A_1400 = arith.constant 3 : i32
      %dma_start3A_1401 = arith.constant 0 : i32
      %dma_start3A_1402 = arith.constant 0 : i32
      %dma_start3A_1403 = tpu.memref_slice %arg11[%dma_start3A_1399, %dma_start3A_1401, %dma_start3A_1402] : memref<4x32x64xf32, #tpu.memory_space<vmem>> -> memref<1x32x64xf32, #tpu.memory_space<vmem>>
      %dma_start3A_1404 = tpu.memref_squeeze %dma_start3A_1403 : memref<1x32x64xf32, #tpu.memory_space<vmem>> -> memref<32x64xf32, #tpu.memory_space<vmem>>
      %dma_start3A_1405 = arith.constant 0 : i32
      %dma_start3A_1406 = tpu.memref_slice %arg9[%add3A_1398, %dma_start3A_1405] : memref<324x32xi32, #tpu.memory_space<vmem>> -> memref<1x32xi32, #tpu.memory_space<vmem>>
      %dma_start3A_1407 = tpu.memref_squeeze %dma_start3A_1406 : memref<1x32xi32, #tpu.memory_space<vmem>> -> memref<32xi32, #tpu.memory_space<vmem>>
      %dma_start3A_1408 = arith.constant 0 : i32
      %dma_start3A_1409 = arith.constant 0 : i32
      %dma_start3A_1410 = tpu.memref_slice %arg16[%dma_start3A_1408, %dma_start3A_1409] : memref<10240x64xf32, #tpu.memory_space<vmem_shared>> -> memref<10240x64xf32, #tpu.memory_space<vmem_shared>>
      %dma_start3A_1411 = tpu.memref_slice %arg18[%dma_start3A_1400] : memref<4x!tpu.dma_semaphore, #tpu.memory_space<semaphore_mem>> -> memref<1x!tpu.dma_semaphore, #tpu.memory_space<semaphore_mem>>
      %dma_start3A_1412 = tpu.memref_squeeze %dma_start3A_1411 : memref<1x!tpu.dma_semaphore, #tpu.memory_space<semaphore_mem>> -> memref<!tpu.dma_semaphore, #tpu.memory_space<semaphore_mem>>
      tpu.enqueue_indirect_dma source(%dma_start3A_1410 : memref<10240x64xf32, #tpu.memory_space<vmem_shared>>) target(%dma_start3A_1404 : memref<32x64xf32, #tpu.memory_space<vmem>>) offsets(%dma_start3A_1407 : memref<32xi32, #tpu.memory_space<vmem>>) semaphore(%dma_start3A_1412 : memref<!tpu.dma_semaphore, #tpu.memory_space<semaphore_mem>>)
      %mul3A_1413 = arith.constant 4 : i32
      %mul3A_1414 = arith.muli %scan3A_1281, %mul3A_1413 : i32
      %add3A_1415 = arith.constant 4 : i32
      %add3A_1416 = arith.addi %add3A_1415, %mul3A_1414 : i32
      %add3A_1417 = arith.constant 2 : i32
      %add3A_1418 = arith.addi %add3A_1416, %add3A_1417 : i32
      %dma_wait3A_1419 = arith.constant 0 : i32
      %dma_wait3A_1420 = arith.constant 2 : i32
      %dma_wait3A_1421 = arith.constant 2 : i32
      %dma_wait3A_1422 = arith.constant 0 : i32
      %dma_wait3A_1423 = arith.constant 0 : i32
      %dma_wait3A_1424 = tpu.memref_slice %arg11[%dma_wait3A_1420, %dma_wait3A_1422, %dma_wait3A_1423] : memref<4x32x64xf32, #tpu.memory_space<vmem>> -> memref<1x32x64xf32, #tpu.memory_space<vmem>>
      %dma_wait3A_1425 = tpu.memref_squeeze %dma_wait3A_1424 : memref<1x32x64xf32, #tpu.memory_space<vmem>> -> memref<32x64xf32, #tpu.memory_space<vmem>>
      %dma_wait3A_1426 = arith.constant 0 : i32
      %dma_wait3A_1427 = tpu.memref_slice %arg9[%dma_wait3A_1419, %dma_wait3A_1426] : memref<324x32xi32, #tpu.memory_space<vmem>> -> memref<1x32xi32, #tpu.memory_space<vmem>>
      %dma_wait3A_1428 = tpu.memref_squeeze %dma_wait3A_1427 : memref<1x32xi32, #tpu.memory_space<vmem>> -> memref<32xi32, #tpu.memory_space<vmem>>
      %dma_wait3A_1429 = arith.constant 0 : i32
      %dma_wait3A_1430 = arith.constant 0 : i32
      %dma_wait3A_1431 = tpu.memref_slice %arg16[%dma_wait3A_1429, %dma_wait3A_1430] : memref<10240x64xf32, #tpu.memory_space<vmem_shared>> -> memref<10240x64xf32, #tpu.memory_space<vmem_shared>>
      %dma_wait3A_1432 = tpu.memref_slice %arg18[%dma_wait3A_1421] : memref<4x!tpu.dma_semaphore, #tpu.memory_space<semaphore_mem>> -> memref<1x!tpu.dma_semaphore, #tpu.memory_space<semaphore_mem>>
      %dma_wait3A_1433 = tpu.memref_squeeze %dma_wait3A_1432 : memref<1x!tpu.dma_semaphore, #tpu.memory_space<semaphore_mem>> -> memref<!tpu.dma_semaphore, #tpu.memory_space<semaphore_mem>>
      tpu.wait_indirect_dma semaphore(%dma_wait3A_1433 : memref<!tpu.dma_semaphore, #tpu.memory_space<semaphore_mem>>) src(%dma_wait3A_1431 : memref<10240x64xf32, #tpu.memory_space<vmem_shared>>) dst(%dma_wait3A_1425 : memref<32x64xf32, #tpu.memory_space<vmem>>)
      %dma_start3A_1434 = arith.constant 2 : i32
      %dma_start3A_1435 = arith.constant 2 : i32
      %dma_start3A_1436 = arith.constant 0 : i32
      %dma_start3A_1437 = arith.constant 0 : i32
      %dma_start3A_1438 = tpu.memref_slice %arg11[%dma_start3A_1434, %dma_start3A_1436, %dma_start3A_1437] : memref<4x32x64xf32, #tpu.memory_space<vmem>> -> memref<1x32x64xf32, #tpu.memory_space<vmem>>
      %dma_start3A_1439 = tpu.memref_squeeze %dma_start3A_1438 : memref<1x32x64xf32, #tpu.memory_space<vmem>> -> memref<32x64xf32, #tpu.memory_space<vmem>>
      %dma_start3A_1440 = arith.constant 0 : i32
      %dma_start3A_1441 = tpu.memref_slice %arg10[%add3A_1418, %dma_start3A_1440] : memref<320x32xi32, #tpu.memory_space<vmem>> -> memref<1x32xi32, #tpu.memory_space<vmem>>
      %dma_start3A_1442 = tpu.memref_squeeze %dma_start3A_1441 : memref<1x32xi32, #tpu.memory_space<vmem>> -> memref<32xi32, #tpu.memory_space<vmem>>
      %dma_start3A_1443 = arith.constant 0 : i32
      %dma_start3A_1444 = arith.constant 0 : i32
      %dma_start3A_1445 = tpu.memref_slice %arg15[%dma_start3A_1443, %dma_start3A_1444] : memref<10240x64xf32, #tpu.memory_space<vmem_shared>> -> memref<10240x64xf32, #tpu.memory_space<vmem_shared>>
      %dma_start3A_1446 = tpu.memref_slice %arg19[%dma_start3A_1435] : memref<4x!tpu.dma_semaphore, #tpu.memory_space<semaphore_mem>> -> memref<1x!tpu.dma_semaphore, #tpu.memory_space<semaphore_mem>>
      %dma_start3A_1447 = tpu.memref_squeeze %dma_start3A_1446 : memref<1x!tpu.dma_semaphore, #tpu.memory_space<semaphore_mem>> -> memref<!tpu.dma_semaphore, #tpu.memory_space<semaphore_mem>>
      tpu.enqueue_indirect_dma source(%dma_start3A_1439 : memref<32x64xf32, #tpu.memory_space<vmem>>) target(%dma_start3A_1445 : memref<10240x64xf32, #tpu.memory_space<vmem_shared>>) offsets(%dma_start3A_1442 : memref<32xi32, #tpu.memory_space<vmem>>) semaphore(%dma_start3A_1447 : memref<!tpu.dma_semaphore, #tpu.memory_space<semaphore_mem>>) {add = true}
      %dma_wait3A_1448 = arith.constant 0 : i32
      %dma_wait3A_1449 = arith.constant 0 : i32
      %dma_wait3A_1450 = arith.constant 0 : i32
      %dma_wait3A_1451 = arith.constant 0 : i32
      %dma_wait3A_1452 = arith.constant 0 : i32
      %dma_wait3A_1453 = tpu.memref_slice %arg11[%dma_wait3A_1448, %dma_wait3A_1451, %dma_wait3A_1452] : memref<4x32x64xf32, #tpu.memory_space<vmem>> -> memref<1x32x64xf32, #tpu.memory_space<vmem>>
      %dma_wait3A_1454 = tpu.memref_squeeze %dma_wait3A_1453 : memref<1x32x64xf32, #tpu.memory_space<vmem>> -> memref<32x64xf32, #tpu.memory_space<vmem>>
      %dma_wait3A_1455 = arith.constant 0 : i32
      %dma_wait3A_1456 = tpu.memref_slice %arg10[%dma_wait3A_1449, %dma_wait3A_1455] : memref<320x32xi32, #tpu.memory_space<vmem>> -> memref<1x32xi32, #tpu.memory_space<vmem>>
      %dma_wait3A_1457 = tpu.memref_squeeze %dma_wait3A_1456 : memref<1x32xi32, #tpu.memory_space<vmem>> -> memref<32xi32, #tpu.memory_space<vmem>>
      %dma_wait3A_1458 = arith.constant 0 : i32
      %dma_wait3A_1459 = arith.constant 0 : i32
      %dma_wait3A_1460 = tpu.memref_slice %arg15[%dma_wait3A_1458, %dma_wait3A_1459] : memref<10240x64xf32, #tpu.memory_space<vmem_shared>> -> memref<10240x64xf32, #tpu.memory_space<vmem_shared>>
      %dma_wait3A_1461 = tpu.memref_slice %arg19[%dma_wait3A_1450] : memref<4x!tpu.dma_semaphore, #tpu.memory_space<semaphore_mem>> -> memref<1x!tpu.dma_semaphore, #tpu.memory_space<semaphore_mem>>
      %dma_wait3A_1462 = tpu.memref_squeeze %dma_wait3A_1461 : memref<1x!tpu.dma_semaphore, #tpu.memory_space<semaphore_mem>> -> memref<!tpu.dma_semaphore, #tpu.memory_space<semaphore_mem>>
      tpu.wait_indirect_dma semaphore(%dma_wait3A_1462 : memref<!tpu.dma_semaphore, #tpu.memory_space<semaphore_mem>>) src(%dma_wait3A_1454 : memref<32x64xf32, #tpu.memory_space<vmem>>) dst(%dma_wait3A_1460 : memref<10240x64xf32, #tpu.memory_space<vmem_shared>>)
      %add3A_1463 = arith.constant 2 : i32
      %add3A_1464 = arith.addi %add3A_1418, %add3A_1463 : i32
      %dma_start3A_1465 = arith.constant 0 : i32
      %dma_start3A_1466 = arith.constant 0 : i32
      %dma_start3A_1467 = arith.constant 0 : i32
      %dma_start3A_1468 = arith.constant 0 : i32
      %dma_start3A_1469 = tpu.memref_slice %arg11[%dma_start3A_1465, %dma_start3A_1467, %dma_start3A_1468] : memref<4x32x64xf32, #tpu.memory_space<vmem>> -> memref<1x32x64xf32, #tpu.memory_space<vmem>>
      %dma_start3A_1470 = tpu.memref_squeeze %dma_start3A_1469 : memref<1x32x64xf32, #tpu.memory_space<vmem>> -> memref<32x64xf32, #tpu.memory_space<vmem>>
      %dma_start3A_1471 = arith.constant 0 : i32
      %dma_start3A_1472 = tpu.memref_slice %arg9[%add3A_1464, %dma_start3A_1471] : memref<324x32xi32, #tpu.memory_space<vmem>> -> memref<1x32xi32, #tpu.memory_space<vmem>>
      %dma_start3A_1473 = tpu.memref_squeeze %dma_start3A_1472 : memref<1x32xi32, #tpu.memory_space<vmem>> -> memref<32xi32, #tpu.memory_space<vmem>>
      %dma_start3A_1474 = arith.constant 0 : i32
      %dma_start3A_1475 = arith.constant 0 : i32
      %dma_start3A_1476 = tpu.memref_slice %arg16[%dma_start3A_1474, %dma_start3A_1475] : memref<10240x64xf32, #tpu.memory_space<vmem_shared>> -> memref<10240x64xf32, #tpu.memory_space<vmem_shared>>
      %dma_start3A_1477 = tpu.memref_slice %arg18[%dma_start3A_1466] : memref<4x!tpu.dma_semaphore, #tpu.memory_space<semaphore_mem>> -> memref<1x!tpu.dma_semaphore, #tpu.memory_space<semaphore_mem>>
      %dma_start3A_1478 = tpu.memref_squeeze %dma_start3A_1477 : memref<1x!tpu.dma_semaphore, #tpu.memory_space<semaphore_mem>> -> memref<!tpu.dma_semaphore, #tpu.memory_space<semaphore_mem>>
      tpu.enqueue_indirect_dma source(%dma_start3A_1476 : memref<10240x64xf32, #tpu.memory_space<vmem_shared>>) target(%dma_start3A_1470 : memref<32x64xf32, #tpu.memory_space<vmem>>) offsets(%dma_start3A_1473 : memref<32xi32, #tpu.memory_space<vmem>>) semaphore(%dma_start3A_1478 : memref<!tpu.dma_semaphore, #tpu.memory_space<semaphore_mem>>)
      %mul3A_1479 = arith.constant 4 : i32
      %mul3A_1480 = arith.muli %scan3A_1281, %mul3A_1479 : i32
      %add3A_1481 = arith.constant 4 : i32
      %add3A_1482 = arith.addi %add3A_1481, %mul3A_1480 : i32
      %add3A_1483 = arith.constant 3 : i32
      %add3A_1484 = arith.addi %add3A_1482, %add3A_1483 : i32
      %dma_wait3A_1485 = arith.constant 0 : i32
      %dma_wait3A_1486 = arith.constant 3 : i32
      %dma_wait3A_1487 = arith.constant 3 : i32
      %dma_wait3A_1488 = arith.constant 0 : i32
      %dma_wait3A_1489 = arith.constant 0 : i32
      %dma_wait3A_1490 = tpu.memref_slice %arg11[%dma_wait3A_1486, %dma_wait3A_1488, %dma_wait3A_1489] : memref<4x32x64xf32, #tpu.memory_space<vmem>> -> memref<1x32x64xf32, #tpu.memory_space<vmem>>
      %dma_wait3A_1491 = tpu.memref_squeeze %dma_wait3A_1490 : memref<1x32x64xf32, #tpu.memory_space<vmem>> -> memref<32x64xf32, #tpu.memory_space<vmem>>
      %dma_wait3A_1492 = arith.constant 0 : i32
      %dma_wait3A_1493 = tpu.memref_slice %arg9[%dma_wait3A_1485, %dma_wait3A_1492] : memref<324x32xi32, #tpu.memory_space<vmem>> -> memref<1x32xi32, #tpu.memory_space<vmem>>
      %dma_wait3A_1494 = tpu.memref_squeeze %dma_wait3A_1493 : memref<1x32xi32, #tpu.memory_space<vmem>> -> memref<32xi32, #tpu.memory_space<vmem>>
      %dma_wait3A_1495 = arith.constant 0 : i32
      %dma_wait3A_1496 = arith.constant 0 : i32
      %dma_wait3A_1497 = tpu.memref_slice %arg16[%dma_wait3A_1495, %dma_wait3A_1496] : memref<10240x64xf32, #tpu.memory_space<vmem_shared>> -> memref<10240x64xf32, #tpu.memory_space<vmem_shared>>
      %dma_wait3A_1498 = tpu.memref_slice %arg18[%dma_wait3A_1487] : memref<4x!tpu.dma_semaphore, #tpu.memory_space<semaphore_mem>> -> memref<1x!tpu.dma_semaphore, #tpu.memory_space<semaphore_mem>>
      %dma_wait3A_1499 = tpu.memref_squeeze %dma_wait3A_1498 : memref<1x!tpu.dma_semaphore, #tpu.memory_space<semaphore_mem>> -> memref<!tpu.dma_semaphore, #tpu.memory_space<semaphore_mem>>
      tpu.wait_indirect_dma semaphore(%dma_wait3A_1499 : memref<!tpu.dma_semaphore, #tpu.memory_space<semaphore_mem>>) src(%dma_wait3A_1497 : memref<10240x64xf32, #tpu.memory_space<vmem_shared>>) dst(%dma_wait3A_1491 : memref<32x64xf32, #tpu.memory_space<vmem>>)
      %dma_start3A_1500 = arith.constant 3 : i32
      %dma_start3A_1501 = arith.constant 3 : i32
      %dma_start3A_1502 = arith.constant 0 : i32
      %dma_start3A_1503 = arith.constant 0 : i32
      %dma_start3A_1504 = tpu.memref_slice %arg11[%dma_start3A_1500, %dma_start3A_1502, %dma_start3A_1503] : memref<4x32x64xf32, #tpu.memory_space<vmem>> -> memref<1x32x64xf32, #tpu.memory_space<vmem>>
      %dma_start3A_1505 = tpu.memref_squeeze %dma_start3A_1504 : memref<1x32x64xf32, #tpu.memory_space<vmem>> -> memref<32x64xf32, #tpu.memory_space<vmem>>
      %dma_start3A_1506 = arith.constant 0 : i32
      %dma_start3A_1507 = tpu.memref_slice %arg10[%add3A_1484, %dma_start3A_1506] : memref<320x32xi32, #tpu.memory_space<vmem>> -> memref<1x32xi32, #tpu.memory_space<vmem>>
      %dma_start3A_1508 = tpu.memref_squeeze %dma_start3A_1507 : memref<1x32xi32, #tpu.memory_space<vmem>> -> memref<32xi32, #tpu.memory_space<vmem>>
      %dma_start3A_1509 = arith.constant 0 : i32
      %dma_start3A_1510 = arith.constant 0 : i32
      %dma_start3A_1511 = tpu.memref_slice %arg15[%dma_start3A_1509, %dma_start3A_1510] : memref<10240x64xf32, #tpu.memory_space<vmem_shared>> -> memref<10240x64xf32, #tpu.memory_space<vmem_shared>>
      %dma_start3A_1512 = tpu.memref_slice %arg19[%dma_start3A_1501] : memref<4x!tpu.dma_semaphore, #tpu.memory_space<semaphore_mem>> -> memref<1x!tpu.dma_semaphore, #tpu.memory_space<semaphore_mem>>
      %dma_start3A_1513 = tpu.memref_squeeze %dma_start3A_1512 : memref<1x!tpu.dma_semaphore, #tpu.memory_space<semaphore_mem>> -> memref<!tpu.dma_semaphore, #tpu.memory_space<semaphore_mem>>
      tpu.enqueue_indirect_dma source(%dma_start3A_1505 : memref<32x64xf32, #tpu.memory_space<vmem>>) target(%dma_start3A_1511 : memref<10240x64xf32, #tpu.memory_space<vmem_shared>>) offsets(%dma_start3A_1508 : memref<32xi32, #tpu.memory_space<vmem>>) semaphore(%dma_start3A_1513 : memref<!tpu.dma_semaphore, #tpu.memory_space<semaphore_mem>>) {add = true}
      %dma_wait3A_1514 = arith.constant 1 : i32
      %dma_wait3A_1515 = arith.constant 0 : i32
      %dma_wait3A_1516 = arith.constant 1 : i32
      %dma_wait3A_1517 = arith.constant 0 : i32
      %dma_wait3A_1518 = arith.constant 0 : i32
      %dma_wait3A_1519 = tpu.memref_slice %arg11[%dma_wait3A_1514, %dma_wait3A_1517, %dma_wait3A_1518] : memref<4x32x64xf32, #tpu.memory_space<vmem>> -> memref<1x32x64xf32, #tpu.memory_space<vmem>>
      %dma_wait3A_1520 = tpu.memref_squeeze %dma_wait3A_1519 : memref<1x32x64xf32, #tpu.memory_space<vmem>> -> memref<32x64xf32, #tpu.memory_space<vmem>>
      %dma_wait3A_1521 = arith.constant 0 : i32
      %dma_wait3A_1522 = tpu.memref_slice %arg10[%dma_wait3A_1515, %dma_wait3A_1521] : memref<320x32xi32, #tpu.memory_space<vmem>> -> memref<1x32xi32, #tpu.memory_space<vmem>>
      %dma_wait3A_1523 = tpu.memref_squeeze %dma_wait3A_1522 : memref<1x32xi32, #tpu.memory_space<vmem>> -> memref<32xi32, #tpu.memory_space<vmem>>
      %dma_wait3A_1524 = arith.constant 0 : i32
      %dma_wait3A_1525 = arith.constant 0 : i32
      %dma_wait3A_1526 = tpu.memref_slice %arg15[%dma_wait3A_1524, %dma_wait3A_1525] : memref<10240x64xf32, #tpu.memory_space<vmem_shared>> -> memref<10240x64xf32, #tpu.memory_space<vmem_shared>>
      %dma_wait3A_1527 = tpu.memref_slice %arg19[%dma_wait3A_1516] : memref<4x!tpu.dma_semaphore, #tpu.memory_space<semaphore_mem>> -> memref<1x!tpu.dma_semaphore, #tpu.memory_space<semaphore_mem>>
      %dma_wait3A_1528 = tpu.memref_squeeze %dma_wait3A_1527 : memref<1x!tpu.dma_semaphore, #tpu.memory_space<semaphore_mem>> -> memref<!tpu.dma_semaphore, #tpu.memory_space<semaphore_mem>>
      tpu.wait_indirect_dma semaphore(%dma_wait3A_1528 : memref<!tpu.dma_semaphore, #tpu.memory_space<semaphore_mem>>) src(%dma_wait3A_1520 : memref<32x64xf32, #tpu.memory_space<vmem>>) dst(%dma_wait3A_1526 : memref<10240x64xf32, #tpu.memory_space<vmem_shared>>)
      %add3A_1529 = arith.constant 2 : i32
      %add3A_1530 = arith.addi %add3A_1484, %add3A_1529 : i32
      %dma_start3A_1531 = arith.constant 1 : i32
      %dma_start3A_1532 = arith.constant 1 : i32
      %dma_start3A_1533 = arith.constant 0 : i32
      %dma_start3A_1534 = arith.constant 0 : i32
      %dma_start3A_1535 = tpu.memref_slice %arg11[%dma_start3A_1531, %dma_start3A_1533, %dma_start3A_1534] : memref<4x32x64xf32, #tpu.memory_space<vmem>> -> memref<1x32x64xf32, #tpu.memory_space<vmem>>
      %dma_start3A_1536 = tpu.memref_squeeze %dma_start3A_1535 : memref<1x32x64xf32, #tpu.memory_space<vmem>> -> memref<32x64xf32, #tpu.memory_space<vmem>>
      %dma_start3A_1537 = arith.constant 0 : i32
      %dma_start3A_1538 = tpu.memref_slice %arg9[%add3A_1530, %dma_start3A_1537] : memref<324x32xi32, #tpu.memory_space<vmem>> -> memref<1x32xi32, #tpu.memory_space<vmem>>
      %dma_start3A_1539 = tpu.memref_squeeze %dma_start3A_1538 : memref<1x32xi32, #tpu.memory_space<vmem>> -> memref<32xi32, #tpu.memory_space<vmem>>
      %dma_start3A_1540 = arith.constant 0 : i32
      %dma_start3A_1541 = arith.constant 0 : i32
      %dma_start3A_1542 = tpu.memref_slice %arg16[%dma_start3A_1540, %dma_start3A_1541] : memref<10240x64xf32, #tpu.memory_space<vmem_shared>> -> memref<10240x64xf32, #tpu.memory_space<vmem_shared>>
      %dma_start3A_1543 = tpu.memref_slice %arg18[%dma_start3A_1532] : memref<4x!tpu.dma_semaphore, #tpu.memory_space<semaphore_mem>> -> memref<1x!tpu.dma_semaphore, #tpu.memory_space<semaphore_mem>>
      %dma_start3A_1544 = tpu.memref_squeeze %dma_start3A_1543 : memref<1x!tpu.dma_semaphore, #tpu.memory_space<semaphore_mem>> -> memref<!tpu.dma_semaphore, #tpu.memory_space<semaphore_mem>>
      tpu.enqueue_indirect_dma source(%dma_start3A_1542 : memref<10240x64xf32, #tpu.memory_space<vmem_shared>>) target(%dma_start3A_1536 : memref<32x64xf32, #tpu.memory_space<vmem>>) offsets(%dma_start3A_1539 : memref<32xi32, #tpu.memory_space<vmem>>) semaphore(%dma_start3A_1544 : memref<!tpu.dma_semaphore, #tpu.memory_space<semaphore_mem>>)
    }
    %scan3A_288 = arith.constant 79 : i32
    %dma_wait3A_289 = arith.constant 2 : i32
    %dma_wait3A_290 = arith.constant 0 : i32
    %dma_wait3A_291 = arith.constant 2 : i32
    %dma_wait3A_292 = arith.constant 0 : i32
    %dma_wait3A_293 = arith.constant 0 : i32
    %dma_wait3A_294 = tpu.memref_slice %arg11[%dma_wait3A_289, %dma_wait3A_292, %dma_wait3A_293] : memref<4x32x64xf32, #tpu.memory_space<vmem>> -> memref<1x32x64xf32, #tpu.memory_space<vmem>>
    %dma_wait3A_295 = tpu.memref_squeeze %dma_wait3A_294 : memref<1x32x64xf32, #tpu.memory_space<vmem>> -> memref<32x64xf32, #tpu.memory_space<vmem>>
    %dma_wait3A_296 = arith.constant 0 : i32
    %dma_wait3A_297 = tpu.memref_slice %arg10[%dma_wait3A_290, %dma_wait3A_296] : memref<320x32xi32, #tpu.memory_space<vmem>> -> memref<1x32xi32, #tpu.memory_space<vmem>>
    %dma_wait3A_298 = tpu.memref_squeeze %dma_wait3A_297 : memref<1x32xi32, #tpu.memory_space<vmem>> -> memref<32xi32, #tpu.memory_space<vmem>>
    %dma_wait3A_299 = arith.constant 0 : i32
    %dma_wait3A_300 = arith.constant 0 : i32
    %dma_wait3A_301 = tpu.memref_slice %arg15[%dma_wait3A_299, %dma_wait3A_300] : memref<10240x64xf32, #tpu.memory_space<vmem_shared>> -> memref<10240x64xf32, #tpu.memory_space<vmem_shared>>
    %dma_wait3A_302 = tpu.memref_slice %arg19[%dma_wait3A_291] : memref<4x!tpu.dma_semaphore, #tpu.memory_space<semaphore_mem>> -> memref<1x!tpu.dma_semaphore, #tpu.memory_space<semaphore_mem>>
    %dma_wait3A_303 = tpu.memref_squeeze %dma_wait3A_302 : memref<1x!tpu.dma_semaphore, #tpu.memory_space<semaphore_mem>> -> memref<!tpu.dma_semaphore, #tpu.memory_space<semaphore_mem>>
    tpu.wait_indirect_dma semaphore(%dma_wait3A_303 : memref<!tpu.dma_semaphore, #tpu.memory_space<semaphore_mem>>) src(%dma_wait3A_295 : memref<32x64xf32, #tpu.memory_space<vmem>>) dst(%dma_wait3A_301 : memref<10240x64xf32, #tpu.memory_space<vmem_shared>>)
    %dma_wait3A_304 = arith.constant 3 : i32
    %dma_wait3A_305 = arith.constant 0 : i32
    %dma_wait3A_306 = arith.constant 3 : i32
    %dma_wait3A_307 = arith.constant 0 : i32
    %dma_wait3A_308 = arith.constant 0 : i32
    %dma_wait3A_309 = tpu.memref_slice %arg11[%dma_wait3A_304, %dma_wait3A_307, %dma_wait3A_308] : memref<4x32x64xf32, #tpu.memory_space<vmem>> -> memref<1x32x64xf32, #tpu.memory_space<vmem>>
    %dma_wait3A_310 = tpu.memref_squeeze %dma_wait3A_309 : memref<1x32x64xf32, #tpu.memory_space<vmem>> -> memref<32x64xf32, #tpu.memory_space<vmem>>
    %dma_wait3A_311 = arith.constant 0 : i32
    %dma_wait3A_312 = tpu.memref_slice %arg10[%dma_wait3A_305, %dma_wait3A_311] : memref<320x32xi32, #tpu.memory_space<vmem>> -> memref<1x32xi32, #tpu.memory_space<vmem>>
    %dma_wait3A_313 = tpu.memref_squeeze %dma_wait3A_312 : memref<1x32xi32, #tpu.memory_space<vmem>> -> memref<32xi32, #tpu.memory_space<vmem>>
    %dma_wait3A_314 = arith.constant 0 : i32
    %dma_wait3A_315 = arith.constant 0 : i32
    %dma_wait3A_316 = tpu.memref_slice %arg15[%dma_wait3A_314, %dma_wait3A_315] : memref<10240x64xf32, #tpu.memory_space<vmem_shared>> -> memref<10240x64xf32, #tpu.memory_space<vmem_shared>>
    %dma_wait3A_317 = tpu.memref_slice %arg19[%dma_wait3A_306] : memref<4x!tpu.dma_semaphore, #tpu.memory_space<semaphore_mem>> -> memref<1x!tpu.dma_semaphore, #tpu.memory_space<semaphore_mem>>
    %dma_wait3A_318 = tpu.memref_squeeze %dma_wait3A_317 : memref<1x!tpu.dma_semaphore, #tpu.memory_space<semaphore_mem>> -> memref<!tpu.dma_semaphore, #tpu.memory_space<semaphore_mem>>
    tpu.wait_indirect_dma semaphore(%dma_wait3A_318 : memref<!tpu.dma_semaphore, #tpu.memory_space<semaphore_mem>>) src(%dma_wait3A_310 : memref<32x64xf32, #tpu.memory_space<vmem>>) dst(%dma_wait3A_316 : memref<10240x64xf32, #tpu.memory_space<vmem_shared>>)
    %dma_wait3A_319 = arith.constant 0 : i32
    %dma_wait3A_320 = arith.constant 0 : i32
    %dma_wait3A_321 = arith.constant 0 : i32
    %dma_wait3A_322 = arith.constant 0 : i32
    %dma_wait3A_323 = arith.constant 0 : i32
    %dma_wait3A_324 = tpu.memref_slice %arg11[%dma_wait3A_320, %dma_wait3A_322, %dma_wait3A_323] : memref<4x32x64xf32, #tpu.memory_space<vmem>> -> memref<1x32x64xf32, #tpu.memory_space<vmem>>
    %dma_wait3A_325 = tpu.memref_squeeze %dma_wait3A_324 : memref<1x32x64xf32, #tpu.memory_space<vmem>> -> memref<32x64xf32, #tpu.memory_space<vmem>>
    %dma_wait3A_326 = arith.constant 0 : i32
    %dma_wait3A_327 = tpu.memref_slice %arg9[%dma_wait3A_319, %dma_wait3A_326] : memref<324x32xi32, #tpu.memory_space<vmem>> -> memref<1x32xi32, #tpu.memory_space<vmem>>
    %dma_wait3A_328 = tpu.memref_squeeze %dma_wait3A_327 : memref<1x32xi32, #tpu.memory_space<vmem>> -> memref<32xi32, #tpu.memory_space<vmem>>
    %dma_wait3A_329 = arith.constant 0 : i32
    %dma_wait3A_330 = arith.constant 0 : i32
    %dma_wait3A_331 = tpu.memref_slice %arg16[%dma_wait3A_329, %dma_wait3A_330] : memref<10240x64xf32, #tpu.memory_space<vmem_shared>> -> memref<10240x64xf32, #tpu.memory_space<vmem_shared>>
    %dma_wait3A_332 = tpu.memref_slice %arg18[%dma_wait3A_321] : memref<4x!tpu.dma_semaphore, #tpu.memory_space<semaphore_mem>> -> memref<1x!tpu.dma_semaphore, #tpu.memory_space<semaphore_mem>>
    %dma_wait3A_333 = tpu.memref_squeeze %dma_wait3A_332 : memref<1x!tpu.dma_semaphore, #tpu.memory_space<semaphore_mem>> -> memref<!tpu.dma_semaphore, #tpu.memory_space<semaphore_mem>>
    tpu.wait_indirect_dma semaphore(%dma_wait3A_333 : memref<!tpu.dma_semaphore, #tpu.memory_space<semaphore_mem>>) src(%dma_wait3A_331 : memref<10240x64xf32, #tpu.memory_space<vmem_shared>>) dst(%dma_wait3A_325 : memref<32x64xf32, #tpu.memory_space<vmem>>)
    %dma_wait3A_334 = arith.constant 0 : i32
    %dma_wait3A_335 = arith.constant 1 : i32
    %dma_wait3A_336 = arith.constant 1 : i32
    %dma_wait3A_337 = arith.constant 0 : i32
    %dma_wait3A_338 = arith.constant 0 : i32
    %dma_wait3A_339 = tpu.memref_slice %arg11[%dma_wait3A_335, %dma_wait3A_337, %dma_wait3A_338] : memref<4x32x64xf32, #tpu.memory_space<vmem>> -> memref<1x32x64xf32, #tpu.memory_space<vmem>>
    %dma_wait3A_340 = tpu.memref_squeeze %dma_wait3A_339 : memref<1x32x64xf32, #tpu.memory_space<vmem>> -> memref<32x64xf32, #tpu.memory_space<vmem>>
    %dma_wait3A_341 = arith.constant 0 : i32
    %dma_wait3A_342 = tpu.memref_slice %arg9[%dma_wait3A_334, %dma_wait3A_341] : memref<324x32xi32, #tpu.memory_space<vmem>> -> memref<1x32xi32, #tpu.memory_space<vmem>>
    %dma_wait3A_343 = tpu.memref_squeeze %dma_wait3A_342 : memref<1x32xi32, #tpu.memory_space<vmem>> -> memref<32xi32, #tpu.memory_space<vmem>>
    %dma_wait3A_344 = arith.constant 0 : i32
    %dma_wait3A_345 = arith.constant 0 : i32
    %dma_wait3A_346 = tpu.memref_slice %arg16[%dma_wait3A_344, %dma_wait3A_345] : memref<10240x64xf32, #tpu.memory_space<vmem_shared>> -> memref<10240x64xf32, #tpu.memory_space<vmem_shared>>
    %dma_wait3A_347 = tpu.memref_slice %arg18[%dma_wait3A_336] : memref<4x!tpu.dma_semaphore, #tpu.memory_space<semaphore_mem>> -> memref<1x!tpu.dma_semaphore, #tpu.memory_space<semaphore_mem>>
    %dma_wait3A_348 = tpu.memref_squeeze %dma_wait3A_347 : memref<1x!tpu.dma_semaphore, #tpu.memory_space<semaphore_mem>> -> memref<!tpu.dma_semaphore, #tpu.memory_space<semaphore_mem>>
    tpu.wait_indirect_dma semaphore(%dma_wait3A_348 : memref<!tpu.dma_semaphore, #tpu.memory_space<semaphore_mem>>) src(%dma_wait3A_346 : memref<10240x64xf32, #tpu.memory_space<vmem_shared>>) dst(%dma_wait3A_340 : memref<32x64xf32, #tpu.memory_space<vmem>>)
    "tpu.region"() ({
      %run_scoped3A = tpu.sem_alloc : memref<!tpu.dma_semaphore, #tpu.memory_space<semaphore_mem>>
      %dma_start3A_1281 = arith.constant 320 : i32
      %dma_start3A_1282 = arith.constant 0 : i32
      %dma_start3A_1283 = tpu.memref_slice %arg3[%arg1, %dma_start3A_1281, %dma_start3A_1282] : memref<16x644x32xi32, #tpu.memory_space<hbm>> -> memref<1x324x32xi32, #tpu.memory_space<hbm>>
      %dma_start3A_1284 = tpu.memref_squeeze %dma_start3A_1283 : memref<1x324x32xi32, #tpu.memory_space<hbm>> -> memref<324x32xi32, #tpu.memory_space<hbm>>
      %dma_start3A_1285 = arith.constant 320 : i32
      %dma_start3A_1286 = arith.constant 0 : i32
      %dma_start3A_1287 = tpu.memref_slice %arg3[%arg1, %dma_start3A_1285, %dma_start3A_1286] : memref<16x644x32xi32, #tpu.memory_space<hbm>> -> memref<1x324x32xi32, #tpu.memory_space<hbm>>
      %dma_start3A_1288 = tpu.memref_squeeze %dma_start3A_1287 : memref<1x324x32xi32, #tpu.memory_space<hbm>> -> memref<324x32xi32, #tpu.memory_space<hbm>>
      tpu.enqueue_dma source(%dma_start3A_1288 : memref<324x32xi32, #tpu.memory_space<hbm>>) target(%arg9 : memref<324x32xi32, #tpu.memory_space<vmem>>) target_semaphore(%run_scoped3A : memref<!tpu.dma_semaphore, #tpu.memory_space<semaphore_mem>>)
      %dma_wait3A_1289 = arith.constant 320 : i32
      %dma_wait3A_1290 = arith.constant 0 : i32
      %dma_wait3A_1291 = tpu.memref_slice %arg3[%arg1, %dma_wait3A_1289, %dma_wait3A_1290] : memref<16x644x32xi32, #tpu.memory_space<hbm>> -> memref<1x324x32xi32, #tpu.memory_space<hbm>>
      %dma_wait3A_1292 = tpu.memref_squeeze %dma_wait3A_1291 : memref<1x324x32xi32, #tpu.memory_space<hbm>> -> memref<324x32xi32, #tpu.memory_space<hbm>>
      %dma_wait3A_1293 = arith.constant 320 : i32
      %dma_wait3A_1294 = arith.constant 0 : i32
      %dma_wait3A_1295 = tpu.memref_slice %arg3[%arg1, %dma_wait3A_1293, %dma_wait3A_1294] : memref<16x644x32xi32, #tpu.memory_space<hbm>> -> memref<1x324x32xi32, #tpu.memory_space<hbm>>
      %dma_wait3A_1296 = tpu.memref_squeeze %dma_wait3A_1295 : memref<1x324x32xi32, #tpu.memory_space<hbm>> -> memref<324x32xi32, #tpu.memory_space<hbm>>
      tpu.wait_dma2 semaphore(%run_scoped3A : memref<!tpu.dma_semaphore, #tpu.memory_space<semaphore_mem>>) src(%dma_wait3A_1296 : memref<324x32xi32, #tpu.memory_space<hbm>>) dst(%arg9 : memref<324x32xi32, #tpu.memory_space<vmem>>)
      tpu.yield
    }) : () -> ()
    "tpu.region"() ({
      %run_scoped3A = tpu.sem_alloc : memref<!tpu.dma_semaphore, #tpu.memory_space<semaphore_mem>>
      %dma_start3A_1281 = arith.constant 320 : i32
      %dma_start3A_1282 = arith.constant 0 : i32
      %dma_start3A_1283 = tpu.memref_slice %arg4[%arg1, %dma_start3A_1281, %dma_start3A_1282] : memref<16x640x32xi32, #tpu.memory_space<hbm>> -> memref<1x320x32xi32, #tpu.memory_space<hbm>>
      %dma_start3A_1284 = tpu.memref_squeeze %dma_start3A_1283 : memref<1x320x32xi32, #tpu.memory_space<hbm>> -> memref<320x32xi32, #tpu.memory_space<hbm>>
      %dma_start3A_1285 = arith.constant 320 : i32
      %dma_start3A_1286 = arith.constant 0 : i32
      %dma_start3A_1287 = tpu.memref_slice %arg4[%arg1, %dma_start3A_1285, %dma_start3A_1286] : memref<16x640x32xi32, #tpu.memory_space<hbm>> -> memref<1x320x32xi32, #tpu.memory_space<hbm>>
      %dma_start3A_1288 = tpu.memref_squeeze %dma_start3A_1287 : memref<1x320x32xi32, #tpu.memory_space<hbm>> -> memref<320x32xi32, #tpu.memory_space<hbm>>
      tpu.enqueue_dma source(%dma_start3A_1288 : memref<320x32xi32, #tpu.memory_space<hbm>>) target(%arg10 : memref<320x32xi32, #tpu.memory_space<vmem>>) target_semaphore(%run_scoped3A : memref<!tpu.dma_semaphore, #tpu.memory_space<semaphore_mem>>)
      %dma_wait3A_1289 = arith.constant 320 : i32
      %dma_wait3A_1290 = arith.constant 0 : i32
      %dma_wait3A_1291 = tpu.memref_slice %arg4[%arg1, %dma_wait3A_1289, %dma_wait3A_1290] : memref<16x640x32xi32, #tpu.memory_space<hbm>> -> memref<1x320x32xi32, #tpu.memory_space<hbm>>
      %dma_wait3A_1292 = tpu.memref_squeeze %dma_wait3A_1291 : memref<1x320x32xi32, #tpu.memory_space<hbm>> -> memref<320x32xi32, #tpu.memory_space<hbm>>
      %dma_wait3A_1293 = arith.constant 320 : i32
      %dma_wait3A_1294 = arith.constant 0 : i32
      %dma_wait3A_1295 = tpu.memref_slice %arg4[%arg1, %dma_wait3A_1293, %dma_wait3A_1294] : memref<16x640x32xi32, #tpu.memory_space<hbm>> -> memref<1x320x32xi32, #tpu.memory_space<hbm>>
      %dma_wait3A_1296 = tpu.memref_squeeze %dma_wait3A_1295 : memref<1x320x32xi32, #tpu.memory_space<hbm>> -> memref<320x32xi32, #tpu.memory_space<hbm>>
      tpu.wait_dma2 semaphore(%run_scoped3A : memref<!tpu.dma_semaphore, #tpu.memory_space<semaphore_mem>>) src(%dma_wait3A_1296 : memref<320x32xi32, #tpu.memory_space<hbm>>) dst(%arg10 : memref<320x32xi32, #tpu.memory_space<vmem>>)
      tpu.yield
    }) : () -> ()
    %dma_start3A_349 = arith.constant 0 : i32
    %dma_start3A_350 = arith.constant 0 : i32
    %dma_start3A_351 = arith.constant 0 : i32
    %dma_start3A_352 = arith.constant 0 : i32
    %dma_start3A_353 = arith.constant 0 : i32
    %dma_start3A_354 = tpu.memref_slice %arg11[%dma_start3A_350, %dma_start3A_352, %dma_start3A_353] : memref<4x32x64xf32, #tpu.memory_space<vmem>> -> memref<1x32x64xf32, #tpu.memory_space<vmem>>
    %dma_start3A_355 = tpu.memref_squeeze %dma_start3A_354 : memref<1x32x64xf32, #tpu.memory_space<vmem>> -> memref<32x64xf32, #tpu.memory_space<vmem>>
    %dma_start3A_356 = arith.constant 0 : i32
    %dma_start3A_357 = tpu.memref_slice %arg9[%dma_start3A_349, %dma_start3A_356] : memref<324x32xi32, #tpu.memory_space<vmem>> -> memref<1x32xi32, #tpu.memory_space<vmem>>
    %dma_start3A_358 = tpu.memref_squeeze %dma_start3A_357 : memref<1x32xi32, #tpu.memory_space<vmem>> -> memref<32xi32, #tpu.memory_space<vmem>>
    %dma_start3A_359 = arith.constant 0 : i32
    %dma_start3A_360 = arith.constant 0 : i32
    %dma_start3A_361 = tpu.memref_slice %arg16[%dma_start3A_359, %dma_start3A_360] : memref<10240x64xf32, #tpu.memory_space<vmem_shared>> -> memref<10240x64xf32, #tpu.memory_space<vmem_shared>>
    %dma_start3A_362 = tpu.memref_slice %arg18[%dma_start3A_351] : memref<4x!tpu.dma_semaphore, #tpu.memory_space<semaphore_mem>> -> memref<1x!tpu.dma_semaphore, #tpu.memory_space<semaphore_mem>>
    %dma_start3A_363 = tpu.memref_squeeze %dma_start3A_362 : memref<1x!tpu.dma_semaphore, #tpu.memory_space<semaphore_mem>> -> memref<!tpu.dma_semaphore, #tpu.memory_space<semaphore_mem>>
    tpu.enqueue_indirect_dma source(%dma_start3A_361 : memref<10240x64xf32, #tpu.memory_space<vmem_shared>>) target(%dma_start3A_355 : memref<32x64xf32, #tpu.memory_space<vmem>>) offsets(%dma_start3A_358 : memref<32xi32, #tpu.memory_space<vmem>>) semaphore(%dma_start3A_363 : memref<!tpu.dma_semaphore, #tpu.memory_space<semaphore_mem>>)
    %dma_start3A_364 = arith.constant 1 : i32
    %dma_start3A_365 = arith.constant 1 : i32
    %dma_start3A_366 = arith.constant 1 : i32
    %dma_start3A_367 = arith.constant 0 : i32
    %dma_start3A_368 = arith.constant 0 : i32
    %dma_start3A_369 = tpu.memref_slice %arg11[%dma_start3A_365, %dma_start3A_367, %dma_start3A_368] : memref<4x32x64xf32, #tpu.memory_space<vmem>> -> memref<1x32x64xf32, #tpu.memory_space<vmem>>
    %dma_start3A_370 = tpu.memref_squeeze %dma_start3A_369 : memref<1x32x64xf32, #tpu.memory_space<vmem>> -> memref<32x64xf32, #tpu.memory_space<vmem>>
    %dma_start3A_371 = arith.constant 0 : i32
    %dma_start3A_372 = tpu.memref_slice %arg9[%dma_start3A_364, %dma_start3A_371] : memref<324x32xi32, #tpu.memory_space<vmem>> -> memref<1x32xi32, #tpu.memory_space<vmem>>
    %dma_start3A_373 = tpu.memref_squeeze %dma_start3A_372 : memref<1x32xi32, #tpu.memory_space<vmem>> -> memref<32xi32, #tpu.memory_space<vmem>>
    %dma_start3A_374 = arith.constant 0 : i32
    %dma_start3A_375 = arith.constant 0 : i32
    %dma_start3A_376 = tpu.memref_slice %arg16[%dma_start3A_374, %dma_start3A_375] : memref<10240x64xf32, #tpu.memory_space<vmem_shared>> -> memref<10240x64xf32, #tpu.memory_space<vmem_shared>>
    %dma_start3A_377 = tpu.memref_slice %arg18[%dma_start3A_366] : memref<4x!tpu.dma_semaphore, #tpu.memory_space<semaphore_mem>> -> memref<1x!tpu.dma_semaphore, #tpu.memory_space<semaphore_mem>>
    %dma_start3A_378 = tpu.memref_squeeze %dma_start3A_377 : memref<1x!tpu.dma_semaphore, #tpu.memory_space<semaphore_mem>> -> memref<!tpu.dma_semaphore, #tpu.memory_space<semaphore_mem>>
    tpu.enqueue_indirect_dma source(%dma_start3A_376 : memref<10240x64xf32, #tpu.memory_space<vmem_shared>>) target(%dma_start3A_370 : memref<32x64xf32, #tpu.memory_space<vmem>>) offsets(%dma_start3A_373 : memref<32xi32, #tpu.memory_space<vmem>>) semaphore(%dma_start3A_378 : memref<!tpu.dma_semaphore, #tpu.memory_space<semaphore_mem>>)
    %dma_wait3A_379 = arith.constant 0 : i32
    %dma_wait3A_380 = arith.constant 0 : i32
    %dma_wait3A_381 = arith.constant 0 : i32
    %dma_wait3A_382 = arith.constant 0 : i32
    %dma_wait3A_383 = arith.constant 0 : i32
    %dma_wait3A_384 = tpu.memref_slice %arg11[%dma_wait3A_380, %dma_wait3A_382, %dma_wait3A_383] : memref<4x32x64xf32, #tpu.memory_space<vmem>> -> memref<1x32x64xf32, #tpu.memory_space<vmem>>
    %dma_wait3A_385 = tpu.memref_squeeze %dma_wait3A_384 : memref<1x32x64xf32, #tpu.memory_space<vmem>> -> memref<32x64xf32, #tpu.memory_space<vmem>>
    %dma_wait3A_386 = arith.constant 0 : i32
    %dma_wait3A_387 = tpu.memref_slice %arg9[%dma_wait3A_379, %dma_wait3A_386] : memref<324x32xi32, #tpu.memory_space<vmem>> -> memref<1x32xi32, #tpu.memory_space<vmem>>
    %dma_wait3A_388 = tpu.memref_squeeze %dma_wait3A_387 : memref<1x32xi32, #tpu.memory_space<vmem>> -> memref<32xi32, #tpu.memory_space<vmem>>
    %dma_wait3A_389 = arith.constant 0 : i32
    %dma_wait3A_390 = arith.constant 0 : i32
    %dma_wait3A_391 = tpu.memref_slice %arg16[%dma_wait3A_389, %dma_wait3A_390] : memref<10240x64xf32, #tpu.memory_space<vmem_shared>> -> memref<10240x64xf32, #tpu.memory_space<vmem_shared>>
    %dma_wait3A_392 = tpu.memref_slice %arg18[%dma_wait3A_381] : memref<4x!tpu.dma_semaphore, #tpu.memory_space<semaphore_mem>> -> memref<1x!tpu.dma_semaphore, #tpu.memory_space<semaphore_mem>>
    %dma_wait3A_393 = tpu.memref_squeeze %dma_wait3A_392 : memref<1x!tpu.dma_semaphore, #tpu.memory_space<semaphore_mem>> -> memref<!tpu.dma_semaphore, #tpu.memory_space<semaphore_mem>>
    tpu.wait_indirect_dma semaphore(%dma_wait3A_393 : memref<!tpu.dma_semaphore, #tpu.memory_space<semaphore_mem>>) src(%dma_wait3A_391 : memref<10240x64xf32, #tpu.memory_space<vmem_shared>>) dst(%dma_wait3A_385 : memref<32x64xf32, #tpu.memory_space<vmem>>)
    %dma_start3A_394 = arith.constant 0 : i32
    %dma_start3A_395 = arith.constant 0 : i32
    %dma_start3A_396 = arith.constant 0 : i32
    %dma_start3A_397 = arith.constant 0 : i32
    %dma_start3A_398 = arith.constant 0 : i32
    %dma_start3A_399 = tpu.memref_slice %arg11[%dma_start3A_394, %dma_start3A_397, %dma_start3A_398] : memref<4x32x64xf32, #tpu.memory_space<vmem>> -> memref<1x32x64xf32, #tpu.memory_space<vmem>>
    %dma_start3A_400 = tpu.memref_squeeze %dma_start3A_399 : memref<1x32x64xf32, #tpu.memory_space<vmem>> -> memref<32x64xf32, #tpu.memory_space<vmem>>
    %dma_start3A_401 = arith.constant 0 : i32
    %dma_start3A_402 = tpu.memref_slice %arg10[%dma_start3A_395, %dma_start3A_401] : memref<320x32xi32, #tpu.memory_space<vmem>> -> memref<1x32xi32, #tpu.memory_space<vmem>>
    %dma_start3A_403 = tpu.memref_squeeze %dma_start3A_402 : memref<1x32xi32, #tpu.memory_space<vmem>> -> memref<32xi32, #tpu.memory_space<vmem>>
    %dma_start3A_404 = arith.constant 0 : i32
    %dma_start3A_405 = arith.constant 0 : i32
    %dma_start3A_406 = tpu.memref_slice %arg15[%dma_start3A_404, %dma_start3A_405] : memref<10240x64xf32, #tpu.memory_space<vmem_shared>> -> memref<10240x64xf32, #tpu.memory_space<vmem_shared>>
    %dma_start3A_407 = tpu.memref_slice %arg19[%dma_start3A_396] : memref<4x!tpu.dma_semaphore, #tpu.memory_space<semaphore_mem>> -> memref<1x!tpu.dma_semaphore, #tpu.memory_space<semaphore_mem>>
    %dma_start3A_408 = tpu.memref_squeeze %dma_start3A_407 : memref<1x!tpu.dma_semaphore, #tpu.memory_space<semaphore_mem>> -> memref<!tpu.dma_semaphore, #tpu.memory_space<semaphore_mem>>
    tpu.enqueue_indirect_dma source(%dma_start3A_400 : memref<32x64xf32, #tpu.memory_space<vmem>>) target(%dma_start3A_406 : memref<10240x64xf32, #tpu.memory_space<vmem_shared>>) offsets(%dma_start3A_403 : memref<32xi32, #tpu.memory_space<vmem>>) semaphore(%dma_start3A_408 : memref<!tpu.dma_semaphore, #tpu.memory_space<semaphore_mem>>) {add = true}
    %dma_start3A_409 = arith.constant 2 : i32
    %dma_start3A_410 = arith.constant 2 : i32
    %dma_start3A_411 = arith.constant 2 : i32
    %dma_start3A_412 = arith.constant 0 : i32
    %dma_start3A_413 = arith.constant 0 : i32
    %dma_start3A_414 = tpu.memref_slice %arg11[%dma_start3A_410, %dma_start3A_412, %dma_start3A_413] : memref<4x32x64xf32, #tpu.memory_space<vmem>> -> memref<1x32x64xf32, #tpu.memory_space<vmem>>
    %dma_start3A_415 = tpu.memref_squeeze %dma_start3A_414 : memref<1x32x64xf32, #tpu.memory_space<vmem>> -> memref<32x64xf32, #tpu.memory_space<vmem>>
    %dma_start3A_416 = arith.constant 0 : i32
    %dma_start3A_417 = tpu.memref_slice %arg9[%dma_start3A_409, %dma_start3A_416] : memref<324x32xi32, #tpu.memory_space<vmem>> -> memref<1x32xi32, #tpu.memory_space<vmem>>
    %dma_start3A_418 = tpu.memref_squeeze %dma_start3A_417 : memref<1x32xi32, #tpu.memory_space<vmem>> -> memref<32xi32, #tpu.memory_space<vmem>>
    %dma_start3A_419 = arith.constant 0 : i32
    %dma_start3A_420 = arith.constant 0 : i32
    %dma_start3A_421 = tpu.memref_slice %arg16[%dma_start3A_419, %dma_start3A_420] : memref<10240x64xf32, #tpu.memory_space<vmem_shared>> -> memref<10240x64xf32, #tpu.memory_space<vmem_shared>>
    %dma_start3A_422 = tpu.memref_slice %arg18[%dma_start3A_411] : memref<4x!tpu.dma_semaphore, #tpu.memory_space<semaphore_mem>> -> memref<1x!tpu.dma_semaphore, #tpu.memory_space<semaphore_mem>>
    %dma_start3A_423 = tpu.memref_squeeze %dma_start3A_422 : memref<1x!tpu.dma_semaphore, #tpu.memory_space<semaphore_mem>> -> memref<!tpu.dma_semaphore, #tpu.memory_space<semaphore_mem>>
    tpu.enqueue_indirect_dma source(%dma_start3A_421 : memref<10240x64xf32, #tpu.memory_space<vmem_shared>>) target(%dma_start3A_415 : memref<32x64xf32, #tpu.memory_space<vmem>>) offsets(%dma_start3A_418 : memref<32xi32, #tpu.memory_space<vmem>>) semaphore(%dma_start3A_423 : memref<!tpu.dma_semaphore, #tpu.memory_space<semaphore_mem>>)
    %dma_wait3A_424 = arith.constant 0 : i32
    %dma_wait3A_425 = arith.constant 1 : i32
    %dma_wait3A_426 = arith.constant 1 : i32
    %dma_wait3A_427 = arith.constant 0 : i32
    %dma_wait3A_428 = arith.constant 0 : i32
    %dma_wait3A_429 = tpu.memref_slice %arg11[%dma_wait3A_425, %dma_wait3A_427, %dma_wait3A_428] : memref<4x32x64xf32, #tpu.memory_space<vmem>> -> memref<1x32x64xf32, #tpu.memory_space<vmem>>
    %dma_wait3A_430 = tpu.memref_squeeze %dma_wait3A_429 : memref<1x32x64xf32, #tpu.memory_space<vmem>> -> memref<32x64xf32, #tpu.memory_space<vmem>>
    %dma_wait3A_431 = arith.constant 0 : i32
    %dma_wait3A_432 = tpu.memref_slice %arg9[%dma_wait3A_424, %dma_wait3A_431] : memref<324x32xi32, #tpu.memory_space<vmem>> -> memref<1x32xi32, #tpu.memory_space<vmem>>
    %dma_wait3A_433 = tpu.memref_squeeze %dma_wait3A_432 : memref<1x32xi32, #tpu.memory_space<vmem>> -> memref<32xi32, #tpu.memory_space<vmem>>
    %dma_wait3A_434 = arith.constant 0 : i32
    %dma_wait3A_435 = arith.constant 0 : i32
    %dma_wait3A_436 = tpu.memref_slice %arg16[%dma_wait3A_434, %dma_wait3A_435] : memref<10240x64xf32, #tpu.memory_space<vmem_shared>> -> memref<10240x64xf32, #tpu.memory_space<vmem_shared>>
    %dma_wait3A_437 = tpu.memref_slice %arg18[%dma_wait3A_426] : memref<4x!tpu.dma_semaphore, #tpu.memory_space<semaphore_mem>> -> memref<1x!tpu.dma_semaphore, #tpu.memory_space<semaphore_mem>>
    %dma_wait3A_438 = tpu.memref_squeeze %dma_wait3A_437 : memref<1x!tpu.dma_semaphore, #tpu.memory_space<semaphore_mem>> -> memref<!tpu.dma_semaphore, #tpu.memory_space<semaphore_mem>>
    tpu.wait_indirect_dma semaphore(%dma_wait3A_438 : memref<!tpu.dma_semaphore, #tpu.memory_space<semaphore_mem>>) src(%dma_wait3A_436 : memref<10240x64xf32, #tpu.memory_space<vmem_shared>>) dst(%dma_wait3A_430 : memref<32x64xf32, #tpu.memory_space<vmem>>)
    %dma_start3A_439 = arith.constant 1 : i32
    %dma_start3A_440 = arith.constant 1 : i32
    %dma_start3A_441 = arith.constant 1 : i32
    %dma_start3A_442 = arith.constant 0 : i32
    %dma_start3A_443 = arith.constant 0 : i32
    %dma_start3A_444 = tpu.memref_slice %arg11[%dma_start3A_439, %dma_start3A_442, %dma_start3A_443] : memref<4x32x64xf32, #tpu.memory_space<vmem>> -> memref<1x32x64xf32, #tpu.memory_space<vmem>>
    %dma_start3A_445 = tpu.memref_squeeze %dma_start3A_444 : memref<1x32x64xf32, #tpu.memory_space<vmem>> -> memref<32x64xf32, #tpu.memory_space<vmem>>
    %dma_start3A_446 = arith.constant 0 : i32
    %dma_start3A_447 = tpu.memref_slice %arg10[%dma_start3A_440, %dma_start3A_446] : memref<320x32xi32, #tpu.memory_space<vmem>> -> memref<1x32xi32, #tpu.memory_space<vmem>>
    %dma_start3A_448 = tpu.memref_squeeze %dma_start3A_447 : memref<1x32xi32, #tpu.memory_space<vmem>> -> memref<32xi32, #tpu.memory_space<vmem>>
    %dma_start3A_449 = arith.constant 0 : i32
    %dma_start3A_450 = arith.constant 0 : i32
    %dma_start3A_451 = tpu.memref_slice %arg15[%dma_start3A_449, %dma_start3A_450] : memref<10240x64xf32, #tpu.memory_space<vmem_shared>> -> memref<10240x64xf32, #tpu.memory_space<vmem_shared>>
    %dma_start3A_452 = tpu.memref_slice %arg19[%dma_start3A_441] : memref<4x!tpu.dma_semaphore, #tpu.memory_space<semaphore_mem>> -> memref<1x!tpu.dma_semaphore, #tpu.memory_space<semaphore_mem>>
    %dma_start3A_453 = tpu.memref_squeeze %dma_start3A_452 : memref<1x!tpu.dma_semaphore, #tpu.memory_space<semaphore_mem>> -> memref<!tpu.dma_semaphore, #tpu.memory_space<semaphore_mem>>
    tpu.enqueue_indirect_dma source(%dma_start3A_445 : memref<32x64xf32, #tpu.memory_space<vmem>>) target(%dma_start3A_451 : memref<10240x64xf32, #tpu.memory_space<vmem_shared>>) offsets(%dma_start3A_448 : memref<32xi32, #tpu.memory_space<vmem>>) semaphore(%dma_start3A_453 : memref<!tpu.dma_semaphore, #tpu.memory_space<semaphore_mem>>) {add = true}
    %dma_start3A_454 = arith.constant 3 : i32
    %dma_start3A_455 = arith.constant 3 : i32
    %dma_start3A_456 = arith.constant 3 : i32
    %dma_start3A_457 = arith.constant 0 : i32
    %dma_start3A_458 = arith.constant 0 : i32
    %dma_start3A_459 = tpu.memref_slice %arg11[%dma_start3A_455, %dma_start3A_457, %dma_start3A_458] : memref<4x32x64xf32, #tpu.memory_space<vmem>> -> memref<1x32x64xf32, #tpu.memory_space<vmem>>
    %dma_start3A_460 = tpu.memref_squeeze %dma_start3A_459 : memref<1x32x64xf32, #tpu.memory_space<vmem>> -> memref<32x64xf32, #tpu.memory_space<vmem>>
    %dma_start3A_461 = arith.constant 0 : i32
    %dma_start3A_462 = tpu.memref_slice %arg9[%dma_start3A_454, %dma_start3A_461] : memref<324x32xi32, #tpu.memory_space<vmem>> -> memref<1x32xi32, #tpu.memory_space<vmem>>
    %dma_start3A_463 = tpu.memref_squeeze %dma_start3A_462 : memref<1x32xi32, #tpu.memory_space<vmem>> -> memref<32xi32, #tpu.memory_space<vmem>>
    %dma_start3A_464 = arith.constant 0 : i32
    %dma_start3A_465 = arith.constant 0 : i32
    %dma_start3A_466 = tpu.memref_slice %arg16[%dma_start3A_464, %dma_start3A_465] : memref<10240x64xf32, #tpu.memory_space<vmem_shared>> -> memref<10240x64xf32, #tpu.memory_space<vmem_shared>>
    %dma_start3A_467 = tpu.memref_slice %arg18[%dma_start3A_456] : memref<4x!tpu.dma_semaphore, #tpu.memory_space<semaphore_mem>> -> memref<1x!tpu.dma_semaphore, #tpu.memory_space<semaphore_mem>>
    %dma_start3A_468 = tpu.memref_squeeze %dma_start3A_467 : memref<1x!tpu.dma_semaphore, #tpu.memory_space<semaphore_mem>> -> memref<!tpu.dma_semaphore, #tpu.memory_space<semaphore_mem>>
    tpu.enqueue_indirect_dma source(%dma_start3A_466 : memref<10240x64xf32, #tpu.memory_space<vmem_shared>>) target(%dma_start3A_460 : memref<32x64xf32, #tpu.memory_space<vmem>>) offsets(%dma_start3A_463 : memref<32xi32, #tpu.memory_space<vmem>>) semaphore(%dma_start3A_468 : memref<!tpu.dma_semaphore, #tpu.memory_space<semaphore_mem>>)
    %dma_wait3A_469 = arith.constant 0 : i32
    %dma_wait3A_470 = arith.constant 2 : i32
    %dma_wait3A_471 = arith.constant 2 : i32
    %dma_wait3A_472 = arith.constant 0 : i32
    %dma_wait3A_473 = arith.constant 0 : i32
    %dma_wait3A_474 = tpu.memref_slice %arg11[%dma_wait3A_470, %dma_wait3A_472, %dma_wait3A_473] : memref<4x32x64xf32, #tpu.memory_space<vmem>> -> memref<1x32x64xf32, #tpu.memory_space<vmem>>
    %dma_wait3A_475 = tpu.memref_squeeze %dma_wait3A_474 : memref<1x32x64xf32, #tpu.memory_space<vmem>> -> memref<32x64xf32, #tpu.memory_space<vmem>>
    %dma_wait3A_476 = arith.constant 0 : i32
    %dma_wait3A_477 = tpu.memref_slice %arg9[%dma_wait3A_469, %dma_wait3A_476] : memref<324x32xi32, #tpu.memory_space<vmem>> -> memref<1x32xi32, #tpu.memory_space<vmem>>
    %dma_wait3A_478 = tpu.memref_squeeze %dma_wait3A_477 : memref<1x32xi32, #tpu.memory_space<vmem>> -> memref<32xi32, #tpu.memory_space<vmem>>
    %dma_wait3A_479 = arith.constant 0 : i32
    %dma_wait3A_480 = arith.constant 0 : i32
    %dma_wait3A_481 = tpu.memref_slice %arg16[%dma_wait3A_479, %dma_wait3A_480] : memref<10240x64xf32, #tpu.memory_space<vmem_shared>> -> memref<10240x64xf32, #tpu.memory_space<vmem_shared>>
    %dma_wait3A_482 = tpu.memref_slice %arg18[%dma_wait3A_471] : memref<4x!tpu.dma_semaphore, #tpu.memory_space<semaphore_mem>> -> memref<1x!tpu.dma_semaphore, #tpu.memory_space<semaphore_mem>>
    %dma_wait3A_483 = tpu.memref_squeeze %dma_wait3A_482 : memref<1x!tpu.dma_semaphore, #tpu.memory_space<semaphore_mem>> -> memref<!tpu.dma_semaphore, #tpu.memory_space<semaphore_mem>>
    tpu.wait_indirect_dma semaphore(%dma_wait3A_483 : memref<!tpu.dma_semaphore, #tpu.memory_space<semaphore_mem>>) src(%dma_wait3A_481 : memref<10240x64xf32, #tpu.memory_space<vmem_shared>>) dst(%dma_wait3A_475 : memref<32x64xf32, #tpu.memory_space<vmem>>)
    %dma_start3A_484 = arith.constant 2 : i32
    %dma_start3A_485 = arith.constant 2 : i32
    %dma_start3A_486 = arith.constant 2 : i32
    %dma_start3A_487 = arith.constant 0 : i32
    %dma_start3A_488 = arith.constant 0 : i32
    %dma_start3A_489 = tpu.memref_slice %arg11[%dma_start3A_484, %dma_start3A_487, %dma_start3A_488] : memref<4x32x64xf32, #tpu.memory_space<vmem>> -> memref<1x32x64xf32, #tpu.memory_space<vmem>>
    %dma_start3A_490 = tpu.memref_squeeze %dma_start3A_489 : memref<1x32x64xf32, #tpu.memory_space<vmem>> -> memref<32x64xf32, #tpu.memory_space<vmem>>
    %dma_start3A_491 = arith.constant 0 : i32
    %dma_start3A_492 = tpu.memref_slice %arg10[%dma_start3A_485, %dma_start3A_491] : memref<320x32xi32, #tpu.memory_space<vmem>> -> memref<1x32xi32, #tpu.memory_space<vmem>>
    %dma_start3A_493 = tpu.memref_squeeze %dma_start3A_492 : memref<1x32xi32, #tpu.memory_space<vmem>> -> memref<32xi32, #tpu.memory_space<vmem>>
    %dma_start3A_494 = arith.constant 0 : i32
    %dma_start3A_495 = arith.constant 0 : i32
    %dma_start3A_496 = tpu.memref_slice %arg15[%dma_start3A_494, %dma_start3A_495] : memref<10240x64xf32, #tpu.memory_space<vmem_shared>> -> memref<10240x64xf32, #tpu.memory_space<vmem_shared>>
    %dma_start3A_497 = tpu.memref_slice %arg19[%dma_start3A_486] : memref<4x!tpu.dma_semaphore, #tpu.memory_space<semaphore_mem>> -> memref<1x!tpu.dma_semaphore, #tpu.memory_space<semaphore_mem>>
    %dma_start3A_498 = tpu.memref_squeeze %dma_start3A_497 : memref<1x!tpu.dma_semaphore, #tpu.memory_space<semaphore_mem>> -> memref<!tpu.dma_semaphore, #tpu.memory_space<semaphore_mem>>
    tpu.enqueue_indirect_dma source(%dma_start3A_490 : memref<32x64xf32, #tpu.memory_space<vmem>>) target(%dma_start3A_496 : memref<10240x64xf32, #tpu.memory_space<vmem_shared>>) offsets(%dma_start3A_493 : memref<32xi32, #tpu.memory_space<vmem>>) semaphore(%dma_start3A_498 : memref<!tpu.dma_semaphore, #tpu.memory_space<semaphore_mem>>) {add = true}
    %dma_wait3A_499 = arith.constant 0 : i32
    %dma_wait3A_500 = arith.constant 0 : i32
    %dma_wait3A_501 = arith.constant 0 : i32
    %dma_wait3A_502 = arith.constant 0 : i32
    %dma_wait3A_503 = arith.constant 0 : i32
    %dma_wait3A_504 = tpu.memref_slice %arg11[%dma_wait3A_499, %dma_wait3A_502, %dma_wait3A_503] : memref<4x32x64xf32, #tpu.memory_space<vmem>> -> memref<1x32x64xf32, #tpu.memory_space<vmem>>
    %dma_wait3A_505 = tpu.memref_squeeze %dma_wait3A_504 : memref<1x32x64xf32, #tpu.memory_space<vmem>> -> memref<32x64xf32, #tpu.memory_space<vmem>>
    %dma_wait3A_506 = arith.constant 0 : i32
    %dma_wait3A_507 = tpu.memref_slice %arg10[%dma_wait3A_500, %dma_wait3A_506] : memref<320x32xi32, #tpu.memory_space<vmem>> -> memref<1x32xi32, #tpu.memory_space<vmem>>
    %dma_wait3A_508 = tpu.memref_squeeze %dma_wait3A_507 : memref<1x32xi32, #tpu.memory_space<vmem>> -> memref<32xi32, #tpu.memory_space<vmem>>
    %dma_wait3A_509 = arith.constant 0 : i32
    %dma_wait3A_510 = arith.constant 0 : i32
    %dma_wait3A_511 = tpu.memref_slice %arg15[%dma_wait3A_509, %dma_wait3A_510] : memref<10240x64xf32, #tpu.memory_space<vmem_shared>> -> memref<10240x64xf32, #tpu.memory_space<vmem_shared>>
    %dma_wait3A_512 = tpu.memref_slice %arg19[%dma_wait3A_501] : memref<4x!tpu.dma_semaphore, #tpu.memory_space<semaphore_mem>> -> memref<1x!tpu.dma_semaphore, #tpu.memory_space<semaphore_mem>>
    %dma_wait3A_513 = tpu.memref_squeeze %dma_wait3A_512 : memref<1x!tpu.dma_semaphore, #tpu.memory_space<semaphore_mem>> -> memref<!tpu.dma_semaphore, #tpu.memory_space<semaphore_mem>>
    tpu.wait_indirect_dma semaphore(%dma_wait3A_513 : memref<!tpu.dma_semaphore, #tpu.memory_space<semaphore_mem>>) src(%dma_wait3A_505 : memref<32x64xf32, #tpu.memory_space<vmem>>) dst(%dma_wait3A_511 : memref<10240x64xf32, #tpu.memory_space<vmem_shared>>)
    %dma_start3A_514 = arith.constant 4 : i32
    %dma_start3A_515 = arith.constant 0 : i32
    %dma_start3A_516 = arith.constant 0 : i32
    %dma_start3A_517 = arith.constant 0 : i32
    %dma_start3A_518 = arith.constant 0 : i32
    %dma_start3A_519 = tpu.memref_slice %arg11[%dma_start3A_515, %dma_start3A_517, %dma_start3A_518] : memref<4x32x64xf32, #tpu.memory_space<vmem>> -> memref<1x32x64xf32, #tpu.memory_space<vmem>>
    %dma_start3A_520 = tpu.memref_squeeze %dma_start3A_519 : memref<1x32x64xf32, #tpu.memory_space<vmem>> -> memref<32x64xf32, #tpu.memory_space<vmem>>
    %dma_start3A_521 = arith.constant 0 : i32
    %dma_start3A_522 = tpu.memref_slice %arg9[%dma_start3A_514, %dma_start3A_521] : memref<324x32xi32, #tpu.memory_space<vmem>> -> memref<1x32xi32, #tpu.memory_space<vmem>>
    %dma_start3A_523 = tpu.memref_squeeze %dma_start3A_522 : memref<1x32xi32, #tpu.memory_space<vmem>> -> memref<32xi32, #tpu.memory_space<vmem>>
    %dma_start3A_524 = arith.constant 0 : i32
    %dma_start3A_525 = arith.constant 0 : i32
    %dma_start3A_526 = tpu.memref_slice %arg16[%dma_start3A_524, %dma_start3A_525] : memref<10240x64xf32, #tpu.memory_space<vmem_shared>> -> memref<10240x64xf32, #tpu.memory_space<vmem_shared>>
    %dma_start3A_527 = tpu.memref_slice %arg18[%dma_start3A_516] : memref<4x!tpu.dma_semaphore, #tpu.memory_space<semaphore_mem>> -> memref<1x!tpu.dma_semaphore, #tpu.memory_space<semaphore_mem>>
    %dma_start3A_528 = tpu.memref_squeeze %dma_start3A_527 : memref<1x!tpu.dma_semaphore, #tpu.memory_space<semaphore_mem>> -> memref<!tpu.dma_semaphore, #tpu.memory_space<semaphore_mem>>
    tpu.enqueue_indirect_dma source(%dma_start3A_526 : memref<10240x64xf32, #tpu.memory_space<vmem_shared>>) target(%dma_start3A_520 : memref<32x64xf32, #tpu.memory_space<vmem>>) offsets(%dma_start3A_523 : memref<32xi32, #tpu.memory_space<vmem>>) semaphore(%dma_start3A_528 : memref<!tpu.dma_semaphore, #tpu.memory_space<semaphore_mem>>)
    %dma_wait3A_529 = arith.constant 0 : i32
    %dma_wait3A_530 = arith.constant 3 : i32
    %dma_wait3A_531 = arith.constant 3 : i32
    %dma_wait3A_532 = arith.constant 0 : i32
    %dma_wait3A_533 = arith.constant 0 : i32
    %dma_wait3A_534 = tpu.memref_slice %arg11[%dma_wait3A_530, %dma_wait3A_532, %dma_wait3A_533] : memref<4x32x64xf32, #tpu.memory_space<vmem>> -> memref<1x32x64xf32, #tpu.memory_space<vmem>>
    %dma_wait3A_535 = tpu.memref_squeeze %dma_wait3A_534 : memref<1x32x64xf32, #tpu.memory_space<vmem>> -> memref<32x64xf32, #tpu.memory_space<vmem>>
    %dma_wait3A_536 = arith.constant 0 : i32
    %dma_wait3A_537 = tpu.memref_slice %arg9[%dma_wait3A_529, %dma_wait3A_536] : memref<324x32xi32, #tpu.memory_space<vmem>> -> memref<1x32xi32, #tpu.memory_space<vmem>>
    %dma_wait3A_538 = tpu.memref_squeeze %dma_wait3A_537 : memref<1x32xi32, #tpu.memory_space<vmem>> -> memref<32xi32, #tpu.memory_space<vmem>>
    %dma_wait3A_539 = arith.constant 0 : i32
    %dma_wait3A_540 = arith.constant 0 : i32
    %dma_wait3A_541 = tpu.memref_slice %arg16[%dma_wait3A_539, %dma_wait3A_540] : memref<10240x64xf32, #tpu.memory_space<vmem_shared>> -> memref<10240x64xf32, #tpu.memory_space<vmem_shared>>
    %dma_wait3A_542 = tpu.memref_slice %arg18[%dma_wait3A_531] : memref<4x!tpu.dma_semaphore, #tpu.memory_space<semaphore_mem>> -> memref<1x!tpu.dma_semaphore, #tpu.memory_space<semaphore_mem>>
    %dma_wait3A_543 = tpu.memref_squeeze %dma_wait3A_542 : memref<1x!tpu.dma_semaphore, #tpu.memory_space<semaphore_mem>> -> memref<!tpu.dma_semaphore, #tpu.memory_space<semaphore_mem>>
    tpu.wait_indirect_dma semaphore(%dma_wait3A_543 : memref<!tpu.dma_semaphore, #tpu.memory_space<semaphore_mem>>) src(%dma_wait3A_541 : memref<10240x64xf32, #tpu.memory_space<vmem_shared>>) dst(%dma_wait3A_535 : memref<32x64xf32, #tpu.memory_space<vmem>>)
    %dma_start3A_544 = arith.constant 3 : i32
    %dma_start3A_545 = arith.constant 3 : i32
    %dma_start3A_546 = arith.constant 3 : i32
    %dma_start3A_547 = arith.constant 0 : i32
    %dma_start3A_548 = arith.constant 0 : i32
    %dma_start3A_549 = tpu.memref_slice %arg11[%dma_start3A_544, %dma_start3A_547, %dma_start3A_548] : memref<4x32x64xf32, #tpu.memory_space<vmem>> -> memref<1x32x64xf32, #tpu.memory_space<vmem>>
    %dma_start3A_550 = tpu.memref_squeeze %dma_start3A_549 : memref<1x32x64xf32, #tpu.memory_space<vmem>> -> memref<32x64xf32, #tpu.memory_space<vmem>>
    %dma_start3A_551 = arith.constant 0 : i32
    %dma_start3A_552 = tpu.memref_slice %arg10[%dma_start3A_545, %dma_start3A_551] : memref<320x32xi32, #tpu.memory_space<vmem>> -> memref<1x32xi32, #tpu.memory_space<vmem>>
    %dma_start3A_553 = tpu.memref_squeeze %dma_start3A_552 : memref<1x32xi32, #tpu.memory_space<vmem>> -> memref<32xi32, #tpu.memory_space<vmem>>
    %dma_start3A_554 = arith.constant 0 : i32
    %dma_start3A_555 = arith.constant 0 : i32
    %dma_start3A_556 = tpu.memref_slice %arg15[%dma_start3A_554, %dma_start3A_555] : memref<10240x64xf32, #tpu.memory_space<vmem_shared>> -> memref<10240x64xf32, #tpu.memory_space<vmem_shared>>
    %dma_start3A_557 = tpu.memref_slice %arg19[%dma_start3A_546] : memref<4x!tpu.dma_semaphore, #tpu.memory_space<semaphore_mem>> -> memref<1x!tpu.dma_semaphore, #tpu.memory_space<semaphore_mem>>
    %dma_start3A_558 = tpu.memref_squeeze %dma_start3A_557 : memref<1x!tpu.dma_semaphore, #tpu.memory_space<semaphore_mem>> -> memref<!tpu.dma_semaphore, #tpu.memory_space<semaphore_mem>>
    tpu.enqueue_indirect_dma source(%dma_start3A_550 : memref<32x64xf32, #tpu.memory_space<vmem>>) target(%dma_start3A_556 : memref<10240x64xf32, #tpu.memory_space<vmem_shared>>) offsets(%dma_start3A_553 : memref<32xi32, #tpu.memory_space<vmem>>) semaphore(%dma_start3A_558 : memref<!tpu.dma_semaphore, #tpu.memory_space<semaphore_mem>>) {add = true}
    %dma_wait3A_559 = arith.constant 1 : i32
    %dma_wait3A_560 = arith.constant 0 : i32
    %dma_wait3A_561 = arith.constant 1 : i32
    %dma_wait3A_562 = arith.constant 0 : i32
    %dma_wait3A_563 = arith.constant 0 : i32
    %dma_wait3A_564 = tpu.memref_slice %arg11[%dma_wait3A_559, %dma_wait3A_562, %dma_wait3A_563] : memref<4x32x64xf32, #tpu.memory_space<vmem>> -> memref<1x32x64xf32, #tpu.memory_space<vmem>>
    %dma_wait3A_565 = tpu.memref_squeeze %dma_wait3A_564 : memref<1x32x64xf32, #tpu.memory_space<vmem>> -> memref<32x64xf32, #tpu.memory_space<vmem>>
    %dma_wait3A_566 = arith.constant 0 : i32
    %dma_wait3A_567 = tpu.memref_slice %arg10[%dma_wait3A_560, %dma_wait3A_566] : memref<320x32xi32, #tpu.memory_space<vmem>> -> memref<1x32xi32, #tpu.memory_space<vmem>>
    %dma_wait3A_568 = tpu.memref_squeeze %dma_wait3A_567 : memref<1x32xi32, #tpu.memory_space<vmem>> -> memref<32xi32, #tpu.memory_space<vmem>>
    %dma_wait3A_569 = arith.constant 0 : i32
    %dma_wait3A_570 = arith.constant 0 : i32
    %dma_wait3A_571 = tpu.memref_slice %arg15[%dma_wait3A_569, %dma_wait3A_570] : memref<10240x64xf32, #tpu.memory_space<vmem_shared>> -> memref<10240x64xf32, #tpu.memory_space<vmem_shared>>
    %dma_wait3A_572 = tpu.memref_slice %arg19[%dma_wait3A_561] : memref<4x!tpu.dma_semaphore, #tpu.memory_space<semaphore_mem>> -> memref<1x!tpu.dma_semaphore, #tpu.memory_space<semaphore_mem>>
    %dma_wait3A_573 = tpu.memref_squeeze %dma_wait3A_572 : memref<1x!tpu.dma_semaphore, #tpu.memory_space<semaphore_mem>> -> memref<!tpu.dma_semaphore, #tpu.memory_space<semaphore_mem>>
    tpu.wait_indirect_dma semaphore(%dma_wait3A_573 : memref<!tpu.dma_semaphore, #tpu.memory_space<semaphore_mem>>) src(%dma_wait3A_565 : memref<32x64xf32, #tpu.memory_space<vmem>>) dst(%dma_wait3A_571 : memref<10240x64xf32, #tpu.memory_space<vmem_shared>>)
    %dma_start3A_574 = arith.constant 5 : i32
    %dma_start3A_575 = arith.constant 1 : i32
    %dma_start3A_576 = arith.constant 1 : i32
    %dma_start3A_577 = arith.constant 0 : i32
    %dma_start3A_578 = arith.constant 0 : i32
    %dma_start3A_579 = tpu.memref_slice %arg11[%dma_start3A_575, %dma_start3A_577, %dma_start3A_578] : memref<4x32x64xf32, #tpu.memory_space<vmem>> -> memref<1x32x64xf32, #tpu.memory_space<vmem>>
    %dma_start3A_580 = tpu.memref_squeeze %dma_start3A_579 : memref<1x32x64xf32, #tpu.memory_space<vmem>> -> memref<32x64xf32, #tpu.memory_space<vmem>>
    %dma_start3A_581 = arith.constant 0 : i32
    %dma_start3A_582 = tpu.memref_slice %arg9[%dma_start3A_574, %dma_start3A_581] : memref<324x32xi32, #tpu.memory_space<vmem>> -> memref<1x32xi32, #tpu.memory_space<vmem>>
    %dma_start3A_583 = tpu.memref_squeeze %dma_start3A_582 : memref<1x32xi32, #tpu.memory_space<vmem>> -> memref<32xi32, #tpu.memory_space<vmem>>
    %dma_start3A_584 = arith.constant 0 : i32
    %dma_start3A_585 = arith.constant 0 : i32
    %dma_start3A_586 = tpu.memref_slice %arg16[%dma_start3A_584, %dma_start3A_585] : memref<10240x64xf32, #tpu.memory_space<vmem_shared>> -> memref<10240x64xf32, #tpu.memory_space<vmem_shared>>
    %dma_start3A_587 = tpu.memref_slice %arg18[%dma_start3A_576] : memref<4x!tpu.dma_semaphore, #tpu.memory_space<semaphore_mem>> -> memref<1x!tpu.dma_semaphore, #tpu.memory_space<semaphore_mem>>
    %dma_start3A_588 = tpu.memref_squeeze %dma_start3A_587 : memref<1x!tpu.dma_semaphore, #tpu.memory_space<semaphore_mem>> -> memref<!tpu.dma_semaphore, #tpu.memory_space<semaphore_mem>>
    tpu.enqueue_indirect_dma source(%dma_start3A_586 : memref<10240x64xf32, #tpu.memory_space<vmem_shared>>) target(%dma_start3A_580 : memref<32x64xf32, #tpu.memory_space<vmem>>) offsets(%dma_start3A_583 : memref<32xi32, #tpu.memory_space<vmem>>) semaphore(%dma_start3A_588 : memref<!tpu.dma_semaphore, #tpu.memory_space<semaphore_mem>>)
    %scan3A_589 = arith.constant 0 : i32
    %scan3A_590 = arith.constant 79 : i32
    %scan3A_591 = arith.addi %scan3A_589, %scan3A_590 : i32
    %scan3A_592 = arith.constant 1 : i32
    scf.for %scan3A_1281 = %scan3A_589 to %scan3A_591 step %scan3A_592  : i32 {
      %mul3A_1282 = arith.constant 4 : i32
      %mul3A_1283 = arith.muli %scan3A_1281, %mul3A_1282 : i32
      %add3A = arith.constant 4 : i32
      %add3A_1284 = arith.addi %add3A, %mul3A_1283 : i32
      %add3A_1285 = arith.constant 0 : i32
      %add3A_1286 = arith.addi %add3A_1284, %add3A_1285 : i32
      %dma_wait3A_1287 = arith.constant 0 : i32
      %dma_wait3A_1288 = arith.constant 0 : i32
      %dma_wait3A_1289 = arith.constant 0 : i32
      %dma_wait3A_1290 = arith.constant 0 : i32
      %dma_wait3A_1291 = arith.constant 0 : i32
      %dma_wait3A_1292 = tpu.memref_slice %arg11[%dma_wait3A_1288, %dma_wait3A_1290, %dma_wait3A_1291] : memref<4x32x64xf32, #tpu.memory_space<vmem>> -> memref<1x32x64xf32, #tpu.memory_space<vmem>>
      %dma_wait3A_1293 = tpu.memref_squeeze %dma_wait3A_1292 : memref<1x32x64xf32, #tpu.memory_space<vmem>> -> memref<32x64xf32, #tpu.memory_space<vmem>>
      %dma_wait3A_1294 = arith.constant 0 : i32
      %dma_wait3A_1295 = tpu.memref_slice %arg9[%dma_wait3A_1287, %dma_wait3A_1294] : memref<324x32xi32, #tpu.memory_space<vmem>> -> memref<1x32xi32, #tpu.memory_space<vmem>>
      %dma_wait3A_1296 = tpu.memref_squeeze %dma_wait3A_1295 : memref<1x32xi32, #tpu.memory_space<vmem>> -> memref<32xi32, #tpu.memory_space<vmem>>
      %dma_wait3A_1297 = arith.constant 0 : i32
      %dma_wait3A_1298 = arith.constant 0 : i32
      %dma_wait3A_1299 = tpu.memref_slice %arg16[%dma_wait3A_1297, %dma_wait3A_1298] : memref<10240x64xf32, #tpu.memory_space<vmem_shared>> -> memref<10240x64xf32, #tpu.memory_space<vmem_shared>>
      %dma_wait3A_1300 = tpu.memref_slice %arg18[%dma_wait3A_1289] : memref<4x!tpu.dma_semaphore, #tpu.memory_space<semaphore_mem>> -> memref<1x!tpu.dma_semaphore, #tpu.memory_space<semaphore_mem>>
      %dma_wait3A_1301 = tpu.memref_squeeze %dma_wait3A_1300 : memref<1x!tpu.dma_semaphore, #tpu.memory_space<semaphore_mem>> -> memref<!tpu.dma_semaphore, #tpu.memory_space<semaphore_mem>>
      tpu.wait_indirect_dma semaphore(%dma_wait3A_1301 : memref<!tpu.dma_semaphore, #tpu.memory_space<semaphore_mem>>) src(%dma_wait3A_1299 : memref<10240x64xf32, #tpu.memory_space<vmem_shared>>) dst(%dma_wait3A_1293 : memref<32x64xf32, #tpu.memory_space<vmem>>)
      %dma_start3A_1302 = arith.constant 0 : i32
      %dma_start3A_1303 = arith.constant 0 : i32
      %dma_start3A_1304 = arith.constant 0 : i32
      %dma_start3A_1305 = arith.constant 0 : i32
      %dma_start3A_1306 = tpu.memref_slice %arg11[%dma_start3A_1302, %dma_start3A_1304, %dma_start3A_1305] : memref<4x32x64xf32, #tpu.memory_space<vmem>> -> memref<1x32x64xf32, #tpu.memory_space<vmem>>
      %dma_start3A_1307 = tpu.memref_squeeze %dma_start3A_1306 : memref<1x32x64xf32, #tpu.memory_space<vmem>> -> memref<32x64xf32, #tpu.memory_space<vmem>>
      %dma_start3A_1308 = arith.constant 0 : i32
      %dma_start3A_1309 = tpu.memref_slice %arg10[%add3A_1286, %dma_start3A_1308] : memref<320x32xi32, #tpu.memory_space<vmem>> -> memref<1x32xi32, #tpu.memory_space<vmem>>
      %dma_start3A_1310 = tpu.memref_squeeze %dma_start3A_1309 : memref<1x32xi32, #tpu.memory_space<vmem>> -> memref<32xi32, #tpu.memory_space<vmem>>
      %dma_start3A_1311 = arith.constant 0 : i32
      %dma_start3A_1312 = arith.constant 0 : i32
      %dma_start3A_1313 = tpu.memref_slice %arg15[%dma_start3A_1311, %dma_start3A_1312] : memref<10240x64xf32, #tpu.memory_space<vmem_shared>> -> memref<10240x64xf32, #tpu.memory_space<vmem_shared>>
      %dma_start3A_1314 = tpu.memref_slice %arg19[%dma_start3A_1303] : memref<4x!tpu.dma_semaphore, #tpu.memory_space<semaphore_mem>> -> memref<1x!tpu.dma_semaphore, #tpu.memory_space<semaphore_mem>>
      %dma_start3A_1315 = tpu.memref_squeeze %dma_start3A_1314 : memref<1x!tpu.dma_semaphore, #tpu.memory_space<semaphore_mem>> -> memref<!tpu.dma_semaphore, #tpu.memory_space<semaphore_mem>>
      tpu.enqueue_indirect_dma source(%dma_start3A_1307 : memref<32x64xf32, #tpu.memory_space<vmem>>) target(%dma_start3A_1313 : memref<10240x64xf32, #tpu.memory_space<vmem_shared>>) offsets(%dma_start3A_1310 : memref<32xi32, #tpu.memory_space<vmem>>) semaphore(%dma_start3A_1315 : memref<!tpu.dma_semaphore, #tpu.memory_space<semaphore_mem>>) {add = true}
      %dma_wait3A_1316 = arith.constant 2 : i32
      %dma_wait3A_1317 = arith.constant 0 : i32
      %dma_wait3A_1318 = arith.constant 2 : i32
      %dma_wait3A_1319 = arith.constant 0 : i32
      %dma_wait3A_1320 = arith.constant 0 : i32
      %dma_wait3A_1321 = tpu.memref_slice %arg11[%dma_wait3A_1316, %dma_wait3A_1319, %dma_wait3A_1320] : memref<4x32x64xf32, #tpu.memory_space<vmem>> -> memref<1x32x64xf32, #tpu.memory_space<vmem>>
      %dma_wait3A_1322 = tpu.memref_squeeze %dma_wait3A_1321 : memref<1x32x64xf32, #tpu.memory_space<vmem>> -> memref<32x64xf32, #tpu.memory_space<vmem>>
      %dma_wait3A_1323 = arith.constant 0 : i32
      %dma_wait3A_1324 = tpu.memref_slice %arg10[%dma_wait3A_1317, %dma_wait3A_1323] : memref<320x32xi32, #tpu.memory_space<vmem>> -> memref<1x32xi32, #tpu.memory_space<vmem>>
      %dma_wait3A_1325 = tpu.memref_squeeze %dma_wait3A_1324 : memref<1x32xi32, #tpu.memory_space<vmem>> -> memref<32xi32, #tpu.memory_space<vmem>>
      %dma_wait3A_1326 = arith.constant 0 : i32
      %dma_wait3A_1327 = arith.constant 0 : i32
      %dma_wait3A_1328 = tpu.memref_slice %arg15[%dma_wait3A_1326, %dma_wait3A_1327] : memref<10240x64xf32, #tpu.memory_space<vmem_shared>> -> memref<10240x64xf32, #tpu.memory_space<vmem_shared>>
      %dma_wait3A_1329 = tpu.memref_slice %arg19[%dma_wait3A_1318] : memref<4x!tpu.dma_semaphore, #tpu.memory_space<semaphore_mem>> -> memref<1x!tpu.dma_semaphore, #tpu.memory_space<semaphore_mem>>
      %dma_wait3A_1330 = tpu.memref_squeeze %dma_wait3A_1329 : memref<1x!tpu.dma_semaphore, #tpu.memory_space<semaphore_mem>> -> memref<!tpu.dma_semaphore, #tpu.memory_space<semaphore_mem>>
      tpu.wait_indirect_dma semaphore(%dma_wait3A_1330 : memref<!tpu.dma_semaphore, #tpu.memory_space<semaphore_mem>>) src(%dma_wait3A_1322 : memref<32x64xf32, #tpu.memory_space<vmem>>) dst(%dma_wait3A_1328 : memref<10240x64xf32, #tpu.memory_space<vmem_shared>>)
      %add3A_1331 = arith.constant 2 : i32
      %add3A_1332 = arith.addi %add3A_1286, %add3A_1331 : i32
      %dma_start3A_1333 = arith.constant 2 : i32
      %dma_start3A_1334 = arith.constant 2 : i32
      %dma_start3A_1335 = arith.constant 0 : i32
      %dma_start3A_1336 = arith.constant 0 : i32
      %dma_start3A_1337 = tpu.memref_slice %arg11[%dma_start3A_1333, %dma_start3A_1335, %dma_start3A_1336] : memref<4x32x64xf32, #tpu.memory_space<vmem>> -> memref<1x32x64xf32, #tpu.memory_space<vmem>>
      %dma_start3A_1338 = tpu.memref_squeeze %dma_start3A_1337 : memref<1x32x64xf32, #tpu.memory_space<vmem>> -> memref<32x64xf32, #tpu.memory_space<vmem>>
      %dma_start3A_1339 = arith.constant 0 : i32
      %dma_start3A_1340 = tpu.memref_slice %arg9[%add3A_1332, %dma_start3A_1339] : memref<324x32xi32, #tpu.memory_space<vmem>> -> memref<1x32xi32, #tpu.memory_space<vmem>>
      %dma_start3A_1341 = tpu.memref_squeeze %dma_start3A_1340 : memref<1x32xi32, #tpu.memory_space<vmem>> -> memref<32xi32, #tpu.memory_space<vmem>>
      %dma_start3A_1342 = arith.constant 0 : i32
      %dma_start3A_1343 = arith.constant 0 : i32
      %dma_start3A_1344 = tpu.memref_slice %arg16[%dma_start3A_1342, %dma_start3A_1343] : memref<10240x64xf32, #tpu.memory_space<vmem_shared>> -> memref<10240x64xf32, #tpu.memory_space<vmem_shared>>
      %dma_start3A_1345 = tpu.memref_slice %arg18[%dma_start3A_1334] : memref<4x!tpu.dma_semaphore, #tpu.memory_space<semaphore_mem>> -> memref<1x!tpu.dma_semaphore, #tpu.memory_space<semaphore_mem>>
      %dma_start3A_1346 = tpu.memref_squeeze %dma_start3A_1345 : memref<1x!tpu.dma_semaphore, #tpu.memory_space<semaphore_mem>> -> memref<!tpu.dma_semaphore, #tpu.memory_space<semaphore_mem>>
      tpu.enqueue_indirect_dma source(%dma_start3A_1344 : memref<10240x64xf32, #tpu.memory_space<vmem_shared>>) target(%dma_start3A_1338 : memref<32x64xf32, #tpu.memory_space<vmem>>) offsets(%dma_start3A_1341 : memref<32xi32, #tpu.memory_space<vmem>>) semaphore(%dma_start3A_1346 : memref<!tpu.dma_semaphore, #tpu.memory_space<semaphore_mem>>)
      %mul3A_1347 = arith.constant 4 : i32
      %mul3A_1348 = arith.muli %scan3A_1281, %mul3A_1347 : i32
      %add3A_1349 = arith.constant 4 : i32
      %add3A_1350 = arith.addi %add3A_1349, %mul3A_1348 : i32
      %add3A_1351 = arith.constant 1 : i32
      %add3A_1352 = arith.addi %add3A_1350, %add3A_1351 : i32
      %dma_wait3A_1353 = arith.constant 0 : i32
      %dma_wait3A_1354 = arith.constant 1 : i32
      %dma_wait3A_1355 = arith.constant 1 : i32
      %dma_wait3A_1356 = arith.constant 0 : i32
      %dma_wait3A_1357 = arith.constant 0 : i32
      %dma_wait3A_1358 = tpu.memref_slice %arg11[%dma_wait3A_1354, %dma_wait3A_1356, %dma_wait3A_1357] : memref<4x32x64xf32, #tpu.memory_space<vmem>> -> memref<1x32x64xf32, #tpu.memory_space<vmem>>
      %dma_wait3A_1359 = tpu.memref_squeeze %dma_wait3A_1358 : memref<1x32x64xf32, #tpu.memory_space<vmem>> -> memref<32x64xf32, #tpu.memory_space<vmem>>
      %dma_wait3A_1360 = arith.constant 0 : i32
      %dma_wait3A_1361 = tpu.memref_slice %arg9[%dma_wait3A_1353, %dma_wait3A_1360] : memref<324x32xi32, #tpu.memory_space<vmem>> -> memref<1x32xi32, #tpu.memory_space<vmem>>
      %dma_wait3A_1362 = tpu.memref_squeeze %dma_wait3A_1361 : memref<1x32xi32, #tpu.memory_space<vmem>> -> memref<32xi32, #tpu.memory_space<vmem>>
      %dma_wait3A_1363 = arith.constant 0 : i32
      %dma_wait3A_1364 = arith.constant 0 : i32
      %dma_wait3A_1365 = tpu.memref_slice %arg16[%dma_wait3A_1363, %dma_wait3A_1364] : memref<10240x64xf32, #tpu.memory_space<vmem_shared>> -> memref<10240x64xf32, #tpu.memory_space<vmem_shared>>
      %dma_wait3A_1366 = tpu.memref_slice %arg18[%dma_wait3A_1355] : memref<4x!tpu.dma_semaphore, #tpu.memory_space<semaphore_mem>> -> memref<1x!tpu.dma_semaphore, #tpu.memory_space<semaphore_mem>>
      %dma_wait3A_1367 = tpu.memref_squeeze %dma_wait3A_1366 : memref<1x!tpu.dma_semaphore, #tpu.memory_space<semaphore_mem>> -> memref<!tpu.dma_semaphore, #tpu.memory_space<semaphore_mem>>
      tpu.wait_indirect_dma semaphore(%dma_wait3A_1367 : memref<!tpu.dma_semaphore, #tpu.memory_space<semaphore_mem>>) src(%dma_wait3A_1365 : memref<10240x64xf32, #tpu.memory_space<vmem_shared>>) dst(%dma_wait3A_1359 : memref<32x64xf32, #tpu.memory_space<vmem>>)
      %dma_start3A_1368 = arith.constant 1 : i32
      %dma_start3A_1369 = arith.constant 1 : i32
      %dma_start3A_1370 = arith.constant 0 : i32
      %dma_start3A_1371 = arith.constant 0 : i32
      %dma_start3A_1372 = tpu.memref_slice %arg11[%dma_start3A_1368, %dma_start3A_1370, %dma_start3A_1371] : memref<4x32x64xf32, #tpu.memory_space<vmem>> -> memref<1x32x64xf32, #tpu.memory_space<vmem>>
      %dma_start3A_1373 = tpu.memref_squeeze %dma_start3A_1372 : memref<1x32x64xf32, #tpu.memory_space<vmem>> -> memref<32x64xf32, #tpu.memory_space<vmem>>
      %dma_start3A_1374 = arith.constant 0 : i32
      %dma_start3A_1375 = tpu.memref_slice %arg10[%add3A_1352, %dma_start3A_1374] : memref<320x32xi32, #tpu.memory_space<vmem>> -> memref<1x32xi32, #tpu.memory_space<vmem>>
      %dma_start3A_1376 = tpu.memref_squeeze %dma_start3A_1375 : memref<1x32xi32, #tpu.memory_space<vmem>> -> memref<32xi32, #tpu.memory_space<vmem>>
      %dma_start3A_1377 = arith.constant 0 : i32
      %dma_start3A_1378 = arith.constant 0 : i32
      %dma_start3A_1379 = tpu.memref_slice %arg15[%dma_start3A_1377, %dma_start3A_1378] : memref<10240x64xf32, #tpu.memory_space<vmem_shared>> -> memref<10240x64xf32, #tpu.memory_space<vmem_shared>>
      %dma_start3A_1380 = tpu.memref_slice %arg19[%dma_start3A_1369] : memref<4x!tpu.dma_semaphore, #tpu.memory_space<semaphore_mem>> -> memref<1x!tpu.dma_semaphore, #tpu.memory_space<semaphore_mem>>
      %dma_start3A_1381 = tpu.memref_squeeze %dma_start3A_1380 : memref<1x!tpu.dma_semaphore, #tpu.memory_space<semaphore_mem>> -> memref<!tpu.dma_semaphore, #tpu.memory_space<semaphore_mem>>
      tpu.enqueue_indirect_dma source(%dma_start3A_1373 : memref<32x64xf32, #tpu.memory_space<vmem>>) target(%dma_start3A_1379 : memref<10240x64xf32, #tpu.memory_space<vmem_shared>>) offsets(%dma_start3A_1376 : memref<32xi32, #tpu.memory_space<vmem>>) semaphore(%dma_start3A_1381 : memref<!tpu.dma_semaphore, #tpu.memory_space<semaphore_mem>>) {add = true}
      %dma_wait3A_1382 = arith.constant 3 : i32
      %dma_wait3A_1383 = arith.constant 0 : i32
      %dma_wait3A_1384 = arith.constant 3 : i32
      %dma_wait3A_1385 = arith.constant 0 : i32
      %dma_wait3A_1386 = arith.constant 0 : i32
      %dma_wait3A_1387 = tpu.memref_slice %arg11[%dma_wait3A_1382, %dma_wait3A_1385, %dma_wait3A_1386] : memref<4x32x64xf32, #tpu.memory_space<vmem>> -> memref<1x32x64xf32, #tpu.memory_space<vmem>>
      %dma_wait3A_1388 = tpu.memref_squeeze %dma_wait3A_1387 : memref<1x32x64xf32, #tpu.memory_space<vmem>> -> memref<32x64xf32, #tpu.memory_space<vmem>>
      %dma_wait3A_1389 = arith.constant 0 : i32
      %dma_wait3A_1390 = tpu.memref_slice %arg10[%dma_wait3A_1383, %dma_wait3A_1389] : memref<320x32xi32, #tpu.memory_space<vmem>> -> memref<1x32xi32, #tpu.memory_space<vmem>>
      %dma_wait3A_1391 = tpu.memref_squeeze %dma_wait3A_1390 : memref<1x32xi32, #tpu.memory_space<vmem>> -> memref<32xi32, #tpu.memory_space<vmem>>
      %dma_wait3A_1392 = arith.constant 0 : i32
      %dma_wait3A_1393 = arith.constant 0 : i32
      %dma_wait3A_1394 = tpu.memref_slice %arg15[%dma_wait3A_1392, %dma_wait3A_1393] : memref<10240x64xf32, #tpu.memory_space<vmem_shared>> -> memref<10240x64xf32, #tpu.memory_space<vmem_shared>>
      %dma_wait3A_1395 = tpu.memref_slice %arg19[%dma_wait3A_1384] : memref<4x!tpu.dma_semaphore, #tpu.memory_space<semaphore_mem>> -> memref<1x!tpu.dma_semaphore, #tpu.memory_space<semaphore_mem>>
      %dma_wait3A_1396 = tpu.memref_squeeze %dma_wait3A_1395 : memref<1x!tpu.dma_semaphore, #tpu.memory_space<semaphore_mem>> -> memref<!tpu.dma_semaphore, #tpu.memory_space<semaphore_mem>>
      tpu.wait_indirect_dma semaphore(%dma_wait3A_1396 : memref<!tpu.dma_semaphore, #tpu.memory_space<semaphore_mem>>) src(%dma_wait3A_1388 : memref<32x64xf32, #tpu.memory_space<vmem>>) dst(%dma_wait3A_1394 : memref<10240x64xf32, #tpu.memory_space<vmem_shared>>)
      %add3A_1397 = arith.constant 2 : i32
      %add3A_1398 = arith.addi %add3A_1352, %add3A_1397 : i32
      %dma_start3A_1399 = arith.constant 3 : i32
      %dma_start3A_1400 = arith.constant 3 : i32
      %dma_start3A_1401 = arith.constant 0 : i32
      %dma_start3A_1402 = arith.constant 0 : i32
      %dma_start3A_1403 = tpu.memref_slice %arg11[%dma_start3A_1399, %dma_start3A_1401, %dma_start3A_1402] : memref<4x32x64xf32, #tpu.memory_space<vmem>> -> memref<1x32x64xf32, #tpu.memory_space<vmem>>
      %dma_start3A_1404 = tpu.memref_squeeze %dma_start3A_1403 : memref<1x32x64xf32, #tpu.memory_space<vmem>> -> memref<32x64xf32, #tpu.memory_space<vmem>>
      %dma_start3A_1405 = arith.constant 0 : i32
      %dma_start3A_1406 = tpu.memref_slice %arg9[%add3A_1398, %dma_start3A_1405] : memref<324x32xi32, #tpu.memory_space<vmem>> -> memref<1x32xi32, #tpu.memory_space<vmem>>
      %dma_start3A_1407 = tpu.memref_squeeze %dma_start3A_1406 : memref<1x32xi32, #tpu.memory_space<vmem>> -> memref<32xi32, #tpu.memory_space<vmem>>
      %dma_start3A_1408 = arith.constant 0 : i32
      %dma_start3A_1409 = arith.constant 0 : i32
      %dma_start3A_1410 = tpu.memref_slice %arg16[%dma_start3A_1408, %dma_start3A_1409] : memref<10240x64xf32, #tpu.memory_space<vmem_shared>> -> memref<10240x64xf32, #tpu.memory_space<vmem_shared>>
      %dma_start3A_1411 = tpu.memref_slice %arg18[%dma_start3A_1400] : memref<4x!tpu.dma_semaphore, #tpu.memory_space<semaphore_mem>> -> memref<1x!tpu.dma_semaphore, #tpu.memory_space<semaphore_mem>>
      %dma_start3A_1412 = tpu.memref_squeeze %dma_start3A_1411 : memref<1x!tpu.dma_semaphore, #tpu.memory_space<semaphore_mem>> -> memref<!tpu.dma_semaphore, #tpu.memory_space<semaphore_mem>>
      tpu.enqueue_indirect_dma source(%dma_start3A_1410 : memref<10240x64xf32, #tpu.memory_space<vmem_shared>>) target(%dma_start3A_1404 : memref<32x64xf32, #tpu.memory_space<vmem>>) offsets(%dma_start3A_1407 : memref<32xi32, #tpu.memory_space<vmem>>) semaphore(%dma_start3A_1412 : memref<!tpu.dma_semaphore, #tpu.memory_space<semaphore_mem>>)
      %mul3A_1413 = arith.constant 4 : i32
      %mul3A_1414 = arith.muli %scan3A_1281, %mul3A_1413 : i32
      %add3A_1415 = arith.constant 4 : i32
      %add3A_1416 = arith.addi %add3A_1415, %mul3A_1414 : i32
      %add3A_1417 = arith.constant 2 : i32
      %add3A_1418 = arith.addi %add3A_1416, %add3A_1417 : i32
      %dma_wait3A_1419 = arith.constant 0 : i32
      %dma_wait3A_1420 = arith.constant 2 : i32
      %dma_wait3A_1421 = arith.constant 2 : i32
      %dma_wait3A_1422 = arith.constant 0 : i32
      %dma_wait3A_1423 = arith.constant 0 : i32
      %dma_wait3A_1424 = tpu.memref_slice %arg11[%dma_wait3A_1420, %dma_wait3A_1422, %dma_wait3A_1423] : memref<4x32x64xf32, #tpu.memory_space<vmem>> -> memref<1x32x64xf32, #tpu.memory_space<vmem>>
      %dma_wait3A_1425 = tpu.memref_squeeze %dma_wait3A_1424 : memref<1x32x64xf32, #tpu.memory_space<vmem>> -> memref<32x64xf32, #tpu.memory_space<vmem>>
      %dma_wait3A_1426 = arith.constant 0 : i32
      %dma_wait3A_1427 = tpu.memref_slice %arg9[%dma_wait3A_1419, %dma_wait3A_1426] : memref<324x32xi32, #tpu.memory_space<vmem>> -> memref<1x32xi32, #tpu.memory_space<vmem>>
      %dma_wait3A_1428 = tpu.memref_squeeze %dma_wait3A_1427 : memref<1x32xi32, #tpu.memory_space<vmem>> -> memref<32xi32, #tpu.memory_space<vmem>>
      %dma_wait3A_1429 = arith.constant 0 : i32
      %dma_wait3A_1430 = arith.constant 0 : i32
      %dma_wait3A_1431 = tpu.memref_slice %arg16[%dma_wait3A_1429, %dma_wait3A_1430] : memref<10240x64xf32, #tpu.memory_space<vmem_shared>> -> memref<10240x64xf32, #tpu.memory_space<vmem_shared>>
      %dma_wait3A_1432 = tpu.memref_slice %arg18[%dma_wait3A_1421] : memref<4x!tpu.dma_semaphore, #tpu.memory_space<semaphore_mem>> -> memref<1x!tpu.dma_semaphore, #tpu.memory_space<semaphore_mem>>
      %dma_wait3A_1433 = tpu.memref_squeeze %dma_wait3A_1432 : memref<1x!tpu.dma_semaphore, #tpu.memory_space<semaphore_mem>> -> memref<!tpu.dma_semaphore, #tpu.memory_space<semaphore_mem>>
      tpu.wait_indirect_dma semaphore(%dma_wait3A_1433 : memref<!tpu.dma_semaphore, #tpu.memory_space<semaphore_mem>>) src(%dma_wait3A_1431 : memref<10240x64xf32, #tpu.memory_space<vmem_shared>>) dst(%dma_wait3A_1425 : memref<32x64xf32, #tpu.memory_space<vmem>>)
      %dma_start3A_1434 = arith.constant 2 : i32
      %dma_start3A_1435 = arith.constant 2 : i32
      %dma_start3A_1436 = arith.constant 0 : i32
      %dma_start3A_1437 = arith.constant 0 : i32
      %dma_start3A_1438 = tpu.memref_slice %arg11[%dma_start3A_1434, %dma_start3A_1436, %dma_start3A_1437] : memref<4x32x64xf32, #tpu.memory_space<vmem>> -> memref<1x32x64xf32, #tpu.memory_space<vmem>>
      %dma_start3A_1439 = tpu.memref_squeeze %dma_start3A_1438 : memref<1x32x64xf32, #tpu.memory_space<vmem>> -> memref<32x64xf32, #tpu.memory_space<vmem>>
      %dma_start3A_1440 = arith.constant 0 : i32
      %dma_start3A_1441 = tpu.memref_slice %arg10[%add3A_1418, %dma_start3A_1440] : memref<320x32xi32, #tpu.memory_space<vmem>> -> memref<1x32xi32, #tpu.memory_space<vmem>>
      %dma_start3A_1442 = tpu.memref_squeeze %dma_start3A_1441 : memref<1x32xi32, #tpu.memory_space<vmem>> -> memref<32xi32, #tpu.memory_space<vmem>>
      %dma_start3A_1443 = arith.constant 0 : i32
      %dma_start3A_1444 = arith.constant 0 : i32
      %dma_start3A_1445 = tpu.memref_slice %arg15[%dma_start3A_1443, %dma_start3A_1444] : memref<10240x64xf32, #tpu.memory_space<vmem_shared>> -> memref<10240x64xf32, #tpu.memory_space<vmem_shared>>
      %dma_start3A_1446 = tpu.memref_slice %arg19[%dma_start3A_1435] : memref<4x!tpu.dma_semaphore, #tpu.memory_space<semaphore_mem>> -> memref<1x!tpu.dma_semaphore, #tpu.memory_space<semaphore_mem>>
      %dma_start3A_1447 = tpu.memref_squeeze %dma_start3A_1446 : memref<1x!tpu.dma_semaphore, #tpu.memory_space<semaphore_mem>> -> memref<!tpu.dma_semaphore, #tpu.memory_space<semaphore_mem>>
      tpu.enqueue_indirect_dma source(%dma_start3A_1439 : memref<32x64xf32, #tpu.memory_space<vmem>>) target(%dma_start3A_1445 : memref<10240x64xf32, #tpu.memory_space<vmem_shared>>) offsets(%dma_start3A_1442 : memref<32xi32, #tpu.memory_space<vmem>>) semaphore(%dma_start3A_1447 : memref<!tpu.dma_semaphore, #tpu.memory_space<semaphore_mem>>) {add = true}
      %dma_wait3A_1448 = arith.constant 0 : i32
      %dma_wait3A_1449 = arith.constant 0 : i32
      %dma_wait3A_1450 = arith.constant 0 : i32
      %dma_wait3A_1451 = arith.constant 0 : i32
      %dma_wait3A_1452 = arith.constant 0 : i32
      %dma_wait3A_1453 = tpu.memref_slice %arg11[%dma_wait3A_1448, %dma_wait3A_1451, %dma_wait3A_1452] : memref<4x32x64xf32, #tpu.memory_space<vmem>> -> memref<1x32x64xf32, #tpu.memory_space<vmem>>
      %dma_wait3A_1454 = tpu.memref_squeeze %dma_wait3A_1453 : memref<1x32x64xf32, #tpu.memory_space<vmem>> -> memref<32x64xf32, #tpu.memory_space<vmem>>
      %dma_wait3A_1455 = arith.constant 0 : i32
      %dma_wait3A_1456 = tpu.memref_slice %arg10[%dma_wait3A_1449, %dma_wait3A_1455] : memref<320x32xi32, #tpu.memory_space<vmem>> -> memref<1x32xi32, #tpu.memory_space<vmem>>
      %dma_wait3A_1457 = tpu.memref_squeeze %dma_wait3A_1456 : memref<1x32xi32, #tpu.memory_space<vmem>> -> memref<32xi32, #tpu.memory_space<vmem>>
      %dma_wait3A_1458 = arith.constant 0 : i32
      %dma_wait3A_1459 = arith.constant 0 : i32
      %dma_wait3A_1460 = tpu.memref_slice %arg15[%dma_wait3A_1458, %dma_wait3A_1459] : memref<10240x64xf32, #tpu.memory_space<vmem_shared>> -> memref<10240x64xf32, #tpu.memory_space<vmem_shared>>
      %dma_wait3A_1461 = tpu.memref_slice %arg19[%dma_wait3A_1450] : memref<4x!tpu.dma_semaphore, #tpu.memory_space<semaphore_mem>> -> memref<1x!tpu.dma_semaphore, #tpu.memory_space<semaphore_mem>>
      %dma_wait3A_1462 = tpu.memref_squeeze %dma_wait3A_1461 : memref<1x!tpu.dma_semaphore, #tpu.memory_space<semaphore_mem>> -> memref<!tpu.dma_semaphore, #tpu.memory_space<semaphore_mem>>
      tpu.wait_indirect_dma semaphore(%dma_wait3A_1462 : memref<!tpu.dma_semaphore, #tpu.memory_space<semaphore_mem>>) src(%dma_wait3A_1454 : memref<32x64xf32, #tpu.memory_space<vmem>>) dst(%dma_wait3A_1460 : memref<10240x64xf32, #tpu.memory_space<vmem_shared>>)
      %add3A_1463 = arith.constant 2 : i32
      %add3A_1464 = arith.addi %add3A_1418, %add3A_1463 : i32
      %dma_start3A_1465 = arith.constant 0 : i32
      %dma_start3A_1466 = arith.constant 0 : i32
      %dma_start3A_1467 = arith.constant 0 : i32
      %dma_start3A_1468 = arith.constant 0 : i32
      %dma_start3A_1469 = tpu.memref_slice %arg11[%dma_start3A_1465, %dma_start3A_1467, %dma_start3A_1468] : memref<4x32x64xf32, #tpu.memory_space<vmem>> -> memref<1x32x64xf32, #tpu.memory_space<vmem>>
      %dma_start3A_1470 = tpu.memref_squeeze %dma_start3A_1469 : memref<1x32x64xf32, #tpu.memory_space<vmem>> -> memref<32x64xf32, #tpu.memory_space<vmem>>
      %dma_start3A_1471 = arith.constant 0 : i32
      %dma_start3A_1472 = tpu.memref_slice %arg9[%add3A_1464, %dma_start3A_1471] : memref<324x32xi32, #tpu.memory_space<vmem>> -> memref<1x32xi32, #tpu.memory_space<vmem>>
      %dma_start3A_1473 = tpu.memref_squeeze %dma_start3A_1472 : memref<1x32xi32, #tpu.memory_space<vmem>> -> memref<32xi32, #tpu.memory_space<vmem>>
      %dma_start3A_1474 = arith.constant 0 : i32
      %dma_start3A_1475 = arith.constant 0 : i32
      %dma_start3A_1476 = tpu.memref_slice %arg16[%dma_start3A_1474, %dma_start3A_1475] : memref<10240x64xf32, #tpu.memory_space<vmem_shared>> -> memref<10240x64xf32, #tpu.memory_space<vmem_shared>>
      %dma_start3A_1477 = tpu.memref_slice %arg18[%dma_start3A_1466] : memref<4x!tpu.dma_semaphore, #tpu.memory_space<semaphore_mem>> -> memref<1x!tpu.dma_semaphore, #tpu.memory_space<semaphore_mem>>
      %dma_start3A_1478 = tpu.memref_squeeze %dma_start3A_1477 : memref<1x!tpu.dma_semaphore, #tpu.memory_space<semaphore_mem>> -> memref<!tpu.dma_semaphore, #tpu.memory_space<semaphore_mem>>
      tpu.enqueue_indirect_dma source(%dma_start3A_1476 : memref<10240x64xf32, #tpu.memory_space<vmem_shared>>) target(%dma_start3A_1470 : memref<32x64xf32, #tpu.memory_space<vmem>>) offsets(%dma_start3A_1473 : memref<32xi32, #tpu.memory_space<vmem>>) semaphore(%dma_start3A_1478 : memref<!tpu.dma_semaphore, #tpu.memory_space<semaphore_mem>>)
      %mul3A_1479 = arith.constant 4 : i32
      %mul3A_1480 = arith.muli %scan3A_1281, %mul3A_1479 : i32
      %add3A_1481 = arith.constant 4 : i32
      %add3A_1482 = arith.addi %add3A_1481, %mul3A_1480 : i32
      %add3A_1483 = arith.constant 3 : i32
      %add3A_1484 = arith.addi %add3A_1482, %add3A_1483 : i32
      %dma_wait3A_1485 = arith.constant 0 : i32
      %dma_wait3A_1486 = arith.constant 3 : i32
      %dma_wait3A_1487 = arith.constant 3 : i32
      %dma_wait3A_1488 = arith.constant 0 : i32
      %dma_wait3A_1489 = arith.constant 0 : i32
      %dma_wait3A_1490 = tpu.memref_slice %arg11[%dma_wait3A_1486, %dma_wait3A_1488, %dma_wait3A_1489] : memref<4x32x64xf32, #tpu.memory_space<vmem>> -> memref<1x32x64xf32, #tpu.memory_space<vmem>>
      %dma_wait3A_1491 = tpu.memref_squeeze %dma_wait3A_1490 : memref<1x32x64xf32, #tpu.memory_space<vmem>> -> memref<32x64xf32, #tpu.memory_space<vmem>>
      %dma_wait3A_1492 = arith.constant 0 : i32
      %dma_wait3A_1493 = tpu.memref_slice %arg9[%dma_wait3A_1485, %dma_wait3A_1492] : memref<324x32xi32, #tpu.memory_space<vmem>> -> memref<1x32xi32, #tpu.memory_space<vmem>>
      %dma_wait3A_1494 = tpu.memref_squeeze %dma_wait3A_1493 : memref<1x32xi32, #tpu.memory_space<vmem>> -> memref<32xi32, #tpu.memory_space<vmem>>
      %dma_wait3A_1495 = arith.constant 0 : i32
      %dma_wait3A_1496 = arith.constant 0 : i32
      %dma_wait3A_1497 = tpu.memref_slice %arg16[%dma_wait3A_1495, %dma_wait3A_1496] : memref<10240x64xf32, #tpu.memory_space<vmem_shared>> -> memref<10240x64xf32, #tpu.memory_space<vmem_shared>>
      %dma_wait3A_1498 = tpu.memref_slice %arg18[%dma_wait3A_1487] : memref<4x!tpu.dma_semaphore, #tpu.memory_space<semaphore_mem>> -> memref<1x!tpu.dma_semaphore, #tpu.memory_space<semaphore_mem>>
      %dma_wait3A_1499 = tpu.memref_squeeze %dma_wait3A_1498 : memref<1x!tpu.dma_semaphore, #tpu.memory_space<semaphore_mem>> -> memref<!tpu.dma_semaphore, #tpu.memory_space<semaphore_mem>>
      tpu.wait_indirect_dma semaphore(%dma_wait3A_1499 : memref<!tpu.dma_semaphore, #tpu.memory_space<semaphore_mem>>) src(%dma_wait3A_1497 : memref<10240x64xf32, #tpu.memory_space<vmem_shared>>) dst(%dma_wait3A_1491 : memref<32x64xf32, #tpu.memory_space<vmem>>)
      %dma_start3A_1500 = arith.constant 3 : i32
      %dma_start3A_1501 = arith.constant 3 : i32
      %dma_start3A_1502 = arith.constant 0 : i32
      %dma_start3A_1503 = arith.constant 0 : i32
      %dma_start3A_1504 = tpu.memref_slice %arg11[%dma_start3A_1500, %dma_start3A_1502, %dma_start3A_1503] : memref<4x32x64xf32, #tpu.memory_space<vmem>> -> memref<1x32x64xf32, #tpu.memory_space<vmem>>
      %dma_start3A_1505 = tpu.memref_squeeze %dma_start3A_1504 : memref<1x32x64xf32, #tpu.memory_space<vmem>> -> memref<32x64xf32, #tpu.memory_space<vmem>>
      %dma_start3A_1506 = arith.constant 0 : i32
      %dma_start3A_1507 = tpu.memref_slice %arg10[%add3A_1484, %dma_start3A_1506] : memref<320x32xi32, #tpu.memory_space<vmem>> -> memref<1x32xi32, #tpu.memory_space<vmem>>
      %dma_start3A_1508 = tpu.memref_squeeze %dma_start3A_1507 : memref<1x32xi32, #tpu.memory_space<vmem>> -> memref<32xi32, #tpu.memory_space<vmem>>
      %dma_start3A_1509 = arith.constant 0 : i32
      %dma_start3A_1510 = arith.constant 0 : i32
      %dma_start3A_1511 = tpu.memref_slice %arg15[%dma_start3A_1509, %dma_start3A_1510] : memref<10240x64xf32, #tpu.memory_space<vmem_shared>> -> memref<10240x64xf32, #tpu.memory_space<vmem_shared>>
      %dma_start3A_1512 = tpu.memref_slice %arg19[%dma_start3A_1501] : memref<4x!tpu.dma_semaphore, #tpu.memory_space<semaphore_mem>> -> memref<1x!tpu.dma_semaphore, #tpu.memory_space<semaphore_mem>>
      %dma_start3A_1513 = tpu.memref_squeeze %dma_start3A_1512 : memref<1x!tpu.dma_semaphore, #tpu.memory_space<semaphore_mem>> -> memref<!tpu.dma_semaphore, #tpu.memory_space<semaphore_mem>>
      tpu.enqueue_indirect_dma source(%dma_start3A_1505 : memref<32x64xf32, #tpu.memory_space<vmem>>) target(%dma_start3A_1511 : memref<10240x64xf32, #tpu.memory_space<vmem_shared>>) offsets(%dma_start3A_1508 : memref<32xi32, #tpu.memory_space<vmem>>) semaphore(%dma_start3A_1513 : memref<!tpu.dma_semaphore, #tpu.memory_space<semaphore_mem>>) {add = true}
      %dma_wait3A_1514 = arith.constant 1 : i32
      %dma_wait3A_1515 = arith.constant 0 : i32
      %dma_wait3A_1516 = arith.constant 1 : i32
      %dma_wait3A_1517 = arith.constant 0 : i32
      %dma_wait3A_1518 = arith.constant 0 : i32
      %dma_wait3A_1519 = tpu.memref_slice %arg11[%dma_wait3A_1514, %dma_wait3A_1517, %dma_wait3A_1518] : memref<4x32x64xf32, #tpu.memory_space<vmem>> -> memref<1x32x64xf32, #tpu.memory_space<vmem>>
      %dma_wait3A_1520 = tpu.memref_squeeze %dma_wait3A_1519 : memref<1x32x64xf32, #tpu.memory_space<vmem>> -> memref<32x64xf32, #tpu.memory_space<vmem>>
      %dma_wait3A_1521 = arith.constant 0 : i32
      %dma_wait3A_1522 = tpu.memref_slice %arg10[%dma_wait3A_1515, %dma_wait3A_1521] : memref<320x32xi32, #tpu.memory_space<vmem>> -> memref<1x32xi32, #tpu.memory_space<vmem>>
      %dma_wait3A_1523 = tpu.memref_squeeze %dma_wait3A_1522 : memref<1x32xi32, #tpu.memory_space<vmem>> -> memref<32xi32, #tpu.memory_space<vmem>>
      %dma_wait3A_1524 = arith.constant 0 : i32
      %dma_wait3A_1525 = arith.constant 0 : i32
      %dma_wait3A_1526 = tpu.memref_slice %arg15[%dma_wait3A_1524, %dma_wait3A_1525] : memref<10240x64xf32, #tpu.memory_space<vmem_shared>> -> memref<10240x64xf32, #tpu.memory_space<vmem_shared>>
      %dma_wait3A_1527 = tpu.memref_slice %arg19[%dma_wait3A_1516] : memref<4x!tpu.dma_semaphore, #tpu.memory_space<semaphore_mem>> -> memref<1x!tpu.dma_semaphore, #tpu.memory_space<semaphore_mem>>
      %dma_wait3A_1528 = tpu.memref_squeeze %dma_wait3A_1527 : memref<1x!tpu.dma_semaphore, #tpu.memory_space<semaphore_mem>> -> memref<!tpu.dma_semaphore, #tpu.memory_space<semaphore_mem>>
      tpu.wait_indirect_dma semaphore(%dma_wait3A_1528 : memref<!tpu.dma_semaphore, #tpu.memory_space<semaphore_mem>>) src(%dma_wait3A_1520 : memref<32x64xf32, #tpu.memory_space<vmem>>) dst(%dma_wait3A_1526 : memref<10240x64xf32, #tpu.memory_space<vmem_shared>>)
      %add3A_1529 = arith.constant 2 : i32
      %add3A_1530 = arith.addi %add3A_1484, %add3A_1529 : i32
      %dma_start3A_1531 = arith.constant 1 : i32
      %dma_start3A_1532 = arith.constant 1 : i32
      %dma_start3A_1533 = arith.constant 0 : i32
      %dma_start3A_1534 = arith.constant 0 : i32
      %dma_start3A_1535 = tpu.memref_slice %arg11[%dma_start3A_1531, %dma_start3A_1533, %dma_start3A_1534] : memref<4x32x64xf32, #tpu.memory_space<vmem>> -> memref<1x32x64xf32, #tpu.memory_space<vmem>>
      %dma_start3A_1536 = tpu.memref_squeeze %dma_start3A_1535 : memref<1x32x64xf32, #tpu.memory_space<vmem>> -> memref<32x64xf32, #tpu.memory_space<vmem>>
      %dma_start3A_1537 = arith.constant 0 : i32
      %dma_start3A_1538 = tpu.memref_slice %arg9[%add3A_1530, %dma_start3A_1537] : memref<324x32xi32, #tpu.memory_space<vmem>> -> memref<1x32xi32, #tpu.memory_space<vmem>>
      %dma_start3A_1539 = tpu.memref_squeeze %dma_start3A_1538 : memref<1x32xi32, #tpu.memory_space<vmem>> -> memref<32xi32, #tpu.memory_space<vmem>>
      %dma_start3A_1540 = arith.constant 0 : i32
      %dma_start3A_1541 = arith.constant 0 : i32
      %dma_start3A_1542 = tpu.memref_slice %arg16[%dma_start3A_1540, %dma_start3A_1541] : memref<10240x64xf32, #tpu.memory_space<vmem_shared>> -> memref<10240x64xf32, #tpu.memory_space<vmem_shared>>
      %dma_start3A_1543 = tpu.memref_slice %arg18[%dma_start3A_1532] : memref<4x!tpu.dma_semaphore, #tpu.memory_space<semaphore_mem>> -> memref<1x!tpu.dma_semaphore, #tpu.memory_space<semaphore_mem>>
      %dma_start3A_1544 = tpu.memref_squeeze %dma_start3A_1543 : memref<1x!tpu.dma_semaphore, #tpu.memory_space<semaphore_mem>> -> memref<!tpu.dma_semaphore, #tpu.memory_space<semaphore_mem>>
      tpu.enqueue_indirect_dma source(%dma_start3A_1542 : memref<10240x64xf32, #tpu.memory_space<vmem_shared>>) target(%dma_start3A_1536 : memref<32x64xf32, #tpu.memory_space<vmem>>) offsets(%dma_start3A_1539 : memref<32xi32, #tpu.memory_space<vmem>>) semaphore(%dma_start3A_1544 : memref<!tpu.dma_semaphore, #tpu.memory_space<semaphore_mem>>)
    }
    %scan3A_593 = arith.constant 79 : i32
    %dma_wait3A_594 = arith.constant 2 : i32
    %dma_wait3A_595 = arith.constant 0 : i32
    %dma_wait3A_596 = arith.constant 2 : i32
    %dma_wait3A_597 = arith.constant 0 : i32
    %dma_wait3A_598 = arith.constant 0 : i32
    %dma_wait3A_599 = tpu.memref_slice %arg11[%dma_wait3A_594, %dma_wait3A_597, %dma_wait3A_598] : memref<4x32x64xf32, #tpu.memory_space<vmem>> -> memref<1x32x64xf32, #tpu.memory_space<vmem>>
    %dma_wait3A_600 = tpu.memref_squeeze %dma_wait3A_599 : memref<1x32x64xf32, #tpu.memory_space<vmem>> -> memref<32x64xf32, #tpu.memory_space<vmem>>
    %dma_wait3A_601 = arith.constant 0 : i32
    %dma_wait3A_602 = tpu.memref_slice %arg10[%dma_wait3A_595, %dma_wait3A_601] : memref<320x32xi32, #tpu.memory_space<vmem>> -> memref<1x32xi32, #tpu.memory_space<vmem>>
    %dma_wait3A_603 = tpu.memref_squeeze %dma_wait3A_602 : memref<1x32xi32, #tpu.memory_space<vmem>> -> memref<32xi32, #tpu.memory_space<vmem>>
    %dma_wait3A_604 = arith.constant 0 : i32
    %dma_wait3A_605 = arith.constant 0 : i32
    %dma_wait3A_606 = tpu.memref_slice %arg15[%dma_wait3A_604, %dma_wait3A_605] : memref<10240x64xf32, #tpu.memory_space<vmem_shared>> -> memref<10240x64xf32, #tpu.memory_space<vmem_shared>>
    %dma_wait3A_607 = tpu.memref_slice %arg19[%dma_wait3A_596] : memref<4x!tpu.dma_semaphore, #tpu.memory_space<semaphore_mem>> -> memref<1x!tpu.dma_semaphore, #tpu.memory_space<semaphore_mem>>
    %dma_wait3A_608 = tpu.memref_squeeze %dma_wait3A_607 : memref<1x!tpu.dma_semaphore, #tpu.memory_space<semaphore_mem>> -> memref<!tpu.dma_semaphore, #tpu.memory_space<semaphore_mem>>
    tpu.wait_indirect_dma semaphore(%dma_wait3A_608 : memref<!tpu.dma_semaphore, #tpu.memory_space<semaphore_mem>>) src(%dma_wait3A_600 : memref<32x64xf32, #tpu.memory_space<vmem>>) dst(%dma_wait3A_606 : memref<10240x64xf32, #tpu.memory_space<vmem_shared>>)
    %dma_wait3A_609 = arith.constant 3 : i32
    %dma_wait3A_610 = arith.constant 0 : i32
    %dma_wait3A_611 = arith.constant 3 : i32
    %dma_wait3A_612 = arith.constant 0 : i32
    %dma_wait3A_613 = arith.constant 0 : i32
    %dma_wait3A_614 = tpu.memref_slice %arg11[%dma_wait3A_609, %dma_wait3A_612, %dma_wait3A_613] : memref<4x32x64xf32, #tpu.memory_space<vmem>> -> memref<1x32x64xf32, #tpu.memory_space<vmem>>
    %dma_wait3A_615 = tpu.memref_squeeze %dma_wait3A_614 : memref<1x32x64xf32, #tpu.memory_space<vmem>> -> memref<32x64xf32, #tpu.memory_space<vmem>>
    %dma_wait3A_616 = arith.constant 0 : i32
    %dma_wait3A_617 = tpu.memref_slice %arg10[%dma_wait3A_610, %dma_wait3A_616] : memref<320x32xi32, #tpu.memory_space<vmem>> -> memref<1x32xi32, #tpu.memory_space<vmem>>
    %dma_wait3A_618 = tpu.memref_squeeze %dma_wait3A_617 : memref<1x32xi32, #tpu.memory_space<vmem>> -> memref<32xi32, #tpu.memory_space<vmem>>
    %dma_wait3A_619 = arith.constant 0 : i32
    %dma_wait3A_620 = arith.constant 0 : i32
    %dma_wait3A_621 = tpu.memref_slice %arg15[%dma_wait3A_619, %dma_wait3A_620] : memref<10240x64xf32, #tpu.memory_space<vmem_shared>> -> memref<10240x64xf32, #tpu.memory_space<vmem_shared>>
    %dma_wait3A_622 = tpu.memref_slice %arg19[%dma_wait3A_611] : memref<4x!tpu.dma_semaphore, #tpu.memory_space<semaphore_mem>> -> memref<1x!tpu.dma_semaphore, #tpu.memory_space<semaphore_mem>>
    %dma_wait3A_623 = tpu.memref_squeeze %dma_wait3A_622 : memref<1x!tpu.dma_semaphore, #tpu.memory_space<semaphore_mem>> -> memref<!tpu.dma_semaphore, #tpu.memory_space<semaphore_mem>>
    tpu.wait_indirect_dma semaphore(%dma_wait3A_623 : memref<!tpu.dma_semaphore, #tpu.memory_space<semaphore_mem>>) src(%dma_wait3A_615 : memref<32x64xf32, #tpu.memory_space<vmem>>) dst(%dma_wait3A_621 : memref<10240x64xf32, #tpu.memory_space<vmem_shared>>)
    %dma_wait3A_624 = arith.constant 0 : i32
    %dma_wait3A_625 = arith.constant 0 : i32
    %dma_wait3A_626 = arith.constant 0 : i32
    %dma_wait3A_627 = arith.constant 0 : i32
    %dma_wait3A_628 = arith.constant 0 : i32
    %dma_wait3A_629 = tpu.memref_slice %arg11[%dma_wait3A_625, %dma_wait3A_627, %dma_wait3A_628] : memref<4x32x64xf32, #tpu.memory_space<vmem>> -> memref<1x32x64xf32, #tpu.memory_space<vmem>>
    %dma_wait3A_630 = tpu.memref_squeeze %dma_wait3A_629 : memref<1x32x64xf32, #tpu.memory_space<vmem>> -> memref<32x64xf32, #tpu.memory_space<vmem>>
    %dma_wait3A_631 = arith.constant 0 : i32
    %dma_wait3A_632 = tpu.memref_slice %arg9[%dma_wait3A_624, %dma_wait3A_631] : memref<324x32xi32, #tpu.memory_space<vmem>> -> memref<1x32xi32, #tpu.memory_space<vmem>>
    %dma_wait3A_633 = tpu.memref_squeeze %dma_wait3A_632 : memref<1x32xi32, #tpu.memory_space<vmem>> -> memref<32xi32, #tpu.memory_space<vmem>>
    %dma_wait3A_634 = arith.constant 0 : i32
    %dma_wait3A_635 = arith.constant 0 : i32
    %dma_wait3A_636 = tpu.memref_slice %arg16[%dma_wait3A_634, %dma_wait3A_635] : memref<10240x64xf32, #tpu.memory_space<vmem_shared>> -> memref<10240x64xf32, #tpu.memory_space<vmem_shared>>
    %dma_wait3A_637 = tpu.memref_slice %arg18[%dma_wait3A_626] : memref<4x!tpu.dma_semaphore, #tpu.memory_space<semaphore_mem>> -> memref<1x!tpu.dma_semaphore, #tpu.memory_space<semaphore_mem>>
    %dma_wait3A_638 = tpu.memref_squeeze %dma_wait3A_637 : memref<1x!tpu.dma_semaphore, #tpu.memory_space<semaphore_mem>> -> memref<!tpu.dma_semaphore, #tpu.memory_space<semaphore_mem>>
    tpu.wait_indirect_dma semaphore(%dma_wait3A_638 : memref<!tpu.dma_semaphore, #tpu.memory_space<semaphore_mem>>) src(%dma_wait3A_636 : memref<10240x64xf32, #tpu.memory_space<vmem_shared>>) dst(%dma_wait3A_630 : memref<32x64xf32, #tpu.memory_space<vmem>>)
    %dma_wait3A_639 = arith.constant 0 : i32
    %dma_wait3A_640 = arith.constant 1 : i32
    %dma_wait3A_641 = arith.constant 1 : i32
    %dma_wait3A_642 = arith.constant 0 : i32
    %dma_wait3A_643 = arith.constant 0 : i32
    %dma_wait3A_644 = tpu.memref_slice %arg11[%dma_wait3A_640, %dma_wait3A_642, %dma_wait3A_643] : memref<4x32x64xf32, #tpu.memory_space<vmem>> -> memref<1x32x64xf32, #tpu.memory_space<vmem>>
    %dma_wait3A_645 = tpu.memref_squeeze %dma_wait3A_644 : memref<1x32x64xf32, #tpu.memory_space<vmem>> -> memref<32x64xf32, #tpu.memory_space<vmem>>
    %dma_wait3A_646 = arith.constant 0 : i32
    %dma_wait3A_647 = tpu.memref_slice %arg9[%dma_wait3A_639, %dma_wait3A_646] : memref<324x32xi32, #tpu.memory_space<vmem>> -> memref<1x32xi32, #tpu.memory_space<vmem>>
    %dma_wait3A_648 = tpu.memref_squeeze %dma_wait3A_647 : memref<1x32xi32, #tpu.memory_space<vmem>> -> memref<32xi32, #tpu.memory_space<vmem>>
    %dma_wait3A_649 = arith.constant 0 : i32
    %dma_wait3A_650 = arith.constant 0 : i32
    %dma_wait3A_651 = tpu.memref_slice %arg16[%dma_wait3A_649, %dma_wait3A_650] : memref<10240x64xf32, #tpu.memory_space<vmem_shared>> -> memref<10240x64xf32, #tpu.memory_space<vmem_shared>>
    %dma_wait3A_652 = tpu.memref_slice %arg18[%dma_wait3A_641] : memref<4x!tpu.dma_semaphore, #tpu.memory_space<semaphore_mem>> -> memref<1x!tpu.dma_semaphore, #tpu.memory_space<semaphore_mem>>
    %dma_wait3A_653 = tpu.memref_squeeze %dma_wait3A_652 : memref<1x!tpu.dma_semaphore, #tpu.memory_space<semaphore_mem>> -> memref<!tpu.dma_semaphore, #tpu.memory_space<semaphore_mem>>
    tpu.wait_indirect_dma semaphore(%dma_wait3A_653 : memref<!tpu.dma_semaphore, #tpu.memory_space<semaphore_mem>>) src(%dma_wait3A_651 : memref<10240x64xf32, #tpu.memory_space<vmem_shared>>) dst(%dma_wait3A_645 : memref<32x64xf32, #tpu.memory_space<vmem>>)
    %barrier3A_654 = arith.constant 0 : index
    tpu.barrier barrier_id(%barrier3A_654)
    %scan3A_655 = arith.constant 0 : i32
    %scan3A_656 = arith.constant 5 : i32
    %scan3A_657 = arith.addi %scan3A_655, %scan3A_656 : i32
    %scan3A_658 = arith.constant 1 : i32
    scf.for %scan3A_1281 = %scan3A_655 to %scan3A_657 step %scan3A_658  : i32 {
      %mul3A_1282 = arith.constant 128 : i32
      %mul3A_1283 = arith.muli %scan3A_1281, %mul3A_1282 : i32
      %add3A = arith.addi %mul3A_34, %mul3A_1283 : i32
      "tpu.region"() ({
        %run_scoped3A = tpu.sem_alloc : memref<!tpu.dma_semaphore, #tpu.memory_space<semaphore_mem>>
        %dma_start3A_1294 = arith.constant 0 : i32
        %dma_start3A_1295 = tpu.memref_slice %arg15[%add3A, %dma_start3A_1294] : memref<10240x64xf32, #tpu.memory_space<vmem_shared>> -> memref<128x64xf32, #tpu.memory_space<vmem_shared>>
        %dma_start3A_1296 = arith.constant 0 : i32
        %dma_start3A_1297 = tpu.memref_slice %arg15[%add3A, %dma_start3A_1296] : memref<10240x64xf32, #tpu.memory_space<vmem_shared>> -> memref<128x64xf32, #tpu.memory_space<vmem_shared>>
        tpu.enqueue_dma source(%dma_start3A_1297 : memref<128x64xf32, #tpu.memory_space<vmem_shared>>) target(%arg12 : memref<128x64xf32, #tpu.memory_space<vmem>>) target_semaphore(%run_scoped3A : memref<!tpu.dma_semaphore, #tpu.memory_space<semaphore_mem>>)
        %dma_wait3A_1298 = arith.constant 0 : i32
        %dma_wait3A_1299 = tpu.memref_slice %arg15[%add3A, %dma_wait3A_1298] : memref<10240x64xf32, #tpu.memory_space<vmem_shared>> -> memref<128x64xf32, #tpu.memory_space<vmem_shared>>
        %dma_wait3A_1300 = arith.constant 0 : i32
        %dma_wait3A_1301 = tpu.memref_slice %arg15[%add3A, %dma_wait3A_1300] : memref<10240x64xf32, #tpu.memory_space<vmem_shared>> -> memref<128x64xf32, #tpu.memory_space<vmem_shared>>
        tpu.wait_dma2 semaphore(%run_scoped3A : memref<!tpu.dma_semaphore, #tpu.memory_space<semaphore_mem>>) src(%dma_wait3A_1301 : memref<128x64xf32, #tpu.memory_space<vmem_shared>>) dst(%arg12 : memref<128x64xf32, #tpu.memory_space<vmem>>)
        tpu.yield
      }) : () -> ()
      %scan3A_1284 = arith.constant 0 : i32
      %scan3A_1285 = arith.constant 128 : i32
      %scan3A_1286 = arith.addi %scan3A_1284, %scan3A_1285 : i32
      %scan3A_1287 = arith.constant 1 : i32
      scf.for %scan3A_1294 = %scan3A_1284 to %scan3A_1286 step %scan3A_1287  : i32 {
        %mul3A_1295 = arith.constant 128 : i32
        %mul3A_1296 = arith.muli %scan3A_1281, %mul3A_1295 : i32
        %add3A_1297 = arith.addi %mul3A_1296, %scan3A_1294 : i32
        %convert_element_type3A = arith.sitofp %add3A_1297 : i32 to f32
        %broadcast_in_dim3A_1298 = arith.constant 0.000000e+00 : f32
        %broadcast_in_dim3A_1299 = vector.broadcast %broadcast_in_dim3A_1298 : f32 to vector<16xf32>
        %add3A_1300 = vector.broadcast %convert_element_type3A : f32 to vector<16xf32>
        %add3A_1301 = arith.addf %broadcast_in_dim3A_1299, %add3A_1300 : vector<16xf32>
        %convert_element_type3A_1302 = arith.fptosi %add3A_1301 : vector<16xf32> to vector<16xi32>
        %gather3A = tpu.vector_load_idx %arg13[%convert_element_type3A_1302] : memref<640xf32, #tpu.memory_space<vmem>>[vector<16xi32>], vector<16xf32>,
        %get3A = arith.index_cast %scan3A_1294 : i32 to index
        %get3A_1303 = arith.constant 0 : index
        %get3A_1304 = tpu.vector_load %arg12[%get3A, %get3A_1303] {strides = array<i32>} : memref<128x64xf32, #tpu.memory_space<vmem>>, vector<16xf32>,
        %mul3A_1305 = arith.mulf %get3A_1304, %gather3A : vector<16xf32>
        %swap3A_1306 = arith.index_cast %scan3A_1294 : i32 to index
        %swap3A_1307 = arith.constant 0 : index
        %swap3A_1308 = tpu.vector_load %arg12[%swap3A_1306, %swap3A_1307] {strides = array<i32>} : memref<128x64xf32, #tpu.memory_space<vmem>>, vector<16xf32>,
        tpu.vector_store %arg12[%swap3A_1306, %swap3A_1307], %mul3A_1305 {strides = array<i32>} : memref<128x64xf32, #tpu.memory_space<vmem>>, vector<16xf32>,
        %get3A_1309 = arith.index_cast %scan3A_1294 : i32 to index
        %get3A_1310 = arith.constant 16 : index
        %get3A_1311 = tpu.vector_load %arg12[%get3A_1309, %get3A_1310] {strides = array<i32>} : memref<128x64xf32, #tpu.memory_space<vmem>>, vector<16xf32>,
        %mul3A_1312 = arith.mulf %get3A_1311, %gather3A : vector<16xf32>
        %swap3A_1313 = arith.index_cast %scan3A_1294 : i32 to index
        %swap3A_1314 = arith.constant 16 : index
        %swap3A_1315 = tpu.vector_load %arg12[%swap3A_1313, %swap3A_1314] {strides = array<i32>} : memref<128x64xf32, #tpu.memory_space<vmem>>, vector<16xf32>,
        tpu.vector_store %arg12[%swap3A_1313, %swap3A_1314], %mul3A_1312 {strides = array<i32>} : memref<128x64xf32, #tpu.memory_space<vmem>>, vector<16xf32>,
        %get3A_1316 = arith.index_cast %scan3A_1294 : i32 to index
        %get3A_1317 = arith.constant 32 : index
        %get3A_1318 = tpu.vector_load %arg12[%get3A_1316, %get3A_1317] {strides = array<i32>} : memref<128x64xf32, #tpu.memory_space<vmem>>, vector<16xf32>,
        %mul3A_1319 = arith.mulf %get3A_1318, %gather3A : vector<16xf32>
        %swap3A_1320 = arith.index_cast %scan3A_1294 : i32 to index
        %swap3A_1321 = arith.constant 32 : index
        %swap3A_1322 = tpu.vector_load %arg12[%swap3A_1320, %swap3A_1321] {strides = array<i32>} : memref<128x64xf32, #tpu.memory_space<vmem>>, vector<16xf32>,
        tpu.vector_store %arg12[%swap3A_1320, %swap3A_1321], %mul3A_1319 {strides = array<i32>} : memref<128x64xf32, #tpu.memory_space<vmem>>, vector<16xf32>,
        %get3A_1323 = arith.index_cast %scan3A_1294 : i32 to index
        %get3A_1324 = arith.constant 48 : index
        %get3A_1325 = tpu.vector_load %arg12[%get3A_1323, %get3A_1324] {strides = array<i32>} : memref<128x64xf32, #tpu.memory_space<vmem>>, vector<16xf32>,
        %mul3A_1326 = arith.mulf %get3A_1325, %gather3A : vector<16xf32>
        %swap3A_1327 = arith.index_cast %scan3A_1294 : i32 to index
        %swap3A_1328 = arith.constant 48 : index
        %swap3A_1329 = tpu.vector_load %arg12[%swap3A_1327, %swap3A_1328] {strides = array<i32>} : memref<128x64xf32, #tpu.memory_space<vmem>>, vector<16xf32>,
        tpu.vector_store %arg12[%swap3A_1327, %swap3A_1328], %mul3A_1326 {strides = array<i32>} : memref<128x64xf32, #tpu.memory_space<vmem>>, vector<16xf32>,
      }
      %scan3A_1288 = arith.constant 128 : i32
      "tpu.region"() ({
        %run_scoped3A = tpu.sem_alloc : memref<!tpu.dma_semaphore, #tpu.memory_space<semaphore_mem>>
        %dma_start3A_1294 = arith.constant 0 : i32
        %dma_start3A_1295 = tpu.memref_slice %arg7[%arg0, %add3A, %dma_start3A_1294] : memref<2x10240x64xf32, #tpu.memory_space<hbm>> -> memref<1x128x64xf32, #tpu.memory_space<hbm>>
        %dma_start3A_1296 = tpu.memref_squeeze %dma_start3A_1295 : memref<1x128x64xf32, #tpu.memory_space<hbm>> -> memref<128x64xf32, #tpu.memory_space<hbm>>
        %dma_start3A_1297 = arith.constant 0 : i32
        %dma_start3A_1298 = tpu.memref_slice %arg7[%arg0, %add3A, %dma_start3A_1297] : memref<2x10240x64xf32, #tpu.memory_space<hbm>> -> memref<1x128x64xf32, #tpu.memory_space<hbm>>
        %dma_start3A_1299 = tpu.memref_squeeze %dma_start3A_1298 : memref<1x128x64xf32, #tpu.memory_space<hbm>> -> memref<128x64xf32, #tpu.memory_space<hbm>>
        tpu.enqueue_dma source(%arg12 : memref<128x64xf32, #tpu.memory_space<vmem>>) target(%dma_start3A_1299 : memref<128x64xf32, #tpu.memory_space<hbm>>) target_semaphore(%run_scoped3A : memref<!tpu.dma_semaphore, #tpu.memory_space<semaphore_mem>>)
        %dma_wait3A_1300 = arith.constant 0 : i32
        %dma_wait3A_1301 = tpu.memref_slice %arg7[%arg0, %add3A, %dma_wait3A_1300] : memref<2x10240x64xf32, #tpu.memory_space<hbm>> -> memref<1x128x64xf32, #tpu.memory_space<hbm>>
        %dma_wait3A_1302 = tpu.memref_squeeze %dma_wait3A_1301 : memref<1x128x64xf32, #tpu.memory_space<hbm>> -> memref<128x64xf32, #tpu.memory_space<hbm>>
        %dma_wait3A_1303 = arith.constant 0 : i32
        %dma_wait3A_1304 = tpu.memref_slice %arg7[%arg0, %add3A, %dma_wait3A_1303] : memref<2x10240x64xf32, #tpu.memory_space<hbm>> -> memref<1x128x64xf32, #tpu.memory_space<hbm>>
        %dma_wait3A_1305 = tpu.memref_squeeze %dma_wait3A_1304 : memref<1x128x64xf32, #tpu.memory_space<hbm>> -> memref<128x64xf32, #tpu.memory_space<hbm>>
        tpu.wait_dma2 semaphore(%run_scoped3A : memref<!tpu.dma_semaphore, #tpu.memory_space<semaphore_mem>>) src(%arg12 : memref<128x64xf32, #tpu.memory_space<vmem>>) dst(%dma_wait3A_1305 : memref<128x64xf32, #tpu.memory_space<hbm>>)
        tpu.yield
      }) : () -> ()
      %scan3A_1289 = arith.constant 0 : i32
      %scan3A_1290 = arith.constant 128 : i32
      %scan3A_1291 = arith.addi %scan3A_1289, %scan3A_1290 : i32
      %scan3A_1292 = arith.constant 1 : i32
      scf.for %scan3A_1294 = %scan3A_1289 to %scan3A_1291 step %scan3A_1292  : i32 {
        %mul3A_1295 = arith.constant 128 : i32
        %mul3A_1296 = arith.muli %scan3A_1281, %mul3A_1295 : i32
        %add3A_1297 = arith.addi %mul3A_1296, %scan3A_1294 : i32
        %convert_element_type3A = arith.sitofp %add3A_1297 : i32 to f32
        %broadcast_in_dim3A_1298 = arith.constant 0.000000e+00 : f32
        %broadcast_in_dim3A_1299 = vector.broadcast %broadcast_in_dim3A_1298 : f32 to vector<16xf32>
        %add3A_1300 = vector.broadcast %convert_element_type3A : f32 to vector<16xf32>
        %add3A_1301 = arith.addf %broadcast_in_dim3A_1299, %add3A_1300 : vector<16xf32>
        %convert_element_type3A_1302 = arith.fptosi %add3A_1301 : vector<16xf32> to vector<16xi32>
        %gather3A = tpu.vector_load_idx %arg13[%convert_element_type3A_1302] : memref<640xf32, #tpu.memory_space<vmem>>[vector<16xi32>], vector<16xf32>,
        %get3A = arith.index_cast %scan3A_1294 : i32 to index
        %get3A_1303 = arith.constant 0 : index
        %get3A_1304 = tpu.vector_load %arg12[%get3A, %get3A_1303] {strides = array<i32>} : memref<128x64xf32, #tpu.memory_space<vmem>>, vector<16xf32>,
        %mul3A_1305 = arith.mulf %get3A_1304, %gather3A : vector<16xf32>
        %swap3A_1306 = arith.index_cast %scan3A_1294 : i32 to index
        %swap3A_1307 = arith.constant 0 : index
        %swap3A_1308 = tpu.vector_load %arg12[%swap3A_1306, %swap3A_1307] {strides = array<i32>} : memref<128x64xf32, #tpu.memory_space<vmem>>, vector<16xf32>,
        tpu.vector_store %arg12[%swap3A_1306, %swap3A_1307], %mul3A_1305 {strides = array<i32>} : memref<128x64xf32, #tpu.memory_space<vmem>>, vector<16xf32>,
        %get3A_1309 = arith.index_cast %scan3A_1294 : i32 to index
        %get3A_1310 = arith.constant 16 : index
        %get3A_1311 = tpu.vector_load %arg12[%get3A_1309, %get3A_1310] {strides = array<i32>} : memref<128x64xf32, #tpu.memory_space<vmem>>, vector<16xf32>,
        %mul3A_1312 = arith.mulf %get3A_1311, %gather3A : vector<16xf32>
        %swap3A_1313 = arith.index_cast %scan3A_1294 : i32 to index
        %swap3A_1314 = arith.constant 16 : index
        %swap3A_1315 = tpu.vector_load %arg12[%swap3A_1313, %swap3A_1314] {strides = array<i32>} : memref<128x64xf32, #tpu.memory_space<vmem>>, vector<16xf32>,
        tpu.vector_store %arg12[%swap3A_1313, %swap3A_1314], %mul3A_1312 {strides = array<i32>} : memref<128x64xf32, #tpu.memory_space<vmem>>, vector<16xf32>,
        %get3A_1316 = arith.index_cast %scan3A_1294 : i32 to index
        %get3A_1317 = arith.constant 32 : index
        %get3A_1318 = tpu.vector_load %arg12[%get3A_1316, %get3A_1317] {strides = array<i32>} : memref<128x64xf32, #tpu.memory_space<vmem>>, vector<16xf32>,
        %mul3A_1319 = arith.mulf %get3A_1318, %gather3A : vector<16xf32>
        %swap3A_1320 = arith.index_cast %scan3A_1294 : i32 to index
        %swap3A_1321 = arith.constant 32 : index
        %swap3A_1322 = tpu.vector_load %arg12[%swap3A_1320, %swap3A_1321] {strides = array<i32>} : memref<128x64xf32, #tpu.memory_space<vmem>>, vector<16xf32>,
        tpu.vector_store %arg12[%swap3A_1320, %swap3A_1321], %mul3A_1319 {strides = array<i32>} : memref<128x64xf32, #tpu.memory_space<vmem>>, vector<16xf32>,
        %get3A_1323 = arith.index_cast %scan3A_1294 : i32 to index
        %get3A_1324 = arith.constant 48 : index
        %get3A_1325 = tpu.vector_load %arg12[%get3A_1323, %get3A_1324] {strides = array<i32>} : memref<128x64xf32, #tpu.memory_space<vmem>>, vector<16xf32>,
        %mul3A_1326 = arith.mulf %get3A_1325, %gather3A : vector<16xf32>
        %swap3A_1327 = arith.index_cast %scan3A_1294 : i32 to index
        %swap3A_1328 = arith.constant 48 : index
        %swap3A_1329 = tpu.vector_load %arg12[%swap3A_1327, %swap3A_1328] {strides = array<i32>} : memref<128x64xf32, #tpu.memory_space<vmem>>, vector<16xf32>,
        tpu.vector_store %arg12[%swap3A_1327, %swap3A_1328], %mul3A_1326 {strides = array<i32>} : memref<128x64xf32, #tpu.memory_space<vmem>>, vector<16xf32>,
      }
      %scan3A_1293 = arith.constant 128 : i32
      "tpu.region"() ({
        %run_scoped3A = tpu.sem_alloc : memref<!tpu.dma_semaphore, #tpu.memory_space<semaphore_mem>>
        %dma_start3A_1294 = arith.constant 0 : i32
        %dma_start3A_1295 = tpu.memref_slice %arg16[%add3A, %dma_start3A_1294] : memref<10240x64xf32, #tpu.memory_space<vmem_shared>> -> memref<128x64xf32, #tpu.memory_space<vmem_shared>>
        %dma_start3A_1296 = arith.constant 0 : i32
        %dma_start3A_1297 = tpu.memref_slice %arg16[%add3A, %dma_start3A_1296] : memref<10240x64xf32, #tpu.memory_space<vmem_shared>> -> memref<128x64xf32, #tpu.memory_space<vmem_shared>>
        tpu.enqueue_dma source(%arg12 : memref<128x64xf32, #tpu.memory_space<vmem>>) target(%dma_start3A_1297 : memref<128x64xf32, #tpu.memory_space<vmem_shared>>) target_semaphore(%run_scoped3A : memref<!tpu.dma_semaphore, #tpu.memory_space<semaphore_mem>>)
        %dma_wait3A_1298 = arith.constant 0 : i32
        %dma_wait3A_1299 = tpu.memref_slice %arg16[%add3A, %dma_wait3A_1298] : memref<10240x64xf32, #tpu.memory_space<vmem_shared>> -> memref<128x64xf32, #tpu.memory_space<vmem_shared>>
        %dma_wait3A_1300 = arith.constant 0 : i32
        %dma_wait3A_1301 = tpu.memref_slice %arg16[%add3A, %dma_wait3A_1300] : memref<10240x64xf32, #tpu.memory_space<vmem_shared>> -> memref<128x64xf32, #tpu.memory_space<vmem_shared>>
        tpu.wait_dma2 semaphore(%run_scoped3A : memref<!tpu.dma_semaphore, #tpu.memory_space<semaphore_mem>>) src(%arg12 : memref<128x64xf32, #tpu.memory_space<vmem>>) dst(%dma_wait3A_1301 : memref<128x64xf32, #tpu.memory_space<vmem_shared>>)
        tpu.yield
      }) : () -> ()
    }
    %scan3A_659 = arith.constant 5 : i32
    %mul3A_660 = arith.constant 640 : i32
    %mul3A_661 = arith.muli %arg1, %mul3A_660 : i32
    %mul3A_662 = arith.constant 640 : i32
    %mul3A_663 = arith.muli %arg1, %mul3A_662 : i32
    "tpu.region"() ({
      %run_scoped3A = tpu.sem_alloc : memref<!tpu.dma_semaphore, #tpu.memory_space<semaphore_mem>>
      %dma_start3A_1281 = arith.constant 0 : i32
      %dma_start3A_1282 = tpu.memref_slice %arg15[%mul3A_663, %dma_start3A_1281] : memref<10240x64xf32, #tpu.memory_space<vmem_shared>> -> memref<640x64xf32, #tpu.memory_space<vmem_shared>>
      %dma_start3A_1283 = arith.constant 0 : i32
      %dma_start3A_1284 = tpu.memref_slice %arg6[%mul3A_661, %dma_start3A_1283] : memref<10240x64xf32, #tpu.memory_space<hbm>> -> memref<640x64xf32, #tpu.memory_space<hbm>>
      tpu.enqueue_dma source(%dma_start3A_1284 : memref<640x64xf32, #tpu.memory_space<hbm>>) target(%dma_start3A_1282 : memref<640x64xf32, #tpu.memory_space<vmem_shared>>) target_semaphore(%run_scoped3A : memref<!tpu.dma_semaphore, #tpu.memory_space<semaphore_mem>>)
      %dma_wait3A_1285 = arith.constant 0 : i32
      %dma_wait3A_1286 = tpu.memref_slice %arg15[%mul3A_663, %dma_wait3A_1285] : memref<10240x64xf32, #tpu.memory_space<vmem_shared>> -> memref<640x64xf32, #tpu.memory_space<vmem_shared>>
      %dma_wait3A_1287 = arith.constant 0 : i32
      %dma_wait3A_1288 = tpu.memref_slice %arg6[%mul3A_661, %dma_wait3A_1287] : memref<10240x64xf32, #tpu.memory_space<hbm>> -> memref<640x64xf32, #tpu.memory_space<hbm>>
      tpu.wait_dma2 semaphore(%run_scoped3A : memref<!tpu.dma_semaphore, #tpu.memory_space<semaphore_mem>>) src(%dma_wait3A_1288 : memref<640x64xf32, #tpu.memory_space<hbm>>) dst(%dma_wait3A_1286 : memref<640x64xf32, #tpu.memory_space<vmem_shared>>)
      tpu.yield
    }) : () -> ()
    %barrier3A_664 = arith.constant 0 : index
    tpu.barrier barrier_id(%barrier3A_664)
    "tpu.region"() ({
      %run_scoped3A = tpu.sem_alloc : memref<!tpu.dma_semaphore, #tpu.memory_space<semaphore_mem>>
      %dma_start3A_1281 = arith.constant 0 : i32
      %dma_start3A_1282 = arith.constant 0 : i32
      %dma_start3A_1283 = tpu.memref_slice %arg3[%arg1, %dma_start3A_1281, %dma_start3A_1282] : memref<16x644x32xi32, #tpu.memory_space<hbm>> -> memref<1x324x32xi32, #tpu.memory_space<hbm>>
      %dma_start3A_1284 = tpu.memref_squeeze %dma_start3A_1283 : memref<1x324x32xi32, #tpu.memory_space<hbm>> -> memref<324x32xi32, #tpu.memory_space<hbm>>
      %dma_start3A_1285 = arith.constant 0 : i32
      %dma_start3A_1286 = arith.constant 0 : i32
      %dma_start3A_1287 = tpu.memref_slice %arg3[%arg1, %dma_start3A_1285, %dma_start3A_1286] : memref<16x644x32xi32, #tpu.memory_space<hbm>> -> memref<1x324x32xi32, #tpu.memory_space<hbm>>
      %dma_start3A_1288 = tpu.memref_squeeze %dma_start3A_1287 : memref<1x324x32xi32, #tpu.memory_space<hbm>> -> memref<324x32xi32, #tpu.memory_space<hbm>>
      tpu.enqueue_dma source(%dma_start3A_1288 : memref<324x32xi32, #tpu.memory_space<hbm>>) target(%arg9 : memref<324x32xi32, #tpu.memory_space<vmem>>) target_semaphore(%run_scoped3A : memref<!tpu.dma_semaphore, #tpu.memory_space<semaphore_mem>>)
      %dma_wait3A_1289 = arith.constant 0 : i32
      %dma_wait3A_1290 = arith.constant 0 : i32
      %dma_wait3A_1291 = tpu.memref_slice %arg3[%arg1, %dma_wait3A_1289, %dma_wait3A_1290] : memref<16x644x32xi32, #tpu.memory_space<hbm>> -> memref<1x324x32xi32, #tpu.memory_space<hbm>>
      %dma_wait3A_1292 = tpu.memref_squeeze %dma_wait3A_1291 : memref<1x324x32xi32, #tpu.memory_space<hbm>> -> memref<324x32xi32, #tpu.memory_space<hbm>>
      %dma_wait3A_1293 = arith.constant 0 : i32
      %dma_wait3A_1294 = arith.constant 0 : i32
      %dma_wait3A_1295 = tpu.memref_slice %arg3[%arg1, %dma_wait3A_1293, %dma_wait3A_1294] : memref<16x644x32xi32, #tpu.memory_space<hbm>> -> memref<1x324x32xi32, #tpu.memory_space<hbm>>
      %dma_wait3A_1296 = tpu.memref_squeeze %dma_wait3A_1295 : memref<1x324x32xi32, #tpu.memory_space<hbm>> -> memref<324x32xi32, #tpu.memory_space<hbm>>
      tpu.wait_dma2 semaphore(%run_scoped3A : memref<!tpu.dma_semaphore, #tpu.memory_space<semaphore_mem>>) src(%dma_wait3A_1296 : memref<324x32xi32, #tpu.memory_space<hbm>>) dst(%arg9 : memref<324x32xi32, #tpu.memory_space<vmem>>)
      tpu.yield
    }) : () -> ()
    "tpu.region"() ({
      %run_scoped3A = tpu.sem_alloc : memref<!tpu.dma_semaphore, #tpu.memory_space<semaphore_mem>>
      %dma_start3A_1281 = arith.constant 0 : i32
      %dma_start3A_1282 = arith.constant 0 : i32
      %dma_start3A_1283 = tpu.memref_slice %arg4[%arg1, %dma_start3A_1281, %dma_start3A_1282] : memref<16x640x32xi32, #tpu.memory_space<hbm>> -> memref<1x320x32xi32, #tpu.memory_space<hbm>>
      %dma_start3A_1284 = tpu.memref_squeeze %dma_start3A_1283 : memref<1x320x32xi32, #tpu.memory_space<hbm>> -> memref<320x32xi32, #tpu.memory_space<hbm>>
      %dma_start3A_1285 = arith.constant 0 : i32
      %dma_start3A_1286 = arith.constant 0 : i32
      %dma_start3A_1287 = tpu.memref_slice %arg4[%arg1, %dma_start3A_1285, %dma_start3A_1286] : memref<16x640x32xi32, #tpu.memory_space<hbm>> -> memref<1x320x32xi32, #tpu.memory_space<hbm>>
      %dma_start3A_1288 = tpu.memref_squeeze %dma_start3A_1287 : memref<1x320x32xi32, #tpu.memory_space<hbm>> -> memref<320x32xi32, #tpu.memory_space<hbm>>
      tpu.enqueue_dma source(%dma_start3A_1288 : memref<320x32xi32, #tpu.memory_space<hbm>>) target(%arg10 : memref<320x32xi32, #tpu.memory_space<vmem>>) target_semaphore(%run_scoped3A : memref<!tpu.dma_semaphore, #tpu.memory_space<semaphore_mem>>)
      %dma_wait3A_1289 = arith.constant 0 : i32
      %dma_wait3A_1290 = arith.constant 0 : i32
      %dma_wait3A_1291 = tpu.memref_slice %arg4[%arg1, %dma_wait3A_1289, %dma_wait3A_1290] : memref<16x640x32xi32, #tpu.memory_space<hbm>> -> memref<1x320x32xi32, #tpu.memory_space<hbm>>
      %dma_wait3A_1292 = tpu.memref_squeeze %dma_wait3A_1291 : memref<1x320x32xi32, #tpu.memory_space<hbm>> -> memref<320x32xi32, #tpu.memory_space<hbm>>
      %dma_wait3A_1293 = arith.constant 0 : i32
      %dma_wait3A_1294 = arith.constant 0 : i32
      %dma_wait3A_1295 = tpu.memref_slice %arg4[%arg1, %dma_wait3A_1293, %dma_wait3A_1294] : memref<16x640x32xi32, #tpu.memory_space<hbm>> -> memref<1x320x32xi32, #tpu.memory_space<hbm>>
      %dma_wait3A_1296 = tpu.memref_squeeze %dma_wait3A_1295 : memref<1x320x32xi32, #tpu.memory_space<hbm>> -> memref<320x32xi32, #tpu.memory_space<hbm>>
      tpu.wait_dma2 semaphore(%run_scoped3A : memref<!tpu.dma_semaphore, #tpu.memory_space<semaphore_mem>>) src(%dma_wait3A_1296 : memref<320x32xi32, #tpu.memory_space<hbm>>) dst(%arg10 : memref<320x32xi32, #tpu.memory_space<vmem>>)
      tpu.yield
    }) : () -> ()
    %dma_start3A_665 = arith.constant 0 : i32
    %dma_start3A_666 = arith.constant 0 : i32
    %dma_start3A_667 = arith.constant 0 : i32
    %dma_start3A_668 = arith.constant 0 : i32
    %dma_start3A_669 = arith.constant 0 : i32
    %dma_start3A_670 = tpu.memref_slice %arg11[%dma_start3A_666, %dma_start3A_668, %dma_start3A_669] : memref<4x32x64xf32, #tpu.memory_space<vmem>> -> memref<1x32x64xf32, #tpu.memory_space<vmem>>
    %dma_start3A_671 = tpu.memref_squeeze %dma_start3A_670 : memref<1x32x64xf32, #tpu.memory_space<vmem>> -> memref<32x64xf32, #tpu.memory_space<vmem>>
    %dma_start3A_672 = arith.constant 0 : i32
    %dma_start3A_673 = tpu.memref_slice %arg9[%dma_start3A_665, %dma_start3A_672] : memref<324x32xi32, #tpu.memory_space<vmem>> -> memref<1x32xi32, #tpu.memory_space<vmem>>
    %dma_start3A_674 = tpu.memref_squeeze %dma_start3A_673 : memref<1x32xi32, #tpu.memory_space<vmem>> -> memref<32xi32, #tpu.memory_space<vmem>>
    %dma_start3A_675 = arith.constant 0 : i32
    %dma_start3A_676 = arith.constant 0 : i32
    %dma_start3A_677 = tpu.memref_slice %arg16[%dma_start3A_675, %dma_start3A_676] : memref<10240x64xf32, #tpu.memory_space<vmem_shared>> -> memref<10240x64xf32, #tpu.memory_space<vmem_shared>>
    %dma_start3A_678 = tpu.memref_slice %arg18[%dma_start3A_667] : memref<4x!tpu.dma_semaphore, #tpu.memory_space<semaphore_mem>> -> memref<1x!tpu.dma_semaphore, #tpu.memory_space<semaphore_mem>>
    %dma_start3A_679 = tpu.memref_squeeze %dma_start3A_678 : memref<1x!tpu.dma_semaphore, #tpu.memory_space<semaphore_mem>> -> memref<!tpu.dma_semaphore, #tpu.memory_space<semaphore_mem>>
    tpu.enqueue_indirect_dma source(%dma_start3A_677 : memref<10240x64xf32, #tpu.memory_space<vmem_shared>>) target(%dma_start3A_671 : memref<32x64xf32, #tpu.memory_space<vmem>>) offsets(%dma_start3A_674 : memref<32xi32, #tpu.memory_space<vmem>>) semaphore(%dma_start3A_679 : memref<!tpu.dma_semaphore, #tpu.memory_space<semaphore_mem>>)
    %dma_start3A_680 = arith.constant 1 : i32
    %dma_start3A_681 = arith.constant 1 : i32
    %dma_start3A_682 = arith.constant 1 : i32
    %dma_start3A_683 = arith.constant 0 : i32
    %dma_start3A_684 = arith.constant 0 : i32
    %dma_start3A_685 = tpu.memref_slice %arg11[%dma_start3A_681, %dma_start3A_683, %dma_start3A_684] : memref<4x32x64xf32, #tpu.memory_space<vmem>> -> memref<1x32x64xf32, #tpu.memory_space<vmem>>
    %dma_start3A_686 = tpu.memref_squeeze %dma_start3A_685 : memref<1x32x64xf32, #tpu.memory_space<vmem>> -> memref<32x64xf32, #tpu.memory_space<vmem>>
    %dma_start3A_687 = arith.constant 0 : i32
    %dma_start3A_688 = tpu.memref_slice %arg9[%dma_start3A_680, %dma_start3A_687] : memref<324x32xi32, #tpu.memory_space<vmem>> -> memref<1x32xi32, #tpu.memory_space<vmem>>
    %dma_start3A_689 = tpu.memref_squeeze %dma_start3A_688 : memref<1x32xi32, #tpu.memory_space<vmem>> -> memref<32xi32, #tpu.memory_space<vmem>>
    %dma_start3A_690 = arith.constant 0 : i32
    %dma_start3A_691 = arith.constant 0 : i32
    %dma_start3A_692 = tpu.memref_slice %arg16[%dma_start3A_690, %dma_start3A_691] : memref<10240x64xf32, #tpu.memory_space<vmem_shared>> -> memref<10240x64xf32, #tpu.memory_space<vmem_shared>>
    %dma_start3A_693 = tpu.memref_slice %arg18[%dma_start3A_682] : memref<4x!tpu.dma_semaphore, #tpu.memory_space<semaphore_mem>> -> memref<1x!tpu.dma_semaphore, #tpu.memory_space<semaphore_mem>>
    %dma_start3A_694 = tpu.memref_squeeze %dma_start3A_693 : memref<1x!tpu.dma_semaphore, #tpu.memory_space<semaphore_mem>> -> memref<!tpu.dma_semaphore, #tpu.memory_space<semaphore_mem>>
    tpu.enqueue_indirect_dma source(%dma_start3A_692 : memref<10240x64xf32, #tpu.memory_space<vmem_shared>>) target(%dma_start3A_686 : memref<32x64xf32, #tpu.memory_space<vmem>>) offsets(%dma_start3A_689 : memref<32xi32, #tpu.memory_space<vmem>>) semaphore(%dma_start3A_694 : memref<!tpu.dma_semaphore, #tpu.memory_space<semaphore_mem>>)
    %dma_wait3A_695 = arith.constant 0 : i32
    %dma_wait3A_696 = arith.constant 0 : i32
    %dma_wait3A_697 = arith.constant 0 : i32
    %dma_wait3A_698 = arith.constant 0 : i32
    %dma_wait3A_699 = arith.constant 0 : i32
    %dma_wait3A_700 = tpu.memref_slice %arg11[%dma_wait3A_696, %dma_wait3A_698, %dma_wait3A_699] : memref<4x32x64xf32, #tpu.memory_space<vmem>> -> memref<1x32x64xf32, #tpu.memory_space<vmem>>
    %dma_wait3A_701 = tpu.memref_squeeze %dma_wait3A_700 : memref<1x32x64xf32, #tpu.memory_space<vmem>> -> memref<32x64xf32, #tpu.memory_space<vmem>>
    %dma_wait3A_702 = arith.constant 0 : i32
    %dma_wait3A_703 = tpu.memref_slice %arg9[%dma_wait3A_695, %dma_wait3A_702] : memref<324x32xi32, #tpu.memory_space<vmem>> -> memref<1x32xi32, #tpu.memory_space<vmem>>
    %dma_wait3A_704 = tpu.memref_squeeze %dma_wait3A_703 : memref<1x32xi32, #tpu.memory_space<vmem>> -> memref<32xi32, #tpu.memory_space<vmem>>
    %dma_wait3A_705 = arith.constant 0 : i32
    %dma_wait3A_706 = arith.constant 0 : i32
    %dma_wait3A_707 = tpu.memref_slice %arg16[%dma_wait3A_705, %dma_wait3A_706] : memref<10240x64xf32, #tpu.memory_space<vmem_shared>> -> memref<10240x64xf32, #tpu.memory_space<vmem_shared>>
    %dma_wait3A_708 = tpu.memref_slice %arg18[%dma_wait3A_697] : memref<4x!tpu.dma_semaphore, #tpu.memory_space<semaphore_mem>> -> memref<1x!tpu.dma_semaphore, #tpu.memory_space<semaphore_mem>>
    %dma_wait3A_709 = tpu.memref_squeeze %dma_wait3A_708 : memref<1x!tpu.dma_semaphore, #tpu.memory_space<semaphore_mem>> -> memref<!tpu.dma_semaphore, #tpu.memory_space<semaphore_mem>>
    tpu.wait_indirect_dma semaphore(%dma_wait3A_709 : memref<!tpu.dma_semaphore, #tpu.memory_space<semaphore_mem>>) src(%dma_wait3A_707 : memref<10240x64xf32, #tpu.memory_space<vmem_shared>>) dst(%dma_wait3A_701 : memref<32x64xf32, #tpu.memory_space<vmem>>)
    %dma_start3A_710 = arith.constant 0 : i32
    %dma_start3A_711 = arith.constant 0 : i32
    %dma_start3A_712 = arith.constant 0 : i32
    %dma_start3A_713 = arith.constant 0 : i32
    %dma_start3A_714 = arith.constant 0 : i32
    %dma_start3A_715 = tpu.memref_slice %arg11[%dma_start3A_710, %dma_start3A_713, %dma_start3A_714] : memref<4x32x64xf32, #tpu.memory_space<vmem>> -> memref<1x32x64xf32, #tpu.memory_space<vmem>>
    %dma_start3A_716 = tpu.memref_squeeze %dma_start3A_715 : memref<1x32x64xf32, #tpu.memory_space<vmem>> -> memref<32x64xf32, #tpu.memory_space<vmem>>
    %dma_start3A_717 = arith.constant 0 : i32
    %dma_start3A_718 = tpu.memref_slice %arg10[%dma_start3A_711, %dma_start3A_717] : memref<320x32xi32, #tpu.memory_space<vmem>> -> memref<1x32xi32, #tpu.memory_space<vmem>>
    %dma_start3A_719 = tpu.memref_squeeze %dma_start3A_718 : memref<1x32xi32, #tpu.memory_space<vmem>> -> memref<32xi32, #tpu.memory_space<vmem>>
    %dma_start3A_720 = arith.constant 0 : i32
    %dma_start3A_721 = arith.constant 0 : i32
    %dma_start3A_722 = tpu.memref_slice %arg15[%dma_start3A_720, %dma_start3A_721] : memref<10240x64xf32, #tpu.memory_space<vmem_shared>> -> memref<10240x64xf32, #tpu.memory_space<vmem_shared>>
    %dma_start3A_723 = tpu.memref_slice %arg19[%dma_start3A_712] : memref<4x!tpu.dma_semaphore, #tpu.memory_space<semaphore_mem>> -> memref<1x!tpu.dma_semaphore, #tpu.memory_space<semaphore_mem>>
    %dma_start3A_724 = tpu.memref_squeeze %dma_start3A_723 : memref<1x!tpu.dma_semaphore, #tpu.memory_space<semaphore_mem>> -> memref<!tpu.dma_semaphore, #tpu.memory_space<semaphore_mem>>
    tpu.enqueue_indirect_dma source(%dma_start3A_716 : memref<32x64xf32, #tpu.memory_space<vmem>>) target(%dma_start3A_722 : memref<10240x64xf32, #tpu.memory_space<vmem_shared>>) offsets(%dma_start3A_719 : memref<32xi32, #tpu.memory_space<vmem>>) semaphore(%dma_start3A_724 : memref<!tpu.dma_semaphore, #tpu.memory_space<semaphore_mem>>) {add = true}
    %dma_start3A_725 = arith.constant 2 : i32
    %dma_start3A_726 = arith.constant 2 : i32
    %dma_start3A_727 = arith.constant 2 : i32
    %dma_start3A_728 = arith.constant 0 : i32
    %dma_start3A_729 = arith.constant 0 : i32
    %dma_start3A_730 = tpu.memref_slice %arg11[%dma_start3A_726, %dma_start3A_728, %dma_start3A_729] : memref<4x32x64xf32, #tpu.memory_space<vmem>> -> memref<1x32x64xf32, #tpu.memory_space<vmem>>
    %dma_start3A_731 = tpu.memref_squeeze %dma_start3A_730 : memref<1x32x64xf32, #tpu.memory_space<vmem>> -> memref<32x64xf32, #tpu.memory_space<vmem>>
    %dma_start3A_732 = arith.constant 0 : i32
    %dma_start3A_733 = tpu.memref_slice %arg9[%dma_start3A_725, %dma_start3A_732] : memref<324x32xi32, #tpu.memory_space<vmem>> -> memref<1x32xi32, #tpu.memory_space<vmem>>
    %dma_start3A_734 = tpu.memref_squeeze %dma_start3A_733 : memref<1x32xi32, #tpu.memory_space<vmem>> -> memref<32xi32, #tpu.memory_space<vmem>>
    %dma_start3A_735 = arith.constant 0 : i32
    %dma_start3A_736 = arith.constant 0 : i32
    %dma_start3A_737 = tpu.memref_slice %arg16[%dma_start3A_735, %dma_start3A_736] : memref<10240x64xf32, #tpu.memory_space<vmem_shared>> -> memref<10240x64xf32, #tpu.memory_space<vmem_shared>>
    %dma_start3A_738 = tpu.memref_slice %arg18[%dma_start3A_727] : memref<4x!tpu.dma_semaphore, #tpu.memory_space<semaphore_mem>> -> memref<1x!tpu.dma_semaphore, #tpu.memory_space<semaphore_mem>>
    %dma_start3A_739 = tpu.memref_squeeze %dma_start3A_738 : memref<1x!tpu.dma_semaphore, #tpu.memory_space<semaphore_mem>> -> memref<!tpu.dma_semaphore, #tpu.memory_space<semaphore_mem>>
    tpu.enqueue_indirect_dma source(%dma_start3A_737 : memref<10240x64xf32, #tpu.memory_space<vmem_shared>>) target(%dma_start3A_731 : memref<32x64xf32, #tpu.memory_space<vmem>>) offsets(%dma_start3A_734 : memref<32xi32, #tpu.memory_space<vmem>>) semaphore(%dma_start3A_739 : memref<!tpu.dma_semaphore, #tpu.memory_space<semaphore_mem>>)
    %dma_wait3A_740 = arith.constant 0 : i32
    %dma_wait3A_741 = arith.constant 1 : i32
    %dma_wait3A_742 = arith.constant 1 : i32
    %dma_wait3A_743 = arith.constant 0 : i32
    %dma_wait3A_744 = arith.constant 0 : i32
    %dma_wait3A_745 = tpu.memref_slice %arg11[%dma_wait3A_741, %dma_wait3A_743, %dma_wait3A_744] : memref<4x32x64xf32, #tpu.memory_space<vmem>> -> memref<1x32x64xf32, #tpu.memory_space<vmem>>
    %dma_wait3A_746 = tpu.memref_squeeze %dma_wait3A_745 : memref<1x32x64xf32, #tpu.memory_space<vmem>> -> memref<32x64xf32, #tpu.memory_space<vmem>>
    %dma_wait3A_747 = arith.constant 0 : i32
    %dma_wait3A_748 = tpu.memref_slice %arg9[%dma_wait3A_740, %dma_wait3A_747] : memref<324x32xi32, #tpu.memory_space<vmem>> -> memref<1x32xi32, #tpu.memory_space<vmem>>
    %dma_wait3A_749 = tpu.memref_squeeze %dma_wait3A_748 : memref<1x32xi32, #tpu.memory_space<vmem>> -> memref<32xi32, #tpu.memory_space<vmem>>
    %dma_wait3A_750 = arith.constant 0 : i32
    %dma_wait3A_751 = arith.constant 0 : i32
    %dma_wait3A_752 = tpu.memref_slice %arg16[%dma_wait3A_750, %dma_wait3A_751] : memref<10240x64xf32, #tpu.memory_space<vmem_shared>> -> memref<10240x64xf32, #tpu.memory_space<vmem_shared>>
    %dma_wait3A_753 = tpu.memref_slice %arg18[%dma_wait3A_742] : memref<4x!tpu.dma_semaphore, #tpu.memory_space<semaphore_mem>> -> memref<1x!tpu.dma_semaphore, #tpu.memory_space<semaphore_mem>>
    %dma_wait3A_754 = tpu.memref_squeeze %dma_wait3A_753 : memref<1x!tpu.dma_semaphore, #tpu.memory_space<semaphore_mem>> -> memref<!tpu.dma_semaphore, #tpu.memory_space<semaphore_mem>>
    tpu.wait_indirect_dma semaphore(%dma_wait3A_754 : memref<!tpu.dma_semaphore, #tpu.memory_space<semaphore_mem>>) src(%dma_wait3A_752 : memref<10240x64xf32, #tpu.memory_space<vmem_shared>>) dst(%dma_wait3A_746 : memref<32x64xf32, #tpu.memory_space<vmem>>)
    %dma_start3A_755 = arith.constant 1 : i32
    %dma_start3A_756 = arith.constant 1 : i32
    %dma_start3A_757 = arith.constant 1 : i32
    %dma_start3A_758 = arith.constant 0 : i32
    %dma_start3A_759 = arith.constant 0 : i32
    %dma_start3A_760 = tpu.memref_slice %arg11[%dma_start3A_755, %dma_start3A_758, %dma_start3A_759] : memref<4x32x64xf32, #tpu.memory_space<vmem>> -> memref<1x32x64xf32, #tpu.memory_space<vmem>>
    %dma_start3A_761 = tpu.memref_squeeze %dma_start3A_760 : memref<1x32x64xf32, #tpu.memory_space<vmem>> -> memref<32x64xf32, #tpu.memory_space<vmem>>
    %dma_start3A_762 = arith.constant 0 : i32
    %dma_start3A_763 = tpu.memref_slice %arg10[%dma_start3A_756, %dma_start3A_762] : memref<320x32xi32, #tpu.memory_space<vmem>> -> memref<1x32xi32, #tpu.memory_space<vmem>>
    %dma_start3A_764 = tpu.memref_squeeze %dma_start3A_763 : memref<1x32xi32, #tpu.memory_space<vmem>> -> memref<32xi32, #tpu.memory_space<vmem>>
    %dma_start3A_765 = arith.constant 0 : i32
    %dma_start3A_766 = arith.constant 0 : i32
    %dma_start3A_767 = tpu.memref_slice %arg15[%dma_start3A_765, %dma_start3A_766] : memref<10240x64xf32, #tpu.memory_space<vmem_shared>> -> memref<10240x64xf32, #tpu.memory_space<vmem_shared>>
    %dma_start3A_768 = tpu.memref_slice %arg19[%dma_start3A_757] : memref<4x!tpu.dma_semaphore, #tpu.memory_space<semaphore_mem>> -> memref<1x!tpu.dma_semaphore, #tpu.memory_space<semaphore_mem>>
    %dma_start3A_769 = tpu.memref_squeeze %dma_start3A_768 : memref<1x!tpu.dma_semaphore, #tpu.memory_space<semaphore_mem>> -> memref<!tpu.dma_semaphore, #tpu.memory_space<semaphore_mem>>
    tpu.enqueue_indirect_dma source(%dma_start3A_761 : memref<32x64xf32, #tpu.memory_space<vmem>>) target(%dma_start3A_767 : memref<10240x64xf32, #tpu.memory_space<vmem_shared>>) offsets(%dma_start3A_764 : memref<32xi32, #tpu.memory_space<vmem>>) semaphore(%dma_start3A_769 : memref<!tpu.dma_semaphore, #tpu.memory_space<semaphore_mem>>) {add = true}
    %dma_start3A_770 = arith.constant 3 : i32
    %dma_start3A_771 = arith.constant 3 : i32
    %dma_start3A_772 = arith.constant 3 : i32
    %dma_start3A_773 = arith.constant 0 : i32
    %dma_start3A_774 = arith.constant 0 : i32
    %dma_start3A_775 = tpu.memref_slice %arg11[%dma_start3A_771, %dma_start3A_773, %dma_start3A_774] : memref<4x32x64xf32, #tpu.memory_space<vmem>> -> memref<1x32x64xf32, #tpu.memory_space<vmem>>
    %dma_start3A_776 = tpu.memref_squeeze %dma_start3A_775 : memref<1x32x64xf32, #tpu.memory_space<vmem>> -> memref<32x64xf32, #tpu.memory_space<vmem>>
    %dma_start3A_777 = arith.constant 0 : i32
    %dma_start3A_778 = tpu.memref_slice %arg9[%dma_start3A_770, %dma_start3A_777] : memref<324x32xi32, #tpu.memory_space<vmem>> -> memref<1x32xi32, #tpu.memory_space<vmem>>
    %dma_start3A_779 = tpu.memref_squeeze %dma_start3A_778 : memref<1x32xi32, #tpu.memory_space<vmem>> -> memref<32xi32, #tpu.memory_space<vmem>>
    %dma_start3A_780 = arith.constant 0 : i32
    %dma_start3A_781 = arith.constant 0 : i32
    %dma_start3A_782 = tpu.memref_slice %arg16[%dma_start3A_780, %dma_start3A_781] : memref<10240x64xf32, #tpu.memory_space<vmem_shared>> -> memref<10240x64xf32, #tpu.memory_space<vmem_shared>>
    %dma_start3A_783 = tpu.memref_slice %arg18[%dma_start3A_772] : memref<4x!tpu.dma_semaphore, #tpu.memory_space<semaphore_mem>> -> memref<1x!tpu.dma_semaphore, #tpu.memory_space<semaphore_mem>>
    %dma_start3A_784 = tpu.memref_squeeze %dma_start3A_783 : memref<1x!tpu.dma_semaphore, #tpu.memory_space<semaphore_mem>> -> memref<!tpu.dma_semaphore, #tpu.memory_space<semaphore_mem>>
    tpu.enqueue_indirect_dma source(%dma_start3A_782 : memref<10240x64xf32, #tpu.memory_space<vmem_shared>>) target(%dma_start3A_776 : memref<32x64xf32, #tpu.memory_space<vmem>>) offsets(%dma_start3A_779 : memref<32xi32, #tpu.memory_space<vmem>>) semaphore(%dma_start3A_784 : memref<!tpu.dma_semaphore, #tpu.memory_space<semaphore_mem>>)
    %dma_wait3A_785 = arith.constant 0 : i32
    %dma_wait3A_786 = arith.constant 2 : i32
    %dma_wait3A_787 = arith.constant 2 : i32
    %dma_wait3A_788 = arith.constant 0 : i32
    %dma_wait3A_789 = arith.constant 0 : i32
    %dma_wait3A_790 = tpu.memref_slice %arg11[%dma_wait3A_786, %dma_wait3A_788, %dma_wait3A_789] : memref<4x32x64xf32, #tpu.memory_space<vmem>> -> memref<1x32x64xf32, #tpu.memory_space<vmem>>
    %dma_wait3A_791 = tpu.memref_squeeze %dma_wait3A_790 : memref<1x32x64xf32, #tpu.memory_space<vmem>> -> memref<32x64xf32, #tpu.memory_space<vmem>>
    %dma_wait3A_792 = arith.constant 0 : i32
    %dma_wait3A_793 = tpu.memref_slice %arg9[%dma_wait3A_785, %dma_wait3A_792] : memref<324x32xi32, #tpu.memory_space<vmem>> -> memref<1x32xi32, #tpu.memory_space<vmem>>
    %dma_wait3A_794 = tpu.memref_squeeze %dma_wait3A_793 : memref<1x32xi32, #tpu.memory_space<vmem>> -> memref<32xi32, #tpu.memory_space<vmem>>
    %dma_wait3A_795 = arith.constant 0 : i32
    %dma_wait3A_796 = arith.constant 0 : i32
    %dma_wait3A_797 = tpu.memref_slice %arg16[%dma_wait3A_795, %dma_wait3A_796] : memref<10240x64xf32, #tpu.memory_space<vmem_shared>> -> memref<10240x64xf32, #tpu.memory_space<vmem_shared>>
    %dma_wait3A_798 = tpu.memref_slice %arg18[%dma_wait3A_787] : memref<4x!tpu.dma_semaphore, #tpu.memory_space<semaphore_mem>> -> memref<1x!tpu.dma_semaphore, #tpu.memory_space<semaphore_mem>>
    %dma_wait3A_799 = tpu.memref_squeeze %dma_wait3A_798 : memref<1x!tpu.dma_semaphore, #tpu.memory_space<semaphore_mem>> -> memref<!tpu.dma_semaphore, #tpu.memory_space<semaphore_mem>>
    tpu.wait_indirect_dma semaphore(%dma_wait3A_799 : memref<!tpu.dma_semaphore, #tpu.memory_space<semaphore_mem>>) src(%dma_wait3A_797 : memref<10240x64xf32, #tpu.memory_space<vmem_shared>>) dst(%dma_wait3A_791 : memref<32x64xf32, #tpu.memory_space<vmem>>)
    %dma_start3A_800 = arith.constant 2 : i32
    %dma_start3A_801 = arith.constant 2 : i32
    %dma_start3A_802 = arith.constant 2 : i32
    %dma_start3A_803 = arith.constant 0 : i32
    %dma_start3A_804 = arith.constant 0 : i32
    %dma_start3A_805 = tpu.memref_slice %arg11[%dma_start3A_800, %dma_start3A_803, %dma_start3A_804] : memref<4x32x64xf32, #tpu.memory_space<vmem>> -> memref<1x32x64xf32, #tpu.memory_space<vmem>>
    %dma_start3A_806 = tpu.memref_squeeze %dma_start3A_805 : memref<1x32x64xf32, #tpu.memory_space<vmem>> -> memref<32x64xf32, #tpu.memory_space<vmem>>
    %dma_start3A_807 = arith.constant 0 : i32
    %dma_start3A_808 = tpu.memref_slice %arg10[%dma_start3A_801, %dma_start3A_807] : memref<320x32xi32, #tpu.memory_space<vmem>> -> memref<1x32xi32, #tpu.memory_space<vmem>>
    %dma_start3A_809 = tpu.memref_squeeze %dma_start3A_808 : memref<1x32xi32, #tpu.memory_space<vmem>> -> memref<32xi32, #tpu.memory_space<vmem>>
    %dma_start3A_810 = arith.constant 0 : i32
    %dma_start3A_811 = arith.constant 0 : i32
    %dma_start3A_812 = tpu.memref_slice %arg15[%dma_start3A_810, %dma_start3A_811] : memref<10240x64xf32, #tpu.memory_space<vmem_shared>> -> memref<10240x64xf32, #tpu.memory_space<vmem_shared>>
    %dma_start3A_813 = tpu.memref_slice %arg19[%dma_start3A_802] : memref<4x!tpu.dma_semaphore, #tpu.memory_space<semaphore_mem>> -> memref<1x!tpu.dma_semaphore, #tpu.memory_space<semaphore_mem>>
    %dma_start3A_814 = tpu.memref_squeeze %dma_start3A_813 : memref<1x!tpu.dma_semaphore, #tpu.memory_space<semaphore_mem>> -> memref<!tpu.dma_semaphore, #tpu.memory_space<semaphore_mem>>
    tpu.enqueue_indirect_dma source(%dma_start3A_806 : memref<32x64xf32, #tpu.memory_space<vmem>>) target(%dma_start3A_812 : memref<10240x64xf32, #tpu.memory_space<vmem_shared>>) offsets(%dma_start3A_809 : memref<32xi32, #tpu.memory_space<vmem>>) semaphore(%dma_start3A_814 : memref<!tpu.dma_semaphore, #tpu.memory_space<semaphore_mem>>) {add = true}
    %dma_wait3A_815 = arith.constant 0 : i32
    %dma_wait3A_816 = arith.constant 0 : i32
    %dma_wait3A_817 = arith.constant 0 : i32
    %dma_wait3A_818 = arith.constant 0 : i32
    %dma_wait3A_819 = arith.constant 0 : i32
    %dma_wait3A_820 = tpu.memref_slice %arg11[%dma_wait3A_815, %dma_wait3A_818, %dma_wait3A_819] : memref<4x32x64xf32, #tpu.memory_space<vmem>> -> memref<1x32x64xf32, #tpu.memory_space<vmem>>
    %dma_wait3A_821 = tpu.memref_squeeze %dma_wait3A_820 : memref<1x32x64xf32, #tpu.memory_space<vmem>> -> memref<32x64xf32, #tpu.memory_space<vmem>>
    %dma_wait3A_822 = arith.constant 0 : i32
    %dma_wait3A_823 = tpu.memref_slice %arg10[%dma_wait3A_816, %dma_wait3A_822] : memref<320x32xi32, #tpu.memory_space<vmem>> -> memref<1x32xi32, #tpu.memory_space<vmem>>
    %dma_wait3A_824 = tpu.memref_squeeze %dma_wait3A_823 : memref<1x32xi32, #tpu.memory_space<vmem>> -> memref<32xi32, #tpu.memory_space<vmem>>
    %dma_wait3A_825 = arith.constant 0 : i32
    %dma_wait3A_826 = arith.constant 0 : i32
    %dma_wait3A_827 = tpu.memref_slice %arg15[%dma_wait3A_825, %dma_wait3A_826] : memref<10240x64xf32, #tpu.memory_space<vmem_shared>> -> memref<10240x64xf32, #tpu.memory_space<vmem_shared>>
    %dma_wait3A_828 = tpu.memref_slice %arg19[%dma_wait3A_817] : memref<4x!tpu.dma_semaphore, #tpu.memory_space<semaphore_mem>> -> memref<1x!tpu.dma_semaphore, #tpu.memory_space<semaphore_mem>>
    %dma_wait3A_829 = tpu.memref_squeeze %dma_wait3A_828 : memref<1x!tpu.dma_semaphore, #tpu.memory_space<semaphore_mem>> -> memref<!tpu.dma_semaphore, #tpu.memory_space<semaphore_mem>>
    tpu.wait_indirect_dma semaphore(%dma_wait3A_829 : memref<!tpu.dma_semaphore, #tpu.memory_space<semaphore_mem>>) src(%dma_wait3A_821 : memref<32x64xf32, #tpu.memory_space<vmem>>) dst(%dma_wait3A_827 : memref<10240x64xf32, #tpu.memory_space<vmem_shared>>)
    %dma_start3A_830 = arith.constant 4 : i32
    %dma_start3A_831 = arith.constant 0 : i32
    %dma_start3A_832 = arith.constant 0 : i32
    %dma_start3A_833 = arith.constant 0 : i32
    %dma_start3A_834 = arith.constant 0 : i32
    %dma_start3A_835 = tpu.memref_slice %arg11[%dma_start3A_831, %dma_start3A_833, %dma_start3A_834] : memref<4x32x64xf32, #tpu.memory_space<vmem>> -> memref<1x32x64xf32, #tpu.memory_space<vmem>>
    %dma_start3A_836 = tpu.memref_squeeze %dma_start3A_835 : memref<1x32x64xf32, #tpu.memory_space<vmem>> -> memref<32x64xf32, #tpu.memory_space<vmem>>
    %dma_start3A_837 = arith.constant 0 : i32
    %dma_start3A_838 = tpu.memref_slice %arg9[%dma_start3A_830, %dma_start3A_837] : memref<324x32xi32, #tpu.memory_space<vmem>> -> memref<1x32xi32, #tpu.memory_space<vmem>>
    %dma_start3A_839 = tpu.memref_squeeze %dma_start3A_838 : memref<1x32xi32, #tpu.memory_space<vmem>> -> memref<32xi32, #tpu.memory_space<vmem>>
    %dma_start3A_840 = arith.constant 0 : i32
    %dma_start3A_841 = arith.constant 0 : i32
    %dma_start3A_842 = tpu.memref_slice %arg16[%dma_start3A_840, %dma_start3A_841] : memref<10240x64xf32, #tpu.memory_space<vmem_shared>> -> memref<10240x64xf32, #tpu.memory_space<vmem_shared>>
    %dma_start3A_843 = tpu.memref_slice %arg18[%dma_start3A_832] : memref<4x!tpu.dma_semaphore, #tpu.memory_space<semaphore_mem>> -> memref<1x!tpu.dma_semaphore, #tpu.memory_space<semaphore_mem>>
    %dma_start3A_844 = tpu.memref_squeeze %dma_start3A_843 : memref<1x!tpu.dma_semaphore, #tpu.memory_space<semaphore_mem>> -> memref<!tpu.dma_semaphore, #tpu.memory_space<semaphore_mem>>
    tpu.enqueue_indirect_dma source(%dma_start3A_842 : memref<10240x64xf32, #tpu.memory_space<vmem_shared>>) target(%dma_start3A_836 : memref<32x64xf32, #tpu.memory_space<vmem>>) offsets(%dma_start3A_839 : memref<32xi32, #tpu.memory_space<vmem>>) semaphore(%dma_start3A_844 : memref<!tpu.dma_semaphore, #tpu.memory_space<semaphore_mem>>)
    %dma_wait3A_845 = arith.constant 0 : i32
    %dma_wait3A_846 = arith.constant 3 : i32
    %dma_wait3A_847 = arith.constant 3 : i32
    %dma_wait3A_848 = arith.constant 0 : i32
    %dma_wait3A_849 = arith.constant 0 : i32
    %dma_wait3A_850 = tpu.memref_slice %arg11[%dma_wait3A_846, %dma_wait3A_848, %dma_wait3A_849] : memref<4x32x64xf32, #tpu.memory_space<vmem>> -> memref<1x32x64xf32, #tpu.memory_space<vmem>>
    %dma_wait3A_851 = tpu.memref_squeeze %dma_wait3A_850 : memref<1x32x64xf32, #tpu.memory_space<vmem>> -> memref<32x64xf32, #tpu.memory_space<vmem>>
    %dma_wait3A_852 = arith.constant 0 : i32
    %dma_wait3A_853 = tpu.memref_slice %arg9[%dma_wait3A_845, %dma_wait3A_852] : memref<324x32xi32, #tpu.memory_space<vmem>> -> memref<1x32xi32, #tpu.memory_space<vmem>>
    %dma_wait3A_854 = tpu.memref_squeeze %dma_wait3A_853 : memref<1x32xi32, #tpu.memory_space<vmem>> -> memref<32xi32, #tpu.memory_space<vmem>>
    %dma_wait3A_855 = arith.constant 0 : i32
    %dma_wait3A_856 = arith.constant 0 : i32
    %dma_wait3A_857 = tpu.memref_slice %arg16[%dma_wait3A_855, %dma_wait3A_856] : memref<10240x64xf32, #tpu.memory_space<vmem_shared>> -> memref<10240x64xf32, #tpu.memory_space<vmem_shared>>
    %dma_wait3A_858 = tpu.memref_slice %arg18[%dma_wait3A_847] : memref<4x!tpu.dma_semaphore, #tpu.memory_space<semaphore_mem>> -> memref<1x!tpu.dma_semaphore, #tpu.memory_space<semaphore_mem>>
    %dma_wait3A_859 = tpu.memref_squeeze %dma_wait3A_858 : memref<1x!tpu.dma_semaphore, #tpu.memory_space<semaphore_mem>> -> memref<!tpu.dma_semaphore, #tpu.memory_space<semaphore_mem>>
    tpu.wait_indirect_dma semaphore(%dma_wait3A_859 : memref<!tpu.dma_semaphore, #tpu.memory_space<semaphore_mem>>) src(%dma_wait3A_857 : memref<10240x64xf32, #tpu.memory_space<vmem_shared>>) dst(%dma_wait3A_851 : memref<32x64xf32, #tpu.memory_space<vmem>>)
    %dma_start3A_860 = arith.constant 3 : i32
    %dma_start3A_861 = arith.constant 3 : i32
    %dma_start3A_862 = arith.constant 3 : i32
    %dma_start3A_863 = arith.constant 0 : i32
    %dma_start3A_864 = arith.constant 0 : i32
    %dma_start3A_865 = tpu.memref_slice %arg11[%dma_start3A_860, %dma_start3A_863, %dma_start3A_864] : memref<4x32x64xf32, #tpu.memory_space<vmem>> -> memref<1x32x64xf32, #tpu.memory_space<vmem>>
    %dma_start3A_866 = tpu.memref_squeeze %dma_start3A_865 : memref<1x32x64xf32, #tpu.memory_space<vmem>> -> memref<32x64xf32, #tpu.memory_space<vmem>>
    %dma_start3A_867 = arith.constant 0 : i32
    %dma_start3A_868 = tpu.memref_slice %arg10[%dma_start3A_861, %dma_start3A_867] : memref<320x32xi32, #tpu.memory_space<vmem>> -> memref<1x32xi32, #tpu.memory_space<vmem>>
    %dma_start3A_869 = tpu.memref_squeeze %dma_start3A_868 : memref<1x32xi32, #tpu.memory_space<vmem>> -> memref<32xi32, #tpu.memory_space<vmem>>
    %dma_start3A_870 = arith.constant 0 : i32
    %dma_start3A_871 = arith.constant 0 : i32
    %dma_start3A_872 = tpu.memref_slice %arg15[%dma_start3A_870, %dma_start3A_871] : memref<10240x64xf32, #tpu.memory_space<vmem_shared>> -> memref<10240x64xf32, #tpu.memory_space<vmem_shared>>
    %dma_start3A_873 = tpu.memref_slice %arg19[%dma_start3A_862] : memref<4x!tpu.dma_semaphore, #tpu.memory_space<semaphore_mem>> -> memref<1x!tpu.dma_semaphore, #tpu.memory_space<semaphore_mem>>
    %dma_start3A_874 = tpu.memref_squeeze %dma_start3A_873 : memref<1x!tpu.dma_semaphore, #tpu.memory_space<semaphore_mem>> -> memref<!tpu.dma_semaphore, #tpu.memory_space<semaphore_mem>>
    tpu.enqueue_indirect_dma source(%dma_start3A_866 : memref<32x64xf32, #tpu.memory_space<vmem>>) target(%dma_start3A_872 : memref<10240x64xf32, #tpu.memory_space<vmem_shared>>) offsets(%dma_start3A_869 : memref<32xi32, #tpu.memory_space<vmem>>) semaphore(%dma_start3A_874 : memref<!tpu.dma_semaphore, #tpu.memory_space<semaphore_mem>>) {add = true}
    %dma_wait3A_875 = arith.constant 1 : i32
    %dma_wait3A_876 = arith.constant 0 : i32
    %dma_wait3A_877 = arith.constant 1 : i32
    %dma_wait3A_878 = arith.constant 0 : i32
    %dma_wait3A_879 = arith.constant 0 : i32
    %dma_wait3A_880 = tpu.memref_slice %arg11[%dma_wait3A_875, %dma_wait3A_878, %dma_wait3A_879] : memref<4x32x64xf32, #tpu.memory_space<vmem>> -> memref<1x32x64xf32, #tpu.memory_space<vmem>>
    %dma_wait3A_881 = tpu.memref_squeeze %dma_wait3A_880 : memref<1x32x64xf32, #tpu.memory_space<vmem>> -> memref<32x64xf32, #tpu.memory_space<vmem>>
    %dma_wait3A_882 = arith.constant 0 : i32
    %dma_wait3A_883 = tpu.memref_slice %arg10[%dma_wait3A_876, %dma_wait3A_882] : memref<320x32xi32, #tpu.memory_space<vmem>> -> memref<1x32xi32, #tpu.memory_space<vmem>>
    %dma_wait3A_884 = tpu.memref_squeeze %dma_wait3A_883 : memref<1x32xi32, #tpu.memory_space<vmem>> -> memref<32xi32, #tpu.memory_space<vmem>>
    %dma_wait3A_885 = arith.constant 0 : i32
    %dma_wait3A_886 = arith.constant 0 : i32
    %dma_wait3A_887 = tpu.memref_slice %arg15[%dma_wait3A_885, %dma_wait3A_886] : memref<10240x64xf32, #tpu.memory_space<vmem_shared>> -> memref<10240x64xf32, #tpu.memory_space<vmem_shared>>
    %dma_wait3A_888 = tpu.memref_slice %arg19[%dma_wait3A_877] : memref<4x!tpu.dma_semaphore, #tpu.memory_space<semaphore_mem>> -> memref<1x!tpu.dma_semaphore, #tpu.memory_space<semaphore_mem>>
    %dma_wait3A_889 = tpu.memref_squeeze %dma_wait3A_888 : memref<1x!tpu.dma_semaphore, #tpu.memory_space<semaphore_mem>> -> memref<!tpu.dma_semaphore, #tpu.memory_space<semaphore_mem>>
    tpu.wait_indirect_dma semaphore(%dma_wait3A_889 : memref<!tpu.dma_semaphore, #tpu.memory_space<semaphore_mem>>) src(%dma_wait3A_881 : memref<32x64xf32, #tpu.memory_space<vmem>>) dst(%dma_wait3A_887 : memref<10240x64xf32, #tpu.memory_space<vmem_shared>>)
    %dma_start3A_890 = arith.constant 5 : i32
    %dma_start3A_891 = arith.constant 1 : i32
    %dma_start3A_892 = arith.constant 1 : i32
    %dma_start3A_893 = arith.constant 0 : i32
    %dma_start3A_894 = arith.constant 0 : i32
    %dma_start3A_895 = tpu.memref_slice %arg11[%dma_start3A_891, %dma_start3A_893, %dma_start3A_894] : memref<4x32x64xf32, #tpu.memory_space<vmem>> -> memref<1x32x64xf32, #tpu.memory_space<vmem>>
    %dma_start3A_896 = tpu.memref_squeeze %dma_start3A_895 : memref<1x32x64xf32, #tpu.memory_space<vmem>> -> memref<32x64xf32, #tpu.memory_space<vmem>>
    %dma_start3A_897 = arith.constant 0 : i32
    %dma_start3A_898 = tpu.memref_slice %arg9[%dma_start3A_890, %dma_start3A_897] : memref<324x32xi32, #tpu.memory_space<vmem>> -> memref<1x32xi32, #tpu.memory_space<vmem>>
    %dma_start3A_899 = tpu.memref_squeeze %dma_start3A_898 : memref<1x32xi32, #tpu.memory_space<vmem>> -> memref<32xi32, #tpu.memory_space<vmem>>
    %dma_start3A_900 = arith.constant 0 : i32
    %dma_start3A_901 = arith.constant 0 : i32
    %dma_start3A_902 = tpu.memref_slice %arg16[%dma_start3A_900, %dma_start3A_901] : memref<10240x64xf32, #tpu.memory_space<vmem_shared>> -> memref<10240x64xf32, #tpu.memory_space<vmem_shared>>
    %dma_start3A_903 = tpu.memref_slice %arg18[%dma_start3A_892] : memref<4x!tpu.dma_semaphore, #tpu.memory_space<semaphore_mem>> -> memref<1x!tpu.dma_semaphore, #tpu.memory_space<semaphore_mem>>
    %dma_start3A_904 = tpu.memref_squeeze %dma_start3A_903 : memref<1x!tpu.dma_semaphore, #tpu.memory_space<semaphore_mem>> -> memref<!tpu.dma_semaphore, #tpu.memory_space<semaphore_mem>>
    tpu.enqueue_indirect_dma source(%dma_start3A_902 : memref<10240x64xf32, #tpu.memory_space<vmem_shared>>) target(%dma_start3A_896 : memref<32x64xf32, #tpu.memory_space<vmem>>) offsets(%dma_start3A_899 : memref<32xi32, #tpu.memory_space<vmem>>) semaphore(%dma_start3A_904 : memref<!tpu.dma_semaphore, #tpu.memory_space<semaphore_mem>>)
    %scan3A_905 = arith.constant 0 : i32
    %scan3A_906 = arith.constant 79 : i32
    %scan3A_907 = arith.addi %scan3A_905, %scan3A_906 : i32
    %scan3A_908 = arith.constant 1 : i32
    scf.for %scan3A_1281 = %scan3A_905 to %scan3A_907 step %scan3A_908  : i32 {
      %mul3A_1282 = arith.constant 4 : i32
      %mul3A_1283 = arith.muli %scan3A_1281, %mul3A_1282 : i32
      %add3A = arith.constant 4 : i32
      %add3A_1284 = arith.addi %add3A, %mul3A_1283 : i32
      %add3A_1285 = arith.constant 0 : i32
      %add3A_1286 = arith.addi %add3A_1284, %add3A_1285 : i32
      %dma_wait3A_1287 = arith.constant 0 : i32
      %dma_wait3A_1288 = arith.constant 0 : i32
      %dma_wait3A_1289 = arith.constant 0 : i32
      %dma_wait3A_1290 = arith.constant 0 : i32
      %dma_wait3A_1291 = arith.constant 0 : i32
      %dma_wait3A_1292 = tpu.memref_slice %arg11[%dma_wait3A_1288, %dma_wait3A_1290, %dma_wait3A_1291] : memref<4x32x64xf32, #tpu.memory_space<vmem>> -> memref<1x32x64xf32, #tpu.memory_space<vmem>>
      %dma_wait3A_1293 = tpu.memref_squeeze %dma_wait3A_1292 : memref<1x32x64xf32, #tpu.memory_space<vmem>> -> memref<32x64xf32, #tpu.memory_space<vmem>>
      %dma_wait3A_1294 = arith.constant 0 : i32
      %dma_wait3A_1295 = tpu.memref_slice %arg9[%dma_wait3A_1287, %dma_wait3A_1294] : memref<324x32xi32, #tpu.memory_space<vmem>> -> memref<1x32xi32, #tpu.memory_space<vmem>>
      %dma_wait3A_1296 = tpu.memref_squeeze %dma_wait3A_1295 : memref<1x32xi32, #tpu.memory_space<vmem>> -> memref<32xi32, #tpu.memory_space<vmem>>
      %dma_wait3A_1297 = arith.constant 0 : i32
      %dma_wait3A_1298 = arith.constant 0 : i32
      %dma_wait3A_1299 = tpu.memref_slice %arg16[%dma_wait3A_1297, %dma_wait3A_1298] : memref<10240x64xf32, #tpu.memory_space<vmem_shared>> -> memref<10240x64xf32, #tpu.memory_space<vmem_shared>>
      %dma_wait3A_1300 = tpu.memref_slice %arg18[%dma_wait3A_1289] : memref<4x!tpu.dma_semaphore, #tpu.memory_space<semaphore_mem>> -> memref<1x!tpu.dma_semaphore, #tpu.memory_space<semaphore_mem>>
      %dma_wait3A_1301 = tpu.memref_squeeze %dma_wait3A_1300 : memref<1x!tpu.dma_semaphore, #tpu.memory_space<semaphore_mem>> -> memref<!tpu.dma_semaphore, #tpu.memory_space<semaphore_mem>>
      tpu.wait_indirect_dma semaphore(%dma_wait3A_1301 : memref<!tpu.dma_semaphore, #tpu.memory_space<semaphore_mem>>) src(%dma_wait3A_1299 : memref<10240x64xf32, #tpu.memory_space<vmem_shared>>) dst(%dma_wait3A_1293 : memref<32x64xf32, #tpu.memory_space<vmem>>)
      %dma_start3A_1302 = arith.constant 0 : i32
      %dma_start3A_1303 = arith.constant 0 : i32
      %dma_start3A_1304 = arith.constant 0 : i32
      %dma_start3A_1305 = arith.constant 0 : i32
      %dma_start3A_1306 = tpu.memref_slice %arg11[%dma_start3A_1302, %dma_start3A_1304, %dma_start3A_1305] : memref<4x32x64xf32, #tpu.memory_space<vmem>> -> memref<1x32x64xf32, #tpu.memory_space<vmem>>
      %dma_start3A_1307 = tpu.memref_squeeze %dma_start3A_1306 : memref<1x32x64xf32, #tpu.memory_space<vmem>> -> memref<32x64xf32, #tpu.memory_space<vmem>>
      %dma_start3A_1308 = arith.constant 0 : i32
      %dma_start3A_1309 = tpu.memref_slice %arg10[%add3A_1286, %dma_start3A_1308] : memref<320x32xi32, #tpu.memory_space<vmem>> -> memref<1x32xi32, #tpu.memory_space<vmem>>
      %dma_start3A_1310 = tpu.memref_squeeze %dma_start3A_1309 : memref<1x32xi32, #tpu.memory_space<vmem>> -> memref<32xi32, #tpu.memory_space<vmem>>
      %dma_start3A_1311 = arith.constant 0 : i32
      %dma_start3A_1312 = arith.constant 0 : i32
      %dma_start3A_1313 = tpu.memref_slice %arg15[%dma_start3A_1311, %dma_start3A_1312] : memref<10240x64xf32, #tpu.memory_space<vmem_shared>> -> memref<10240x64xf32, #tpu.memory_space<vmem_shared>>
      %dma_start3A_1314 = tpu.memref_slice %arg19[%dma_start3A_1303] : memref<4x!tpu.dma_semaphore, #tpu.memory_space<semaphore_mem>> -> memref<1x!tpu.dma_semaphore, #tpu.memory_space<semaphore_mem>>
      %dma_start3A_1315 = tpu.memref_squeeze %dma_start3A_1314 : memref<1x!tpu.dma_semaphore, #tpu.memory_space<semaphore_mem>> -> memref<!tpu.dma_semaphore, #tpu.memory_space<semaphore_mem>>
      tpu.enqueue_indirect_dma source(%dma_start3A_1307 : memref<32x64xf32, #tpu.memory_space<vmem>>) target(%dma_start3A_1313 : memref<10240x64xf32, #tpu.memory_space<vmem_shared>>) offsets(%dma_start3A_1310 : memref<32xi32, #tpu.memory_space<vmem>>) semaphore(%dma_start3A_1315 : memref<!tpu.dma_semaphore, #tpu.memory_space<semaphore_mem>>) {add = true}
      %dma_wait3A_1316 = arith.constant 2 : i32
      %dma_wait3A_1317 = arith.constant 0 : i32
      %dma_wait3A_1318 = arith.constant 2 : i32
      %dma_wait3A_1319 = arith.constant 0 : i32
      %dma_wait3A_1320 = arith.constant 0 : i32
      %dma_wait3A_1321 = tpu.memref_slice %arg11[%dma_wait3A_1316, %dma_wait3A_1319, %dma_wait3A_1320] : memref<4x32x64xf32, #tpu.memory_space<vmem>> -> memref<1x32x64xf32, #tpu.memory_space<vmem>>
      %dma_wait3A_1322 = tpu.memref_squeeze %dma_wait3A_1321 : memref<1x32x64xf32, #tpu.memory_space<vmem>> -> memref<32x64xf32, #tpu.memory_space<vmem>>
      %dma_wait3A_1323 = arith.constant 0 : i32
      %dma_wait3A_1324 = tpu.memref_slice %arg10[%dma_wait3A_1317, %dma_wait3A_1323] : memref<320x32xi32, #tpu.memory_space<vmem>> -> memref<1x32xi32, #tpu.memory_space<vmem>>
      %dma_wait3A_1325 = tpu.memref_squeeze %dma_wait3A_1324 : memref<1x32xi32, #tpu.memory_space<vmem>> -> memref<32xi32, #tpu.memory_space<vmem>>
      %dma_wait3A_1326 = arith.constant 0 : i32
      %dma_wait3A_1327 = arith.constant 0 : i32
      %dma_wait3A_1328 = tpu.memref_slice %arg15[%dma_wait3A_1326, %dma_wait3A_1327] : memref<10240x64xf32, #tpu.memory_space<vmem_shared>> -> memref<10240x64xf32, #tpu.memory_space<vmem_shared>>
      %dma_wait3A_1329 = tpu.memref_slice %arg19[%dma_wait3A_1318] : memref<4x!tpu.dma_semaphore, #tpu.memory_space<semaphore_mem>> -> memref<1x!tpu.dma_semaphore, #tpu.memory_space<semaphore_mem>>
      %dma_wait3A_1330 = tpu.memref_squeeze %dma_wait3A_1329 : memref<1x!tpu.dma_semaphore, #tpu.memory_space<semaphore_mem>> -> memref<!tpu.dma_semaphore, #tpu.memory_space<semaphore_mem>>
      tpu.wait_indirect_dma semaphore(%dma_wait3A_1330 : memref<!tpu.dma_semaphore, #tpu.memory_space<semaphore_mem>>) src(%dma_wait3A_1322 : memref<32x64xf32, #tpu.memory_space<vmem>>) dst(%dma_wait3A_1328 : memref<10240x64xf32, #tpu.memory_space<vmem_shared>>)
      %add3A_1331 = arith.constant 2 : i32
      %add3A_1332 = arith.addi %add3A_1286, %add3A_1331 : i32
      %dma_start3A_1333 = arith.constant 2 : i32
      %dma_start3A_1334 = arith.constant 2 : i32
      %dma_start3A_1335 = arith.constant 0 : i32
      %dma_start3A_1336 = arith.constant 0 : i32
      %dma_start3A_1337 = tpu.memref_slice %arg11[%dma_start3A_1333, %dma_start3A_1335, %dma_start3A_1336] : memref<4x32x64xf32, #tpu.memory_space<vmem>> -> memref<1x32x64xf32, #tpu.memory_space<vmem>>
      %dma_start3A_1338 = tpu.memref_squeeze %dma_start3A_1337 : memref<1x32x64xf32, #tpu.memory_space<vmem>> -> memref<32x64xf32, #tpu.memory_space<vmem>>
      %dma_start3A_1339 = arith.constant 0 : i32
      %dma_start3A_1340 = tpu.memref_slice %arg9[%add3A_1332, %dma_start3A_1339] : memref<324x32xi32, #tpu.memory_space<vmem>> -> memref<1x32xi32, #tpu.memory_space<vmem>>
      %dma_start3A_1341 = tpu.memref_squeeze %dma_start3A_1340 : memref<1x32xi32, #tpu.memory_space<vmem>> -> memref<32xi32, #tpu.memory_space<vmem>>
      %dma_start3A_1342 = arith.constant 0 : i32
      %dma_start3A_1343 = arith.constant 0 : i32
      %dma_start3A_1344 = tpu.memref_slice %arg16[%dma_start3A_1342, %dma_start3A_1343] : memref<10240x64xf32, #tpu.memory_space<vmem_shared>> -> memref<10240x64xf32, #tpu.memory_space<vmem_shared>>
      %dma_start3A_1345 = tpu.memref_slice %arg18[%dma_start3A_1334] : memref<4x!tpu.dma_semaphore, #tpu.memory_space<semaphore_mem>> -> memref<1x!tpu.dma_semaphore, #tpu.memory_space<semaphore_mem>>
      %dma_start3A_1346 = tpu.memref_squeeze %dma_start3A_1345 : memref<1x!tpu.dma_semaphore, #tpu.memory_space<semaphore_mem>> -> memref<!tpu.dma_semaphore, #tpu.memory_space<semaphore_mem>>
      tpu.enqueue_indirect_dma source(%dma_start3A_1344 : memref<10240x64xf32, #tpu.memory_space<vmem_shared>>) target(%dma_start3A_1338 : memref<32x64xf32, #tpu.memory_space<vmem>>) offsets(%dma_start3A_1341 : memref<32xi32, #tpu.memory_space<vmem>>) semaphore(%dma_start3A_1346 : memref<!tpu.dma_semaphore, #tpu.memory_space<semaphore_mem>>)
      %mul3A_1347 = arith.constant 4 : i32
      %mul3A_1348 = arith.muli %scan3A_1281, %mul3A_1347 : i32
      %add3A_1349 = arith.constant 4 : i32
      %add3A_1350 = arith.addi %add3A_1349, %mul3A_1348 : i32
      %add3A_1351 = arith.constant 1 : i32
      %add3A_1352 = arith.addi %add3A_1350, %add3A_1351 : i32
      %dma_wait3A_1353 = arith.constant 0 : i32
      %dma_wait3A_1354 = arith.constant 1 : i32
      %dma_wait3A_1355 = arith.constant 1 : i32
      %dma_wait3A_1356 = arith.constant 0 : i32
      %dma_wait3A_1357 = arith.constant 0 : i32
      %dma_wait3A_1358 = tpu.memref_slice %arg11[%dma_wait3A_1354, %dma_wait3A_1356, %dma_wait3A_1357] : memref<4x32x64xf32, #tpu.memory_space<vmem>> -> memref<1x32x64xf32, #tpu.memory_space<vmem>>
      %dma_wait3A_1359 = tpu.memref_squeeze %dma_wait3A_1358 : memref<1x32x64xf32, #tpu.memory_space<vmem>> -> memref<32x64xf32, #tpu.memory_space<vmem>>
      %dma_wait3A_1360 = arith.constant 0 : i32
      %dma_wait3A_1361 = tpu.memref_slice %arg9[%dma_wait3A_1353, %dma_wait3A_1360] : memref<324x32xi32, #tpu.memory_space<vmem>> -> memref<1x32xi32, #tpu.memory_space<vmem>>
      %dma_wait3A_1362 = tpu.memref_squeeze %dma_wait3A_1361 : memref<1x32xi32, #tpu.memory_space<vmem>> -> memref<32xi32, #tpu.memory_space<vmem>>
      %dma_wait3A_1363 = arith.constant 0 : i32
      %dma_wait3A_1364 = arith.constant 0 : i32
      %dma_wait3A_1365 = tpu.memref_slice %arg16[%dma_wait3A_1363, %dma_wait3A_1364] : memref<10240x64xf32, #tpu.memory_space<vmem_shared>> -> memref<10240x64xf32, #tpu.memory_space<vmem_shared>>
      %dma_wait3A_1366 = tpu.memref_slice %arg18[%dma_wait3A_1355] : memref<4x!tpu.dma_semaphore, #tpu.memory_space<semaphore_mem>> -> memref<1x!tpu.dma_semaphore, #tpu.memory_space<semaphore_mem>>
      %dma_wait3A_1367 = tpu.memref_squeeze %dma_wait3A_1366 : memref<1x!tpu.dma_semaphore, #tpu.memory_space<semaphore_mem>> -> memref<!tpu.dma_semaphore, #tpu.memory_space<semaphore_mem>>
      tpu.wait_indirect_dma semaphore(%dma_wait3A_1367 : memref<!tpu.dma_semaphore, #tpu.memory_space<semaphore_mem>>) src(%dma_wait3A_1365 : memref<10240x64xf32, #tpu.memory_space<vmem_shared>>) dst(%dma_wait3A_1359 : memref<32x64xf32, #tpu.memory_space<vmem>>)
      %dma_start3A_1368 = arith.constant 1 : i32
      %dma_start3A_1369 = arith.constant 1 : i32
      %dma_start3A_1370 = arith.constant 0 : i32
      %dma_start3A_1371 = arith.constant 0 : i32
      %dma_start3A_1372 = tpu.memref_slice %arg11[%dma_start3A_1368, %dma_start3A_1370, %dma_start3A_1371] : memref<4x32x64xf32, #tpu.memory_space<vmem>> -> memref<1x32x64xf32, #tpu.memory_space<vmem>>
      %dma_start3A_1373 = tpu.memref_squeeze %dma_start3A_1372 : memref<1x32x64xf32, #tpu.memory_space<vmem>> -> memref<32x64xf32, #tpu.memory_space<vmem>>
      %dma_start3A_1374 = arith.constant 0 : i32
      %dma_start3A_1375 = tpu.memref_slice %arg10[%add3A_1352, %dma_start3A_1374] : memref<320x32xi32, #tpu.memory_space<vmem>> -> memref<1x32xi32, #tpu.memory_space<vmem>>
      %dma_start3A_1376 = tpu.memref_squeeze %dma_start3A_1375 : memref<1x32xi32, #tpu.memory_space<vmem>> -> memref<32xi32, #tpu.memory_space<vmem>>
      %dma_start3A_1377 = arith.constant 0 : i32
      %dma_start3A_1378 = arith.constant 0 : i32
      %dma_start3A_1379 = tpu.memref_slice %arg15[%dma_start3A_1377, %dma_start3A_1378] : memref<10240x64xf32, #tpu.memory_space<vmem_shared>> -> memref<10240x64xf32, #tpu.memory_space<vmem_shared>>
      %dma_start3A_1380 = tpu.memref_slice %arg19[%dma_start3A_1369] : memref<4x!tpu.dma_semaphore, #tpu.memory_space<semaphore_mem>> -> memref<1x!tpu.dma_semaphore, #tpu.memory_space<semaphore_mem>>
      %dma_start3A_1381 = tpu.memref_squeeze %dma_start3A_1380 : memref<1x!tpu.dma_semaphore, #tpu.memory_space<semaphore_mem>> -> memref<!tpu.dma_semaphore, #tpu.memory_space<semaphore_mem>>
      tpu.enqueue_indirect_dma source(%dma_start3A_1373 : memref<32x64xf32, #tpu.memory_space<vmem>>) target(%dma_start3A_1379 : memref<10240x64xf32, #tpu.memory_space<vmem_shared>>) offsets(%dma_start3A_1376 : memref<32xi32, #tpu.memory_space<vmem>>) semaphore(%dma_start3A_1381 : memref<!tpu.dma_semaphore, #tpu.memory_space<semaphore_mem>>) {add = true}
      %dma_wait3A_1382 = arith.constant 3 : i32
      %dma_wait3A_1383 = arith.constant 0 : i32
      %dma_wait3A_1384 = arith.constant 3 : i32
      %dma_wait3A_1385 = arith.constant 0 : i32
      %dma_wait3A_1386 = arith.constant 0 : i32
      %dma_wait3A_1387 = tpu.memref_slice %arg11[%dma_wait3A_1382, %dma_wait3A_1385, %dma_wait3A_1386] : memref<4x32x64xf32, #tpu.memory_space<vmem>> -> memref<1x32x64xf32, #tpu.memory_space<vmem>>
      %dma_wait3A_1388 = tpu.memref_squeeze %dma_wait3A_1387 : memref<1x32x64xf32, #tpu.memory_space<vmem>> -> memref<32x64xf32, #tpu.memory_space<vmem>>
      %dma_wait3A_1389 = arith.constant 0 : i32
      %dma_wait3A_1390 = tpu.memref_slice %arg10[%dma_wait3A_1383, %dma_wait3A_1389] : memref<320x32xi32, #tpu.memory_space<vmem>> -> memref<1x32xi32, #tpu.memory_space<vmem>>
      %dma_wait3A_1391 = tpu.memref_squeeze %dma_wait3A_1390 : memref<1x32xi32, #tpu.memory_space<vmem>> -> memref<32xi32, #tpu.memory_space<vmem>>
      %dma_wait3A_1392 = arith.constant 0 : i32
      %dma_wait3A_1393 = arith.constant 0 : i32
      %dma_wait3A_1394 = tpu.memref_slice %arg15[%dma_wait3A_1392, %dma_wait3A_1393] : memref<10240x64xf32, #tpu.memory_space<vmem_shared>> -> memref<10240x64xf32, #tpu.memory_space<vmem_shared>>
      %dma_wait3A_1395 = tpu.memref_slice %arg19[%dma_wait3A_1384] : memref<4x!tpu.dma_semaphore, #tpu.memory_space<semaphore_mem>> -> memref<1x!tpu.dma_semaphore, #tpu.memory_space<semaphore_mem>>
      %dma_wait3A_1396 = tpu.memref_squeeze %dma_wait3A_1395 : memref<1x!tpu.dma_semaphore, #tpu.memory_space<semaphore_mem>> -> memref<!tpu.dma_semaphore, #tpu.memory_space<semaphore_mem>>
      tpu.wait_indirect_dma semaphore(%dma_wait3A_1396 : memref<!tpu.dma_semaphore, #tpu.memory_space<semaphore_mem>>) src(%dma_wait3A_1388 : memref<32x64xf32, #tpu.memory_space<vmem>>) dst(%dma_wait3A_1394 : memref<10240x64xf32, #tpu.memory_space<vmem_shared>>)
      %add3A_1397 = arith.constant 2 : i32
      %add3A_1398 = arith.addi %add3A_1352, %add3A_1397 : i32
      %dma_start3A_1399 = arith.constant 3 : i32
      %dma_start3A_1400 = arith.constant 3 : i32
      %dma_start3A_1401 = arith.constant 0 : i32
      %dma_start3A_1402 = arith.constant 0 : i32
      %dma_start3A_1403 = tpu.memref_slice %arg11[%dma_start3A_1399, %dma_start3A_1401, %dma_start3A_1402] : memref<4x32x64xf32, #tpu.memory_space<vmem>> -> memref<1x32x64xf32, #tpu.memory_space<vmem>>
      %dma_start3A_1404 = tpu.memref_squeeze %dma_start3A_1403 : memref<1x32x64xf32, #tpu.memory_space<vmem>> -> memref<32x64xf32, #tpu.memory_space<vmem>>
      %dma_start3A_1405 = arith.constant 0 : i32
      %dma_start3A_1406 = tpu.memref_slice %arg9[%add3A_1398, %dma_start3A_1405] : memref<324x32xi32, #tpu.memory_space<vmem>> -> memref<1x32xi32, #tpu.memory_space<vmem>>
      %dma_start3A_1407 = tpu.memref_squeeze %dma_start3A_1406 : memref<1x32xi32, #tpu.memory_space<vmem>> -> memref<32xi32, #tpu.memory_space<vmem>>
      %dma_start3A_1408 = arith.constant 0 : i32
      %dma_start3A_1409 = arith.constant 0 : i32
      %dma_start3A_1410 = tpu.memref_slice %arg16[%dma_start3A_1408, %dma_start3A_1409] : memref<10240x64xf32, #tpu.memory_space<vmem_shared>> -> memref<10240x64xf32, #tpu.memory_space<vmem_shared>>
      %dma_start3A_1411 = tpu.memref_slice %arg18[%dma_start3A_1400] : memref<4x!tpu.dma_semaphore, #tpu.memory_space<semaphore_mem>> -> memref<1x!tpu.dma_semaphore, #tpu.memory_space<semaphore_mem>>
      %dma_start3A_1412 = tpu.memref_squeeze %dma_start3A_1411 : memref<1x!tpu.dma_semaphore, #tpu.memory_space<semaphore_mem>> -> memref<!tpu.dma_semaphore, #tpu.memory_space<semaphore_mem>>
      tpu.enqueue_indirect_dma source(%dma_start3A_1410 : memref<10240x64xf32, #tpu.memory_space<vmem_shared>>) target(%dma_start3A_1404 : memref<32x64xf32, #tpu.memory_space<vmem>>) offsets(%dma_start3A_1407 : memref<32xi32, #tpu.memory_space<vmem>>) semaphore(%dma_start3A_1412 : memref<!tpu.dma_semaphore, #tpu.memory_space<semaphore_mem>>)
      %mul3A_1413 = arith.constant 4 : i32
      %mul3A_1414 = arith.muli %scan3A_1281, %mul3A_1413 : i32
      %add3A_1415 = arith.constant 4 : i32
      %add3A_1416 = arith.addi %add3A_1415, %mul3A_1414 : i32
      %add3A_1417 = arith.constant 2 : i32
      %add3A_1418 = arith.addi %add3A_1416, %add3A_1417 : i32
      %dma_wait3A_1419 = arith.constant 0 : i32
      %dma_wait3A_1420 = arith.constant 2 : i32
      %dma_wait3A_1421 = arith.constant 2 : i32
      %dma_wait3A_1422 = arith.constant 0 : i32
      %dma_wait3A_1423 = arith.constant 0 : i32
      %dma_wait3A_1424 = tpu.memref_slice %arg11[%dma_wait3A_1420, %dma_wait3A_1422, %dma_wait3A_1423] : memref<4x32x64xf32, #tpu.memory_space<vmem>> -> memref<1x32x64xf32, #tpu.memory_space<vmem>>
      %dma_wait3A_1425 = tpu.memref_squeeze %dma_wait3A_1424 : memref<1x32x64xf32, #tpu.memory_space<vmem>> -> memref<32x64xf32, #tpu.memory_space<vmem>>
      %dma_wait3A_1426 = arith.constant 0 : i32
      %dma_wait3A_1427 = tpu.memref_slice %arg9[%dma_wait3A_1419, %dma_wait3A_1426] : memref<324x32xi32, #tpu.memory_space<vmem>> -> memref<1x32xi32, #tpu.memory_space<vmem>>
      %dma_wait3A_1428 = tpu.memref_squeeze %dma_wait3A_1427 : memref<1x32xi32, #tpu.memory_space<vmem>> -> memref<32xi32, #tpu.memory_space<vmem>>
      %dma_wait3A_1429 = arith.constant 0 : i32
      %dma_wait3A_1430 = arith.constant 0 : i32
      %dma_wait3A_1431 = tpu.memref_slice %arg16[%dma_wait3A_1429, %dma_wait3A_1430] : memref<10240x64xf32, #tpu.memory_space<vmem_shared>> -> memref<10240x64xf32, #tpu.memory_space<vmem_shared>>
      %dma_wait3A_1432 = tpu.memref_slice %arg18[%dma_wait3A_1421] : memref<4x!tpu.dma_semaphore, #tpu.memory_space<semaphore_mem>> -> memref<1x!tpu.dma_semaphore, #tpu.memory_space<semaphore_mem>>
      %dma_wait3A_1433 = tpu.memref_squeeze %dma_wait3A_1432 : memref<1x!tpu.dma_semaphore, #tpu.memory_space<semaphore_mem>> -> memref<!tpu.dma_semaphore, #tpu.memory_space<semaphore_mem>>
      tpu.wait_indirect_dma semaphore(%dma_wait3A_1433 : memref<!tpu.dma_semaphore, #tpu.memory_space<semaphore_mem>>) src(%dma_wait3A_1431 : memref<10240x64xf32, #tpu.memory_space<vmem_shared>>) dst(%dma_wait3A_1425 : memref<32x64xf32, #tpu.memory_space<vmem>>)
      %dma_start3A_1434 = arith.constant 2 : i32
      %dma_start3A_1435 = arith.constant 2 : i32
      %dma_start3A_1436 = arith.constant 0 : i32
      %dma_start3A_1437 = arith.constant 0 : i32
      %dma_start3A_1438 = tpu.memref_slice %arg11[%dma_start3A_1434, %dma_start3A_1436, %dma_start3A_1437] : memref<4x32x64xf32, #tpu.memory_space<vmem>> -> memref<1x32x64xf32, #tpu.memory_space<vmem>>
      %dma_start3A_1439 = tpu.memref_squeeze %dma_start3A_1438 : memref<1x32x64xf32, #tpu.memory_space<vmem>> -> memref<32x64xf32, #tpu.memory_space<vmem>>
      %dma_start3A_1440 = arith.constant 0 : i32
      %dma_start3A_1441 = tpu.memref_slice %arg10[%add3A_1418, %dma_start3A_1440] : memref<320x32xi32, #tpu.memory_space<vmem>> -> memref<1x32xi32, #tpu.memory_space<vmem>>
      %dma_start3A_1442 = tpu.memref_squeeze %dma_start3A_1441 : memref<1x32xi32, #tpu.memory_space<vmem>> -> memref<32xi32, #tpu.memory_space<vmem>>
      %dma_start3A_1443 = arith.constant 0 : i32
      %dma_start3A_1444 = arith.constant 0 : i32
      %dma_start3A_1445 = tpu.memref_slice %arg15[%dma_start3A_1443, %dma_start3A_1444] : memref<10240x64xf32, #tpu.memory_space<vmem_shared>> -> memref<10240x64xf32, #tpu.memory_space<vmem_shared>>
      %dma_start3A_1446 = tpu.memref_slice %arg19[%dma_start3A_1435] : memref<4x!tpu.dma_semaphore, #tpu.memory_space<semaphore_mem>> -> memref<1x!tpu.dma_semaphore, #tpu.memory_space<semaphore_mem>>
      %dma_start3A_1447 = tpu.memref_squeeze %dma_start3A_1446 : memref<1x!tpu.dma_semaphore, #tpu.memory_space<semaphore_mem>> -> memref<!tpu.dma_semaphore, #tpu.memory_space<semaphore_mem>>
      tpu.enqueue_indirect_dma source(%dma_start3A_1439 : memref<32x64xf32, #tpu.memory_space<vmem>>) target(%dma_start3A_1445 : memref<10240x64xf32, #tpu.memory_space<vmem_shared>>) offsets(%dma_start3A_1442 : memref<32xi32, #tpu.memory_space<vmem>>) semaphore(%dma_start3A_1447 : memref<!tpu.dma_semaphore, #tpu.memory_space<semaphore_mem>>) {add = true}
      %dma_wait3A_1448 = arith.constant 0 : i32
      %dma_wait3A_1449 = arith.constant 0 : i32
      %dma_wait3A_1450 = arith.constant 0 : i32
      %dma_wait3A_1451 = arith.constant 0 : i32
      %dma_wait3A_1452 = arith.constant 0 : i32
      %dma_wait3A_1453 = tpu.memref_slice %arg11[%dma_wait3A_1448, %dma_wait3A_1451, %dma_wait3A_1452] : memref<4x32x64xf32, #tpu.memory_space<vmem>> -> memref<1x32x64xf32, #tpu.memory_space<vmem>>
      %dma_wait3A_1454 = tpu.memref_squeeze %dma_wait3A_1453 : memref<1x32x64xf32, #tpu.memory_space<vmem>> -> memref<32x64xf32, #tpu.memory_space<vmem>>
      %dma_wait3A_1455 = arith.constant 0 : i32
      %dma_wait3A_1456 = tpu.memref_slice %arg10[%dma_wait3A_1449, %dma_wait3A_1455] : memref<320x32xi32, #tpu.memory_space<vmem>> -> memref<1x32xi32, #tpu.memory_space<vmem>>
      %dma_wait3A_1457 = tpu.memref_squeeze %dma_wait3A_1456 : memref<1x32xi32, #tpu.memory_space<vmem>> -> memref<32xi32, #tpu.memory_space<vmem>>
      %dma_wait3A_1458 = arith.constant 0 : i32
      %dma_wait3A_1459 = arith.constant 0 : i32
      %dma_wait3A_1460 = tpu.memref_slice %arg15[%dma_wait3A_1458, %dma_wait3A_1459] : memref<10240x64xf32, #tpu.memory_space<vmem_shared>> -> memref<10240x64xf32, #tpu.memory_space<vmem_shared>>
      %dma_wait3A_1461 = tpu.memref_slice %arg19[%dma_wait3A_1450] : memref<4x!tpu.dma_semaphore, #tpu.memory_space<semaphore_mem>> -> memref<1x!tpu.dma_semaphore, #tpu.memory_space<semaphore_mem>>
      %dma_wait3A_1462 = tpu.memref_squeeze %dma_wait3A_1461 : memref<1x!tpu.dma_semaphore, #tpu.memory_space<semaphore_mem>> -> memref<!tpu.dma_semaphore, #tpu.memory_space<semaphore_mem>>
      tpu.wait_indirect_dma semaphore(%dma_wait3A_1462 : memref<!tpu.dma_semaphore, #tpu.memory_space<semaphore_mem>>) src(%dma_wait3A_1454 : memref<32x64xf32, #tpu.memory_space<vmem>>) dst(%dma_wait3A_1460 : memref<10240x64xf32, #tpu.memory_space<vmem_shared>>)
      %add3A_1463 = arith.constant 2 : i32
      %add3A_1464 = arith.addi %add3A_1418, %add3A_1463 : i32
      %dma_start3A_1465 = arith.constant 0 : i32
      %dma_start3A_1466 = arith.constant 0 : i32
      %dma_start3A_1467 = arith.constant 0 : i32
      %dma_start3A_1468 = arith.constant 0 : i32
      %dma_start3A_1469 = tpu.memref_slice %arg11[%dma_start3A_1465, %dma_start3A_1467, %dma_start3A_1468] : memref<4x32x64xf32, #tpu.memory_space<vmem>> -> memref<1x32x64xf32, #tpu.memory_space<vmem>>
      %dma_start3A_1470 = tpu.memref_squeeze %dma_start3A_1469 : memref<1x32x64xf32, #tpu.memory_space<vmem>> -> memref<32x64xf32, #tpu.memory_space<vmem>>
      %dma_start3A_1471 = arith.constant 0 : i32
      %dma_start3A_1472 = tpu.memref_slice %arg9[%add3A_1464, %dma_start3A_1471] : memref<324x32xi32, #tpu.memory_space<vmem>> -> memref<1x32xi32, #tpu.memory_space<vmem>>
      %dma_start3A_1473 = tpu.memref_squeeze %dma_start3A_1472 : memref<1x32xi32, #tpu.memory_space<vmem>> -> memref<32xi32, #tpu.memory_space<vmem>>
      %dma_start3A_1474 = arith.constant 0 : i32
      %dma_start3A_1475 = arith.constant 0 : i32
      %dma_start3A_1476 = tpu.memref_slice %arg16[%dma_start3A_1474, %dma_start3A_1475] : memref<10240x64xf32, #tpu.memory_space<vmem_shared>> -> memref<10240x64xf32, #tpu.memory_space<vmem_shared>>
      %dma_start3A_1477 = tpu.memref_slice %arg18[%dma_start3A_1466] : memref<4x!tpu.dma_semaphore, #tpu.memory_space<semaphore_mem>> -> memref<1x!tpu.dma_semaphore, #tpu.memory_space<semaphore_mem>>
      %dma_start3A_1478 = tpu.memref_squeeze %dma_start3A_1477 : memref<1x!tpu.dma_semaphore, #tpu.memory_space<semaphore_mem>> -> memref<!tpu.dma_semaphore, #tpu.memory_space<semaphore_mem>>
      tpu.enqueue_indirect_dma source(%dma_start3A_1476 : memref<10240x64xf32, #tpu.memory_space<vmem_shared>>) target(%dma_start3A_1470 : memref<32x64xf32, #tpu.memory_space<vmem>>) offsets(%dma_start3A_1473 : memref<32xi32, #tpu.memory_space<vmem>>) semaphore(%dma_start3A_1478 : memref<!tpu.dma_semaphore, #tpu.memory_space<semaphore_mem>>)
      %mul3A_1479 = arith.constant 4 : i32
      %mul3A_1480 = arith.muli %scan3A_1281, %mul3A_1479 : i32
      %add3A_1481 = arith.constant 4 : i32
      %add3A_1482 = arith.addi %add3A_1481, %mul3A_1480 : i32
      %add3A_1483 = arith.constant 3 : i32
      %add3A_1484 = arith.addi %add3A_1482, %add3A_1483 : i32
      %dma_wait3A_1485 = arith.constant 0 : i32
      %dma_wait3A_1486 = arith.constant 3 : i32
      %dma_wait3A_1487 = arith.constant 3 : i32
      %dma_wait3A_1488 = arith.constant 0 : i32
      %dma_wait3A_1489 = arith.constant 0 : i32
      %dma_wait3A_1490 = tpu.memref_slice %arg11[%dma_wait3A_1486, %dma_wait3A_1488, %dma_wait3A_1489] : memref<4x32x64xf32, #tpu.memory_space<vmem>> -> memref<1x32x64xf32, #tpu.memory_space<vmem>>
      %dma_wait3A_1491 = tpu.memref_squeeze %dma_wait3A_1490 : memref<1x32x64xf32, #tpu.memory_space<vmem>> -> memref<32x64xf32, #tpu.memory_space<vmem>>
      %dma_wait3A_1492 = arith.constant 0 : i32
      %dma_wait3A_1493 = tpu.memref_slice %arg9[%dma_wait3A_1485, %dma_wait3A_1492] : memref<324x32xi32, #tpu.memory_space<vmem>> -> memref<1x32xi32, #tpu.memory_space<vmem>>
      %dma_wait3A_1494 = tpu.memref_squeeze %dma_wait3A_1493 : memref<1x32xi32, #tpu.memory_space<vmem>> -> memref<32xi32, #tpu.memory_space<vmem>>
      %dma_wait3A_1495 = arith.constant 0 : i32
      %dma_wait3A_1496 = arith.constant 0 : i32
      %dma_wait3A_1497 = tpu.memref_slice %arg16[%dma_wait3A_1495, %dma_wait3A_1496] : memref<10240x64xf32, #tpu.memory_space<vmem_shared>> -> memref<10240x64xf32, #tpu.memory_space<vmem_shared>>
      %dma_wait3A_1498 = tpu.memref_slice %arg18[%dma_wait3A_1487] : memref<4x!tpu.dma_semaphore, #tpu.memory_space<semaphore_mem>> -> memref<1x!tpu.dma_semaphore, #tpu.memory_space<semaphore_mem>>
      %dma_wait3A_1499 = tpu.memref_squeeze %dma_wait3A_1498 : memref<1x!tpu.dma_semaphore, #tpu.memory_space<semaphore_mem>> -> memref<!tpu.dma_semaphore, #tpu.memory_space<semaphore_mem>>
      tpu.wait_indirect_dma semaphore(%dma_wait3A_1499 : memref<!tpu.dma_semaphore, #tpu.memory_space<semaphore_mem>>) src(%dma_wait3A_1497 : memref<10240x64xf32, #tpu.memory_space<vmem_shared>>) dst(%dma_wait3A_1491 : memref<32x64xf32, #tpu.memory_space<vmem>>)
      %dma_start3A_1500 = arith.constant 3 : i32
      %dma_start3A_1501 = arith.constant 3 : i32
      %dma_start3A_1502 = arith.constant 0 : i32
      %dma_start3A_1503 = arith.constant 0 : i32
      %dma_start3A_1504 = tpu.memref_slice %arg11[%dma_start3A_1500, %dma_start3A_1502, %dma_start3A_1503] : memref<4x32x64xf32, #tpu.memory_space<vmem>> -> memref<1x32x64xf32, #tpu.memory_space<vmem>>
      %dma_start3A_1505 = tpu.memref_squeeze %dma_start3A_1504 : memref<1x32x64xf32, #tpu.memory_space<vmem>> -> memref<32x64xf32, #tpu.memory_space<vmem>>
      %dma_start3A_1506 = arith.constant 0 : i32
      %dma_start3A_1507 = tpu.memref_slice %arg10[%add3A_1484, %dma_start3A_1506] : memref<320x32xi32, #tpu.memory_space<vmem>> -> memref<1x32xi32, #tpu.memory_space<vmem>>
      %dma_start3A_1508 = tpu.memref_squeeze %dma_start3A_1507 : memref<1x32xi32, #tpu.memory_space<vmem>> -> memref<32xi32, #tpu.memory_space<vmem>>
      %dma_start3A_1509 = arith.constant 0 : i32
      %dma_start3A_1510 = arith.constant 0 : i32
      %dma_start3A_1511 = tpu.memref_slice %arg15[%dma_start3A_1509, %dma_start3A_1510] : memref<10240x64xf32, #tpu.memory_space<vmem_shared>> -> memref<10240x64xf32, #tpu.memory_space<vmem_shared>>
      %dma_start3A_1512 = tpu.memref_slice %arg19[%dma_start3A_1501] : memref<4x!tpu.dma_semaphore, #tpu.memory_space<semaphore_mem>> -> memref<1x!tpu.dma_semaphore, #tpu.memory_space<semaphore_mem>>
      %dma_start3A_1513 = tpu.memref_squeeze %dma_start3A_1512 : memref<1x!tpu.dma_semaphore, #tpu.memory_space<semaphore_mem>> -> memref<!tpu.dma_semaphore, #tpu.memory_space<semaphore_mem>>
      tpu.enqueue_indirect_dma source(%dma_start3A_1505 : memref<32x64xf32, #tpu.memory_space<vmem>>) target(%dma_start3A_1511 : memref<10240x64xf32, #tpu.memory_space<vmem_shared>>) offsets(%dma_start3A_1508 : memref<32xi32, #tpu.memory_space<vmem>>) semaphore(%dma_start3A_1513 : memref<!tpu.dma_semaphore, #tpu.memory_space<semaphore_mem>>) {add = true}
      %dma_wait3A_1514 = arith.constant 1 : i32
      %dma_wait3A_1515 = arith.constant 0 : i32
      %dma_wait3A_1516 = arith.constant 1 : i32
      %dma_wait3A_1517 = arith.constant 0 : i32
      %dma_wait3A_1518 = arith.constant 0 : i32
      %dma_wait3A_1519 = tpu.memref_slice %arg11[%dma_wait3A_1514, %dma_wait3A_1517, %dma_wait3A_1518] : memref<4x32x64xf32, #tpu.memory_space<vmem>> -> memref<1x32x64xf32, #tpu.memory_space<vmem>>
      %dma_wait3A_1520 = tpu.memref_squeeze %dma_wait3A_1519 : memref<1x32x64xf32, #tpu.memory_space<vmem>> -> memref<32x64xf32, #tpu.memory_space<vmem>>
      %dma_wait3A_1521 = arith.constant 0 : i32
      %dma_wait3A_1522 = tpu.memref_slice %arg10[%dma_wait3A_1515, %dma_wait3A_1521] : memref<320x32xi32, #tpu.memory_space<vmem>> -> memref<1x32xi32, #tpu.memory_space<vmem>>
      %dma_wait3A_1523 = tpu.memref_squeeze %dma_wait3A_1522 : memref<1x32xi32, #tpu.memory_space<vmem>> -> memref<32xi32, #tpu.memory_space<vmem>>
      %dma_wait3A_1524 = arith.constant 0 : i32
      %dma_wait3A_1525 = arith.constant 0 : i32
      %dma_wait3A_1526 = tpu.memref_slice %arg15[%dma_wait3A_1524, %dma_wait3A_1525] : memref<10240x64xf32, #tpu.memory_space<vmem_shared>> -> memref<10240x64xf32, #tpu.memory_space<vmem_shared>>
      %dma_wait3A_1527 = tpu.memref_slice %arg19[%dma_wait3A_1516] : memref<4x!tpu.dma_semaphore, #tpu.memory_space<semaphore_mem>> -> memref<1x!tpu.dma_semaphore, #tpu.memory_space<semaphore_mem>>
      %dma_wait3A_1528 = tpu.memref_squeeze %dma_wait3A_1527 : memref<1x!tpu.dma_semaphore, #tpu.memory_space<semaphore_mem>> -> memref<!tpu.dma_semaphore, #tpu.memory_space<semaphore_mem>>
      tpu.wait_indirect_dma semaphore(%dma_wait3A_1528 : memref<!tpu.dma_semaphore, #tpu.memory_space<semaphore_mem>>) src(%dma_wait3A_1520 : memref<32x64xf32, #tpu.memory_space<vmem>>) dst(%dma_wait3A_1526 : memref<10240x64xf32, #tpu.memory_space<vmem_shared>>)
      %add3A_1529 = arith.constant 2 : i32
      %add3A_1530 = arith.addi %add3A_1484, %add3A_1529 : i32
      %dma_start3A_1531 = arith.constant 1 : i32
      %dma_start3A_1532 = arith.constant 1 : i32
      %dma_start3A_1533 = arith.constant 0 : i32
      %dma_start3A_1534 = arith.constant 0 : i32
      %dma_start3A_1535 = tpu.memref_slice %arg11[%dma_start3A_1531, %dma_start3A_1533, %dma_start3A_1534] : memref<4x32x64xf32, #tpu.memory_space<vmem>> -> memref<1x32x64xf32, #tpu.memory_space<vmem>>
      %dma_start3A_1536 = tpu.memref_squeeze %dma_start3A_1535 : memref<1x32x64xf32, #tpu.memory_space<vmem>> -> memref<32x64xf32, #tpu.memory_space<vmem>>
      %dma_start3A_1537 = arith.constant 0 : i32
      %dma_start3A_1538 = tpu.memref_slice %arg9[%add3A_1530, %dma_start3A_1537] : memref<324x32xi32, #tpu.memory_space<vmem>> -> memref<1x32xi32, #tpu.memory_space<vmem>>
      %dma_start3A_1539 = tpu.memref_squeeze %dma_start3A_1538 : memref<1x32xi32, #tpu.memory_space<vmem>> -> memref<32xi32, #tpu.memory_space<vmem>>
      %dma_start3A_1540 = arith.constant 0 : i32
      %dma_start3A_1541 = arith.constant 0 : i32
      %dma_start3A_1542 = tpu.memref_slice %arg16[%dma_start3A_1540, %dma_start3A_1541] : memref<10240x64xf32, #tpu.memory_space<vmem_shared>> -> memref<10240x64xf32, #tpu.memory_space<vmem_shared>>
      %dma_start3A_1543 = tpu.memref_slice %arg18[%dma_start3A_1532] : memref<4x!tpu.dma_semaphore, #tpu.memory_space<semaphore_mem>> -> memref<1x!tpu.dma_semaphore, #tpu.memory_space<semaphore_mem>>
      %dma_start3A_1544 = tpu.memref_squeeze %dma_start3A_1543 : memref<1x!tpu.dma_semaphore, #tpu.memory_space<semaphore_mem>> -> memref<!tpu.dma_semaphore, #tpu.memory_space<semaphore_mem>>
      tpu.enqueue_indirect_dma source(%dma_start3A_1542 : memref<10240x64xf32, #tpu.memory_space<vmem_shared>>) target(%dma_start3A_1536 : memref<32x64xf32, #tpu.memory_space<vmem>>) offsets(%dma_start3A_1539 : memref<32xi32, #tpu.memory_space<vmem>>) semaphore(%dma_start3A_1544 : memref<!tpu.dma_semaphore, #tpu.memory_space<semaphore_mem>>)
    }
    %scan3A_909 = arith.constant 79 : i32
    %dma_wait3A_910 = arith.constant 2 : i32
    %dma_wait3A_911 = arith.constant 0 : i32
    %dma_wait3A_912 = arith.constant 2 : i32
    %dma_wait3A_913 = arith.constant 0 : i32
    %dma_wait3A_914 = arith.constant 0 : i32
    %dma_wait3A_915 = tpu.memref_slice %arg11[%dma_wait3A_910, %dma_wait3A_913, %dma_wait3A_914] : memref<4x32x64xf32, #tpu.memory_space<vmem>> -> memref<1x32x64xf32, #tpu.memory_space<vmem>>
    %dma_wait3A_916 = tpu.memref_squeeze %dma_wait3A_915 : memref<1x32x64xf32, #tpu.memory_space<vmem>> -> memref<32x64xf32, #tpu.memory_space<vmem>>
    %dma_wait3A_917 = arith.constant 0 : i32
    %dma_wait3A_918 = tpu.memref_slice %arg10[%dma_wait3A_911, %dma_wait3A_917] : memref<320x32xi32, #tpu.memory_space<vmem>> -> memref<1x32xi32, #tpu.memory_space<vmem>>
    %dma_wait3A_919 = tpu.memref_squeeze %dma_wait3A_918 : memref<1x32xi32, #tpu.memory_space<vmem>> -> memref<32xi32, #tpu.memory_space<vmem>>
    %dma_wait3A_920 = arith.constant 0 : i32
    %dma_wait3A_921 = arith.constant 0 : i32
    %dma_wait3A_922 = tpu.memref_slice %arg15[%dma_wait3A_920, %dma_wait3A_921] : memref<10240x64xf32, #tpu.memory_space<vmem_shared>> -> memref<10240x64xf32, #tpu.memory_space<vmem_shared>>
    %dma_wait3A_923 = tpu.memref_slice %arg19[%dma_wait3A_912] : memref<4x!tpu.dma_semaphore, #tpu.memory_space<semaphore_mem>> -> memref<1x!tpu.dma_semaphore, #tpu.memory_space<semaphore_mem>>
    %dma_wait3A_924 = tpu.memref_squeeze %dma_wait3A_923 : memref<1x!tpu.dma_semaphore, #tpu.memory_space<semaphore_mem>> -> memref<!tpu.dma_semaphore, #tpu.memory_space<semaphore_mem>>
    tpu.wait_indirect_dma semaphore(%dma_wait3A_924 : memref<!tpu.dma_semaphore, #tpu.memory_space<semaphore_mem>>) src(%dma_wait3A_916 : memref<32x64xf32, #tpu.memory_space<vmem>>) dst(%dma_wait3A_922 : memref<10240x64xf32, #tpu.memory_space<vmem_shared>>)
    %dma_wait3A_925 = arith.constant 3 : i32
    %dma_wait3A_926 = arith.constant 0 : i32
    %dma_wait3A_927 = arith.constant 3 : i32
    %dma_wait3A_928 = arith.constant 0 : i32
    %dma_wait3A_929 = arith.constant 0 : i32
    %dma_wait3A_930 = tpu.memref_slice %arg11[%dma_wait3A_925, %dma_wait3A_928, %dma_wait3A_929] : memref<4x32x64xf32, #tpu.memory_space<vmem>> -> memref<1x32x64xf32, #tpu.memory_space<vmem>>
    %dma_wait3A_931 = tpu.memref_squeeze %dma_wait3A_930 : memref<1x32x64xf32, #tpu.memory_space<vmem>> -> memref<32x64xf32, #tpu.memory_space<vmem>>
    %dma_wait3A_932 = arith.constant 0 : i32
    %dma_wait3A_933 = tpu.memref_slice %arg10[%dma_wait3A_926, %dma_wait3A_932] : memref<320x32xi32, #tpu.memory_space<vmem>> -> memref<1x32xi32, #tpu.memory_space<vmem>>
    %dma_wait3A_934 = tpu.memref_squeeze %dma_wait3A_933 : memref<1x32xi32, #tpu.memory_space<vmem>> -> memref<32xi32, #tpu.memory_space<vmem>>
    %dma_wait3A_935 = arith.constant 0 : i32
    %dma_wait3A_936 = arith.constant 0 : i32
    %dma_wait3A_937 = tpu.memref_slice %arg15[%dma_wait3A_935, %dma_wait3A_936] : memref<10240x64xf32, #tpu.memory_space<vmem_shared>> -> memref<10240x64xf32, #tpu.memory_space<vmem_shared>>
    %dma_wait3A_938 = tpu.memref_slice %arg19[%dma_wait3A_927] : memref<4x!tpu.dma_semaphore, #tpu.memory_space<semaphore_mem>> -> memref<1x!tpu.dma_semaphore, #tpu.memory_space<semaphore_mem>>
    %dma_wait3A_939 = tpu.memref_squeeze %dma_wait3A_938 : memref<1x!tpu.dma_semaphore, #tpu.memory_space<semaphore_mem>> -> memref<!tpu.dma_semaphore, #tpu.memory_space<semaphore_mem>>
    tpu.wait_indirect_dma semaphore(%dma_wait3A_939 : memref<!tpu.dma_semaphore, #tpu.memory_space<semaphore_mem>>) src(%dma_wait3A_931 : memref<32x64xf32, #tpu.memory_space<vmem>>) dst(%dma_wait3A_937 : memref<10240x64xf32, #tpu.memory_space<vmem_shared>>)
    %dma_wait3A_940 = arith.constant 0 : i32
    %dma_wait3A_941 = arith.constant 0 : i32
    %dma_wait3A_942 = arith.constant 0 : i32
    %dma_wait3A_943 = arith.constant 0 : i32
    %dma_wait3A_944 = arith.constant 0 : i32
    %dma_wait3A_945 = tpu.memref_slice %arg11[%dma_wait3A_941, %dma_wait3A_943, %dma_wait3A_944] : memref<4x32x64xf32, #tpu.memory_space<vmem>> -> memref<1x32x64xf32, #tpu.memory_space<vmem>>
    %dma_wait3A_946 = tpu.memref_squeeze %dma_wait3A_945 : memref<1x32x64xf32, #tpu.memory_space<vmem>> -> memref<32x64xf32, #tpu.memory_space<vmem>>
    %dma_wait3A_947 = arith.constant 0 : i32
    %dma_wait3A_948 = tpu.memref_slice %arg9[%dma_wait3A_940, %dma_wait3A_947] : memref<324x32xi32, #tpu.memory_space<vmem>> -> memref<1x32xi32, #tpu.memory_space<vmem>>
    %dma_wait3A_949 = tpu.memref_squeeze %dma_wait3A_948 : memref<1x32xi32, #tpu.memory_space<vmem>> -> memref<32xi32, #tpu.memory_space<vmem>>
    %dma_wait3A_950 = arith.constant 0 : i32
    %dma_wait3A_951 = arith.constant 0 : i32
    %dma_wait3A_952 = tpu.memref_slice %arg16[%dma_wait3A_950, %dma_wait3A_951] : memref<10240x64xf32, #tpu.memory_space<vmem_shared>> -> memref<10240x64xf32, #tpu.memory_space<vmem_shared>>
    %dma_wait3A_953 = tpu.memref_slice %arg18[%dma_wait3A_942] : memref<4x!tpu.dma_semaphore, #tpu.memory_space<semaphore_mem>> -> memref<1x!tpu.dma_semaphore, #tpu.memory_space<semaphore_mem>>
    %dma_wait3A_954 = tpu.memref_squeeze %dma_wait3A_953 : memref<1x!tpu.dma_semaphore, #tpu.memory_space<semaphore_mem>> -> memref<!tpu.dma_semaphore, #tpu.memory_space<semaphore_mem>>
    tpu.wait_indirect_dma semaphore(%dma_wait3A_954 : memref<!tpu.dma_semaphore, #tpu.memory_space<semaphore_mem>>) src(%dma_wait3A_952 : memref<10240x64xf32, #tpu.memory_space<vmem_shared>>) dst(%dma_wait3A_946 : memref<32x64xf32, #tpu.memory_space<vmem>>)
    %dma_wait3A_955 = arith.constant 0 : i32
    %dma_wait3A_956 = arith.constant 1 : i32
    %dma_wait3A_957 = arith.constant 1 : i32
    %dma_wait3A_958 = arith.constant 0 : i32
    %dma_wait3A_959 = arith.constant 0 : i32
    %dma_wait3A_960 = tpu.memref_slice %arg11[%dma_wait3A_956, %dma_wait3A_958, %dma_wait3A_959] : memref<4x32x64xf32, #tpu.memory_space<vmem>> -> memref<1x32x64xf32, #tpu.memory_space<vmem>>
    %dma_wait3A_961 = tpu.memref_squeeze %dma_wait3A_960 : memref<1x32x64xf32, #tpu.memory_space<vmem>> -> memref<32x64xf32, #tpu.memory_space<vmem>>
    %dma_wait3A_962 = arith.constant 0 : i32
    %dma_wait3A_963 = tpu.memref_slice %arg9[%dma_wait3A_955, %dma_wait3A_962] : memref<324x32xi32, #tpu.memory_space<vmem>> -> memref<1x32xi32, #tpu.memory_space<vmem>>
    %dma_wait3A_964 = tpu.memref_squeeze %dma_wait3A_963 : memref<1x32xi32, #tpu.memory_space<vmem>> -> memref<32xi32, #tpu.memory_space<vmem>>
    %dma_wait3A_965 = arith.constant 0 : i32
    %dma_wait3A_966 = arith.constant 0 : i32
    %dma_wait3A_967 = tpu.memref_slice %arg16[%dma_wait3A_965, %dma_wait3A_966] : memref<10240x64xf32, #tpu.memory_space<vmem_shared>> -> memref<10240x64xf32, #tpu.memory_space<vmem_shared>>
    %dma_wait3A_968 = tpu.memref_slice %arg18[%dma_wait3A_957] : memref<4x!tpu.dma_semaphore, #tpu.memory_space<semaphore_mem>> -> memref<1x!tpu.dma_semaphore, #tpu.memory_space<semaphore_mem>>
    %dma_wait3A_969 = tpu.memref_squeeze %dma_wait3A_968 : memref<1x!tpu.dma_semaphore, #tpu.memory_space<semaphore_mem>> -> memref<!tpu.dma_semaphore, #tpu.memory_space<semaphore_mem>>
    tpu.wait_indirect_dma semaphore(%dma_wait3A_969 : memref<!tpu.dma_semaphore, #tpu.memory_space<semaphore_mem>>) src(%dma_wait3A_967 : memref<10240x64xf32, #tpu.memory_space<vmem_shared>>) dst(%dma_wait3A_961 : memref<32x64xf32, #tpu.memory_space<vmem>>)
    "tpu.region"() ({
      %run_scoped3A = tpu.sem_alloc : memref<!tpu.dma_semaphore, #tpu.memory_space<semaphore_mem>>
      %dma_start3A_1281 = arith.constant 320 : i32
      %dma_start3A_1282 = arith.constant 0 : i32
      %dma_start3A_1283 = tpu.memref_slice %arg3[%arg1, %dma_start3A_1281, %dma_start3A_1282] : memref<16x644x32xi32, #tpu.memory_space<hbm>> -> memref<1x324x32xi32, #tpu.memory_space<hbm>>
      %dma_start3A_1284 = tpu.memref_squeeze %dma_start3A_1283 : memref<1x324x32xi32, #tpu.memory_space<hbm>> -> memref<324x32xi32, #tpu.memory_space<hbm>>
      %dma_start3A_1285 = arith.constant 320 : i32
      %dma_start3A_1286 = arith.constant 0 : i32
      %dma_start3A_1287 = tpu.memref_slice %arg3[%arg1, %dma_start3A_1285, %dma_start3A_1286] : memref<16x644x32xi32, #tpu.memory_space<hbm>> -> memref<1x324x32xi32, #tpu.memory_space<hbm>>
      %dma_start3A_1288 = tpu.memref_squeeze %dma_start3A_1287 : memref<1x324x32xi32, #tpu.memory_space<hbm>> -> memref<324x32xi32, #tpu.memory_space<hbm>>
      tpu.enqueue_dma source(%dma_start3A_1288 : memref<324x32xi32, #tpu.memory_space<hbm>>) target(%arg9 : memref<324x32xi32, #tpu.memory_space<vmem>>) target_semaphore(%run_scoped3A : memref<!tpu.dma_semaphore, #tpu.memory_space<semaphore_mem>>)
      %dma_wait3A_1289 = arith.constant 320 : i32
      %dma_wait3A_1290 = arith.constant 0 : i32
      %dma_wait3A_1291 = tpu.memref_slice %arg3[%arg1, %dma_wait3A_1289, %dma_wait3A_1290] : memref<16x644x32xi32, #tpu.memory_space<hbm>> -> memref<1x324x32xi32, #tpu.memory_space<hbm>>
      %dma_wait3A_1292 = tpu.memref_squeeze %dma_wait3A_1291 : memref<1x324x32xi32, #tpu.memory_space<hbm>> -> memref<324x32xi32, #tpu.memory_space<hbm>>
      %dma_wait3A_1293 = arith.constant 320 : i32
      %dma_wait3A_1294 = arith.constant 0 : i32
      %dma_wait3A_1295 = tpu.memref_slice %arg3[%arg1, %dma_wait3A_1293, %dma_wait3A_1294] : memref<16x644x32xi32, #tpu.memory_space<hbm>> -> memref<1x324x32xi32, #tpu.memory_space<hbm>>
      %dma_wait3A_1296 = tpu.memref_squeeze %dma_wait3A_1295 : memref<1x324x32xi32, #tpu.memory_space<hbm>> -> memref<324x32xi32, #tpu.memory_space<hbm>>
      tpu.wait_dma2 semaphore(%run_scoped3A : memref<!tpu.dma_semaphore, #tpu.memory_space<semaphore_mem>>) src(%dma_wait3A_1296 : memref<324x32xi32, #tpu.memory_space<hbm>>) dst(%arg9 : memref<324x32xi32, #tpu.memory_space<vmem>>)
      tpu.yield
    }) : () -> ()
    "tpu.region"() ({
      %run_scoped3A = tpu.sem_alloc : memref<!tpu.dma_semaphore, #tpu.memory_space<semaphore_mem>>
      %dma_start3A_1281 = arith.constant 320 : i32
      %dma_start3A_1282 = arith.constant 0 : i32
      %dma_start3A_1283 = tpu.memref_slice %arg4[%arg1, %dma_start3A_1281, %dma_start3A_1282] : memref<16x640x32xi32, #tpu.memory_space<hbm>> -> memref<1x320x32xi32, #tpu.memory_space<hbm>>
      %dma_start3A_1284 = tpu.memref_squeeze %dma_start3A_1283 : memref<1x320x32xi32, #tpu.memory_space<hbm>> -> memref<320x32xi32, #tpu.memory_space<hbm>>
      %dma_start3A_1285 = arith.constant 320 : i32
      %dma_start3A_1286 = arith.constant 0 : i32
      %dma_start3A_1287 = tpu.memref_slice %arg4[%arg1, %dma_start3A_1285, %dma_start3A_1286] : memref<16x640x32xi32, #tpu.memory_space<hbm>> -> memref<1x320x32xi32, #tpu.memory_space<hbm>>
      %dma_start3A_1288 = tpu.memref_squeeze %dma_start3A_1287 : memref<1x320x32xi32, #tpu.memory_space<hbm>> -> memref<320x32xi32, #tpu.memory_space<hbm>>
      tpu.enqueue_dma source(%dma_start3A_1288 : memref<320x32xi32, #tpu.memory_space<hbm>>) target(%arg10 : memref<320x32xi32, #tpu.memory_space<vmem>>) target_semaphore(%run_scoped3A : memref<!tpu.dma_semaphore, #tpu.memory_space<semaphore_mem>>)
      %dma_wait3A_1289 = arith.constant 320 : i32
      %dma_wait3A_1290 = arith.constant 0 : i32
      %dma_wait3A_1291 = tpu.memref_slice %arg4[%arg1, %dma_wait3A_1289, %dma_wait3A_1290] : memref<16x640x32xi32, #tpu.memory_space<hbm>> -> memref<1x320x32xi32, #tpu.memory_space<hbm>>
      %dma_wait3A_1292 = tpu.memref_squeeze %dma_wait3A_1291 : memref<1x320x32xi32, #tpu.memory_space<hbm>> -> memref<320x32xi32, #tpu.memory_space<hbm>>
      %dma_wait3A_1293 = arith.constant 320 : i32
      %dma_wait3A_1294 = arith.constant 0 : i32
      %dma_wait3A_1295 = tpu.memref_slice %arg4[%arg1, %dma_wait3A_1293, %dma_wait3A_1294] : memref<16x640x32xi32, #tpu.memory_space<hbm>> -> memref<1x320x32xi32, #tpu.memory_space<hbm>>
      %dma_wait3A_1296 = tpu.memref_squeeze %dma_wait3A_1295 : memref<1x320x32xi32, #tpu.memory_space<hbm>> -> memref<320x32xi32, #tpu.memory_space<hbm>>
      tpu.wait_dma2 semaphore(%run_scoped3A : memref<!tpu.dma_semaphore, #tpu.memory_space<semaphore_mem>>) src(%dma_wait3A_1296 : memref<320x32xi32, #tpu.memory_space<hbm>>) dst(%arg10 : memref<320x32xi32, #tpu.memory_space<vmem>>)
      tpu.yield
    }) : () -> ()
    %dma_start3A_970 = arith.constant 0 : i32
    %dma_start3A_971 = arith.constant 0 : i32
    %dma_start3A_972 = arith.constant 0 : i32
    %dma_start3A_973 = arith.constant 0 : i32
    %dma_start3A_974 = arith.constant 0 : i32
    %dma_start3A_975 = tpu.memref_slice %arg11[%dma_start3A_971, %dma_start3A_973, %dma_start3A_974] : memref<4x32x64xf32, #tpu.memory_space<vmem>> -> memref<1x32x64xf32, #tpu.memory_space<vmem>>
    %dma_start3A_976 = tpu.memref_squeeze %dma_start3A_975 : memref<1x32x64xf32, #tpu.memory_space<vmem>> -> memref<32x64xf32, #tpu.memory_space<vmem>>
    %dma_start3A_977 = arith.constant 0 : i32
    %dma_start3A_978 = tpu.memref_slice %arg9[%dma_start3A_970, %dma_start3A_977] : memref<324x32xi32, #tpu.memory_space<vmem>> -> memref<1x32xi32, #tpu.memory_space<vmem>>
    %dma_start3A_979 = tpu.memref_squeeze %dma_start3A_978 : memref<1x32xi32, #tpu.memory_space<vmem>> -> memref<32xi32, #tpu.memory_space<vmem>>
    %dma_start3A_980 = arith.constant 0 : i32
    %dma_start3A_981 = arith.constant 0 : i32
    %dma_start3A_982 = tpu.memref_slice %arg16[%dma_start3A_980, %dma_start3A_981] : memref<10240x64xf32, #tpu.memory_space<vmem_shared>> -> memref<10240x64xf32, #tpu.memory_space<vmem_shared>>
    %dma_start3A_983 = tpu.memref_slice %arg18[%dma_start3A_972] : memref<4x!tpu.dma_semaphore, #tpu.memory_space<semaphore_mem>> -> memref<1x!tpu.dma_semaphore, #tpu.memory_space<semaphore_mem>>
    %dma_start3A_984 = tpu.memref_squeeze %dma_start3A_983 : memref<1x!tpu.dma_semaphore, #tpu.memory_space<semaphore_mem>> -> memref<!tpu.dma_semaphore, #tpu.memory_space<semaphore_mem>>
    tpu.enqueue_indirect_dma source(%dma_start3A_982 : memref<10240x64xf32, #tpu.memory_space<vmem_shared>>) target(%dma_start3A_976 : memref<32x64xf32, #tpu.memory_space<vmem>>) offsets(%dma_start3A_979 : memref<32xi32, #tpu.memory_space<vmem>>) semaphore(%dma_start3A_984 : memref<!tpu.dma_semaphore, #tpu.memory_space<semaphore_mem>>)
    %dma_start3A_985 = arith.constant 1 : i32
    %dma_start3A_986 = arith.constant 1 : i32
    %dma_start3A_987 = arith.constant 1 : i32
    %dma_start3A_988 = arith.constant 0 : i32
    %dma_start3A_989 = arith.constant 0 : i32
    %dma_start3A_990 = tpu.memref_slice %arg11[%dma_start3A_986, %dma_start3A_988, %dma_start3A_989] : memref<4x32x64xf32, #tpu.memory_space<vmem>> -> memref<1x32x64xf32, #tpu.memory_space<vmem>>
    %dma_start3A_991 = tpu.memref_squeeze %dma_start3A_990 : memref<1x32x64xf32, #tpu.memory_space<vmem>> -> memref<32x64xf32, #tpu.memory_space<vmem>>
    %dma_start3A_992 = arith.constant 0 : i32
    %dma_start3A_993 = tpu.memref_slice %arg9[%dma_start3A_985, %dma_start3A_992] : memref<324x32xi32, #tpu.memory_space<vmem>> -> memref<1x32xi32, #tpu.memory_space<vmem>>
    %dma_start3A_994 = tpu.memref_squeeze %dma_start3A_993 : memref<1x32xi32, #tpu.memory_space<vmem>> -> memref<32xi32, #tpu.memory_space<vmem>>
    %dma_start3A_995 = arith.constant 0 : i32
    %dma_start3A_996 = arith.constant 0 : i32
    %dma_start3A_997 = tpu.memref_slice %arg16[%dma_start3A_995, %dma_start3A_996] : memref<10240x64xf32, #tpu.memory_space<vmem_shared>> -> memref<10240x64xf32, #tpu.memory_space<vmem_shared>>
    %dma_start3A_998 = tpu.memref_slice %arg18[%dma_start3A_987] : memref<4x!tpu.dma_semaphore, #tpu.memory_space<semaphore_mem>> -> memref<1x!tpu.dma_semaphore, #tpu.memory_space<semaphore_mem>>
    %dma_start3A_999 = tpu.memref_squeeze %dma_start3A_998 : memref<1x!tpu.dma_semaphore, #tpu.memory_space<semaphore_mem>> -> memref<!tpu.dma_semaphore, #tpu.memory_space<semaphore_mem>>
    tpu.enqueue_indirect_dma source(%dma_start3A_997 : memref<10240x64xf32, #tpu.memory_space<vmem_shared>>) target(%dma_start3A_991 : memref<32x64xf32, #tpu.memory_space<vmem>>) offsets(%dma_start3A_994 : memref<32xi32, #tpu.memory_space<vmem>>) semaphore(%dma_start3A_999 : memref<!tpu.dma_semaphore, #tpu.memory_space<semaphore_mem>>)
    %dma_wait3A_1000 = arith.constant 0 : i32
    %dma_wait3A_1001 = arith.constant 0 : i32
    %dma_wait3A_1002 = arith.constant 0 : i32
    %dma_wait3A_1003 = arith.constant 0 : i32
    %dma_wait3A_1004 = arith.constant 0 : i32
    %dma_wait3A_1005 = tpu.memref_slice %arg11[%dma_wait3A_1001, %dma_wait3A_1003, %dma_wait3A_1004] : memref<4x32x64xf32, #tpu.memory_space<vmem>> -> memref<1x32x64xf32, #tpu.memory_space<vmem>>
    %dma_wait3A_1006 = tpu.memref_squeeze %dma_wait3A_1005 : memref<1x32x64xf32, #tpu.memory_space<vmem>> -> memref<32x64xf32, #tpu.memory_space<vmem>>
    %dma_wait3A_1007 = arith.constant 0 : i32
    %dma_wait3A_1008 = tpu.memref_slice %arg9[%dma_wait3A_1000, %dma_wait3A_1007] : memref<324x32xi32, #tpu.memory_space<vmem>> -> memref<1x32xi32, #tpu.memory_space<vmem>>
    %dma_wait3A_1009 = tpu.memref_squeeze %dma_wait3A_1008 : memref<1x32xi32, #tpu.memory_space<vmem>> -> memref<32xi32, #tpu.memory_space<vmem>>
    %dma_wait3A_1010 = arith.constant 0 : i32
    %dma_wait3A_1011 = arith.constant 0 : i32
    %dma_wait3A_1012 = tpu.memref_slice %arg16[%dma_wait3A_1010, %dma_wait3A_1011] : memref<10240x64xf32, #tpu.memory_space<vmem_shared>> -> memref<10240x64xf32, #tpu.memory_space<vmem_shared>>
    %dma_wait3A_1013 = tpu.memref_slice %arg18[%dma_wait3A_1002] : memref<4x!tpu.dma_semaphore, #tpu.memory_space<semaphore_mem>> -> memref<1x!tpu.dma_semaphore, #tpu.memory_space<semaphore_mem>>
    %dma_wait3A_1014 = tpu.memref_squeeze %dma_wait3A_1013 : memref<1x!tpu.dma_semaphore, #tpu.memory_space<semaphore_mem>> -> memref<!tpu.dma_semaphore, #tpu.memory_space<semaphore_mem>>
    tpu.wait_indirect_dma semaphore(%dma_wait3A_1014 : memref<!tpu.dma_semaphore, #tpu.memory_space<semaphore_mem>>) src(%dma_wait3A_1012 : memref<10240x64xf32, #tpu.memory_space<vmem_shared>>) dst(%dma_wait3A_1006 : memref<32x64xf32, #tpu.memory_space<vmem>>)
    %dma_start3A_1015 = arith.constant 0 : i32
    %dma_start3A_1016 = arith.constant 0 : i32
    %dma_start3A_1017 = arith.constant 0 : i32
    %dma_start3A_1018 = arith.constant 0 : i32
    %dma_start3A_1019 = arith.constant 0 : i32
    %dma_start3A_1020 = tpu.memref_slice %arg11[%dma_start3A_1015, %dma_start3A_1018, %dma_start3A_1019] : memref<4x32x64xf32, #tpu.memory_space<vmem>> -> memref<1x32x64xf32, #tpu.memory_space<vmem>>
    %dma_start3A_1021 = tpu.memref_squeeze %dma_start3A_1020 : memref<1x32x64xf32, #tpu.memory_space<vmem>> -> memref<32x64xf32, #tpu.memory_space<vmem>>
    %dma_start3A_1022 = arith.constant 0 : i32
    %dma_start3A_1023 = tpu.memref_slice %arg10[%dma_start3A_1016, %dma_start3A_1022] : memref<320x32xi32, #tpu.memory_space<vmem>> -> memref<1x32xi32, #tpu.memory_space<vmem>>
    %dma_start3A_1024 = tpu.memref_squeeze %dma_start3A_1023 : memref<1x32xi32, #tpu.memory_space<vmem>> -> memref<32xi32, #tpu.memory_space<vmem>>
    %dma_start3A_1025 = arith.constant 0 : i32
    %dma_start3A_1026 = arith.constant 0 : i32
    %dma_start3A_1027 = tpu.memref_slice %arg15[%dma_start3A_1025, %dma_start3A_1026] : memref<10240x64xf32, #tpu.memory_space<vmem_shared>> -> memref<10240x64xf32, #tpu.memory_space<vmem_shared>>
    %dma_start3A_1028 = tpu.memref_slice %arg19[%dma_start3A_1017] : memref<4x!tpu.dma_semaphore, #tpu.memory_space<semaphore_mem>> -> memref<1x!tpu.dma_semaphore, #tpu.memory_space<semaphore_mem>>
    %dma_start3A_1029 = tpu.memref_squeeze %dma_start3A_1028 : memref<1x!tpu.dma_semaphore, #tpu.memory_space<semaphore_mem>> -> memref<!tpu.dma_semaphore, #tpu.memory_space<semaphore_mem>>
    tpu.enqueue_indirect_dma source(%dma_start3A_1021 : memref<32x64xf32, #tpu.memory_space<vmem>>) target(%dma_start3A_1027 : memref<10240x64xf32, #tpu.memory_space<vmem_shared>>) offsets(%dma_start3A_1024 : memref<32xi32, #tpu.memory_space<vmem>>) semaphore(%dma_start3A_1029 : memref<!tpu.dma_semaphore, #tpu.memory_space<semaphore_mem>>) {add = true}
    %dma_start3A_1030 = arith.constant 2 : i32
    %dma_start3A_1031 = arith.constant 2 : i32
    %dma_start3A_1032 = arith.constant 2 : i32
    %dma_start3A_1033 = arith.constant 0 : i32
    %dma_start3A_1034 = arith.constant 0 : i32
    %dma_start3A_1035 = tpu.memref_slice %arg11[%dma_start3A_1031, %dma_start3A_1033, %dma_start3A_1034] : memref<4x32x64xf32, #tpu.memory_space<vmem>> -> memref<1x32x64xf32, #tpu.memory_space<vmem>>
    %dma_start3A_1036 = tpu.memref_squeeze %dma_start3A_1035 : memref<1x32x64xf32, #tpu.memory_space<vmem>> -> memref<32x64xf32, #tpu.memory_space<vmem>>
    %dma_start3A_1037 = arith.constant 0 : i32
    %dma_start3A_1038 = tpu.memref_slice %arg9[%dma_start3A_1030, %dma_start3A_1037] : memref<324x32xi32, #tpu.memory_space<vmem>> -> memref<1x32xi32, #tpu.memory_space<vmem>>
    %dma_start3A_1039 = tpu.memref_squeeze %dma_start3A_1038 : memref<1x32xi32, #tpu.memory_space<vmem>> -> memref<32xi32, #tpu.memory_space<vmem>>
    %dma_start3A_1040 = arith.constant 0 : i32
    %dma_start3A_1041 = arith.constant 0 : i32
    %dma_start3A_1042 = tpu.memref_slice %arg16[%dma_start3A_1040, %dma_start3A_1041] : memref<10240x64xf32, #tpu.memory_space<vmem_shared>> -> memref<10240x64xf32, #tpu.memory_space<vmem_shared>>
    %dma_start3A_1043 = tpu.memref_slice %arg18[%dma_start3A_1032] : memref<4x!tpu.dma_semaphore, #tpu.memory_space<semaphore_mem>> -> memref<1x!tpu.dma_semaphore, #tpu.memory_space<semaphore_mem>>
    %dma_start3A_1044 = tpu.memref_squeeze %dma_start3A_1043 : memref<1x!tpu.dma_semaphore, #tpu.memory_space<semaphore_mem>> -> memref<!tpu.dma_semaphore, #tpu.memory_space<semaphore_mem>>
    tpu.enqueue_indirect_dma source(%dma_start3A_1042 : memref<10240x64xf32, #tpu.memory_space<vmem_shared>>) target(%dma_start3A_1036 : memref<32x64xf32, #tpu.memory_space<vmem>>) offsets(%dma_start3A_1039 : memref<32xi32, #tpu.memory_space<vmem>>) semaphore(%dma_start3A_1044 : memref<!tpu.dma_semaphore, #tpu.memory_space<semaphore_mem>>)
    %dma_wait3A_1045 = arith.constant 0 : i32
    %dma_wait3A_1046 = arith.constant 1 : i32
    %dma_wait3A_1047 = arith.constant 1 : i32
    %dma_wait3A_1048 = arith.constant 0 : i32
    %dma_wait3A_1049 = arith.constant 0 : i32
    %dma_wait3A_1050 = tpu.memref_slice %arg11[%dma_wait3A_1046, %dma_wait3A_1048, %dma_wait3A_1049] : memref<4x32x64xf32, #tpu.memory_space<vmem>> -> memref<1x32x64xf32, #tpu.memory_space<vmem>>
    %dma_wait3A_1051 = tpu.memref_squeeze %dma_wait3A_1050 : memref<1x32x64xf32, #tpu.memory_space<vmem>> -> memref<32x64xf32, #tpu.memory_space<vmem>>
    %dma_wait3A_1052 = arith.constant 0 : i32
    %dma_wait3A_1053 = tpu.memref_slice %arg9[%dma_wait3A_1045, %dma_wait3A_1052] : memref<324x32xi32, #tpu.memory_space<vmem>> -> memref<1x32xi32, #tpu.memory_space<vmem>>
    %dma_wait3A_1054 = tpu.memref_squeeze %dma_wait3A_1053 : memref<1x32xi32, #tpu.memory_space<vmem>> -> memref<32xi32, #tpu.memory_space<vmem>>
    %dma_wait3A_1055 = arith.constant 0 : i32
    %dma_wait3A_1056 = arith.constant 0 : i32
    %dma_wait3A_1057 = tpu.memref_slice %arg16[%dma_wait3A_1055, %dma_wait3A_1056] : memref<10240x64xf32, #tpu.memory_space<vmem_shared>> -> memref<10240x64xf32, #tpu.memory_space<vmem_shared>>
    %dma_wait3A_1058 = tpu.memref_slice %arg18[%dma_wait3A_1047] : memref<4x!tpu.dma_semaphore, #tpu.memory_space<semaphore_mem>> -> memref<1x!tpu.dma_semaphore, #tpu.memory_space<semaphore_mem>>
    %dma_wait3A_1059 = tpu.memref_squeeze %dma_wait3A_1058 : memref<1x!tpu.dma_semaphore, #tpu.memory_space<semaphore_mem>> -> memref<!tpu.dma_semaphore, #tpu.memory_space<semaphore_mem>>
    tpu.wait_indirect_dma semaphore(%dma_wait3A_1059 : memref<!tpu.dma_semaphore, #tpu.memory_space<semaphore_mem>>) src(%dma_wait3A_1057 : memref<10240x64xf32, #tpu.memory_space<vmem_shared>>) dst(%dma_wait3A_1051 : memref<32x64xf32, #tpu.memory_space<vmem>>)
    %dma_start3A_1060 = arith.constant 1 : i32
    %dma_start3A_1061 = arith.constant 1 : i32
    %dma_start3A_1062 = arith.constant 1 : i32
    %dma_start3A_1063 = arith.constant 0 : i32
    %dma_start3A_1064 = arith.constant 0 : i32
    %dma_start3A_1065 = tpu.memref_slice %arg11[%dma_start3A_1060, %dma_start3A_1063, %dma_start3A_1064] : memref<4x32x64xf32, #tpu.memory_space<vmem>> -> memref<1x32x64xf32, #tpu.memory_space<vmem>>
    %dma_start3A_1066 = tpu.memref_squeeze %dma_start3A_1065 : memref<1x32x64xf32, #tpu.memory_space<vmem>> -> memref<32x64xf32, #tpu.memory_space<vmem>>
    %dma_start3A_1067 = arith.constant 0 : i32
    %dma_start3A_1068 = tpu.memref_slice %arg10[%dma_start3A_1061, %dma_start3A_1067] : memref<320x32xi32, #tpu.memory_space<vmem>> -> memref<1x32xi32, #tpu.memory_space<vmem>>
    %dma_start3A_1069 = tpu.memref_squeeze %dma_start3A_1068 : memref<1x32xi32, #tpu.memory_space<vmem>> -> memref<32xi32, #tpu.memory_space<vmem>>
    %dma_start3A_1070 = arith.constant 0 : i32
    %dma_start3A_1071 = arith.constant 0 : i32
    %dma_start3A_1072 = tpu.memref_slice %arg15[%dma_start3A_1070, %dma_start3A_1071] : memref<10240x64xf32, #tpu.memory_space<vmem_shared>> -> memref<10240x64xf32, #tpu.memory_space<vmem_shared>>
    %dma_start3A_1073 = tpu.memref_slice %arg19[%dma_start3A_1062] : memref<4x!tpu.dma_semaphore, #tpu.memory_space<semaphore_mem>> -> memref<1x!tpu.dma_semaphore, #tpu.memory_space<semaphore_mem>>
    %dma_start3A_1074 = tpu.memref_squeeze %dma_start3A_1073 : memref<1x!tpu.dma_semaphore, #tpu.memory_space<semaphore_mem>> -> memref<!tpu.dma_semaphore, #tpu.memory_space<semaphore_mem>>
    tpu.enqueue_indirect_dma source(%dma_start3A_1066 : memref<32x64xf32, #tpu.memory_space<vmem>>) target(%dma_start3A_1072 : memref<10240x64xf32, #tpu.memory_space<vmem_shared>>) offsets(%dma_start3A_1069 : memref<32xi32, #tpu.memory_space<vmem>>) semaphore(%dma_start3A_1074 : memref<!tpu.dma_semaphore, #tpu.memory_space<semaphore_mem>>) {add = true}
    %dma_start3A_1075 = arith.constant 3 : i32
    %dma_start3A_1076 = arith.constant 3 : i32
    %dma_start3A_1077 = arith.constant 3 : i32
    %dma_start3A_1078 = arith.constant 0 : i32
    %dma_start3A_1079 = arith.constant 0 : i32
    %dma_start3A_1080 = tpu.memref_slice %arg11[%dma_start3A_1076, %dma_start3A_1078, %dma_start3A_1079] : memref<4x32x64xf32, #tpu.memory_space<vmem>> -> memref<1x32x64xf32, #tpu.memory_space<vmem>>
    %dma_start3A_1081 = tpu.memref_squeeze %dma_start3A_1080 : memref<1x32x64xf32, #tpu.memory_space<vmem>> -> memref<32x64xf32, #tpu.memory_space<vmem>>
    %dma_start3A_1082 = arith.constant 0 : i32
    %dma_start3A_1083 = tpu.memref_slice %arg9[%dma_start3A_1075, %dma_start3A_1082] : memref<324x32xi32, #tpu.memory_space<vmem>> -> memref<1x32xi32, #tpu.memory_space<vmem>>
    %dma_start3A_1084 = tpu.memref_squeeze %dma_start3A_1083 : memref<1x32xi32, #tpu.memory_space<vmem>> -> memref<32xi32, #tpu.memory_space<vmem>>
    %dma_start3A_1085 = arith.constant 0 : i32
    %dma_start3A_1086 = arith.constant 0 : i32
    %dma_start3A_1087 = tpu.memref_slice %arg16[%dma_start3A_1085, %dma_start3A_1086] : memref<10240x64xf32, #tpu.memory_space<vmem_shared>> -> memref<10240x64xf32, #tpu.memory_space<vmem_shared>>
    %dma_start3A_1088 = tpu.memref_slice %arg18[%dma_start3A_1077] : memref<4x!tpu.dma_semaphore, #tpu.memory_space<semaphore_mem>> -> memref<1x!tpu.dma_semaphore, #tpu.memory_space<semaphore_mem>>
    %dma_start3A_1089 = tpu.memref_squeeze %dma_start3A_1088 : memref<1x!tpu.dma_semaphore, #tpu.memory_space<semaphore_mem>> -> memref<!tpu.dma_semaphore, #tpu.memory_space<semaphore_mem>>
    tpu.enqueue_indirect_dma source(%dma_start3A_1087 : memref<10240x64xf32, #tpu.memory_space<vmem_shared>>) target(%dma_start3A_1081 : memref<32x64xf32, #tpu.memory_space<vmem>>) offsets(%dma_start3A_1084 : memref<32xi32, #tpu.memory_space<vmem>>) semaphore(%dma_start3A_1089 : memref<!tpu.dma_semaphore, #tpu.memory_space<semaphore_mem>>)
    %dma_wait3A_1090 = arith.constant 0 : i32
    %dma_wait3A_1091 = arith.constant 2 : i32
    %dma_wait3A_1092 = arith.constant 2 : i32
    %dma_wait3A_1093 = arith.constant 0 : i32
    %dma_wait3A_1094 = arith.constant 0 : i32
    %dma_wait3A_1095 = tpu.memref_slice %arg11[%dma_wait3A_1091, %dma_wait3A_1093, %dma_wait3A_1094] : memref<4x32x64xf32, #tpu.memory_space<vmem>> -> memref<1x32x64xf32, #tpu.memory_space<vmem>>
    %dma_wait3A_1096 = tpu.memref_squeeze %dma_wait3A_1095 : memref<1x32x64xf32, #tpu.memory_space<vmem>> -> memref<32x64xf32, #tpu.memory_space<vmem>>
    %dma_wait3A_1097 = arith.constant 0 : i32
    %dma_wait3A_1098 = tpu.memref_slice %arg9[%dma_wait3A_1090, %dma_wait3A_1097] : memref<324x32xi32, #tpu.memory_space<vmem>> -> memref<1x32xi32, #tpu.memory_space<vmem>>
    %dma_wait3A_1099 = tpu.memref_squeeze %dma_wait3A_1098 : memref<1x32xi32, #tpu.memory_space<vmem>> -> memref<32xi32, #tpu.memory_space<vmem>>
    %dma_wait3A_1100 = arith.constant 0 : i32
    %dma_wait3A_1101 = arith.constant 0 : i32
    %dma_wait3A_1102 = tpu.memref_slice %arg16[%dma_wait3A_1100, %dma_wait3A_1101] : memref<10240x64xf32, #tpu.memory_space<vmem_shared>> -> memref<10240x64xf32, #tpu.memory_space<vmem_shared>>
    %dma_wait3A_1103 = tpu.memref_slice %arg18[%dma_wait3A_1092] : memref<4x!tpu.dma_semaphore, #tpu.memory_space<semaphore_mem>> -> memref<1x!tpu.dma_semaphore, #tpu.memory_space<semaphore_mem>>
    %dma_wait3A_1104 = tpu.memref_squeeze %dma_wait3A_1103 : memref<1x!tpu.dma_semaphore, #tpu.memory_space<semaphore_mem>> -> memref<!tpu.dma_semaphore, #tpu.memory_space<semaphore_mem>>
    tpu.wait_indirect_dma semaphore(%dma_wait3A_1104 : memref<!tpu.dma_semaphore, #tpu.memory_space<semaphore_mem>>) src(%dma_wait3A_1102 : memref<10240x64xf32, #tpu.memory_space<vmem_shared>>) dst(%dma_wait3A_1096 : memref<32x64xf32, #tpu.memory_space<vmem>>)
    %dma_start3A_1105 = arith.constant 2 : i32
    %dma_start3A_1106 = arith.constant 2 : i32
    %dma_start3A_1107 = arith.constant 2 : i32
    %dma_start3A_1108 = arith.constant 0 : i32
    %dma_start3A_1109 = arith.constant 0 : i32
    %dma_start3A_1110 = tpu.memref_slice %arg11[%dma_start3A_1105, %dma_start3A_1108, %dma_start3A_1109] : memref<4x32x64xf32, #tpu.memory_space<vmem>> -> memref<1x32x64xf32, #tpu.memory_space<vmem>>
    %dma_start3A_1111 = tpu.memref_squeeze %dma_start3A_1110 : memref<1x32x64xf32, #tpu.memory_space<vmem>> -> memref<32x64xf32, #tpu.memory_space<vmem>>
    %dma_start3A_1112 = arith.constant 0 : i32
    %dma_start3A_1113 = tpu.memref_slice %arg10[%dma_start3A_1106, %dma_start3A_1112] : memref<320x32xi32, #tpu.memory_space<vmem>> -> memref<1x32xi32, #tpu.memory_space<vmem>>
    %dma_start3A_1114 = tpu.memref_squeeze %dma_start3A_1113 : memref<1x32xi32, #tpu.memory_space<vmem>> -> memref<32xi32, #tpu.memory_space<vmem>>
    %dma_start3A_1115 = arith.constant 0 : i32
    %dma_start3A_1116 = arith.constant 0 : i32
    %dma_start3A_1117 = tpu.memref_slice %arg15[%dma_start3A_1115, %dma_start3A_1116] : memref<10240x64xf32, #tpu.memory_space<vmem_shared>> -> memref<10240x64xf32, #tpu.memory_space<vmem_shared>>
    %dma_start3A_1118 = tpu.memref_slice %arg19[%dma_start3A_1107] : memref<4x!tpu.dma_semaphore, #tpu.memory_space<semaphore_mem>> -> memref<1x!tpu.dma_semaphore, #tpu.memory_space<semaphore_mem>>
    %dma_start3A_1119 = tpu.memref_squeeze %dma_start3A_1118 : memref<1x!tpu.dma_semaphore, #tpu.memory_space<semaphore_mem>> -> memref<!tpu.dma_semaphore, #tpu.memory_space<semaphore_mem>>
    tpu.enqueue_indirect_dma source(%dma_start3A_1111 : memref<32x64xf32, #tpu.memory_space<vmem>>) target(%dma_start3A_1117 : memref<10240x64xf32, #tpu.memory_space<vmem_shared>>) offsets(%dma_start3A_1114 : memref<32xi32, #tpu.memory_space<vmem>>) semaphore(%dma_start3A_1119 : memref<!tpu.dma_semaphore, #tpu.memory_space<semaphore_mem>>) {add = true}
    %dma_wait3A_1120 = arith.constant 0 : i32
    %dma_wait3A_1121 = arith.constant 0 : i32
    %dma_wait3A_1122 = arith.constant 0 : i32
    %dma_wait3A_1123 = arith.constant 0 : i32
    %dma_wait3A_1124 = arith.constant 0 : i32
    %dma_wait3A_1125 = tpu.memref_slice %arg11[%dma_wait3A_1120, %dma_wait3A_1123, %dma_wait3A_1124] : memref<4x32x64xf32, #tpu.memory_space<vmem>> -> memref<1x32x64xf32, #tpu.memory_space<vmem>>
    %dma_wait3A_1126 = tpu.memref_squeeze %dma_wait3A_1125 : memref<1x32x64xf32, #tpu.memory_space<vmem>> -> memref<32x64xf32, #tpu.memory_space<vmem>>
    %dma_wait3A_1127 = arith.constant 0 : i32
    %dma_wait3A_1128 = tpu.memref_slice %arg10[%dma_wait3A_1121, %dma_wait3A_1127] : memref<320x32xi32, #tpu.memory_space<vmem>> -> memref<1x32xi32, #tpu.memory_space<vmem>>
    %dma_wait3A_1129 = tpu.memref_squeeze %dma_wait3A_1128 : memref<1x32xi32, #tpu.memory_space<vmem>> -> memref<32xi32, #tpu.memory_space<vmem>>
    %dma_wait3A_1130 = arith.constant 0 : i32
    %dma_wait3A_1131 = arith.constant 0 : i32
    %dma_wait3A_1132 = tpu.memref_slice %arg15[%dma_wait3A_1130, %dma_wait3A_1131] : memref<10240x64xf32, #tpu.memory_space<vmem_shared>> -> memref<10240x64xf32, #tpu.memory_space<vmem_shared>>
    %dma_wait3A_1133 = tpu.memref_slice %arg19[%dma_wait3A_1122] : memref<4x!tpu.dma_semaphore, #tpu.memory_space<semaphore_mem>> -> memref<1x!tpu.dma_semaphore, #tpu.memory_space<semaphore_mem>>
    %dma_wait3A_1134 = tpu.memref_squeeze %dma_wait3A_1133 : memref<1x!tpu.dma_semaphore, #tpu.memory_space<semaphore_mem>> -> memref<!tpu.dma_semaphore, #tpu.memory_space<semaphore_mem>>
    tpu.wait_indirect_dma semaphore(%dma_wait3A_1134 : memref<!tpu.dma_semaphore, #tpu.memory_space<semaphore_mem>>) src(%dma_wait3A_1126 : memref<32x64xf32, #tpu.memory_space<vmem>>) dst(%dma_wait3A_1132 : memref<10240x64xf32, #tpu.memory_space<vmem_shared>>)
    %dma_start3A_1135 = arith.constant 4 : i32
    %dma_start3A_1136 = arith.constant 0 : i32
    %dma_start3A_1137 = arith.constant 0 : i32
    %dma_start3A_1138 = arith.constant 0 : i32
    %dma_start3A_1139 = arith.constant 0 : i32
    %dma_start3A_1140 = tpu.memref_slice %arg11[%dma_start3A_1136, %dma_start3A_1138, %dma_start3A_1139] : memref<4x32x64xf32, #tpu.memory_space<vmem>> -> memref<1x32x64xf32, #tpu.memory_space<vmem>>
    %dma_start3A_1141 = tpu.memref_squeeze %dma_start3A_1140 : memref<1x32x64xf32, #tpu.memory_space<vmem>> -> memref<32x64xf32, #tpu.memory_space<vmem>>
    %dma_start3A_1142 = arith.constant 0 : i32
    %dma_start3A_1143 = tpu.memref_slice %arg9[%dma_start3A_1135, %dma_start3A_1142] : memref<324x32xi32, #tpu.memory_space<vmem>> -> memref<1x32xi32, #tpu.memory_space<vmem>>
    %dma_start3A_1144 = tpu.memref_squeeze %dma_start3A_1143 : memref<1x32xi32, #tpu.memory_space<vmem>> -> memref<32xi32, #tpu.memory_space<vmem>>
    %dma_start3A_1145 = arith.constant 0 : i32
    %dma_start3A_1146 = arith.constant 0 : i32
    %dma_start3A_1147 = tpu.memref_slice %arg16[%dma_start3A_1145, %dma_start3A_1146] : memref<10240x64xf32, #tpu.memory_space<vmem_shared>> -> memref<10240x64xf32, #tpu.memory_space<vmem_shared>>
    %dma_start3A_1148 = tpu.memref_slice %arg18[%dma_start3A_1137] : memref<4x!tpu.dma_semaphore, #tpu.memory_space<semaphore_mem>> -> memref<1x!tpu.dma_semaphore, #tpu.memory_space<semaphore_mem>>
    %dma_start3A_1149 = tpu.memref_squeeze %dma_start3A_1148 : memref<1x!tpu.dma_semaphore, #tpu.memory_space<semaphore_mem>> -> memref<!tpu.dma_semaphore, #tpu.memory_space<semaphore_mem>>
    tpu.enqueue_indirect_dma source(%dma_start3A_1147 : memref<10240x64xf32, #tpu.memory_space<vmem_shared>>) target(%dma_start3A_1141 : memref<32x64xf32, #tpu.memory_space<vmem>>) offsets(%dma_start3A_1144 : memref<32xi32, #tpu.memory_space<vmem>>) semaphore(%dma_start3A_1149 : memref<!tpu.dma_semaphore, #tpu.memory_space<semaphore_mem>>)
    %dma_wait3A_1150 = arith.constant 0 : i32
    %dma_wait3A_1151 = arith.constant 3 : i32
    %dma_wait3A_1152 = arith.constant 3 : i32
    %dma_wait3A_1153 = arith.constant 0 : i32
    %dma_wait3A_1154 = arith.constant 0 : i32
    %dma_wait3A_1155 = tpu.memref_slice %arg11[%dma_wait3A_1151, %dma_wait3A_1153, %dma_wait3A_1154] : memref<4x32x64xf32, #tpu.memory_space<vmem>> -> memref<1x32x64xf32, #tpu.memory_space<vmem>>
    %dma_wait3A_1156 = tpu.memref_squeeze %dma_wait3A_1155 : memref<1x32x64xf32, #tpu.memory_space<vmem>> -> memref<32x64xf32, #tpu.memory_space<vmem>>
    %dma_wait3A_1157 = arith.constant 0 : i32
    %dma_wait3A_1158 = tpu.memref_slice %arg9[%dma_wait3A_1150, %dma_wait3A_1157] : memref<324x32xi32, #tpu.memory_space<vmem>> -> memref<1x32xi32, #tpu.memory_space<vmem>>
    %dma_wait3A_1159 = tpu.memref_squeeze %dma_wait3A_1158 : memref<1x32xi32, #tpu.memory_space<vmem>> -> memref<32xi32, #tpu.memory_space<vmem>>
    %dma_wait3A_1160 = arith.constant 0 : i32
    %dma_wait3A_1161 = arith.constant 0 : i32
    %dma_wait3A_1162 = tpu.memref_slice %arg16[%dma_wait3A_1160, %dma_wait3A_1161] : memref<10240x64xf32, #tpu.memory_space<vmem_shared>> -> memref<10240x64xf32, #tpu.memory_space<vmem_shared>>
    %dma_wait3A_1163 = tpu.memref_slice %arg18[%dma_wait3A_1152] : memref<4x!tpu.dma_semaphore, #tpu.memory_space<semaphore_mem>> -> memref<1x!tpu.dma_semaphore, #tpu.memory_space<semaphore_mem>>
    %dma_wait3A_1164 = tpu.memref_squeeze %dma_wait3A_1163 : memref<1x!tpu.dma_semaphore, #tpu.memory_space<semaphore_mem>> -> memref<!tpu.dma_semaphore, #tpu.memory_space<semaphore_mem>>
    tpu.wait_indirect_dma semaphore(%dma_wait3A_1164 : memref<!tpu.dma_semaphore, #tpu.memory_space<semaphore_mem>>) src(%dma_wait3A_1162 : memref<10240x64xf32, #tpu.memory_space<vmem_shared>>) dst(%dma_wait3A_1156 : memref<32x64xf32, #tpu.memory_space<vmem>>)
    %dma_start3A_1165 = arith.constant 3 : i32
    %dma_start3A_1166 = arith.constant 3 : i32
    %dma_start3A_1167 = arith.constant 3 : i32
    %dma_start3A_1168 = arith.constant 0 : i32
    %dma_start3A_1169 = arith.constant 0 : i32
    %dma_start3A_1170 = tpu.memref_slice %arg11[%dma_start3A_1165, %dma_start3A_1168, %dma_start3A_1169] : memref<4x32x64xf32, #tpu.memory_space<vmem>> -> memref<1x32x64xf32, #tpu.memory_space<vmem>>
    %dma_start3A_1171 = tpu.memref_squeeze %dma_start3A_1170 : memref<1x32x64xf32, #tpu.memory_space<vmem>> -> memref<32x64xf32, #tpu.memory_space<vmem>>
    %dma_start3A_1172 = arith.constant 0 : i32
    %dma_start3A_1173 = tpu.memref_slice %arg10[%dma_start3A_1166, %dma_start3A_1172] : memref<320x32xi32, #tpu.memory_space<vmem>> -> memref<1x32xi32, #tpu.memory_space<vmem>>
    %dma_start3A_1174 = tpu.memref_squeeze %dma_start3A_1173 : memref<1x32xi32, #tpu.memory_space<vmem>> -> memref<32xi32, #tpu.memory_space<vmem>>
    %dma_start3A_1175 = arith.constant 0 : i32
    %dma_start3A_1176 = arith.constant 0 : i32
    %dma_start3A_1177 = tpu.memref_slice %arg15[%dma_start3A_1175, %dma_start3A_1176] : memref<10240x64xf32, #tpu.memory_space<vmem_shared>> -> memref<10240x64xf32, #tpu.memory_space<vmem_shared>>
    %dma_start3A_1178 = tpu.memref_slice %arg19[%dma_start3A_1167] : memref<4x!tpu.dma_semaphore, #tpu.memory_space<semaphore_mem>> -> memref<1x!tpu.dma_semaphore, #tpu.memory_space<semaphore_mem>>
    %dma_start3A_1179 = tpu.memref_squeeze %dma_start3A_1178 : memref<1x!tpu.dma_semaphore, #tpu.memory_space<semaphore_mem>> -> memref<!tpu.dma_semaphore, #tpu.memory_space<semaphore_mem>>
    tpu.enqueue_indirect_dma source(%dma_start3A_1171 : memref<32x64xf32, #tpu.memory_space<vmem>>) target(%dma_start3A_1177 : memref<10240x64xf32, #tpu.memory_space<vmem_shared>>) offsets(%dma_start3A_1174 : memref<32xi32, #tpu.memory_space<vmem>>) semaphore(%dma_start3A_1179 : memref<!tpu.dma_semaphore, #tpu.memory_space<semaphore_mem>>) {add = true}
    %dma_wait3A_1180 = arith.constant 1 : i32
    %dma_wait3A_1181 = arith.constant 0 : i32
    %dma_wait3A_1182 = arith.constant 1 : i32
    %dma_wait3A_1183 = arith.constant 0 : i32
    %dma_wait3A_1184 = arith.constant 0 : i32
    %dma_wait3A_1185 = tpu.memref_slice %arg11[%dma_wait3A_1180, %dma_wait3A_1183, %dma_wait3A_1184] : memref<4x32x64xf32, #tpu.memory_space<vmem>> -> memref<1x32x64xf32, #tpu.memory_space<vmem>>
    %dma_wait3A_1186 = tpu.memref_squeeze %dma_wait3A_1185 : memref<1x32x64xf32, #tpu.memory_space<vmem>> -> memref<32x64xf32, #tpu.memory_space<vmem>>
    %dma_wait3A_1187 = arith.constant 0 : i32
    %dma_wait3A_1188 = tpu.memref_slice %arg10[%dma_wait3A_1181, %dma_wait3A_1187] : memref<320x32xi32, #tpu.memory_space<vmem>> -> memref<1x32xi32, #tpu.memory_space<vmem>>
    %dma_wait3A_1189 = tpu.memref_squeeze %dma_wait3A_1188 : memref<1x32xi32, #tpu.memory_space<vmem>> -> memref<32xi32, #tpu.memory_space<vmem>>
    %dma_wait3A_1190 = arith.constant 0 : i32
    %dma_wait3A_1191 = arith.constant 0 : i32
    %dma_wait3A_1192 = tpu.memref_slice %arg15[%dma_wait3A_1190, %dma_wait3A_1191] : memref<10240x64xf32, #tpu.memory_space<vmem_shared>> -> memref<10240x64xf32, #tpu.memory_space<vmem_shared>>
    %dma_wait3A_1193 = tpu.memref_slice %arg19[%dma_wait3A_1182] : memref<4x!tpu.dma_semaphore, #tpu.memory_space<semaphore_mem>> -> memref<1x!tpu.dma_semaphore, #tpu.memory_space<semaphore_mem>>
    %dma_wait3A_1194 = tpu.memref_squeeze %dma_wait3A_1193 : memref<1x!tpu.dma_semaphore, #tpu.memory_space<semaphore_mem>> -> memref<!tpu.dma_semaphore, #tpu.memory_space<semaphore_mem>>
    tpu.wait_indirect_dma semaphore(%dma_wait3A_1194 : memref<!tpu.dma_semaphore, #tpu.memory_space<semaphore_mem>>) src(%dma_wait3A_1186 : memref<32x64xf32, #tpu.memory_space<vmem>>) dst(%dma_wait3A_1192 : memref<10240x64xf32, #tpu.memory_space<vmem_shared>>)
    %dma_start3A_1195 = arith.constant 5 : i32
    %dma_start3A_1196 = arith.constant 1 : i32
    %dma_start3A_1197 = arith.constant 1 : i32
    %dma_start3A_1198 = arith.constant 0 : i32
    %dma_start3A_1199 = arith.constant 0 : i32
    %dma_start3A_1200 = tpu.memref_slice %arg11[%dma_start3A_1196, %dma_start3A_1198, %dma_start3A_1199] : memref<4x32x64xf32, #tpu.memory_space<vmem>> -> memref<1x32x64xf32, #tpu.memory_space<vmem>>
    %dma_start3A_1201 = tpu.memref_squeeze %dma_start3A_1200 : memref<1x32x64xf32, #tpu.memory_space<vmem>> -> memref<32x64xf32, #tpu.memory_space<vmem>>
    %dma_start3A_1202 = arith.constant 0 : i32
    %dma_start3A_1203 = tpu.memref_slice %arg9[%dma_start3A_1195, %dma_start3A_1202] : memref<324x32xi32, #tpu.memory_space<vmem>> -> memref<1x32xi32, #tpu.memory_space<vmem>>
    %dma_start3A_1204 = tpu.memref_squeeze %dma_start3A_1203 : memref<1x32xi32, #tpu.memory_space<vmem>> -> memref<32xi32, #tpu.memory_space<vmem>>
    %dma_start3A_1205 = arith.constant 0 : i32
    %dma_start3A_1206 = arith.constant 0 : i32
    %dma_start3A_1207 = tpu.memref_slice %arg16[%dma_start3A_1205, %dma_start3A_1206] : memref<10240x64xf32, #tpu.memory_space<vmem_shared>> -> memref<10240x64xf32, #tpu.memory_space<vmem_shared>>
    %dma_start3A_1208 = tpu.memref_slice %arg18[%dma_start3A_1197] : memref<4x!tpu.dma_semaphore, #tpu.memory_space<semaphore_mem>> -> memref<1x!tpu.dma_semaphore, #tpu.memory_space<semaphore_mem>>
    %dma_start3A_1209 = tpu.memref_squeeze %dma_start3A_1208 : memref<1x!tpu.dma_semaphore, #tpu.memory_space<semaphore_mem>> -> memref<!tpu.dma_semaphore, #tpu.memory_space<semaphore_mem>>
    tpu.enqueue_indirect_dma source(%dma_start3A_1207 : memref<10240x64xf32, #tpu.memory_space<vmem_shared>>) target(%dma_start3A_1201 : memref<32x64xf32, #tpu.memory_space<vmem>>) offsets(%dma_start3A_1204 : memref<32xi32, #tpu.memory_space<vmem>>) semaphore(%dma_start3A_1209 : memref<!tpu.dma_semaphore, #tpu.memory_space<semaphore_mem>>)
    %scan3A_1210 = arith.constant 0 : i32
    %scan3A_1211 = arith.constant 79 : i32
    %scan3A_1212 = arith.addi %scan3A_1210, %scan3A_1211 : i32
    %scan3A_1213 = arith.constant 1 : i32
    scf.for %scan3A_1281 = %scan3A_1210 to %scan3A_1212 step %scan3A_1213  : i32 {
      %mul3A_1282 = arith.constant 4 : i32
      %mul3A_1283 = arith.muli %scan3A_1281, %mul3A_1282 : i32
      %add3A = arith.constant 4 : i32
      %add3A_1284 = arith.addi %add3A, %mul3A_1283 : i32
      %add3A_1285 = arith.constant 0 : i32
      %add3A_1286 = arith.addi %add3A_1284, %add3A_1285 : i32
      %dma_wait3A_1287 = arith.constant 0 : i32
      %dma_wait3A_1288 = arith.constant 0 : i32
      %dma_wait3A_1289 = arith.constant 0 : i32
      %dma_wait3A_1290 = arith.constant 0 : i32
      %dma_wait3A_1291 = arith.constant 0 : i32
      %dma_wait3A_1292 = tpu.memref_slice %arg11[%dma_wait3A_1288, %dma_wait3A_1290, %dma_wait3A_1291] : memref<4x32x64xf32, #tpu.memory_space<vmem>> -> memref<1x32x64xf32, #tpu.memory_space<vmem>>
      %dma_wait3A_1293 = tpu.memref_squeeze %dma_wait3A_1292 : memref<1x32x64xf32, #tpu.memory_space<vmem>> -> memref<32x64xf32, #tpu.memory_space<vmem>>
      %dma_wait3A_1294 = arith.constant 0 : i32
      %dma_wait3A_1295 = tpu.memref_slice %arg9[%dma_wait3A_1287, %dma_wait3A_1294] : memref<324x32xi32, #tpu.memory_space<vmem>> -> memref<1x32xi32, #tpu.memory_space<vmem>>
      %dma_wait3A_1296 = tpu.memref_squeeze %dma_wait3A_1295 : memref<1x32xi32, #tpu.memory_space<vmem>> -> memref<32xi32, #tpu.memory_space<vmem>>
      %dma_wait3A_1297 = arith.constant 0 : i32
      %dma_wait3A_1298 = arith.constant 0 : i32
      %dma_wait3A_1299 = tpu.memref_slice %arg16[%dma_wait3A_1297, %dma_wait3A_1298] : memref<10240x64xf32, #tpu.memory_space<vmem_shared>> -> memref<10240x64xf32, #tpu.memory_space<vmem_shared>>
      %dma_wait3A_1300 = tpu.memref_slice %arg18[%dma_wait3A_1289] : memref<4x!tpu.dma_semaphore, #tpu.memory_space<semaphore_mem>> -> memref<1x!tpu.dma_semaphore, #tpu.memory_space<semaphore_mem>>
      %dma_wait3A_1301 = tpu.memref_squeeze %dma_wait3A_1300 : memref<1x!tpu.dma_semaphore, #tpu.memory_space<semaphore_mem>> -> memref<!tpu.dma_semaphore, #tpu.memory_space<semaphore_mem>>
      tpu.wait_indirect_dma semaphore(%dma_wait3A_1301 : memref<!tpu.dma_semaphore, #tpu.memory_space<semaphore_mem>>) src(%dma_wait3A_1299 : memref<10240x64xf32, #tpu.memory_space<vmem_shared>>) dst(%dma_wait3A_1293 : memref<32x64xf32, #tpu.memory_space<vmem>>)
      %dma_start3A_1302 = arith.constant 0 : i32
      %dma_start3A_1303 = arith.constant 0 : i32
      %dma_start3A_1304 = arith.constant 0 : i32
      %dma_start3A_1305 = arith.constant 0 : i32
      %dma_start3A_1306 = tpu.memref_slice %arg11[%dma_start3A_1302, %dma_start3A_1304, %dma_start3A_1305] : memref<4x32x64xf32, #tpu.memory_space<vmem>> -> memref<1x32x64xf32, #tpu.memory_space<vmem>>
      %dma_start3A_1307 = tpu.memref_squeeze %dma_start3A_1306 : memref<1x32x64xf32, #tpu.memory_space<vmem>> -> memref<32x64xf32, #tpu.memory_space<vmem>>
      %dma_start3A_1308 = arith.constant 0 : i32
      %dma_start3A_1309 = tpu.memref_slice %arg10[%add3A_1286, %dma_start3A_1308] : memref<320x32xi32, #tpu.memory_space<vmem>> -> memref<1x32xi32, #tpu.memory_space<vmem>>
      %dma_start3A_1310 = tpu.memref_squeeze %dma_start3A_1309 : memref<1x32xi32, #tpu.memory_space<vmem>> -> memref<32xi32, #tpu.memory_space<vmem>>
      %dma_start3A_1311 = arith.constant 0 : i32
      %dma_start3A_1312 = arith.constant 0 : i32
      %dma_start3A_1313 = tpu.memref_slice %arg15[%dma_start3A_1311, %dma_start3A_1312] : memref<10240x64xf32, #tpu.memory_space<vmem_shared>> -> memref<10240x64xf32, #tpu.memory_space<vmem_shared>>
      %dma_start3A_1314 = tpu.memref_slice %arg19[%dma_start3A_1303] : memref<4x!tpu.dma_semaphore, #tpu.memory_space<semaphore_mem>> -> memref<1x!tpu.dma_semaphore, #tpu.memory_space<semaphore_mem>>
      %dma_start3A_1315 = tpu.memref_squeeze %dma_start3A_1314 : memref<1x!tpu.dma_semaphore, #tpu.memory_space<semaphore_mem>> -> memref<!tpu.dma_semaphore, #tpu.memory_space<semaphore_mem>>
      tpu.enqueue_indirect_dma source(%dma_start3A_1307 : memref<32x64xf32, #tpu.memory_space<vmem>>) target(%dma_start3A_1313 : memref<10240x64xf32, #tpu.memory_space<vmem_shared>>) offsets(%dma_start3A_1310 : memref<32xi32, #tpu.memory_space<vmem>>) semaphore(%dma_start3A_1315 : memref<!tpu.dma_semaphore, #tpu.memory_space<semaphore_mem>>) {add = true}
      %dma_wait3A_1316 = arith.constant 2 : i32
      %dma_wait3A_1317 = arith.constant 0 : i32
      %dma_wait3A_1318 = arith.constant 2 : i32
      %dma_wait3A_1319 = arith.constant 0 : i32
      %dma_wait3A_1320 = arith.constant 0 : i32
      %dma_wait3A_1321 = tpu.memref_slice %arg11[%dma_wait3A_1316, %dma_wait3A_1319, %dma_wait3A_1320] : memref<4x32x64xf32, #tpu.memory_space<vmem>> -> memref<1x32x64xf32, #tpu.memory_space<vmem>>
      %dma_wait3A_1322 = tpu.memref_squeeze %dma_wait3A_1321 : memref<1x32x64xf32, #tpu.memory_space<vmem>> -> memref<32x64xf32, #tpu.memory_space<vmem>>
      %dma_wait3A_1323 = arith.constant 0 : i32
      %dma_wait3A_1324 = tpu.memref_slice %arg10[%dma_wait3A_1317, %dma_wait3A_1323] : memref<320x32xi32, #tpu.memory_space<vmem>> -> memref<1x32xi32, #tpu.memory_space<vmem>>
      %dma_wait3A_1325 = tpu.memref_squeeze %dma_wait3A_1324 : memref<1x32xi32, #tpu.memory_space<vmem>> -> memref<32xi32, #tpu.memory_space<vmem>>
      %dma_wait3A_1326 = arith.constant 0 : i32
      %dma_wait3A_1327 = arith.constant 0 : i32
      %dma_wait3A_1328 = tpu.memref_slice %arg15[%dma_wait3A_1326, %dma_wait3A_1327] : memref<10240x64xf32, #tpu.memory_space<vmem_shared>> -> memref<10240x64xf32, #tpu.memory_space<vmem_shared>>
      %dma_wait3A_1329 = tpu.memref_slice %arg19[%dma_wait3A_1318] : memref<4x!tpu.dma_semaphore, #tpu.memory_space<semaphore_mem>> -> memref<1x!tpu.dma_semaphore, #tpu.memory_space<semaphore_mem>>
      %dma_wait3A_1330 = tpu.memref_squeeze %dma_wait3A_1329 : memref<1x!tpu.dma_semaphore, #tpu.memory_space<semaphore_mem>> -> memref<!tpu.dma_semaphore, #tpu.memory_space<semaphore_mem>>
      tpu.wait_indirect_dma semaphore(%dma_wait3A_1330 : memref<!tpu.dma_semaphore, #tpu.memory_space<semaphore_mem>>) src(%dma_wait3A_1322 : memref<32x64xf32, #tpu.memory_space<vmem>>) dst(%dma_wait3A_1328 : memref<10240x64xf32, #tpu.memory_space<vmem_shared>>)
      %add3A_1331 = arith.constant 2 : i32
      %add3A_1332 = arith.addi %add3A_1286, %add3A_1331 : i32
      %dma_start3A_1333 = arith.constant 2 : i32
      %dma_start3A_1334 = arith.constant 2 : i32
      %dma_start3A_1335 = arith.constant 0 : i32
      %dma_start3A_1336 = arith.constant 0 : i32
      %dma_start3A_1337 = tpu.memref_slice %arg11[%dma_start3A_1333, %dma_start3A_1335, %dma_start3A_1336] : memref<4x32x64xf32, #tpu.memory_space<vmem>> -> memref<1x32x64xf32, #tpu.memory_space<vmem>>
      %dma_start3A_1338 = tpu.memref_squeeze %dma_start3A_1337 : memref<1x32x64xf32, #tpu.memory_space<vmem>> -> memref<32x64xf32, #tpu.memory_space<vmem>>
      %dma_start3A_1339 = arith.constant 0 : i32
      %dma_start3A_1340 = tpu.memref_slice %arg9[%add3A_1332, %dma_start3A_1339] : memref<324x32xi32, #tpu.memory_space<vmem>> -> memref<1x32xi32, #tpu.memory_space<vmem>>
      %dma_start3A_1341 = tpu.memref_squeeze %dma_start3A_1340 : memref<1x32xi32, #tpu.memory_space<vmem>> -> memref<32xi32, #tpu.memory_space<vmem>>
      %dma_start3A_1342 = arith.constant 0 : i32
      %dma_start3A_1343 = arith.constant 0 : i32
      %dma_start3A_1344 = tpu.memref_slice %arg16[%dma_start3A_1342, %dma_start3A_1343] : memref<10240x64xf32, #tpu.memory_space<vmem_shared>> -> memref<10240x64xf32, #tpu.memory_space<vmem_shared>>
      %dma_start3A_1345 = tpu.memref_slice %arg18[%dma_start3A_1334] : memref<4x!tpu.dma_semaphore, #tpu.memory_space<semaphore_mem>> -> memref<1x!tpu.dma_semaphore, #tpu.memory_space<semaphore_mem>>
      %dma_start3A_1346 = tpu.memref_squeeze %dma_start3A_1345 : memref<1x!tpu.dma_semaphore, #tpu.memory_space<semaphore_mem>> -> memref<!tpu.dma_semaphore, #tpu.memory_space<semaphore_mem>>
      tpu.enqueue_indirect_dma source(%dma_start3A_1344 : memref<10240x64xf32, #tpu.memory_space<vmem_shared>>) target(%dma_start3A_1338 : memref<32x64xf32, #tpu.memory_space<vmem>>) offsets(%dma_start3A_1341 : memref<32xi32, #tpu.memory_space<vmem>>) semaphore(%dma_start3A_1346 : memref<!tpu.dma_semaphore, #tpu.memory_space<semaphore_mem>>)
      %mul3A_1347 = arith.constant 4 : i32
      %mul3A_1348 = arith.muli %scan3A_1281, %mul3A_1347 : i32
      %add3A_1349 = arith.constant 4 : i32
      %add3A_1350 = arith.addi %add3A_1349, %mul3A_1348 : i32
      %add3A_1351 = arith.constant 1 : i32
      %add3A_1352 = arith.addi %add3A_1350, %add3A_1351 : i32
      %dma_wait3A_1353 = arith.constant 0 : i32
      %dma_wait3A_1354 = arith.constant 1 : i32
      %dma_wait3A_1355 = arith.constant 1 : i32
      %dma_wait3A_1356 = arith.constant 0 : i32
      %dma_wait3A_1357 = arith.constant 0 : i32
      %dma_wait3A_1358 = tpu.memref_slice %arg11[%dma_wait3A_1354, %dma_wait3A_1356, %dma_wait3A_1357] : memref<4x32x64xf32, #tpu.memory_space<vmem>> -> memref<1x32x64xf32, #tpu.memory_space<vmem>>
      %dma_wait3A_1359 = tpu.memref_squeeze %dma_wait3A_1358 : memref<1x32x64xf32, #tpu.memory_space<vmem>> -> memref<32x64xf32, #tpu.memory_space<vmem>>
      %dma_wait3A_1360 = arith.constant 0 : i32
      %dma_wait3A_1361 = tpu.memref_slice %arg9[%dma_wait3A_1353, %dma_wait3A_1360] : memref<324x32xi32, #tpu.memory_space<vmem>> -> memref<1x32xi32, #tpu.memory_space<vmem>>
      %dma_wait3A_1362 = tpu.memref_squeeze %dma_wait3A_1361 : memref<1x32xi32, #tpu.memory_space<vmem>> -> memref<32xi32, #tpu.memory_space<vmem>>
      %dma_wait3A_1363 = arith.constant 0 : i32
      %dma_wait3A_1364 = arith.constant 0 : i32
      %dma_wait3A_1365 = tpu.memref_slice %arg16[%dma_wait3A_1363, %dma_wait3A_1364] : memref<10240x64xf32, #tpu.memory_space<vmem_shared>> -> memref<10240x64xf32, #tpu.memory_space<vmem_shared>>
      %dma_wait3A_1366 = tpu.memref_slice %arg18[%dma_wait3A_1355] : memref<4x!tpu.dma_semaphore, #tpu.memory_space<semaphore_mem>> -> memref<1x!tpu.dma_semaphore, #tpu.memory_space<semaphore_mem>>
      %dma_wait3A_1367 = tpu.memref_squeeze %dma_wait3A_1366 : memref<1x!tpu.dma_semaphore, #tpu.memory_space<semaphore_mem>> -> memref<!tpu.dma_semaphore, #tpu.memory_space<semaphore_mem>>
      tpu.wait_indirect_dma semaphore(%dma_wait3A_1367 : memref<!tpu.dma_semaphore, #tpu.memory_space<semaphore_mem>>) src(%dma_wait3A_1365 : memref<10240x64xf32, #tpu.memory_space<vmem_shared>>) dst(%dma_wait3A_1359 : memref<32x64xf32, #tpu.memory_space<vmem>>)
      %dma_start3A_1368 = arith.constant 1 : i32
      %dma_start3A_1369 = arith.constant 1 : i32
      %dma_start3A_1370 = arith.constant 0 : i32
      %dma_start3A_1371 = arith.constant 0 : i32
      %dma_start3A_1372 = tpu.memref_slice %arg11[%dma_start3A_1368, %dma_start3A_1370, %dma_start3A_1371] : memref<4x32x64xf32, #tpu.memory_space<vmem>> -> memref<1x32x64xf32, #tpu.memory_space<vmem>>
      %dma_start3A_1373 = tpu.memref_squeeze %dma_start3A_1372 : memref<1x32x64xf32, #tpu.memory_space<vmem>> -> memref<32x64xf32, #tpu.memory_space<vmem>>
      %dma_start3A_1374 = arith.constant 0 : i32
      %dma_start3A_1375 = tpu.memref_slice %arg10[%add3A_1352, %dma_start3A_1374] : memref<320x32xi32, #tpu.memory_space<vmem>> -> memref<1x32xi32, #tpu.memory_space<vmem>>
      %dma_start3A_1376 = tpu.memref_squeeze %dma_start3A_1375 : memref<1x32xi32, #tpu.memory_space<vmem>> -> memref<32xi32, #tpu.memory_space<vmem>>
      %dma_start3A_1377 = arith.constant 0 : i32
      %dma_start3A_1378 = arith.constant 0 : i32
      %dma_start3A_1379 = tpu.memref_slice %arg15[%dma_start3A_1377, %dma_start3A_1378] : memref<10240x64xf32, #tpu.memory_space<vmem_shared>> -> memref<10240x64xf32, #tpu.memory_space<vmem_shared>>
      %dma_start3A_1380 = tpu.memref_slice %arg19[%dma_start3A_1369] : memref<4x!tpu.dma_semaphore, #tpu.memory_space<semaphore_mem>> -> memref<1x!tpu.dma_semaphore, #tpu.memory_space<semaphore_mem>>
      %dma_start3A_1381 = tpu.memref_squeeze %dma_start3A_1380 : memref<1x!tpu.dma_semaphore, #tpu.memory_space<semaphore_mem>> -> memref<!tpu.dma_semaphore, #tpu.memory_space<semaphore_mem>>
      tpu.enqueue_indirect_dma source(%dma_start3A_1373 : memref<32x64xf32, #tpu.memory_space<vmem>>) target(%dma_start3A_1379 : memref<10240x64xf32, #tpu.memory_space<vmem_shared>>) offsets(%dma_start3A_1376 : memref<32xi32, #tpu.memory_space<vmem>>) semaphore(%dma_start3A_1381 : memref<!tpu.dma_semaphore, #tpu.memory_space<semaphore_mem>>) {add = true}
      %dma_wait3A_1382 = arith.constant 3 : i32
      %dma_wait3A_1383 = arith.constant 0 : i32
      %dma_wait3A_1384 = arith.constant 3 : i32
      %dma_wait3A_1385 = arith.constant 0 : i32
      %dma_wait3A_1386 = arith.constant 0 : i32
      %dma_wait3A_1387 = tpu.memref_slice %arg11[%dma_wait3A_1382, %dma_wait3A_1385, %dma_wait3A_1386] : memref<4x32x64xf32, #tpu.memory_space<vmem>> -> memref<1x32x64xf32, #tpu.memory_space<vmem>>
      %dma_wait3A_1388 = tpu.memref_squeeze %dma_wait3A_1387 : memref<1x32x64xf32, #tpu.memory_space<vmem>> -> memref<32x64xf32, #tpu.memory_space<vmem>>
      %dma_wait3A_1389 = arith.constant 0 : i32
      %dma_wait3A_1390 = tpu.memref_slice %arg10[%dma_wait3A_1383, %dma_wait3A_1389] : memref<320x32xi32, #tpu.memory_space<vmem>> -> memref<1x32xi32, #tpu.memory_space<vmem>>
      %dma_wait3A_1391 = tpu.memref_squeeze %dma_wait3A_1390 : memref<1x32xi32, #tpu.memory_space<vmem>> -> memref<32xi32, #tpu.memory_space<vmem>>
      %dma_wait3A_1392 = arith.constant 0 : i32
      %dma_wait3A_1393 = arith.constant 0 : i32
      %dma_wait3A_1394 = tpu.memref_slice %arg15[%dma_wait3A_1392, %dma_wait3A_1393] : memref<10240x64xf32, #tpu.memory_space<vmem_shared>> -> memref<10240x64xf32, #tpu.memory_space<vmem_shared>>
      %dma_wait3A_1395 = tpu.memref_slice %arg19[%dma_wait3A_1384] : memref<4x!tpu.dma_semaphore, #tpu.memory_space<semaphore_mem>> -> memref<1x!tpu.dma_semaphore, #tpu.memory_space<semaphore_mem>>
      %dma_wait3A_1396 = tpu.memref_squeeze %dma_wait3A_1395 : memref<1x!tpu.dma_semaphore, #tpu.memory_space<semaphore_mem>> -> memref<!tpu.dma_semaphore, #tpu.memory_space<semaphore_mem>>
      tpu.wait_indirect_dma semaphore(%dma_wait3A_1396 : memref<!tpu.dma_semaphore, #tpu.memory_space<semaphore_mem>>) src(%dma_wait3A_1388 : memref<32x64xf32, #tpu.memory_space<vmem>>) dst(%dma_wait3A_1394 : memref<10240x64xf32, #tpu.memory_space<vmem_shared>>)
      %add3A_1397 = arith.constant 2 : i32
      %add3A_1398 = arith.addi %add3A_1352, %add3A_1397 : i32
      %dma_start3A_1399 = arith.constant 3 : i32
      %dma_start3A_1400 = arith.constant 3 : i32
      %dma_start3A_1401 = arith.constant 0 : i32
      %dma_start3A_1402 = arith.constant 0 : i32
      %dma_start3A_1403 = tpu.memref_slice %arg11[%dma_start3A_1399, %dma_start3A_1401, %dma_start3A_1402] : memref<4x32x64xf32, #tpu.memory_space<vmem>> -> memref<1x32x64xf32, #tpu.memory_space<vmem>>
      %dma_start3A_1404 = tpu.memref_squeeze %dma_start3A_1403 : memref<1x32x64xf32, #tpu.memory_space<vmem>> -> memref<32x64xf32, #tpu.memory_space<vmem>>
      %dma_start3A_1405 = arith.constant 0 : i32
      %dma_start3A_1406 = tpu.memref_slice %arg9[%add3A_1398, %dma_start3A_1405] : memref<324x32xi32, #tpu.memory_space<vmem>> -> memref<1x32xi32, #tpu.memory_space<vmem>>
      %dma_start3A_1407 = tpu.memref_squeeze %dma_start3A_1406 : memref<1x32xi32, #tpu.memory_space<vmem>> -> memref<32xi32, #tpu.memory_space<vmem>>
      %dma_start3A_1408 = arith.constant 0 : i32
      %dma_start3A_1409 = arith.constant 0 : i32
      %dma_start3A_1410 = tpu.memref_slice %arg16[%dma_start3A_1408, %dma_start3A_1409] : memref<10240x64xf32, #tpu.memory_space<vmem_shared>> -> memref<10240x64xf32, #tpu.memory_space<vmem_shared>>
      %dma_start3A_1411 = tpu.memref_slice %arg18[%dma_start3A_1400] : memref<4x!tpu.dma_semaphore, #tpu.memory_space<semaphore_mem>> -> memref<1x!tpu.dma_semaphore, #tpu.memory_space<semaphore_mem>>
      %dma_start3A_1412 = tpu.memref_squeeze %dma_start3A_1411 : memref<1x!tpu.dma_semaphore, #tpu.memory_space<semaphore_mem>> -> memref<!tpu.dma_semaphore, #tpu.memory_space<semaphore_mem>>
      tpu.enqueue_indirect_dma source(%dma_start3A_1410 : memref<10240x64xf32, #tpu.memory_space<vmem_shared>>) target(%dma_start3A_1404 : memref<32x64xf32, #tpu.memory_space<vmem>>) offsets(%dma_start3A_1407 : memref<32xi32, #tpu.memory_space<vmem>>) semaphore(%dma_start3A_1412 : memref<!tpu.dma_semaphore, #tpu.memory_space<semaphore_mem>>)
      %mul3A_1413 = arith.constant 4 : i32
      %mul3A_1414 = arith.muli %scan3A_1281, %mul3A_1413 : i32
      %add3A_1415 = arith.constant 4 : i32
      %add3A_1416 = arith.addi %add3A_1415, %mul3A_1414 : i32
      %add3A_1417 = arith.constant 2 : i32
      %add3A_1418 = arith.addi %add3A_1416, %add3A_1417 : i32
      %dma_wait3A_1419 = arith.constant 0 : i32
      %dma_wait3A_1420 = arith.constant 2 : i32
      %dma_wait3A_1421 = arith.constant 2 : i32
      %dma_wait3A_1422 = arith.constant 0 : i32
      %dma_wait3A_1423 = arith.constant 0 : i32
      %dma_wait3A_1424 = tpu.memref_slice %arg11[%dma_wait3A_1420, %dma_wait3A_1422, %dma_wait3A_1423] : memref<4x32x64xf32, #tpu.memory_space<vmem>> -> memref<1x32x64xf32, #tpu.memory_space<vmem>>
      %dma_wait3A_1425 = tpu.memref_squeeze %dma_wait3A_1424 : memref<1x32x64xf32, #tpu.memory_space<vmem>> -> memref<32x64xf32, #tpu.memory_space<vmem>>
      %dma_wait3A_1426 = arith.constant 0 : i32
      %dma_wait3A_1427 = tpu.memref_slice %arg9[%dma_wait3A_1419, %dma_wait3A_1426] : memref<324x32xi32, #tpu.memory_space<vmem>> -> memref<1x32xi32, #tpu.memory_space<vmem>>
      %dma_wait3A_1428 = tpu.memref_squeeze %dma_wait3A_1427 : memref<1x32xi32, #tpu.memory_space<vmem>> -> memref<32xi32, #tpu.memory_space<vmem>>
      %dma_wait3A_1429 = arith.constant 0 : i32
      %dma_wait3A_1430 = arith.constant 0 : i32
      %dma_wait3A_1431 = tpu.memref_slice %arg16[%dma_wait3A_1429, %dma_wait3A_1430] : memref<10240x64xf32, #tpu.memory_space<vmem_shared>> -> memref<10240x64xf32, #tpu.memory_space<vmem_shared>>
      %dma_wait3A_1432 = tpu.memref_slice %arg18[%dma_wait3A_1421] : memref<4x!tpu.dma_semaphore, #tpu.memory_space<semaphore_mem>> -> memref<1x!tpu.dma_semaphore, #tpu.memory_space<semaphore_mem>>
      %dma_wait3A_1433 = tpu.memref_squeeze %dma_wait3A_1432 : memref<1x!tpu.dma_semaphore, #tpu.memory_space<semaphore_mem>> -> memref<!tpu.dma_semaphore, #tpu.memory_space<semaphore_mem>>
      tpu.wait_indirect_dma semaphore(%dma_wait3A_1433 : memref<!tpu.dma_semaphore, #tpu.memory_space<semaphore_mem>>) src(%dma_wait3A_1431 : memref<10240x64xf32, #tpu.memory_space<vmem_shared>>) dst(%dma_wait3A_1425 : memref<32x64xf32, #tpu.memory_space<vmem>>)
      %dma_start3A_1434 = arith.constant 2 : i32
      %dma_start3A_1435 = arith.constant 2 : i32
      %dma_start3A_1436 = arith.constant 0 : i32
      %dma_start3A_1437 = arith.constant 0 : i32
      %dma_start3A_1438 = tpu.memref_slice %arg11[%dma_start3A_1434, %dma_start3A_1436, %dma_start3A_1437] : memref<4x32x64xf32, #tpu.memory_space<vmem>> -> memref<1x32x64xf32, #tpu.memory_space<vmem>>
      %dma_start3A_1439 = tpu.memref_squeeze %dma_start3A_1438 : memref<1x32x64xf32, #tpu.memory_space<vmem>> -> memref<32x64xf32, #tpu.memory_space<vmem>>
      %dma_start3A_1440 = arith.constant 0 : i32
      %dma_start3A_1441 = tpu.memref_slice %arg10[%add3A_1418, %dma_start3A_1440] : memref<320x32xi32, #tpu.memory_space<vmem>> -> memref<1x32xi32, #tpu.memory_space<vmem>>
      %dma_start3A_1442 = tpu.memref_squeeze %dma_start3A_1441 : memref<1x32xi32, #tpu.memory_space<vmem>> -> memref<32xi32, #tpu.memory_space<vmem>>
      %dma_start3A_1443 = arith.constant 0 : i32
      %dma_start3A_1444 = arith.constant 0 : i32
      %dma_start3A_1445 = tpu.memref_slice %arg15[%dma_start3A_1443, %dma_start3A_1444] : memref<10240x64xf32, #tpu.memory_space<vmem_shared>> -> memref<10240x64xf32, #tpu.memory_space<vmem_shared>>
      %dma_start3A_1446 = tpu.memref_slice %arg19[%dma_start3A_1435] : memref<4x!tpu.dma_semaphore, #tpu.memory_space<semaphore_mem>> -> memref<1x!tpu.dma_semaphore, #tpu.memory_space<semaphore_mem>>
      %dma_start3A_1447 = tpu.memref_squeeze %dma_start3A_1446 : memref<1x!tpu.dma_semaphore, #tpu.memory_space<semaphore_mem>> -> memref<!tpu.dma_semaphore, #tpu.memory_space<semaphore_mem>>
      tpu.enqueue_indirect_dma source(%dma_start3A_1439 : memref<32x64xf32, #tpu.memory_space<vmem>>) target(%dma_start3A_1445 : memref<10240x64xf32, #tpu.memory_space<vmem_shared>>) offsets(%dma_start3A_1442 : memref<32xi32, #tpu.memory_space<vmem>>) semaphore(%dma_start3A_1447 : memref<!tpu.dma_semaphore, #tpu.memory_space<semaphore_mem>>) {add = true}
      %dma_wait3A_1448 = arith.constant 0 : i32
      %dma_wait3A_1449 = arith.constant 0 : i32
      %dma_wait3A_1450 = arith.constant 0 : i32
      %dma_wait3A_1451 = arith.constant 0 : i32
      %dma_wait3A_1452 = arith.constant 0 : i32
      %dma_wait3A_1453 = tpu.memref_slice %arg11[%dma_wait3A_1448, %dma_wait3A_1451, %dma_wait3A_1452] : memref<4x32x64xf32, #tpu.memory_space<vmem>> -> memref<1x32x64xf32, #tpu.memory_space<vmem>>
      %dma_wait3A_1454 = tpu.memref_squeeze %dma_wait3A_1453 : memref<1x32x64xf32, #tpu.memory_space<vmem>> -> memref<32x64xf32, #tpu.memory_space<vmem>>
      %dma_wait3A_1455 = arith.constant 0 : i32
      %dma_wait3A_1456 = tpu.memref_slice %arg10[%dma_wait3A_1449, %dma_wait3A_1455] : memref<320x32xi32, #tpu.memory_space<vmem>> -> memref<1x32xi32, #tpu.memory_space<vmem>>
      %dma_wait3A_1457 = tpu.memref_squeeze %dma_wait3A_1456 : memref<1x32xi32, #tpu.memory_space<vmem>> -> memref<32xi32, #tpu.memory_space<vmem>>
      %dma_wait3A_1458 = arith.constant 0 : i32
      %dma_wait3A_1459 = arith.constant 0 : i32
      %dma_wait3A_1460 = tpu.memref_slice %arg15[%dma_wait3A_1458, %dma_wait3A_1459] : memref<10240x64xf32, #tpu.memory_space<vmem_shared>> -> memref<10240x64xf32, #tpu.memory_space<vmem_shared>>
      %dma_wait3A_1461 = tpu.memref_slice %arg19[%dma_wait3A_1450] : memref<4x!tpu.dma_semaphore, #tpu.memory_space<semaphore_mem>> -> memref<1x!tpu.dma_semaphore, #tpu.memory_space<semaphore_mem>>
      %dma_wait3A_1462 = tpu.memref_squeeze %dma_wait3A_1461 : memref<1x!tpu.dma_semaphore, #tpu.memory_space<semaphore_mem>> -> memref<!tpu.dma_semaphore, #tpu.memory_space<semaphore_mem>>
      tpu.wait_indirect_dma semaphore(%dma_wait3A_1462 : memref<!tpu.dma_semaphore, #tpu.memory_space<semaphore_mem>>) src(%dma_wait3A_1454 : memref<32x64xf32, #tpu.memory_space<vmem>>) dst(%dma_wait3A_1460 : memref<10240x64xf32, #tpu.memory_space<vmem_shared>>)
      %add3A_1463 = arith.constant 2 : i32
      %add3A_1464 = arith.addi %add3A_1418, %add3A_1463 : i32
      %dma_start3A_1465 = arith.constant 0 : i32
      %dma_start3A_1466 = arith.constant 0 : i32
      %dma_start3A_1467 = arith.constant 0 : i32
      %dma_start3A_1468 = arith.constant 0 : i32
      %dma_start3A_1469 = tpu.memref_slice %arg11[%dma_start3A_1465, %dma_start3A_1467, %dma_start3A_1468] : memref<4x32x64xf32, #tpu.memory_space<vmem>> -> memref<1x32x64xf32, #tpu.memory_space<vmem>>
      %dma_start3A_1470 = tpu.memref_squeeze %dma_start3A_1469 : memref<1x32x64xf32, #tpu.memory_space<vmem>> -> memref<32x64xf32, #tpu.memory_space<vmem>>
      %dma_start3A_1471 = arith.constant 0 : i32
      %dma_start3A_1472 = tpu.memref_slice %arg9[%add3A_1464, %dma_start3A_1471] : memref<324x32xi32, #tpu.memory_space<vmem>> -> memref<1x32xi32, #tpu.memory_space<vmem>>
      %dma_start3A_1473 = tpu.memref_squeeze %dma_start3A_1472 : memref<1x32xi32, #tpu.memory_space<vmem>> -> memref<32xi32, #tpu.memory_space<vmem>>
      %dma_start3A_1474 = arith.constant 0 : i32
      %dma_start3A_1475 = arith.constant 0 : i32
      %dma_start3A_1476 = tpu.memref_slice %arg16[%dma_start3A_1474, %dma_start3A_1475] : memref<10240x64xf32, #tpu.memory_space<vmem_shared>> -> memref<10240x64xf32, #tpu.memory_space<vmem_shared>>
      %dma_start3A_1477 = tpu.memref_slice %arg18[%dma_start3A_1466] : memref<4x!tpu.dma_semaphore, #tpu.memory_space<semaphore_mem>> -> memref<1x!tpu.dma_semaphore, #tpu.memory_space<semaphore_mem>>
      %dma_start3A_1478 = tpu.memref_squeeze %dma_start3A_1477 : memref<1x!tpu.dma_semaphore, #tpu.memory_space<semaphore_mem>> -> memref<!tpu.dma_semaphore, #tpu.memory_space<semaphore_mem>>
      tpu.enqueue_indirect_dma source(%dma_start3A_1476 : memref<10240x64xf32, #tpu.memory_space<vmem_shared>>) target(%dma_start3A_1470 : memref<32x64xf32, #tpu.memory_space<vmem>>) offsets(%dma_start3A_1473 : memref<32xi32, #tpu.memory_space<vmem>>) semaphore(%dma_start3A_1478 : memref<!tpu.dma_semaphore, #tpu.memory_space<semaphore_mem>>)
      %mul3A_1479 = arith.constant 4 : i32
      %mul3A_1480 = arith.muli %scan3A_1281, %mul3A_1479 : i32
      %add3A_1481 = arith.constant 4 : i32
      %add3A_1482 = arith.addi %add3A_1481, %mul3A_1480 : i32
      %add3A_1483 = arith.constant 3 : i32
      %add3A_1484 = arith.addi %add3A_1482, %add3A_1483 : i32
      %dma_wait3A_1485 = arith.constant 0 : i32
      %dma_wait3A_1486 = arith.constant 3 : i32
      %dma_wait3A_1487 = arith.constant 3 : i32
      %dma_wait3A_1488 = arith.constant 0 : i32
      %dma_wait3A_1489 = arith.constant 0 : i32
      %dma_wait3A_1490 = tpu.memref_slice %arg11[%dma_wait3A_1486, %dma_wait3A_1488, %dma_wait3A_1489] : memref<4x32x64xf32, #tpu.memory_space<vmem>> -> memref<1x32x64xf32, #tpu.memory_space<vmem>>
      %dma_wait3A_1491 = tpu.memref_squeeze %dma_wait3A_1490 : memref<1x32x64xf32, #tpu.memory_space<vmem>> -> memref<32x64xf32, #tpu.memory_space<vmem>>
      %dma_wait3A_1492 = arith.constant 0 : i32
      %dma_wait3A_1493 = tpu.memref_slice %arg9[%dma_wait3A_1485, %dma_wait3A_1492] : memref<324x32xi32, #tpu.memory_space<vmem>> -> memref<1x32xi32, #tpu.memory_space<vmem>>
      %dma_wait3A_1494 = tpu.memref_squeeze %dma_wait3A_1493 : memref<1x32xi32, #tpu.memory_space<vmem>> -> memref<32xi32, #tpu.memory_space<vmem>>
      %dma_wait3A_1495 = arith.constant 0 : i32
      %dma_wait3A_1496 = arith.constant 0 : i32
      %dma_wait3A_1497 = tpu.memref_slice %arg16[%dma_wait3A_1495, %dma_wait3A_1496] : memref<10240x64xf32, #tpu.memory_space<vmem_shared>> -> memref<10240x64xf32, #tpu.memory_space<vmem_shared>>
      %dma_wait3A_1498 = tpu.memref_slice %arg18[%dma_wait3A_1487] : memref<4x!tpu.dma_semaphore, #tpu.memory_space<semaphore_mem>> -> memref<1x!tpu.dma_semaphore, #tpu.memory_space<semaphore_mem>>
      %dma_wait3A_1499 = tpu.memref_squeeze %dma_wait3A_1498 : memref<1x!tpu.dma_semaphore, #tpu.memory_space<semaphore_mem>> -> memref<!tpu.dma_semaphore, #tpu.memory_space<semaphore_mem>>
      tpu.wait_indirect_dma semaphore(%dma_wait3A_1499 : memref<!tpu.dma_semaphore, #tpu.memory_space<semaphore_mem>>) src(%dma_wait3A_1497 : memref<10240x64xf32, #tpu.memory_space<vmem_shared>>) dst(%dma_wait3A_1491 : memref<32x64xf32, #tpu.memory_space<vmem>>)
      %dma_start3A_1500 = arith.constant 3 : i32
      %dma_start3A_1501 = arith.constant 3 : i32
      %dma_start3A_1502 = arith.constant 0 : i32
      %dma_start3A_1503 = arith.constant 0 : i32
      %dma_start3A_1504 = tpu.memref_slice %arg11[%dma_start3A_1500, %dma_start3A_1502, %dma_start3A_1503] : memref<4x32x64xf32, #tpu.memory_space<vmem>> -> memref<1x32x64xf32, #tpu.memory_space<vmem>>
      %dma_start3A_1505 = tpu.memref_squeeze %dma_start3A_1504 : memref<1x32x64xf32, #tpu.memory_space<vmem>> -> memref<32x64xf32, #tpu.memory_space<vmem>>
      %dma_start3A_1506 = arith.constant 0 : i32
      %dma_start3A_1507 = tpu.memref_slice %arg10[%add3A_1484, %dma_start3A_1506] : memref<320x32xi32, #tpu.memory_space<vmem>> -> memref<1x32xi32, #tpu.memory_space<vmem>>
      %dma_start3A_1508 = tpu.memref_squeeze %dma_start3A_1507 : memref<1x32xi32, #tpu.memory_space<vmem>> -> memref<32xi32, #tpu.memory_space<vmem>>
      %dma_start3A_1509 = arith.constant 0 : i32
      %dma_start3A_1510 = arith.constant 0 : i32
      %dma_start3A_1511 = tpu.memref_slice %arg15[%dma_start3A_1509, %dma_start3A_1510] : memref<10240x64xf32, #tpu.memory_space<vmem_shared>> -> memref<10240x64xf32, #tpu.memory_space<vmem_shared>>
      %dma_start3A_1512 = tpu.memref_slice %arg19[%dma_start3A_1501] : memref<4x!tpu.dma_semaphore, #tpu.memory_space<semaphore_mem>> -> memref<1x!tpu.dma_semaphore, #tpu.memory_space<semaphore_mem>>
      %dma_start3A_1513 = tpu.memref_squeeze %dma_start3A_1512 : memref<1x!tpu.dma_semaphore, #tpu.memory_space<semaphore_mem>> -> memref<!tpu.dma_semaphore, #tpu.memory_space<semaphore_mem>>
      tpu.enqueue_indirect_dma source(%dma_start3A_1505 : memref<32x64xf32, #tpu.memory_space<vmem>>) target(%dma_start3A_1511 : memref<10240x64xf32, #tpu.memory_space<vmem_shared>>) offsets(%dma_start3A_1508 : memref<32xi32, #tpu.memory_space<vmem>>) semaphore(%dma_start3A_1513 : memref<!tpu.dma_semaphore, #tpu.memory_space<semaphore_mem>>) {add = true}
      %dma_wait3A_1514 = arith.constant 1 : i32
      %dma_wait3A_1515 = arith.constant 0 : i32
      %dma_wait3A_1516 = arith.constant 1 : i32
      %dma_wait3A_1517 = arith.constant 0 : i32
      %dma_wait3A_1518 = arith.constant 0 : i32
      %dma_wait3A_1519 = tpu.memref_slice %arg11[%dma_wait3A_1514, %dma_wait3A_1517, %dma_wait3A_1518] : memref<4x32x64xf32, #tpu.memory_space<vmem>> -> memref<1x32x64xf32, #tpu.memory_space<vmem>>
      %dma_wait3A_1520 = tpu.memref_squeeze %dma_wait3A_1519 : memref<1x32x64xf32, #tpu.memory_space<vmem>> -> memref<32x64xf32, #tpu.memory_space<vmem>>
      %dma_wait3A_1521 = arith.constant 0 : i32
      %dma_wait3A_1522 = tpu.memref_slice %arg10[%dma_wait3A_1515, %dma_wait3A_1521] : memref<320x32xi32, #tpu.memory_space<vmem>> -> memref<1x32xi32, #tpu.memory_space<vmem>>
      %dma_wait3A_1523 = tpu.memref_squeeze %dma_wait3A_1522 : memref<1x32xi32, #tpu.memory_space<vmem>> -> memref<32xi32, #tpu.memory_space<vmem>>
      %dma_wait3A_1524 = arith.constant 0 : i32
      %dma_wait3A_1525 = arith.constant 0 : i32
      %dma_wait3A_1526 = tpu.memref_slice %arg15[%dma_wait3A_1524, %dma_wait3A_1525] : memref<10240x64xf32, #tpu.memory_space<vmem_shared>> -> memref<10240x64xf32, #tpu.memory_space<vmem_shared>>
      %dma_wait3A_1527 = tpu.memref_slice %arg19[%dma_wait3A_1516] : memref<4x!tpu.dma_semaphore, #tpu.memory_space<semaphore_mem>> -> memref<1x!tpu.dma_semaphore, #tpu.memory_space<semaphore_mem>>
      %dma_wait3A_1528 = tpu.memref_squeeze %dma_wait3A_1527 : memref<1x!tpu.dma_semaphore, #tpu.memory_space<semaphore_mem>> -> memref<!tpu.dma_semaphore, #tpu.memory_space<semaphore_mem>>
      tpu.wait_indirect_dma semaphore(%dma_wait3A_1528 : memref<!tpu.dma_semaphore, #tpu.memory_space<semaphore_mem>>) src(%dma_wait3A_1520 : memref<32x64xf32, #tpu.memory_space<vmem>>) dst(%dma_wait3A_1526 : memref<10240x64xf32, #tpu.memory_space<vmem_shared>>)
      %add3A_1529 = arith.constant 2 : i32
      %add3A_1530 = arith.addi %add3A_1484, %add3A_1529 : i32
      %dma_start3A_1531 = arith.constant 1 : i32
      %dma_start3A_1532 = arith.constant 1 : i32
      %dma_start3A_1533 = arith.constant 0 : i32
      %dma_start3A_1534 = arith.constant 0 : i32
      %dma_start3A_1535 = tpu.memref_slice %arg11[%dma_start3A_1531, %dma_start3A_1533, %dma_start3A_1534] : memref<4x32x64xf32, #tpu.memory_space<vmem>> -> memref<1x32x64xf32, #tpu.memory_space<vmem>>
      %dma_start3A_1536 = tpu.memref_squeeze %dma_start3A_1535 : memref<1x32x64xf32, #tpu.memory_space<vmem>> -> memref<32x64xf32, #tpu.memory_space<vmem>>
      %dma_start3A_1537 = arith.constant 0 : i32
      %dma_start3A_1538 = tpu.memref_slice %arg9[%add3A_1530, %dma_start3A_1537] : memref<324x32xi32, #tpu.memory_space<vmem>> -> memref<1x32xi32, #tpu.memory_space<vmem>>
      %dma_start3A_1539 = tpu.memref_squeeze %dma_start3A_1538 : memref<1x32xi32, #tpu.memory_space<vmem>> -> memref<32xi32, #tpu.memory_space<vmem>>
      %dma_start3A_1540 = arith.constant 0 : i32
      %dma_start3A_1541 = arith.constant 0 : i32
      %dma_start3A_1542 = tpu.memref_slice %arg16[%dma_start3A_1540, %dma_start3A_1541] : memref<10240x64xf32, #tpu.memory_space<vmem_shared>> -> memref<10240x64xf32, #tpu.memory_space<vmem_shared>>
      %dma_start3A_1543 = tpu.memref_slice %arg18[%dma_start3A_1532] : memref<4x!tpu.dma_semaphore, #tpu.memory_space<semaphore_mem>> -> memref<1x!tpu.dma_semaphore, #tpu.memory_space<semaphore_mem>>
      %dma_start3A_1544 = tpu.memref_squeeze %dma_start3A_1543 : memref<1x!tpu.dma_semaphore, #tpu.memory_space<semaphore_mem>> -> memref<!tpu.dma_semaphore, #tpu.memory_space<semaphore_mem>>
      tpu.enqueue_indirect_dma source(%dma_start3A_1542 : memref<10240x64xf32, #tpu.memory_space<vmem_shared>>) target(%dma_start3A_1536 : memref<32x64xf32, #tpu.memory_space<vmem>>) offsets(%dma_start3A_1539 : memref<32xi32, #tpu.memory_space<vmem>>) semaphore(%dma_start3A_1544 : memref<!tpu.dma_semaphore, #tpu.memory_space<semaphore_mem>>)
    }
    %scan3A_1214 = arith.constant 79 : i32
    %dma_wait3A_1215 = arith.constant 2 : i32
    %dma_wait3A_1216 = arith.constant 0 : i32
    %dma_wait3A_1217 = arith.constant 2 : i32
    %dma_wait3A_1218 = arith.constant 0 : i32
    %dma_wait3A_1219 = arith.constant 0 : i32
    %dma_wait3A_1220 = tpu.memref_slice %arg11[%dma_wait3A_1215, %dma_wait3A_1218, %dma_wait3A_1219] : memref<4x32x64xf32, #tpu.memory_space<vmem>> -> memref<1x32x64xf32, #tpu.memory_space<vmem>>
    %dma_wait3A_1221 = tpu.memref_squeeze %dma_wait3A_1220 : memref<1x32x64xf32, #tpu.memory_space<vmem>> -> memref<32x64xf32, #tpu.memory_space<vmem>>
    %dma_wait3A_1222 = arith.constant 0 : i32
    %dma_wait3A_1223 = tpu.memref_slice %arg10[%dma_wait3A_1216, %dma_wait3A_1222] : memref<320x32xi32, #tpu.memory_space<vmem>> -> memref<1x32xi32, #tpu.memory_space<vmem>>
    %dma_wait3A_1224 = tpu.memref_squeeze %dma_wait3A_1223 : memref<1x32xi32, #tpu.memory_space<vmem>> -> memref<32xi32, #tpu.memory_space<vmem>>
    %dma_wait3A_1225 = arith.constant 0 : i32
    %dma_wait3A_1226 = arith.constant 0 : i32
    %dma_wait3A_1227 = tpu.memref_slice %arg15[%dma_wait3A_1225, %dma_wait3A_1226] : memref<10240x64xf32, #tpu.memory_space<vmem_shared>> -> memref<10240x64xf32, #tpu.memory_space<vmem_shared>>
    %dma_wait3A_1228 = tpu.memref_slice %arg19[%dma_wait3A_1217] : memref<4x!tpu.dma_semaphore, #tpu.memory_space<semaphore_mem>> -> memref<1x!tpu.dma_semaphore, #tpu.memory_space<semaphore_mem>>
    %dma_wait3A_1229 = tpu.memref_squeeze %dma_wait3A_1228 : memref<1x!tpu.dma_semaphore, #tpu.memory_space<semaphore_mem>> -> memref<!tpu.dma_semaphore, #tpu.memory_space<semaphore_mem>>
    tpu.wait_indirect_dma semaphore(%dma_wait3A_1229 : memref<!tpu.dma_semaphore, #tpu.memory_space<semaphore_mem>>) src(%dma_wait3A_1221 : memref<32x64xf32, #tpu.memory_space<vmem>>) dst(%dma_wait3A_1227 : memref<10240x64xf32, #tpu.memory_space<vmem_shared>>)
    %dma_wait3A_1230 = arith.constant 3 : i32
    %dma_wait3A_1231 = arith.constant 0 : i32
    %dma_wait3A_1232 = arith.constant 3 : i32
    %dma_wait3A_1233 = arith.constant 0 : i32
    %dma_wait3A_1234 = arith.constant 0 : i32
    %dma_wait3A_1235 = tpu.memref_slice %arg11[%dma_wait3A_1230, %dma_wait3A_1233, %dma_wait3A_1234] : memref<4x32x64xf32, #tpu.memory_space<vmem>> -> memref<1x32x64xf32, #tpu.memory_space<vmem>>
    %dma_wait3A_1236 = tpu.memref_squeeze %dma_wait3A_1235 : memref<1x32x64xf32, #tpu.memory_space<vmem>> -> memref<32x64xf32, #tpu.memory_space<vmem>>
    %dma_wait3A_1237 = arith.constant 0 : i32
    %dma_wait3A_1238 = tpu.memref_slice %arg10[%dma_wait3A_1231, %dma_wait3A_1237] : memref<320x32xi32, #tpu.memory_space<vmem>> -> memref<1x32xi32, #tpu.memory_space<vmem>>
    %dma_wait3A_1239 = tpu.memref_squeeze %dma_wait3A_1238 : memref<1x32xi32, #tpu.memory_space<vmem>> -> memref<32xi32, #tpu.memory_space<vmem>>
    %dma_wait3A_1240 = arith.constant 0 : i32
    %dma_wait3A_1241 = arith.constant 0 : i32
    %dma_wait3A_1242 = tpu.memref_slice %arg15[%dma_wait3A_1240, %dma_wait3A_1241] : memref<10240x64xf32, #tpu.memory_space<vmem_shared>> -> memref<10240x64xf32, #tpu.memory_space<vmem_shared>>
    %dma_wait3A_1243 = tpu.memref_slice %arg19[%dma_wait3A_1232] : memref<4x!tpu.dma_semaphore, #tpu.memory_space<semaphore_mem>> -> memref<1x!tpu.dma_semaphore, #tpu.memory_space<semaphore_mem>>
    %dma_wait3A_1244 = tpu.memref_squeeze %dma_wait3A_1243 : memref<1x!tpu.dma_semaphore, #tpu.memory_space<semaphore_mem>> -> memref<!tpu.dma_semaphore, #tpu.memory_space<semaphore_mem>>
    tpu.wait_indirect_dma semaphore(%dma_wait3A_1244 : memref<!tpu.dma_semaphore, #tpu.memory_space<semaphore_mem>>) src(%dma_wait3A_1236 : memref<32x64xf32, #tpu.memory_space<vmem>>) dst(%dma_wait3A_1242 : memref<10240x64xf32, #tpu.memory_space<vmem_shared>>)
    %dma_wait3A_1245 = arith.constant 0 : i32
    %dma_wait3A_1246 = arith.constant 0 : i32
    %dma_wait3A_1247 = arith.constant 0 : i32
    %dma_wait3A_1248 = arith.constant 0 : i32
    %dma_wait3A_1249 = arith.constant 0 : i32
    %dma_wait3A_1250 = tpu.memref_slice %arg11[%dma_wait3A_1246, %dma_wait3A_1248, %dma_wait3A_1249] : memref<4x32x64xf32, #tpu.memory_space<vmem>> -> memref<1x32x64xf32, #tpu.memory_space<vmem>>
    %dma_wait3A_1251 = tpu.memref_squeeze %dma_wait3A_1250 : memref<1x32x64xf32, #tpu.memory_space<vmem>> -> memref<32x64xf32, #tpu.memory_space<vmem>>
    %dma_wait3A_1252 = arith.constant 0 : i32
    %dma_wait3A_1253 = tpu.memref_slice %arg9[%dma_wait3A_1245, %dma_wait3A_1252] : memref<324x32xi32, #tpu.memory_space<vmem>> -> memref<1x32xi32, #tpu.memory_space<vmem>>
    %dma_wait3A_1254 = tpu.memref_squeeze %dma_wait3A_1253 : memref<1x32xi32, #tpu.memory_space<vmem>> -> memref<32xi32, #tpu.memory_space<vmem>>
    %dma_wait3A_1255 = arith.constant 0 : i32
    %dma_wait3A_1256 = arith.constant 0 : i32
    %dma_wait3A_1257 = tpu.memref_slice %arg16[%dma_wait3A_1255, %dma_wait3A_1256] : memref<10240x64xf32, #tpu.memory_space<vmem_shared>> -> memref<10240x64xf32, #tpu.memory_space<vmem_shared>>
    %dma_wait3A_1258 = tpu.memref_slice %arg18[%dma_wait3A_1247] : memref<4x!tpu.dma_semaphore, #tpu.memory_space<semaphore_mem>> -> memref<1x!tpu.dma_semaphore, #tpu.memory_space<semaphore_mem>>
    %dma_wait3A_1259 = tpu.memref_squeeze %dma_wait3A_1258 : memref<1x!tpu.dma_semaphore, #tpu.memory_space<semaphore_mem>> -> memref<!tpu.dma_semaphore, #tpu.memory_space<semaphore_mem>>
    tpu.wait_indirect_dma semaphore(%dma_wait3A_1259 : memref<!tpu.dma_semaphore, #tpu.memory_space<semaphore_mem>>) src(%dma_wait3A_1257 : memref<10240x64xf32, #tpu.memory_space<vmem_shared>>) dst(%dma_wait3A_1251 : memref<32x64xf32, #tpu.memory_space<vmem>>)
    %dma_wait3A_1260 = arith.constant 0 : i32
    %dma_wait3A_1261 = arith.constant 1 : i32
    %dma_wait3A_1262 = arith.constant 1 : i32
    %dma_wait3A_1263 = arith.constant 0 : i32
    %dma_wait3A_1264 = arith.constant 0 : i32
    %dma_wait3A_1265 = tpu.memref_slice %arg11[%dma_wait3A_1261, %dma_wait3A_1263, %dma_wait3A_1264] : memref<4x32x64xf32, #tpu.memory_space<vmem>> -> memref<1x32x64xf32, #tpu.memory_space<vmem>>
    %dma_wait3A_1266 = tpu.memref_squeeze %dma_wait3A_1265 : memref<1x32x64xf32, #tpu.memory_space<vmem>> -> memref<32x64xf32, #tpu.memory_space<vmem>>
    %dma_wait3A_1267 = arith.constant 0 : i32
    %dma_wait3A_1268 = tpu.memref_slice %arg9[%dma_wait3A_1260, %dma_wait3A_1267] : memref<324x32xi32, #tpu.memory_space<vmem>> -> memref<1x32xi32, #tpu.memory_space<vmem>>
    %dma_wait3A_1269 = tpu.memref_squeeze %dma_wait3A_1268 : memref<1x32xi32, #tpu.memory_space<vmem>> -> memref<32xi32, #tpu.memory_space<vmem>>
    %dma_wait3A_1270 = arith.constant 0 : i32
    %dma_wait3A_1271 = arith.constant 0 : i32
    %dma_wait3A_1272 = tpu.memref_slice %arg16[%dma_wait3A_1270, %dma_wait3A_1271] : memref<10240x64xf32, #tpu.memory_space<vmem_shared>> -> memref<10240x64xf32, #tpu.memory_space<vmem_shared>>
    %dma_wait3A_1273 = tpu.memref_slice %arg18[%dma_wait3A_1262] : memref<4x!tpu.dma_semaphore, #tpu.memory_space<semaphore_mem>> -> memref<1x!tpu.dma_semaphore, #tpu.memory_space<semaphore_mem>>
    %dma_wait3A_1274 = tpu.memref_squeeze %dma_wait3A_1273 : memref<1x!tpu.dma_semaphore, #tpu.memory_space<semaphore_mem>> -> memref<!tpu.dma_semaphore, #tpu.memory_space<semaphore_mem>>
    tpu.wait_indirect_dma semaphore(%dma_wait3A_1274 : memref<!tpu.dma_semaphore, #tpu.memory_space<semaphore_mem>>) src(%dma_wait3A_1272 : memref<10240x64xf32, #tpu.memory_space<vmem_shared>>) dst(%dma_wait3A_1266 : memref<32x64xf32, #tpu.memory_space<vmem>>)
    %barrier3A_1275 = arith.constant 0 : index
    tpu.barrier barrier_id(%barrier3A_1275)
    %scan3A_1276 = arith.constant 0 : i32
    %scan3A_1277 = arith.constant 5 : i32
    %scan3A_1278 = arith.addi %scan3A_1276, %scan3A_1277 : i32
    %scan3A_1279 = arith.constant 1 : i32
    scf.for %scan3A_1281 = %scan3A_1276 to %scan3A_1278 step %scan3A_1279  : i32 {
      %mul3A_1282 = arith.constant 128 : i32
      %mul3A_1283 = arith.muli %scan3A_1281, %mul3A_1282 : i32
      %add3A = arith.addi %mul3A_34, %mul3A_1283 : i32
      "tpu.region"() ({
        %run_scoped3A = tpu.sem_alloc : memref<!tpu.dma_semaphore, #tpu.memory_space<semaphore_mem>>
        %dma_start3A_1289 = arith.constant 0 : i32
        %dma_start3A_1290 = tpu.memref_slice %arg15[%add3A, %dma_start3A_1289] : memref<10240x64xf32, #tpu.memory_space<vmem_shared>> -> memref<128x64xf32, #tpu.memory_space<vmem_shared>>
        %dma_start3A_1291 = arith.constant 0 : i32
        %dma_start3A_1292 = tpu.memref_slice %arg15[%add3A, %dma_start3A_1291] : memref<10240x64xf32, #tpu.memory_space<vmem_shared>> -> memref<128x64xf32, #tpu.memory_space<vmem_shared>>
        tpu.enqueue_dma source(%dma_start3A_1292 : memref<128x64xf32, #tpu.memory_space<vmem_shared>>) target(%arg12 : memref<128x64xf32, #tpu.memory_space<vmem>>) target_semaphore(%run_scoped3A : memref<!tpu.dma_semaphore, #tpu.memory_space<semaphore_mem>>)
        %dma_wait3A_1293 = arith.constant 0 : i32
        %dma_wait3A_1294 = tpu.memref_slice %arg15[%add3A, %dma_wait3A_1293] : memref<10240x64xf32, #tpu.memory_space<vmem_shared>> -> memref<128x64xf32, #tpu.memory_space<vmem_shared>>
        %dma_wait3A_1295 = arith.constant 0 : i32
        %dma_wait3A_1296 = tpu.memref_slice %arg15[%add3A, %dma_wait3A_1295] : memref<10240x64xf32, #tpu.memory_space<vmem_shared>> -> memref<128x64xf32, #tpu.memory_space<vmem_shared>>
        tpu.wait_dma2 semaphore(%run_scoped3A : memref<!tpu.dma_semaphore, #tpu.memory_space<semaphore_mem>>) src(%dma_wait3A_1296 : memref<128x64xf32, #tpu.memory_space<vmem_shared>>) dst(%arg12 : memref<128x64xf32, #tpu.memory_space<vmem>>)
        tpu.yield
      }) : () -> ()
      %scan3A_1284 = arith.constant 0 : i32
      %scan3A_1285 = arith.constant 128 : i32
      %scan3A_1286 = arith.addi %scan3A_1284, %scan3A_1285 : i32
      %scan3A_1287 = arith.constant 1 : i32
      scf.for %scan3A_1289 = %scan3A_1284 to %scan3A_1286 step %scan3A_1287  : i32 {
        %mul3A_1290 = arith.constant 128 : i32
        %mul3A_1291 = arith.muli %scan3A_1281, %mul3A_1290 : i32
        %add3A_1292 = arith.addi %mul3A_1291, %scan3A_1289 : i32
        %convert_element_type3A = arith.sitofp %add3A_1292 : i32 to f32
        %broadcast_in_dim3A_1293 = arith.constant 0.000000e+00 : f32
        %broadcast_in_dim3A_1294 = vector.broadcast %broadcast_in_dim3A_1293 : f32 to vector<16xf32>
        %add3A_1295 = vector.broadcast %convert_element_type3A : f32 to vector<16xf32>
        %add3A_1296 = arith.addf %broadcast_in_dim3A_1294, %add3A_1295 : vector<16xf32>
        %convert_element_type3A_1297 = arith.fptosi %add3A_1296 : vector<16xf32> to vector<16xi32>
        %gather3A = tpu.vector_load_idx %arg13[%convert_element_type3A_1297] : memref<640xf32, #tpu.memory_space<vmem>>[vector<16xi32>], vector<16xf32>,
        %get3A = arith.index_cast %scan3A_1289 : i32 to index
        %get3A_1298 = arith.constant 0 : index
        %get3A_1299 = tpu.vector_load %arg12[%get3A, %get3A_1298] {strides = array<i32>} : memref<128x64xf32, #tpu.memory_space<vmem>>, vector<16xf32>,
        %mul3A_1300 = arith.mulf %get3A_1299, %gather3A : vector<16xf32>
        %swap3A_1301 = arith.index_cast %scan3A_1289 : i32 to index
        %swap3A_1302 = arith.constant 0 : index
        %swap3A_1303 = tpu.vector_load %arg12[%swap3A_1301, %swap3A_1302] {strides = array<i32>} : memref<128x64xf32, #tpu.memory_space<vmem>>, vector<16xf32>,
        tpu.vector_store %arg12[%swap3A_1301, %swap3A_1302], %mul3A_1300 {strides = array<i32>} : memref<128x64xf32, #tpu.memory_space<vmem>>, vector<16xf32>,
        %get3A_1304 = arith.index_cast %scan3A_1289 : i32 to index
        %get3A_1305 = arith.constant 16 : index
        %get3A_1306 = tpu.vector_load %arg12[%get3A_1304, %get3A_1305] {strides = array<i32>} : memref<128x64xf32, #tpu.memory_space<vmem>>, vector<16xf32>,
        %mul3A_1307 = arith.mulf %get3A_1306, %gather3A : vector<16xf32>
        %swap3A_1308 = arith.index_cast %scan3A_1289 : i32 to index
        %swap3A_1309 = arith.constant 16 : index
        %swap3A_1310 = tpu.vector_load %arg12[%swap3A_1308, %swap3A_1309] {strides = array<i32>} : memref<128x64xf32, #tpu.memory_space<vmem>>, vector<16xf32>,
        tpu.vector_store %arg12[%swap3A_1308, %swap3A_1309], %mul3A_1307 {strides = array<i32>} : memref<128x64xf32, #tpu.memory_space<vmem>>, vector<16xf32>,
        %get3A_1311 = arith.index_cast %scan3A_1289 : i32 to index
        %get3A_1312 = arith.constant 32 : index
        %get3A_1313 = tpu.vector_load %arg12[%get3A_1311, %get3A_1312] {strides = array<i32>} : memref<128x64xf32, #tpu.memory_space<vmem>>, vector<16xf32>,
        %mul3A_1314 = arith.mulf %get3A_1313, %gather3A : vector<16xf32>
        %swap3A_1315 = arith.index_cast %scan3A_1289 : i32 to index
        %swap3A_1316 = arith.constant 32 : index
        %swap3A_1317 = tpu.vector_load %arg12[%swap3A_1315, %swap3A_1316] {strides = array<i32>} : memref<128x64xf32, #tpu.memory_space<vmem>>, vector<16xf32>,
        tpu.vector_store %arg12[%swap3A_1315, %swap3A_1316], %mul3A_1314 {strides = array<i32>} : memref<128x64xf32, #tpu.memory_space<vmem>>, vector<16xf32>,
        %get3A_1318 = arith.index_cast %scan3A_1289 : i32 to index
        %get3A_1319 = arith.constant 48 : index
        %get3A_1320 = tpu.vector_load %arg12[%get3A_1318, %get3A_1319] {strides = array<i32>} : memref<128x64xf32, #tpu.memory_space<vmem>>, vector<16xf32>,
        %mul3A_1321 = arith.mulf %get3A_1320, %gather3A : vector<16xf32>
        %swap3A_1322 = arith.index_cast %scan3A_1289 : i32 to index
        %swap3A_1323 = arith.constant 48 : index
        %swap3A_1324 = tpu.vector_load %arg12[%swap3A_1322, %swap3A_1323] {strides = array<i32>} : memref<128x64xf32, #tpu.memory_space<vmem>>, vector<16xf32>,
        tpu.vector_store %arg12[%swap3A_1322, %swap3A_1323], %mul3A_1321 {strides = array<i32>} : memref<128x64xf32, #tpu.memory_space<vmem>>, vector<16xf32>,
      }
      %scan3A_1288 = arith.constant 128 : i32
      "tpu.region"() ({
        %run_scoped3A = tpu.sem_alloc : memref<!tpu.dma_semaphore, #tpu.memory_space<semaphore_mem>>
        %dma_start3A_1289 = arith.constant 0 : i32
        %dma_start3A_1290 = tpu.memref_slice %arg8[%arg0, %add3A, %dma_start3A_1289] : memref<2x10240x64xf32, #tpu.memory_space<hbm>> -> memref<1x128x64xf32, #tpu.memory_space<hbm>>
        %dma_start3A_1291 = tpu.memref_squeeze %dma_start3A_1290 : memref<1x128x64xf32, #tpu.memory_space<hbm>> -> memref<128x64xf32, #tpu.memory_space<hbm>>
        %dma_start3A_1292 = arith.constant 0 : i32
        %dma_start3A_1293 = tpu.memref_slice %arg8[%arg0, %add3A, %dma_start3A_1292] : memref<2x10240x64xf32, #tpu.memory_space<hbm>> -> memref<1x128x64xf32, #tpu.memory_space<hbm>>
        %dma_start3A_1294 = tpu.memref_squeeze %dma_start3A_1293 : memref<1x128x64xf32, #tpu.memory_space<hbm>> -> memref<128x64xf32, #tpu.memory_space<hbm>>
        tpu.enqueue_dma source(%arg12 : memref<128x64xf32, #tpu.memory_space<vmem>>) target(%dma_start3A_1294 : memref<128x64xf32, #tpu.memory_space<hbm>>) target_semaphore(%run_scoped3A : memref<!tpu.dma_semaphore, #tpu.memory_space<semaphore_mem>>)
        %dma_wait3A_1295 = arith.constant 0 : i32
        %dma_wait3A_1296 = tpu.memref_slice %arg8[%arg0, %add3A, %dma_wait3A_1295] : memref<2x10240x64xf32, #tpu.memory_space<hbm>> -> memref<1x128x64xf32, #tpu.memory_space<hbm>>
        %dma_wait3A_1297 = tpu.memref_squeeze %dma_wait3A_1296 : memref<1x128x64xf32, #tpu.memory_space<hbm>> -> memref<128x64xf32, #tpu.memory_space<hbm>>
        %dma_wait3A_1298 = arith.constant 0 : i32
        %dma_wait3A_1299 = tpu.memref_slice %arg8[%arg0, %add3A, %dma_wait3A_1298] : memref<2x10240x64xf32, #tpu.memory_space<hbm>> -> memref<1x128x64xf32, #tpu.memory_space<hbm>>
        %dma_wait3A_1300 = tpu.memref_squeeze %dma_wait3A_1299 : memref<1x128x64xf32, #tpu.memory_space<hbm>> -> memref<128x64xf32, #tpu.memory_space<hbm>>
        tpu.wait_dma2 semaphore(%run_scoped3A : memref<!tpu.dma_semaphore, #tpu.memory_space<semaphore_mem>>) src(%arg12 : memref<128x64xf32, #tpu.memory_space<vmem>>) dst(%dma_wait3A_1300 : memref<128x64xf32, #tpu.memory_space<hbm>>)
        tpu.yield
      }) : () -> ()
    }
    %scan3A_1280 = arith.constant 5 : i32
    return
  }
}

module attributes {stable_mosaic.version = 14 : i64} {
  func.func @_tc_body(%arg0: i32, %arg1: memref<1000x128xf32, #tpu.memory_space<vmem>>, %arg2: memref<2x1000x64xf32, #tpu.memory_space<vmem>>, %arg3: memref<2x1000x64xf32, #tpu.memory_space<vmem>>, %arg4: memref<128x128xf32, #tpu.memory_space<vmem>>, %arg5: memref<128x128xf32, #tpu.memory_space<vmem>>, %arg6: memref<128x128xf32, #tpu.memory_space<vmem>>, %arg7: memref<1x128xf32, #tpu.memory_space<vmem>>, %arg8: memref<1x128xf32, #tpu.memory_space<vmem>>, %arg9: memref<1x128xf32, #tpu.memory_space<vmem>>, %arg10: memref<1000x384xf32, #tpu.memory_space<vmem>>) attributes {dimension_semantics = [#tpu.dimension_semantics<arbitrary>], iteration_bounds = array<i64: 10>, scalar_prefetch = 0 : i64, scratch_operands = 0 : i64, tpu.core_type = #tpu.core_type<tc>, window_params = [{transform_indices = @transform_0, window_bounds = array<i64: 1000, 128>}, {transform_indices = @transform_1, window_bounds = array<i64: 2, 1000, 64>}, {transform_indices = @transform_2, window_bounds = array<i64: 2, 1000, 64>}, {pipeline_mode = #tpu.pipeline_mode<synchronous>, transform_indices = @transform_3, window_bounds = array<i64: 128, 128>}, {pipeline_mode = #tpu.pipeline_mode<synchronous>, transform_indices = @transform_4, window_bounds = array<i64: 128, 128>}, {pipeline_mode = #tpu.pipeline_mode<synchronous>, transform_indices = @transform_5, window_bounds = array<i64: 128, 128>}, {pipeline_mode = #tpu.pipeline_mode<synchronous>, transform_indices = @transform_6, window_bounds = array<i64: 1, 128>}, {pipeline_mode = #tpu.pipeline_mode<synchronous>, transform_indices = @transform_7, window_bounds = array<i64: 1, 128>}, {pipeline_mode = #tpu.pipeline_mode<synchronous>, transform_indices = @transform_8, window_bounds = array<i64: 1, 128>}, {transform_indices = @transform_9, window_bounds = array<i64: 1000, 384>}]} {
    %get3A = arith.constant 0 : index
    %get3A_0 = arith.constant 0 : index
    %get3A_1 = vector.load %arg1[%get3A, %get3A_0] : memref<1000x128xf32, #tpu.memory_space<vmem>>, vector<1000x128xf32>
    %get3A_2 = arith.constant 0 : index
    %get3A_3 = arith.constant 0 : index
    %get3A_4 = vector.load %arg4[%get3A_2, %get3A_3] : memref<128x128xf32, #tpu.memory_space<vmem>>, vector<128x128xf32>
    %dot_general3A = arith.constant dense<0.000000e+00> : vector<1000x128xf32>
    %dot_general3A_5 = tpu.matmul %get3A_1, %get3A_4, %dot_general3A {dimension_numbers = #tpu.dot_dimension_numbers<[1], [0], [0], [1], [0, 0, 1, 1], [], []>, transpose_lhs_hint = false} : vector<1000x128xf32>, vector<128x128xf32>, vector<1000x128xf32> -> vector<1000x128xf32>
    %get3A_6 = arith.constant 0 : index
    %get3A_7 = arith.constant 0 : index
    %get3A_8 = vector.load %arg7[%get3A_6, %get3A_7] : memref<1x128xf32, #tpu.memory_space<vmem>>, vector<1x128xf32>
    %add3A = vector.broadcast %get3A_8 : vector<1x128xf32> to vector<1000x128xf32>
    %add3A_9 = arith.addf %dot_general3A_5, %add3A : vector<1000x128xf32>
    %swap3A = arith.constant 0 : index
    %swap3A_10 = arith.constant 0 : index
    %swap3A_11 = vector.load %arg10[%swap3A, %swap3A_10] : memref<1000x384xf32, #tpu.memory_space<vmem>>, vector<1000x128xf32>
    tpu.vector_store %arg10[%swap3A, %swap3A_10], %add3A_9 {strides = array<i32>} : memref<1000x384xf32, #tpu.memory_space<vmem>>, vector<1000x128xf32>,
    %get3A_12 = arith.constant 0 : index
    %get3A_13 = arith.constant 0 : index
    %get3A_14 = arith.constant 0 : index
    %get3A_15 = vector.load %arg2[%get3A_12, %get3A_13, %get3A_14] : memref<2x1000x64xf32, #tpu.memory_space<vmem>>, vector<1x1000x64xf32>
    %get3A_16 = vector.shape_cast %get3A_15 : vector<1x1000x64xf32> to vector<1000x64xf32>
    %get3A_17 = arith.constant 0 : index
    %get3A_18 = arith.constant 0 : index
    %get3A_19 = vector.load %arg5[%get3A_17, %get3A_18] : memref<128x128xf32, #tpu.memory_space<vmem>>, vector<64x128xf32>
    %dot_general3A_20 = arith.constant dense<0.000000e+00> : vector<1000x128xf32>
    %dot_general3A_21 = tpu.matmul %get3A_16, %get3A_19, %dot_general3A_20 {dimension_numbers = #tpu.dot_dimension_numbers<[1], [0], [0], [1], [0, 0, 1, 1], [], []>, transpose_lhs_hint = false} : vector<1000x64xf32>, vector<64x128xf32>, vector<1000x128xf32> -> vector<1000x128xf32>
    %get3A_22 = arith.constant 1 : index
    %get3A_23 = arith.constant 0 : index
    %get3A_24 = arith.constant 0 : index
    %get3A_25 = vector.load %arg2[%get3A_22, %get3A_23, %get3A_24] : memref<2x1000x64xf32, #tpu.memory_space<vmem>>, vector<1x1000x64xf32>
    %get3A_26 = vector.shape_cast %get3A_25 : vector<1x1000x64xf32> to vector<1000x64xf32>
    %get3A_27 = arith.constant 64 : index
    %get3A_28 = arith.constant 0 : index
    %get3A_29 = vector.load %arg5[%get3A_27, %get3A_28] : memref<128x128xf32, #tpu.memory_space<vmem>>, vector<64x128xf32>
    %dot_general3A_30 = arith.constant dense<0.000000e+00> : vector<1000x128xf32>
    %dot_general3A_31 = tpu.matmul %get3A_26, %get3A_29, %dot_general3A_30 {dimension_numbers = #tpu.dot_dimension_numbers<[1], [0], [0], [1], [0, 0, 1, 1], [], []>, transpose_lhs_hint = false} : vector<1000x64xf32>, vector<64x128xf32>, vector<1000x128xf32> -> vector<1000x128xf32>
    %add3A_32 = arith.addf %dot_general3A_21, %dot_general3A_31 : vector<1000x128xf32>
    %get3A_33 = arith.constant 0 : index
    %get3A_34 = arith.constant 0 : index
    %get3A_35 = vector.load %arg8[%get3A_33, %get3A_34] : memref<1x128xf32, #tpu.memory_space<vmem>>, vector<1x128xf32>
    %add3A_36 = vector.broadcast %get3A_35 : vector<1x128xf32> to vector<1000x128xf32>
    %add3A_37 = arith.addf %add3A_32, %add3A_36 : vector<1000x128xf32>
    %swap3A_38 = arith.constant 0 : index
    %swap3A_39 = arith.constant 128 : index
    %swap3A_40 = vector.load %arg10[%swap3A_38, %swap3A_39] : memref<1000x384xf32, #tpu.memory_space<vmem>>, vector<1000x128xf32>
    tpu.vector_store %arg10[%swap3A_38, %swap3A_39], %add3A_37 {strides = array<i32>} : memref<1000x384xf32, #tpu.memory_space<vmem>>, vector<1000x128xf32>,
    %get3A_41 = arith.constant 0 : index
    %get3A_42 = arith.constant 0 : index
    %get3A_43 = arith.constant 0 : index
    %get3A_44 = vector.load %arg3[%get3A_41, %get3A_42, %get3A_43] : memref<2x1000x64xf32, #tpu.memory_space<vmem>>, vector<1x1000x64xf32>
    %get3A_45 = vector.shape_cast %get3A_44 : vector<1x1000x64xf32> to vector<1000x64xf32>
    %get3A_46 = arith.constant 0 : index
    %get3A_47 = arith.constant 0 : index
    %get3A_48 = vector.load %arg6[%get3A_46, %get3A_47] : memref<128x128xf32, #tpu.memory_space<vmem>>, vector<64x128xf32>
    %dot_general3A_49 = arith.constant dense<0.000000e+00> : vector<1000x128xf32>
    %dot_general3A_50 = tpu.matmul %get3A_45, %get3A_48, %dot_general3A_49 {dimension_numbers = #tpu.dot_dimension_numbers<[1], [0], [0], [1], [0, 0, 1, 1], [], []>, transpose_lhs_hint = false} : vector<1000x64xf32>, vector<64x128xf32>, vector<1000x128xf32> -> vector<1000x128xf32>
    %get3A_51 = arith.constant 1 : index
    %get3A_52 = arith.constant 0 : index
    %get3A_53 = arith.constant 0 : index
    %get3A_54 = vector.load %arg3[%get3A_51, %get3A_52, %get3A_53] : memref<2x1000x64xf32, #tpu.memory_space<vmem>>, vector<1x1000x64xf32>
    %get3A_55 = vector.shape_cast %get3A_54 : vector<1x1000x64xf32> to vector<1000x64xf32>
    %get3A_56 = arith.constant 64 : index
    %get3A_57 = arith.constant 0 : index
    %get3A_58 = vector.load %arg6[%get3A_56, %get3A_57] : memref<128x128xf32, #tpu.memory_space<vmem>>, vector<64x128xf32>
    %dot_general3A_59 = arith.constant dense<0.000000e+00> : vector<1000x128xf32>
    %dot_general3A_60 = tpu.matmul %get3A_55, %get3A_58, %dot_general3A_59 {dimension_numbers = #tpu.dot_dimension_numbers<[1], [0], [0], [1], [0, 0, 1, 1], [], []>, transpose_lhs_hint = false} : vector<1000x64xf32>, vector<64x128xf32>, vector<1000x128xf32> -> vector<1000x128xf32>
    %add3A_61 = arith.addf %dot_general3A_50, %dot_general3A_60 : vector<1000x128xf32>
    %get3A_62 = arith.constant 0 : index
    %get3A_63 = arith.constant 0 : index
    %get3A_64 = vector.load %arg9[%get3A_62, %get3A_63] : memref<1x128xf32, #tpu.memory_space<vmem>>, vector<1x128xf32>
    %add3A_65 = vector.broadcast %get3A_64 : vector<1x128xf32> to vector<1000x128xf32>
    %add3A_66 = arith.addf %add3A_61, %add3A_65 : vector<1000x128xf32>
    %swap3A_67 = arith.constant 0 : index
    %swap3A_68 = arith.constant 256 : index
    %swap3A_69 = vector.load %arg10[%swap3A_67, %swap3A_68] : memref<1000x384xf32, #tpu.memory_space<vmem>>, vector<1000x128xf32>
    tpu.vector_store %arg10[%swap3A_67, %swap3A_68], %add3A_66 {strides = array<i32>} : memref<1000x384xf32, #tpu.memory_space<vmem>>, vector<1000x128xf32>,
    return
  }
  func.func @transform_0(%arg0: i32) -> (i32, i32) {
    %c0_i32 = arith.constant 0 : i32
    %c0_i32_0 = arith.constant 0 : i32
    return %arg0, %c0_i32 : i32, i32
  }
  func.func @transform_1(%arg0: i32) -> (i32, i32, i32) {
    %c0_i32 = arith.constant 0 : i32
    %c0_i32_0 = arith.constant 0 : i32
    %c0_i32_1 = arith.constant 0 : i32
    return %c0_i32, %arg0, %c0_i32_0 : i32, i32, i32
  }
  func.func @transform_2(%arg0: i32) -> (i32, i32, i32) {
    %c0_i32 = arith.constant 0 : i32
    %c0_i32_0 = arith.constant 0 : i32
    %c0_i32_1 = arith.constant 0 : i32
    return %c0_i32, %arg0, %c0_i32_0 : i32, i32, i32
  }
  func.func @transform_3(%arg0: i32) -> (i32, i32) {
    %c0_i32 = arith.constant 0 : i32
    %c0_i32_0 = arith.constant 0 : i32
    %c0_i32_1 = arith.constant 0 : i32
    return %c0_i32, %c0_i32_0 : i32, i32
  }
  func.func @transform_4(%arg0: i32) -> (i32, i32) {
    %c0_i32 = arith.constant 0 : i32
    %c0_i32_0 = arith.constant 0 : i32
    %c0_i32_1 = arith.constant 0 : i32
    return %c0_i32, %c0_i32_0 : i32, i32
  }
  func.func @transform_5(%arg0: i32) -> (i32, i32) {
    %c0_i32 = arith.constant 0 : i32
    %c0_i32_0 = arith.constant 0 : i32
    %c0_i32_1 = arith.constant 0 : i32
    return %c0_i32, %c0_i32_0 : i32, i32
  }
  func.func @transform_6(%arg0: i32) -> (i32, i32) {
    %c0_i32 = arith.constant 0 : i32
    %c0_i32_0 = arith.constant 0 : i32
    %c0_i32_1 = arith.constant 0 : i32
    return %c0_i32, %c0_i32_0 : i32, i32
  }
  func.func @transform_7(%arg0: i32) -> (i32, i32) {
    %c0_i32 = arith.constant 0 : i32
    %c0_i32_0 = arith.constant 0 : i32
    %c0_i32_1 = arith.constant 0 : i32
    return %c0_i32, %c0_i32_0 : i32, i32
  }
  func.func @transform_8(%arg0: i32) -> (i32, i32) {
    %c0_i32 = arith.constant 0 : i32
    %c0_i32_0 = arith.constant 0 : i32
    %c0_i32_1 = arith.constant 0 : i32
    return %c0_i32, %c0_i32_0 : i32, i32
  }
  func.func @transform_9(%arg0: i32) -> (i32, i32) {
    %c0_i32 = arith.constant 0 : i32
    %c0_i32_0 = arith.constant 0 : i32
    return %arg0, %c0_i32 : i32, i32
  }
}

</mosaic_0001>

<sc_bundles>
// kernel: kernel.4.cloned.1.call-start
scs
__scs_entry_jumppad:
0x0: {  	(pc) =	sbr.rel $0x88, $3  }
0x1: {  	(tag) =	ssettag $0x0;
	lr =	simm.s32 $0x1  }
0x2: {  	[smem:$0x3F99] =	sst lr;
	_ =	strace $0xD0000000  }
0x3: {  	_ = 	snop  }
0x4: {  	_ = 	snop  }
0x5: {  	_ = 	snop  }
0x6: {  	_ = 	snop  }
0x7: {  	_ = 	snop  }
__scs_overlays_trampoline_lowered:
0x8: {  	[smem:$0x3FA8] =	sst s0  }
0x9: {  	[smem:$0x3FA9] =	sst s1  }
0xa: {  	[smem:$0x3FAA] =	sst s2  }
0xb: {  	[smem:$0x3FAB] =	sst s3  }
0xc: {  	[smem:$0x3FAC] =	sst s4  }
0xd: {  	[smem:$0x3FAD] =	sst s5  }
0xe: {  	[smem:$0x3FAE] =	sst s6  }
0xf: {  	[smem:$0x3FAF] =	sst s7  }
0x10: {  	[smem:$0x3FB0] =	sst s8  }
0x11: {  	[smem:$0x3FB1] =	sst s9;
	s0 =	simm.s32 @!p0 $0x0  }
0x12: {  	s1 =	sld [smem:$0x3F97];
	s0 =	simm.s32 @p0 $0x1  }
0x13: {  	[smem:$0x3FB2] =	sst s0;
	s0 =	simm.s32 @!p1 $0x0  }
0x14: {  	s2 =	sld [smem:$0x3F96];
	s0 =	simm.s32 @p1 $0x1  }
0x15: {  	[smem:$0x3FB3] =	sst s0;
	s0 =	simm.s32 @!p2 $0x0  }
0x16: {  	s3 =	sld [smem:$0x3FDB];
	s0 =	simm.s32 @p2 $0x1  }
0x17: {  	s4 =	simm.s32 $0x1BF5;
	[smem:$0x3FB5] =	sst s0  }
0x18: {  	s0 =	sld [smem:$0x3F98];
	_ =	swait.ge [sflag:s4], $0x0  }
0x19: {  	s7 =	sld [smem:$0x3F99]  }
0x1a: {  	s8 =	sadd.s32 $0xFFFFE003, lr  }
0x1b: {  	s9 =	sadd.s32 $0xFFFFFEF7, lr;
	s5 =	simm.s32 $0xFFFFFFFF;
	p2 =	slt.u32 s8, $0xFFFFF086  }
0x1c: {  	p1 =	slt.u32 s9, $0xF7A;
	s5 =	simm.s32 @!p2 $0x0  }
0x1d: {  	s5 =	simm.s32 @p1 $0x1;
	p0 =	seq.s32 s7, s2  }
0x1e: {  	s7 =	smul.u32 @!p0 $0xF7A, s2;
	p2 =	seq.s32 @!p0 s5, $0x0  }
0x1f: {  	s9 =	smul.u32 $0xF7A, s1;
	s8 =	simm.s32 @!p0 $0x1BF5;
	p2 =	por !p2, p0  }
0x20: {  	[sflag:s8] =	ssyncset.s32 @!p0 $0xFFFFF086;
	s6 =	sadd.s32 @!p0 s3, s7;
	s7 =	simm.s32 @!p0 $0x108  }
0x21: {  	s3 =	sadd.s32 s3, s9;
	s6 =	sadd.s32 @!p0 $0x88, s6;
	s7 =	simm.s32 @p2 $0x1082  }
0x22: {  	[simem:s7], [sflag:s8] =	dma.local @!p0 [hbm:s6], $0xF7A  }
0x23: {  	s9 =	sor.u32 $0xD0000000, s2;
	s6 =	simm.s32 $0x108;
	_ =	swait.ge @!p0 [sflag:s8], $0x0  }
0x24: {  	s3 =	sadd.s32 $0x88, s3;
	s6 =	simm.s32 @!p1 $0x1082;
	[sflag:s4] =	ssyncset.s32 $0xFFFFF086  }
0x25: {  	[simem:s6], [sflag:s4] =	dma.local [hbm:s3], $0xF7A  }
0x26: {  	[smem:$0x3F99] =	sst s1;
	(tag) =	ssettag s2;
	_ =	strace s9  }
0x27: {  	s1 =	sld [smem:$0x3FA9]  }
0x28: {  	s2 =	sld [smem:$0x3FAA]  }
0x29: {  	s4 =	sld [smem:$0x3FAC]  }
0x2a: {  	p0 =	seq.s32 s5, $0x0;
	s5 =	sld [smem:$0x3FAD]  }
0x2b: {  	s6 =	sld [smem:$0x3FAE]  }
0x2c: {  	s7 =	sld [smem:$0x3FAF]  }
0x2d: {  	s3 =	simm.s32 $0x108;
	s8 =	sld [smem:$0x3FB0]  }
0x2e: {  	s3 =	simm.s32 @!p0 $0x1082;
	s9 =	sld [smem:$0x3FB1]  }
0x2f: {  	lr =	sadd.s32 s0, s3;
	s0 =	sld [smem:$0x3FA8]  }
0x30: {  	s3 =	sld [smem:$0x3FAB]  }
0x31: {  	[smem:$0x3FB4] =	sst s10  }
0x32: {  	s10 =	sld [smem:$0x3FB2];
	_ =	sdelay $0x3  }
0x33: {  	p0 =	seq.s32 s10, $0x1;
	s10 =	sld [smem:$0x3FB4];
	_ =	sdelay $0x3  }
0x34: {  	[smem:$0x3FB4] =	sst s10  }
0x35: {  	s10 =	sld [smem:$0x3FB3];
	_ =	sdelay $0x3  }
0x36: {  	p1 =	seq.s32 s10, $0x1;
	s10 =	sld [smem:$0x3FB4];
	_ =	sdelay $0x3  }
0x37: {  	[smem:$0x3FB4] =	sst s10  }
0x38: {  	s10 =	sld [smem:$0x3FB5]  }
0x39: {  	_ = 	snop;
	(pc) =	sbr.ind lr, $3  }
0x3a: {  	_ = 	snop  }
0x3b: {  	_ = 	snop  }
0x3c: {  	p2 =	seq.s32 s10, $0x1;
	s10 =	sld [smem:$0x3FB4]  }
0x3d: {  	_ =	shalt  }
0x3e: {  	_ =	shalt  }
0x3f: {  	_ =	shalt  }
0x40: {  	_ =	shalt  }
0x41: {  	_ =	shalt  }
0x42: {  	_ =	shalt  }
0x43: {  	_ =	shalt  }
0x44: {  	_ =	shalt  }
0x45: {  	_ =	shalt  }
0x46: {  	_ =	shalt  }
0x47: {  	_ =	shalt  }
0x48: {  	_ =	shalt  }
0x49: {  	_ =	shalt  }
0x4a: {  	_ =	shalt  }
0x4b: {  	_ =	shalt  }
0x4c: {  	_ =	shalt  }
0x4d: {  	_ =	shalt  }
0x4e: {  	_ =	shalt  }
0x4f: {  	_ =	shalt  }
0x50: {  	_ =	shalt  }
0x51: {  	_ =	shalt  }
0x52: {  	_ =	shalt  }
0x53: {  	_ =	shalt  }
0x54: {  	_ =	shalt  }
0x55: {  	_ =	shalt  }
0x56: {  	_ =	shalt  }
0x57: {  	_ =	shalt  }
0x58: {  	_ =	shalt  }
0x59: {  	_ =	shalt  }
0x5a: {  	_ =	shalt  }
0x5b: {  	_ =	shalt  }
0x5c: {  	_ =	shalt  }
0x5d: {  	_ =	shalt  }
0x5e: {  	_ =	shalt  }
0x5f: {  	_ =	shalt  }
0x60: {  	_ =	shalt  }
0x61: {  	_ =	shalt  }
0x62: {  	_ =	shalt  }
0x63: {  	_ =	shalt  }
0x64: {  	_ =	shalt  }
0x65: {  	_ =	shalt  }
0x66: {  	_ =	shalt  }
0x67: {  	_ =	shalt  }
0x68: {  	_ =	shalt  }
0x69: {  	_ =	shalt  }
0x6a: {  	_ =	shalt  }
0x6b: {  	_ =	shalt  }
0x6c: {  	_ =	shalt  }
0x6d: {  	_ =	shalt  }
0x6e: {  	_ =	shalt  }
0x6f: {  	_ =	shalt  }
0x70: {  	_ =	shalt  }
0x71: {  	_ =	shalt  }
0x72: {  	_ =	shalt  }
0x73: {  	_ =	shalt  }
0x74: {  	_ =	shalt  }
0x75: {  	_ =	shalt  }
0x76: {  	_ =	shalt  }
0x77: {  	_ =	shalt  }
0x78: {  	_ =	shalt  }
0x79: {  	_ =	shalt  }
0x7a: {  	_ =	shalt  }
0x7b: {  	_ =	shalt  }
0x7c: {  	_ =	shalt  }
0x7d: {  	_ =	shalt  }
0x7e: {  	_ =	shalt  }
0x7f: {  	_ =	shalt  }
0x80: {  	_ =	shalt  }
0x81: {  	_ =	shalt  }
0x82: {  	_ =	shalt  }
0x83: {  	_ =	shalt  }
0x84: {  	_ =	shalt  }
0x85: {  	_ =	shalt  }
0x86: {  	_ =	shalt  }
0x87: {  	_ =	shalt  }
.Lfunc_end0:
.L_simem_size_0:
called_computation_lowered:
.L_overlay_start_0:
0x88: {  	s2 =	sld [smem:$0x3FD9]  }
0x89: {  	s3 =	sld [smem:$0x3FFE];
	_ =	sdelay $0x1  }
0x8a: {  	s1 =	srdreg.scid  }
0x8b: {  	s0 =	sand.u32 $0x1, s1  }
0x8c: {  	s17 =	sshll.u32 s0, $0xA;
	s2 =	sadd.s32 s3, s2  }
0x8d: {  	s2 =	sadd.s32 s2, s17  }
0x8e: {  	[smem:$0x3FC0] =	sst s2  }
0x8f: {  	_ = 	snop  }
0x90: {  	s2 =	sld [smem:$0x3FD0];
	(tm) =	ssettm $0x1  }
0x91: {  	s18 =	sld [smem:$0x3FFB];
	_ =	sdelay $0x3  }
0x92: {  	_ =	strace s18  }
0x93: {  	s3 =	sld [smem:$0x3FFC];
	_ =	sdelay $0x3  }
0x94: {  	_ =	strace s3  }
0x95: {  	s3 =	sld [smem:$0x3FFD];
	_ =	sdelay $0x3  }
0x96: {  	_ =	strace s3  }
0x97: {  	_ =	strace $0x8FFFFFFF  }
0x98: {  	s19 =	sld [smem:$0x3FDB];
	_ =	sdelay $0x1  }
0x99: {  	s4 =	simm.s32 $_scs_section_size  }
0x9a: {  	s5 =	simm.s32 $_size__tile_overlayer_lowered;
	s6 =	simm.s32 $_tile_overlayer_lowered  }
0x9b: {  	s22 =	simm.s32 $0x1BFF;
	s21 =	sshll.u32 s6, $0x1;
	s3 =	sadd.s32 s4, s19  }
0x9c: {  	s7 =	simm.s32 $0x0;
	s20 =	sshll.u32 s5, $0x1;
	s5 =	sadd.s32 s21, s3  }
0x9d: {  	[timem:s7], [sflag:s22] =	dma.local [hbm:s5], s20  }
0x9e: {  	_ =	swait.ge [sflag:s22], s20  }
0x9f: {  	s4 =	ssub.s32 $0x0, s20;
	[sflag:s22] =	ssyncset.done $0x0  }
0xa0: {  	[sflag:s22] =	ssyncadd.s32 s4;
	_ =	sdelay $0x1  }
0xa1: {  	s23 =	simm.s32 $0x1B8B  }
0xa2: {  	_ =	swait.ge [sflag:s23], $0x1  }
0xa3: {  	[sflag:s23] =	ssyncset.done $0x0  }
0xa4: {  	s25 =	simm.s32 $0x1B8E;
	s24 =	sld [smem:$0x3FFE];
	[sflag:s23] =	ssyncadd.s32 $0xFFFFFFFF  }
0xa5: {  	s26 =	simm.s32 $execute0_lowered;
	[smem:$0x3FD2] =	sst s25  }
0xa6: {  	s5 =	sshll.u32 s26, $0x1;
	_ =	strace $0x80000046;
	[dreg:$0x1] =	wrdreg $0xFFFFFFFF  }
0xa7: {  	s28 =	simm.s32 $_size_execute0_lowered;
	s3 =	sadd.s32 s3, s5;
	[dreg:$0x0] =	wrdreg $0x0  }
0xa8: {  	s5 =	sshll.u32 s28, $0x1;
	[dreg:$0x2] =	wrdreg s3  }
0xa9: {  	[dreg:$0x3] =	wrdreg s5  }
0xaa: {  	[dreg:$0x4] =	wrdreg $0xC0  }
0xab: {  	_ =	task [dreg:s7], $0x5FFFF  }
0xac: {  	[dreg:$0x1] =	wrdreg $0xFFFFFFFF  }
0xad: {  	[dreg:$0x0] =	wrdreg $0x60  }
0xae: {  	[dreg:$0x2] =	wrdreg s2  }
0xaf: {  	[dreg:$0x3] =	wrdreg s24  }
0xb0: {  	[dreg:$0x4] =	wrdreg $0x93200  }
0xb1: {  	[dreg:$0x5] =	wrdreg $0x1D3200  }
0xb2: {  	[dreg:$0x6] =	wrdreg $0x133200  }
0xb3: {  	[dreg:$0x7] =	wrdreg $0x9  }
0xb4: {  	_ =	task.clear_ibuf [dreg:s7], $0x8FFFF;
	_ =	strace $0x90000046  }
0xb5: {  	s29 =	simm.s32 $0x9;
	_ =	strace $0x80000048  }
0xb6: {  	_ =	swait.ge [sflag:s29], $0x1  }
0xb7: {  	[sflag:s29] =	ssyncadd.s32 $0xFFFFFFFF  }
0xb8: {  	_ =	strace $0x90000048  }
0xb9: {  	_ =	sfence  }
0xba: {  	s30 =	sld [smem:$0x0];
	_ =	sdelay $0x2  }
0xbb: {  	s31 =	sshll.u32 s1, $0xD;
	s1 =	sshrl.u32 s1, $0x2  }
0xbc: {  	s3 =	sand.u32 $0x4000, s31;
	s1 =	sadd.s32 s1, s30  }
0xbd: {  	s0 =	sor.u32 s3, s0;
	s1 =	sshll.u32 s1, $0x11  }
0xbe: {  	s0 =	sor.u32 s1, s0  }
0xbf: {  	s0 =	sadd.s32 $0x8F2B, s0  }
0xc0: {  	[sflag:s0] =	ssyncadd.remote.s32 $0x1  }
0xc1: {  	_ =	sfence.sel $0xFFFF  }
0xc2: {  	[dreg:$0x0] =	wrdreg $0xFFFFFFFF;
	(pc) =	sbr.abs _section_cstart, $3  }
0xc3: {  	[dreg:$0x1] =	wrdreg $0xFFFFFFFF  }
0xc4: {  	_ =	task.clear_ibuf [dreg:s7], $0x2FFFF;
	_ =	strace $0x9FFFFFFF  }
0xc5: {  	(tm) =	ssettm $0x7FFFFFFF  }
tec
execute0_lowered:
.L_overlay_start_1:
0x0: {  	(tag) =	ssettag $0x1  }
0x1: {  	s0 =	rddreg [dreg:$0x1]  }
0x2: {  	s3 =	rddreg [dreg:$0x2]  }
0x3: {  	s14 =	rddreg [dreg:$0x3]  }
0x4: {  	s5 =	rddreg [dreg:$0x4];
	s4 =	stileid.u32;
	s2 =	simm.s32 $0x0  }
0x5: {  	s8 =	srdreg.scid;
	s21 =	simm.s32 $0xA;
	s1 =	smul.u32 $0x5080, s4  }
0x6: {  	s28 =	simm.s32 $0x9080;
	s29 =	simm.s32 $0x7080;
	s15 =	smul.u32 $0x5000, s4  }
0x7: {  	s30 =	simm.s32 $0x5080;
	s31 =	simm.s32 $0x5880;
	s7 =	smul.u32 $0x280, s4  }
0x8: {  	[smem:$0x7FF] =	sst s2;
	s6 =	smul.u32 $0xA000, s4;
	s11 =	sand.u32 $0x1, s8  }
0x9: {  	s8 =	sadd.s32 $0x51E00, s0;
	s17 =	sshll.u32 s4, $0x6;
	s4 =	simm.s32 $0x0  }
0xa: {  	_ =	strace $0x80000047;
	s13 =	ssub.s32 $0x2, s11;
	s19 =	sor.u32 $0x1C0A, s17  }
0xb: {  	s17 =	simm.s32 $0x3;
	s1 =	sshrl.u32 s1, $0x3;
	s2 =	sshrl.u32 s15, $0x3  }
0xc: {  	s9 =	sshrl.u32 s7, $0x3;
	s10 =	sshrl.u32 s6, $0x3;
	s16 =	sshrl.u32 s13, $0x1  }
0xd: {  	s6 =	sadd.s32 s6, s3;
	[dreg:$0x7] =	wrdreg s19;
	s20 =	sadd.s32 s7, s14  }
0xe: {  	s19 =	simm.s32 $0x2;
	s1 =	sadd.s32 s1, s0;
	s2 =	sadd.s32 s2, s0  }
0xf: {  	s12 =	sadd.s32 s9, s0;
	s10 =	sadd.s32 s10, s0;
	s9 =	sadd.s32 $0x29E00, s0  }
0x10: {  	s0 =	ssub.s32 s13, s16;
	s25 =	sshrl.u32 s6, $0x3;
	[dreg:$0x8] =	wrdreg s20  }
0x11: {  	s16 =	smul.u32 $0xA0000, s11;
	s26 =	sshrl.u32 s20, $0x3;
	[dreg:$0xf] =	wrdreg s25  }
0x12: {  	s11 =	simm.s32 $0x2880;
	s18 =	sadd.s32 $0x15E00, s10;
	[dreg:$0x10] =	wrdreg s26  }
0x13: {  	s13 =	simm.s32 $0x6080;
	s22 =	sadd.s32 $0x15800, s12;
	[dreg:$0x6] =	wrdreg s18  }
0x14: {  	s20 =	simm.s32 $0x5;
	s23 =	sadd.s32 $0xB800, s2;
	[dreg:$0x9] =	wrdreg s22  }
0x15: {  	s2 =	sadd.s32 $0xBD00, s2;
	s24 =	sadd.s32 $0x1600, s1;
	[dreg:$0xa] =	wrdreg s23  }
0x16: {  	s1 =	sadd.s32 $0x1B00, s1;
	s0 =	smax.u32 s0, $0x1;
	[dreg:$0xb] =	wrdreg s2  }
0x17: {  	s25 =	simm.s32 $0x9300;
	s26 =	simm.s32 $0x9;
	[dreg:$0xc] =	wrdreg s24  }
0x18: {  	s10 =	simm.s32 $0x6880;
	s12 =	simm.s32 $0x7;
	[dreg:$0xd] =	wrdreg s1  }
0x19: {  	[dreg:$0xe] =	wrdreg s0;
	s24 =	simm.s32 $0x20;
	s0 =	simm.s32 $0x1  }
0x1a: {  	v0 =	vimm.f32 $1.000000000e+00;
	s22 =	simm.s32 $0x4;
	s18 =	simm.s32 $0x6;
	s2 =	simm.s32 $0x8  }
.LBB2_1:
0x1b: {  	[dreg:$0x11] =	wrdreg s4  }
0x1c: {  	s1 =	rddreg [dreg:$0x6]  }
0x1d: {  	s4 =	rddreg [dreg:$0x7]  }
0x1e: {  	s6 =	rddreg [dreg:$0xf]  }
0x1f: {  	[spmem:s6], [sflag:s4] =	dma.local [hbm:s1], $0x1400  }
0x20: {  	_ =	swait.ge [sflag:s21], $0x1400  }
0x21: {  	[sflag:s21] =	ssyncset.done $0x0;
	s15 =	rddreg [dreg:$0x9]  }
0x22: {  	s23 =	rddreg [dreg:$0x10];
	[sflag:s21] =	ssyncadd.s32 $0xFFFFEC00  }
0x23: {  	[spmem:s23], [sflag:s4] =	dma.local [hbm:s15], $0x50  }
0x24: {  	_ =	swait.ge [sflag:s21], $0x50  }
0x25: {  	[sflag:s21] =	ssyncset.done $0x0  }
0x26: {  	[sflag:s21] =	ssyncadd.s32 $0xFFFFFFB0  }
0x27: {  	[tilespmem:$0x9300] =	vst v0  }
0x28: {  	[tilespmem:$0x9310] =	vst v0  }
0x29: {  	[bflag:$0x0] =	sbarrier.arrive $0xFFFF  }
0x2a: {  	s15 =	simm.s32 $0x0;
	s23 =	rddreg [dreg:$0xa]  }
0x2b: {  	[tilespmem:s11], [sflag:$0xA] =	stream.linear.gather [hbm4b:s23+s15], $0x2800, $0x38;
	[tilespmem:$0x1D5A0] =	vst v63  }
0x2c: {  	_ =	swait.ge [sflag:s21], $0x2800  }
0x2d: {  	[sflag:s21] =	ssyncset.done $0x0  }
0x2e: {  	s1 =	simm.s32 $0x0;
	[sflag:s21] =	ssyncadd.s32 $0xFFFFD800  }
.LBB2_2:
0x2f: {  	p0 =	sne.s32 s1, $0x9F80  }
.Ltmp0:
0x30: {  	_ = 	snop;
	(pc) =	sbr.rel @p0 .LBB2_2-.Ltmp0, $4  }
0x31: {  	_ = 	snop  }
0x32: {  	s6 =	sshra.s32 s1, $0x2  }
0x33: {  	s1 =	sadd.s32 $0x80, s1;
	s6 =	sadd.s32 $0x2880, s6  }
0x34: {  	[spmem:s14] =	stream.indirect.scatter.add.f32 [tilespmem:s25], [sflag:$0x9], $0x1, s6, s24, $0xb8;
	[tilespmem:$0x1D5A0] =	vst v63  }
0x35: {  	_ =	swait.ge [sflag:s26], $0x20  }
0x36: {  	s1 =	simm.s32 $0x13F;
	[sflag:s26] =	ssyncset.done $0x0  }
.LBB2_4:
0x37: {  	p0 =	sne.s32 s1, $0x1;
	s1 =	sadd.s32 $0xFFFFFFFF, s1;
	[sflag:s26] =	ssyncadd.s32 $0xFFFFFFE0  }
.Ltmp1:
0x38: {  	(pc) =	sbr.rel @p0 .LBB2_4-.Ltmp1, $3  }
0x39: {  	_ =	sdelay $0x1  }
0x3a: {  	_ =	swait.ge [sflag:s26], $0x20  }
0x3b: {  	[sflag:s26] =	ssyncset.done $0x0  }
0x3c: {  	[sflag:s26] =	ssyncadd.s32 $0xFFFFFFE0;
	s1 =	simm.s32 $0x0;
	s4 =	rddreg [dreg:$0xb]  }
0x3d: {  	[tilespmem:s11], [sflag:$0xA] =	stream.linear.gather [hbm4b:s4+s1], $0x2800, $0x38;
	[tilespmem:$0x1D5A0] =	vst v63  }
0x3e: {  	_ =	swait.ge [sflag:s21], $0x2800  }
0x3f: {  	[sflag:s21] =	ssyncset.done $0x0  }
0x40: {  	[sflag:s21] =	ssyncadd.s32 $0xFFFFD800  }
.LBB2_6:
0x41: {  	p0 =	sne.s32 s1, $0x9F80  }
.Ltmp2:
0x42: {  	_ = 	snop;
	(pc) =	sbr.rel @p0 .LBB2_6-.Ltmp2, $4  }
0x43: {  	_ = 	snop  }
0x44: {  	s6 =	sshra.s32 s1, $0x2  }
0x45: {  	s1 =	sadd.s32 $0x80, s1;
	s6 =	sadd.s32 $0x2880, s6  }
0x46: {  	[spmem:s14] =	stream.indirect.scatter.add.f32 [tilespmem:s25], [sflag:$0x9], $0x1, s6, s24, $0xb8;
	[tilespmem:$0x1D5A0] =	vst v63  }
0x47: {  	_ =	swait.ge [sflag:s26], $0x20  }
0x48: {  	s1 =	simm.s32 $0x13F;
	[sflag:s26] =	ssyncset.done $0x0  }
.LBB2_8:
0x49: {  	p0 =	sne.s32 s1, $0x1;
	s1 =	sadd.s32 $0xFFFFFFFF, s1;
	[sflag:s26] =	ssyncadd.s32 $0xFFFFFFE0  }
.Ltmp3:
0x4a: {  	(pc) =	sbr.rel @p0 .LBB2_8-.Ltmp3, $3  }
0x4b: {  	_ =	sdelay $0x1  }
0x4c: {  	_ =	swait.ge [sflag:s26], $0x20  }
0x4d: {  	[sflag:s26] =	ssyncset.done $0x0  }
0x4e: {  	[sflag:s26] =	ssyncadd.s32 $0xFFFFFFE0  }
0x4f: {  	[bflag:$0x0] =	sbarrier.arrive $0xFFFF  }
0x50: {  	s1 =	rddreg [dreg:$0x8]  }
0x51: {  	[tilespmem:s28], [sflag:$0xA] =	stream.linear.gather [spmem:s1], $0x280, $0x38;
	[tilespmem:$0x1D5A0] =	vst v63  }
0x52: {  	_ =	swait.ge [sflag:s21], $0x280  }
0x53: {  	s14 =	simm.s32 $0x0;
	[sflag:s21] =	ssyncset.done $0x0  }
0x54: {  	s15 =	simm.s32 $0x0;
	s11 =	simm.s32 $0x40;
	[sflag:s21] =	ssyncadd.s32 $0xFFFFFD80  }
.LBB2_10:
0x55: {  	p0 =	sne.s32 s11, $0x9C0;
	v1 =	vld [tilespmem:s15+$0x9080];
	_ =	sdelay $0x4  }
0x56: {  	v1 =	vmax.f32 v1, $1.000000000e+00  }
0x57: {  	v2 =	vshra.s32 v1, $0x1;
	v1 =	vmul.f32 $5.000000000e-01, v1  }
0x58: {  	v2 =	vsub.s32 $0x5F3759DF, v2  }
0x59: {  	v3 =	vmul.f32 v2, v1;
	_ =	sdelay $0x1  }
0x5a: {  	v3 =	vmul.f32 v2, v3;
	_ =	sdelay $0x1  }
0x5b: {  	v3 =	vsub.f32 $1.500000000e+00, v3;
	_ =	sdelay $0x1  }
0x5c: {  	v2 =	vmul.f32 v2, v3;
	_ =	sdelay $0x1  }
0x5d: {  	v3 =	vmul.f32 v2, v1;
	_ =	sdelay $0x1  }
0x5e: {  	v3 =	vmul.f32 v3, v2;
	_ =	sdelay $0x1  }
0x5f: {  	v3 =	vsub.f32 $1.500000000e+00, v3;
	_ =	sdelay $0x1  }
0x60: {  	v2 =	vmul.f32 v3, v2;
	_ =	sdelay $0x1  }
0x61: {  	v1 =	vmul.f32 v2, v1;
	_ =	sdelay $0x1  }
0x62: {  	v1 =	vmul.f32 v1, v2;
	_ =	sdelay $0x1  }
.Ltmp4:
0x63: {  	v1 =	vsub.f32 $1.500000000e+00, v1;
	(pc) =	sbr.rel @p0 .LBB2_10-.Ltmp4, $3  }
0x64: {  	_ = 	snop  }
0x65: {  	v1 =	vmul.f32 v1, v2;
	_ =	sdelay $0x1  }
0x66: {  	[tilespmem:s15+$0x9080] =	vst v1;
	s15 =	sshra.s32 s11, $0x2;
	s11 =	sadd.s32 $0x40, s11  }
0x67: {  	v1 =	vld [tilespmem:s15+$0x9080];
	_ =	sdelay $0x4  }
0x68: {  	v1 =	vmax.f32 v1, $1.000000000e+00  }
0x69: {  	v2 =	vshra.s32 v1, $0x1;
	v1 =	vmul.f32 $5.000000000e-01, v1  }
0x6a: {  	v2 =	vsub.s32 $0x5F3759DF, v2  }
0x6b: {  	v3 =	vmul.f32 v2, v1;
	_ =	sdelay $0x1  }
0x6c: {  	v3 =	vmul.f32 v2, v3;
	_ =	sdelay $0x1  }
0x6d: {  	v3 =	vsub.f32 $1.500000000e+00, v3;
	_ =	sdelay $0x1  }
0x6e: {  	v2 =	vmul.f32 v2, v3;
	_ =	sdelay $0x1  }
0x6f: {  	v3 =	vmul.f32 v2, v1;
	_ =	sdelay $0x1  }
0x70: {  	v3 =	vmul.f32 v3, v2;
	_ =	sdelay $0x1  }
0x71: {  	v3 =	vsub.f32 $1.500000000e+00, v3;
	_ =	sdelay $0x1  }
0x72: {  	v2 =	vmul.f32 v3, v2;
	_ =	sdelay $0x1  }
0x73: {  	v1 =	vmul.f32 v2, v1;
	_ =	sdelay $0x1  }
0x74: {  	v1 =	vmul.f32 v1, v2;
	_ =	sdelay $0x1  }
0x75: {  	v1 =	vsub.f32 $1.500000000e+00, v1;
	_ =	sdelay $0x1  }
0x76: {  	v1 =	vmul.f32 v1, v2;
	_ =	sdelay $0x1  }
0x77: {  	[tilespmem:s15+$0x9080] =	vst v1;
	s15 =	simm.s32 $0x0  }
.LBB2_12:
0x78: {  	s1 =	sadd.s32 $0x0, s14  }
0x79: {  	s1 =	scvt.s32.f32 s1  }
0x7a: {  	s6 =	sshll.u32 s15, $0x7  }
0x7b: {  	s6 =	sadd.s32 s7, s6;
	v1 =	vmov s1  }
0x7c: {  	s23 =	sshll.u32 s6, $0x6;
	v1 =	vtrunc.f32 v1  }
0x7d: {  	s11 =	sadd.s32 s16, s23;
	v1 =	vcvt.f32.s32 v1  }
0x7e: {  	s4 =	rddreg [dreg:$0x0];
	s1 =	sshrl.u32 s11, $0x3  }
0x7f: {  	s1 =	sadd.s32 s4, s1;
	s4 =	simm.s32 $0x0;
	v1 =	vbroadcast v1, $0x0  }
0x80: {  	[tilespmem:s29], [sflag:$0xA] =	stream.linear.gather [hbm4b:s1+s4], $0x2000, $0x38;
	[tilespmem:$0x1D5A0] =	vst v63  }
0x81: {  	_ =	swait.ge [sflag:s21], $0x2000  }
0x82: {  	[sflag:s21] =	ssyncset.done $0x0  }
0x83: {  	s11 =	simm.s32 $0x70A0;
	[sflag:s21] =	ssyncadd.s32 $0xFFFFE000  }
0x84: {  	v4 =	vld [tilespmem:s11+$0x10]  }
0x85: {  	s6 =	sadd.s32 $0x1, s14;
	v2 =	vld.idx.msk [tilespmem:v1+s28+$0x0], $0xffff  }
0x86: {  	s1 =	scvt.s32.f32 s6  }
0x87: {  	v3 =	vld [tilespmem:s11+$0xFFFFFFF0]  }
0x88: {  	v6 =	vld [tilespmem:s11+$0x0];
	v1 =	vmov s1  }
0x89: {  	v1 =	vtrunc.f32 v1  }
0x8a: {  	v1 =	vcvt.f32.s32 v1;
	v5 =	vmul.f32 v4, v2;
	v4 =	vld [tilespmem:s11+$0xFFFFFFE0];
	_ =	sdelay $0x1  }
0x8b: {  	v1 =	vbroadcast v1, $0x0  }
0x8c: {  	s6 =	simm.s32 $0x2;
	s1 =	simm.s32 $0x70A0;
	v3 =	vmul.f32 v3, v2;
	v6 =	vmul.f32 v6, v2  }
.LBB2_13:
0x8d: {  	p0 =	sne.s32 s6, $0x7F  }
0x8e: {  	v2 =	vmul.f32 v4, v2;
	[tilespmem:s11+$0x10] =	vst v5;
	s1 =	sadd.s32 $0x40, s1;
	s4 =	smov.u32 s6;
	s6 =	sadd.s32 $0x1, s6  }
0x8f: {  	[tilespmem:s11+$0x0] =	vst v6  }
0x90: {  	[tilespmem:s11+$0xFFFFFFE0] =	vst v2  }
0x91: {  	s4 =	sadd.s32 s4, s14;
	v6 =	vld [tilespmem:s1+$0xFFFFFFF0];
	[tilespmem:s11+$0xFFFFFFF0] =	vst v3;
	s11 =	smov.u32 s1  }
0x92: {  	s4 =	scvt.s32.f32 s4;
	v2 =	vld.idx.msk [tilespmem:v1+s28+$0x0], $0xffff  }
0x93: {  	v3 =	vld [tilespmem:s1+$0x10]  }
0x94: {  	v1 =	vmov s4;
	v7 =	vld [tilespmem:s1+$0x0]  }
.Ltmp5:
0x95: {  	v1 =	vtrunc.f32 v1;
	v4 =	vld [tilespmem:s1+$0xFFFFFFE0];
	(pc) =	sbr.rel @p0 .LBB2_13-.Ltmp5, $3  }
0x96: {  	v1 =	vcvt.f32.s32 v1;
	_ =	sdelay $0x1  }
0x97: {  	v1 =	vbroadcast v1, $0x0;
	v5 =	vmul.f32 v3, v2  }
0x98: {  	v3 =	vmul.f32 v6, v2;
	v6 =	vmul.f32 v7, v2  }
0x99: {  	v2 =	vmul.f32 v4, v2;
	[tilespmem:s11+$0x10] =	vst v5  }
0x9a: {  	[tilespmem:s11+$0x0] =	vst v6  }
0x9b: {  	s1 =	sadd.s32 $0x40, s1;
	[tilespmem:s11+$0xFFFFFFE0] =	vst v2  }
0x9c: {  	v2 =	vld [tilespmem:s1+$0xFFFFFFF0];
	[tilespmem:s11+$0xFFFFFFF0] =	vst v3  }
0x9d: {  	v1 =	vld.idx.msk [tilespmem:v1+s28+$0x0], $0xffff  }
0x9e: {  	v3 =	vld [tilespmem:s1+$0x10]  }
0x9f: {  	v63 =	vld [tilespmem:s1+$0x0]  }
0xa0: {  	v5 =	vld [tilespmem:s1+$0xFFFFFFE0];
	_ =	sdelay $0x2  }
0xa1: {  	v3 =	vmul.f32 v3, v1  }
0xa2: {  	v4 =	vmul.f32 v63, v1  }
0xa3: {  	v5 =	vmul.f32 v5, v1;
	[tilespmem:s1+$0x10] =	vst v3  }
0xa4: {  	s15 =	sadd.s32 $0x1, s15;
	v1 =	vmul.f32 v2, v1;
	[tilespmem:s1+$0x0] =	vst v4  }
0xa5: {  	p0 =	sne.s32 s15, $0x5;
	[tilespmem:s1+$0xFFFFFFE0] =	vst v5  }
.Ltmp6:
0xa6: {  	s23 =	sadd.s32 s23, s5;
	[tilespmem:s1+$0xFFFFFFF0] =	vst v1;
	(pc) =	sbr.rel @p0 .LBB2_12-.Ltmp6, $4  }
0xa7: {  	[spmem:s23] =	stream.linear.scatter [tilespmem:s29], [sflag:$0xA], $0x2000, $0x38;
	[tilespmem:$0x1D5A0] =	vst v63  }
0xa8: {  	_ =	swait.ge [sflag:s21], $0x2000  }
0xa9: {  	[sflag:s21] =	ssyncset.done $0x0  }
0xaa: {  	s14 =	sadd.s32 $0x80, s14;
	[sflag:s21] =	ssyncadd.s32 $0xFFFFE000  }
0xab: {  	[bflag:$0x0] =	sbarrier.arrive $0xFFFF  }
0xac: {  	s1 =	simm.s32 $0x0;
	s4 =	rddreg [dreg:$0xc]  }
0xad: {  	[tilespmem:s1], [sflag:$0xA] =	stream.linear.gather [hbm4b:s4+s1], $0x2880, $0x38;
	[tilespmem:$0x1D5A0] =	vst v63  }
0xae: {  	_ =	swait.ge [sflag:s21], $0x2880  }
0xaf: {  	[sflag:s21] =	ssyncset.done $0x0  }
0xb0: {  	s6 =	simm.s32 $0x2880;
	s23 =	rddreg [dreg:$0xa];
	[sflag:s21] =	ssyncadd.s32 $0xFFFFD780  }
0xb1: {  	[tilespmem:s6], [sflag:$0xA] =	stream.linear.gather [hbm4b:s23+s1], $0x2800, $0x38;
	[tilespmem:$0x1D5A0] =	vst v63  }
0xb2: {  	_ =	swait.ge [sflag:s21], $0x2800  }
0xb3: {  	[sflag:s21] =	ssyncset.done $0x0  }
0xb4: {  	[sflag:s21] =	ssyncadd.s32 $0xFFFFD800  }
0xb5: {  	[tilespmem:s30], [sflag:$0x1] =	stream.indirect.gather [spmem:s5], $0x40, s1, s24, $0xb8;
	[tilespmem:$0x1D5A0] =	vst v63  }
0xb6: {  	_ = 	snop  }
0xb7: {  	[tilespmem:s31], [sflag:$0x2] =	stream.indirect.gather [spmem:s5], $0x40, s24, s24, $0xb8;
	[tilespmem:$0x1D5A0] =	vst v63  }
0xb8: {  	_ =	swait.ge [sflag:s0], $0x800  }
0xb9: {  	[sflag:s0] =	ssyncset.done $0x0  }
0xba: {  	[sflag:s0] =	ssyncadd.s32 $0xFFFFF800  }
0xbb: {  	[spmem:s3] =	stream.indirect.scatter.add.f32 [tilespmem:s30], [sflag:$0x5], $0x40, s6, s24, $0xb8;
	[tilespmem:$0x1D5A0] =	vst v63  }
0xbc: {  	s11 =	simm.s32 $0x40  }
0xbd: {  	[tilespmem:s13], [sflag:$0x3] =	stream.indirect.gather [spmem:s5], $0x40, s11, s24, $0xb8;
	[tilespmem:$0x1D5A0] =	vst v63  }
0xbe: {  	_ =	swait.ge [sflag:s19], $0x800  }
0xbf: {  	[sflag:s19] =	ssyncset.done $0x0  }
0xc0: {  	s14 =	simm.s32 $0x28A0;
	[sflag:s19] =	ssyncadd.s32 $0xFFFFF800  }
0xc1: {  	[spmem:s3] =	stream.indirect.scatter.add.f32 [tilespmem:s31], [sflag:$0x6], $0x40, s14, s24, $0xb8;
	[tilespmem:$0x1D5A0] =	vst v63  }
0xc2: {  	s15 =	simm.s32 $0x60  }
0xc3: {  	[tilespmem:s10], [sflag:$0x4] =	stream.indirect.gather [spmem:s5], $0x40, s15, s24, $0xb8;
	[tilespmem:$0x1D5A0] =	vst v63  }
0xc4: {  	_ =	swait.ge [sflag:s17], $0x800  }
0xc5: {  	[sflag:s17] =	ssyncset.done $0x0  }
0xc6: {  	s23 =	simm.s32 $0x28C0;
	[sflag:s17] =	ssyncadd.s32 $0xFFFFF800  }
0xc7: {  	[spmem:s3] =	stream.indirect.scatter.add.f32 [tilespmem:s13], [sflag:$0x7], $0x40, s23, s24, $0xb8;
	[tilespmem:$0x1D5A0] =	vst v63  }
0xc8: {  	_ =	swait.ge [sflag:s20], $0x800  }
0xc9: {  	[sflag:s20] =	ssyncset.done $0x0  }
0xca: {  	s4 =	simm.s32 $0x80;
	[sflag:s20] =	ssyncadd.s32 $0xFFFFF800  }
0xcb: {  	[tilespmem:s30], [sflag:$0x1] =	stream.indirect.gather [spmem:s5], $0x40, s4, s24, $0xb8;
	[tilespmem:$0x1D5A0] =	vst v63  }
0xcc: {  	_ =	swait.ge [sflag:s22], $0x800  }
0xcd: {  	[sflag:s22] =	ssyncset.done $0x0  }
0xce: {  	s11 =	simm.s32 $0x28E0;
	[sflag:s22] =	ssyncadd.s32 $0xFFFFF800  }
0xcf: {  	[spmem:s3] =	stream.indirect.scatter.add.f32 [tilespmem:s10], [sflag:$0x8], $0x40, s11, s24, $0xb8;
	[tilespmem:$0x1D5A0] =	vst v63  }
0xd0: {  	_ =	swait.ge [sflag:s18], $0x800  }
0xd1: {  	[sflag:s18] =	ssyncset.done $0x0  }
0xd2: {  	s14 =	simm.s32 $0xA0;
	[sflag:s18] =	ssyncadd.s32 $0xFFFFF800  }
0xd3: {  	[tilespmem:s31], [sflag:$0x2] =	stream.indirect.gather [spmem:s5], $0x40, s14, s24, $0xb8;
	[tilespmem:$0x1D5A0] =	vst v63  }
0xd4: {  	_ =	swait.ge [sflag:s0], $0x800  }
0xd5: {  	[sflag:s0] =	ssyncset.done $0x0  }
0xd6: {  	s15 =	simm.s32 $0x2900;
	[sflag:s0] =	ssyncadd.s32 $0xFFFFF800  }
0xd7: {  	[spmem:s3] =	stream.indirect.scatter.add.f32 [tilespmem:s30], [sflag:$0x5], $0x40, s15, s24, $0xb8;
	[tilespmem:$0x1D5A0] =	vst v63  }
0xd8: {  	_ =	swait.ge [sflag:s12], $0x800  }
0xd9: {  	[sflag:s12] =	ssyncset.done $0x0  }
0xda: {  	s23 =	simm.s32 $0xC0;
	[sflag:s12] =	ssyncadd.s32 $0xFFFFF800  }
0xdb: {  	[tilespmem:s13], [sflag:$0x3] =	stream.indirect.gather [spmem:s5], $0x40, s23, s24, $0xb8;
	[tilespmem:$0x1D5A0] =	vst v63  }
0xdc: {  	_ =	swait.ge [sflag:s19], $0x800  }
0xdd: {  	[sflag:s19] =	ssyncset.done $0x0  }
0xde: {  	s4 =	simm.s32 $0x2920;
	[sflag:s19] =	ssyncadd.s32 $0xFFFFF800  }
0xdf: {  	[spmem:s3] =	stream.indirect.scatter.add.f32 [tilespmem:s31], [sflag:$0x6], $0x40, s4, s24, $0xb8;
	[tilespmem:$0x1D5A0] =	vst v63  }
0xe0: {  	_ =	swait.ge [sflag:s2], $0x800  }
0xe1: {  	[sflag:s2] =	ssyncset.done $0x0  }
0xe2: {  	s11 =	simm.s32 $0xE0;
	[sflag:s2] =	ssyncadd.s32 $0xFFFFF800  }
0xe3: {  	[tilespmem:s10], [sflag:$0x4] =	stream.indirect.gather [spmem:s5], $0x40, s11, s24, $0xb8;
	[tilespmem:$0x1D5A0] =	vst v63  }
0xe4: {  	_ =	swait.ge [sflag:s17], $0x800  }
0xe5: {  	[sflag:s17] =	ssyncset.done $0x0  }
0xe6: {  	s14 =	simm.s32 $0x2940;
	[sflag:s17] =	ssyncadd.s32 $0xFFFFF800  }
0xe7: {  	[spmem:s3] =	stream.indirect.scatter.add.f32 [tilespmem:s13], [sflag:$0x7], $0x40, s14, s24, $0xb8;
	[tilespmem:$0x1D5A0] =	vst v63  }
0xe8: {  	_ =	swait.ge [sflag:s20], $0x800  }
0xe9: {  	[sflag:s20] =	ssyncset.done $0x0  }
0xea: {  	s15 =	simm.s32 $0x100;
	[sflag:s20] =	ssyncadd.s32 $0xFFFFF800  }
0xeb: {  	[tilespmem:s30], [sflag:$0x1] =	stream.indirect.gather [spmem:s5], $0x40, s15, s24, $0xb8;
	[tilespmem:$0x1D5A0] =	vst v63  }
0xec: {  	_ =	swait.ge [sflag:s22], $0x800  }
0xed: {  	[sflag:s22] =	ssyncset.done $0x0  }
0xee: {  	s23 =	simm.s32 $0x2960;
	[sflag:s22] =	ssyncadd.s32 $0xFFFFF800  }
0xef: {  	[spmem:s3] =	stream.indirect.scatter.add.f32 [tilespmem:s10], [sflag:$0x8], $0x40, s23, s24, $0xb8;
	[tilespmem:$0x1D5A0] =	vst v63  }
0xf0: {  	_ =	swait.ge [sflag:s18], $0x800  }
0xf1: {  	[sflag:s18] =	ssyncset.done $0x0  }
0xf2: {  	s1 =	simm.s32 $0x120;
	s14 =	simm.s32 $0x200;
	[sflag:s18] =	ssyncadd.s32 $0xFFFFF800  }
.LBB2_16:
0xf3: {  	[tilespmem:s31], [sflag:$0x2] =	stream.indirect.gather [spmem:s5], $0x40, s1, s24, $0xb8;
	[tilespmem:$0x1D5A0] =	vst v63  }
0xf4: {  	s1 =	smov.u32 s14  }
0xf5: {  	p0 =	sne.s32 s14, $0x9C00;
	s14 =	sadd.s32 $0x200, s14;
	_ =	swait.ge [sflag:s0], $0x800  }
0xf6: {  	s15 =	sshra.s32 s1, $0x2;
	[sflag:s0] =	ssyncset.done $0x0  }
0xf7: {  	s1 =	sadd.s32 $0x2900, s15;
	[sflag:s0] =	ssyncadd.s32 $0xFFFFF800  }
0xf8: {  	[spmem:s3] =	stream.indirect.scatter.add.f32 [tilespmem:s30], [sflag:$0x5], $0x40, s1, s24, $0xb8;
	[tilespmem:$0x1D5A0] =	vst v63  }
0xf9: {  	_ =	swait.ge [sflag:s12], $0x800  }
0xfa: {  	[sflag:s12] =	ssyncset.done $0x0  }
0xfb: {  	s1 =	sadd.s32 $0xC0, s15;
	[sflag:s12] =	ssyncadd.s32 $0xFFFFF800  }
0xfc: {  	[tilespmem:s13], [sflag:$0x3] =	stream.indirect.gather [spmem:s5], $0x40, s1, s24, $0xb8;
	[tilespmem:$0x1D5A0] =	vst v63  }
0xfd: {  	_ =	swait.ge [sflag:s19], $0x800  }
0xfe: {  	[sflag:s19] =	ssyncset.done $0x0  }
0xff: {  	s1 =	sadd.s32 $0x2920, s15;
	[sflag:s19] =	ssyncadd.s32 $0xFFFFF800  }
0x100: {  	[spmem:s3] =	stream.indirect.scatter.add.f32 [tilespmem:s31], [sflag:$0x6], $0x40, s1, s24, $0xb8;
	[tilespmem:$0x1D5A0] =	vst v63  }
0x101: {  	_ =	swait.ge [sflag:s2], $0x800  }
0x102: {  	[sflag:s2] =	ssyncset.done $0x0  }
0x103: {  	s1 =	sadd.s32 $0xE0, s15;
	[sflag:s2] =	ssyncadd.s32 $0xFFFFF800  }
0x104: {  	[tilespmem:s10], [sflag:$0x4] =	stream.indirect.gather [spmem:s5], $0x40, s1, s24, $0xb8;
	[tilespmem:$0x1D5A0] =	vst v63  }
0x105: {  	_ =	swait.ge [sflag:s17], $0x800  }
0x106: {  	[sflag:s17] =	ssyncset.done $0x0  }
0x107: {  	s1 =	sadd.s32 $0x2940, s15;
	[sflag:s17] =	ssyncadd.s32 $0xFFFFF800  }
0x108: {  	[spmem:s3] =	stream.indirect.scatter.add.f32 [tilespmem:s13], [sflag:$0x7], $0x40, s1, s24, $0xb8;
	[tilespmem:$0x1D5A0] =	vst v63  }
0x109: {  	_ =	swait.ge [sflag:s20], $0x800  }
0x10a: {  	[sflag:s20] =	ssyncset.done $0x0  }
0x10b: {  	s1 =	sadd.s32 $0x100, s15;
	[sflag:s20] =	ssyncadd.s32 $0xFFFFF800  }
0x10c: {  	[tilespmem:s30], [sflag:$0x1] =	stream.indirect.gather [spmem:s5], $0x40, s1, s24, $0xb8;
	[tilespmem:$0x1D5A0] =	vst v63  }
0x10d: {  	_ =	swait.ge [sflag:s22], $0x800  }
0x10e: {  	[sflag:s22] =	ssyncset.done $0x0  }
.Ltmp7:
0x10f: {  	s1 =	sadd.s32 $0x2960, s15;
	[sflag:s22] =	ssyncadd.s32 $0xFFFFF800;
	(pc) =	sbr.rel @p0 .LBB2_16-.Ltmp7, $4  }
0x110: {  	[spmem:s3] =	stream.indirect.scatter.add.f32 [tilespmem:s10], [sflag:$0x8], $0x40, s1, s24, $0xb8;
	[tilespmem:$0x1D5A0] =	vst v63  }
0x111: {  	_ =	swait.ge [sflag:s18], $0x800  }
0x112: {  	[sflag:s18] =	ssyncset.done $0x0  }
0x113: {  	s1 =	sadd.s32 $0x120, s15;
	[sflag:s18] =	ssyncadd.s32 $0xFFFFF800  }
0x114: {  	[tilespmem:s31], [sflag:$0x2] =	stream.indirect.gather [spmem:s5], $0x40, s1, s24, $0xb8;
	[tilespmem:$0x1D5A0] =	vst v63  }
0x115: {  	_ =	swait.ge [sflag:s12], $0x800  }
0x116: {  	[sflag:s12] =	ssyncset.done $0x0  }
0x117: {  	[sflag:s12] =	ssyncadd.s32 $0xFFFFF800  }
0x118: {  	_ =	swait.ge [sflag:s2], $0x800  }
0x119: {  	[sflag:s2] =	ssyncset.done $0x0  }
0x11a: {  	[sflag:s2] =	ssyncadd.s32 $0xFFFFF800  }
0x11b: {  	_ =	swait.ge [sflag:s0], $0x800  }
0x11c: {  	[sflag:s0] =	ssyncset.done $0x0  }
0x11d: {  	[sflag:s0] =	ssyncadd.s32 $0xFFFFF800  }
0x11e: {  	_ =	swait.ge [sflag:s19], $0x800  }
0x11f: {  	[sflag:s19] =	ssyncset.done $0x0  }
0x120: {  	s11 =	simm.s32 $0x0;
	s4 =	rddreg [dreg:$0xd];
	[sflag:s19] =	ssyncadd.s32 $0xFFFFF800  }
0x121: {  	[tilespmem:s11], [sflag:$0xA] =	stream.linear.gather [hbm4b:s4+s11], $0x2880, $0x38;
	[tilespmem:$0x1D5A0] =	vst v63  }
0x122: {  	_ =	swait.ge [sflag:s21], $0x2880  }
0x123: {  	[sflag:s21] =	ssyncset.done $0x0  }
0x124: {  	s14 =	rddreg [dreg:$0xb];
	[sflag:s21] =	ssyncadd.s32 $0xFFFFD780  }
0x125: {  	[tilespmem:s6], [sflag:$0xA] =	stream.linear.gather [hbm4b:s14+s11], $0x2800, $0x38;
	[tilespmem:$0x1D5A0] =	vst v63  }
0x126: {  	_ =	swait.ge [sflag:s21], $0x2800  }
0x127: {  	[sflag:s21] =	ssyncset.done $0x0  }
0x128: {  	[sflag:s21] =	ssyncadd.s32 $0xFFFFD800  }
0x129: {  	[tilespmem:s30], [sflag:$0x1] =	stream.indirect.gather [spmem:s5], $0x40, s11, s24, $0xb8;
	[tilespmem:$0x1D5A0] =	vst v63  }
0x12a: {  	_ = 	snop  }
0x12b: {  	[tilespmem:s31], [sflag:$0x2] =	stream.indirect.gather [spmem:s5], $0x40, s24, s24, $0xb8;
	[tilespmem:$0x1D5A0] =	vst v63  }
0x12c: {  	_ =	swait.ge [sflag:s0], $0x800  }
0x12d: {  	[sflag:s0] =	ssyncset.done $0x0  }
0x12e: {  	[sflag:s0] =	ssyncadd.s32 $0xFFFFF800  }
0x12f: {  	[spmem:s3] =	stream.indirect.scatter.add.f32 [tilespmem:s30], [sflag:$0x5], $0x40, s6, s24, $0xb8;
	[tilespmem:$0x1D5A0] =	vst v63  }
0x130: {  	s15 =	simm.s32 $0x40  }
0x131: {  	[tilespmem:s13], [sflag:$0x3] =	stream.indirect.gather [spmem:s5], $0x40, s15, s24, $0xb8;
	[tilespmem:$0x1D5A0] =	vst v63  }
0x132: {  	_ =	swait.ge [sflag:s19], $0x800  }
0x133: {  	[sflag:s19] =	ssyncset.done $0x0  }
0x134: {  	s23 =	simm.s32 $0x28A0;
	[sflag:s19] =	ssyncadd.s32 $0xFFFFF800  }
0x135: {  	[spmem:s3] =	stream.indirect.scatter.add.f32 [tilespmem:s31], [sflag:$0x6], $0x40, s23, s24, $0xb8;
	[tilespmem:$0x1D5A0] =	vst v63  }
0x136: {  	s4 =	simm.s32 $0x60  }
0x137: {  	[tilespmem:s10], [sflag:$0x4] =	stream.indirect.gather [spmem:s5], $0x40, s4, s24, $0xb8;
	[tilespmem:$0x1D5A0] =	vst v63  }
0x138: {  	_ =	swait.ge [sflag:s17], $0x800  }
0x139: {  	[sflag:s17] =	ssyncset.done $0x0  }
0x13a: {  	s6 =	simm.s32 $0x28C0;
	[sflag:s17] =	ssyncadd.s32 $0xFFFFF800  }
0x13b: {  	[spmem:s3] =	stream.indirect.scatter.add.f32 [tilespmem:s13], [sflag:$0x7], $0x40, s6, s24, $0xb8;
	[tilespmem:$0x1D5A0] =	vst v63  }
0x13c: {  	_ =	swait.ge [sflag:s20], $0x800  }
0x13d: {  	[sflag:s20] =	ssyncset.done $0x0  }
0x13e: {  	s11 =	simm.s32 $0x80;
	[sflag:s20] =	ssyncadd.s32 $0xFFFFF800  }
0x13f: {  	[tilespmem:s30], [sflag:$0x1] =	stream.indirect.gather [spmem:s5], $0x40, s11, s24, $0xb8;
	[tilespmem:$0x1D5A0] =	vst v63  }
0x140: {  	_ =	swait.ge [sflag:s22], $0x800  }
0x141: {  	[sflag:s22] =	ssyncset.done $0x0  }
0x142: {  	s14 =	simm.s32 $0x28E0;
	[sflag:s22] =	ssyncadd.s32 $0xFFFFF800  }
0x143: {  	[spmem:s3] =	stream.indirect.scatter.add.f32 [tilespmem:s10], [sflag:$0x8], $0x40, s14, s24, $0xb8;
	[tilespmem:$0x1D5A0] =	vst v63  }
0x144: {  	_ =	swait.ge [sflag:s18], $0x800  }
0x145: {  	[sflag:s18] =	ssyncset.done $0x0  }
0x146: {  	s15 =	simm.s32 $0xA0;
	[sflag:s18] =	ssyncadd.s32 $0xFFFFF800  }
0x147: {  	[tilespmem:s31], [sflag:$0x2] =	stream.indirect.gather [spmem:s5], $0x40, s15, s24, $0xb8;
	[tilespmem:$0x1D5A0] =	vst v63  }
0x148: {  	_ =	swait.ge [sflag:s0], $0x800  }
0x149: {  	[sflag:s0] =	ssyncset.done $0x0  }
0x14a: {  	s23 =	simm.s32 $0x2900;
	[sflag:s0] =	ssyncadd.s32 $0xFFFFF800  }
0x14b: {  	[spmem:s3] =	stream.indirect.scatter.add.f32 [tilespmem:s30], [sflag:$0x5], $0x40, s23, s24, $0xb8;
	[tilespmem:$0x1D5A0] =	vst v63  }
0x14c: {  	_ =	swait.ge [sflag:s12], $0x800  }
0x14d: {  	[sflag:s12] =	ssyncset.done $0x0  }
0x14e: {  	s4 =	simm.s32 $0xC0;
	[sflag:s12] =	ssyncadd.s32 $0xFFFFF800  }
0x14f: {  	[tilespmem:s13], [sflag:$0x3] =	stream.indirect.gather [spmem:s5], $0x40, s4, s24, $0xb8;
	[tilespmem:$0x1D5A0] =	vst v63  }
0x150: {  	_ =	swait.ge [sflag:s19], $0x800  }
0x151: {  	[sflag:s19] =	ssyncset.done $0x0  }
0x152: {  	s6 =	simm.s32 $0x2920;
	[sflag:s19] =	ssyncadd.s32 $0xFFFFF800  }
0x153: {  	[spmem:s3] =	stream.indirect.scatter.add.f32 [tilespmem:s31], [sflag:$0x6], $0x40, s6, s24, $0xb8;
	[tilespmem:$0x1D5A0] =	vst v63  }
0x154: {  	_ =	swait.ge [sflag:s2], $0x800  }
0x155: {  	[sflag:s2] =	ssyncset.done $0x0  }
0x156: {  	s11 =	simm.s32 $0xE0;
	[sflag:s2] =	ssyncadd.s32 $0xFFFFF800  }
0x157: {  	[tilespmem:s10], [sflag:$0x4] =	stream.indirect.gather [spmem:s5], $0x40, s11, s24, $0xb8;
	[tilespmem:$0x1D5A0] =	vst v63  }
0x158: {  	_ =	swait.ge [sflag:s17], $0x800  }
0x159: {  	[sflag:s17] =	ssyncset.done $0x0  }
0x15a: {  	s14 =	simm.s32 $0x2940;
	[sflag:s17] =	ssyncadd.s32 $0xFFFFF800  }
0x15b: {  	[spmem:s3] =	stream.indirect.scatter.add.f32 [tilespmem:s13], [sflag:$0x7], $0x40, s14, s24, $0xb8;
	[tilespmem:$0x1D5A0] =	vst v63  }
0x15c: {  	_ =	swait.ge [sflag:s20], $0x800  }
0x15d: {  	[sflag:s20] =	ssyncset.done $0x0  }
0x15e: {  	s15 =	simm.s32 $0x100;
	[sflag:s20] =	ssyncadd.s32 $0xFFFFF800  }
0x15f: {  	[tilespmem:s30], [sflag:$0x1] =	stream.indirect.gather [spmem:s5], $0x40, s15, s24, $0xb8;
	[tilespmem:$0x1D5A0] =	vst v63  }
0x160: {  	_ =	swait.ge [sflag:s22], $0x800  }
0x161: {  	[sflag:s22] =	ssyncset.done $0x0  }
0x162: {  	s23 =	simm.s32 $0x2960;
	[sflag:s22] =	ssyncadd.s32 $0xFFFFF800  }
0x163: {  	[spmem:s3] =	stream.indirect.scatter.add.f32 [tilespmem:s10], [sflag:$0x8], $0x40, s23, s24, $0xb8;
	[tilespmem:$0x1D5A0] =	vst v63  }
0x164: {  	_ =	swait.ge [sflag:s18], $0x800  }
0x165: {  	[sflag:s18] =	ssyncset.done $0x0  }
0x166: {  	s1 =	simm.s32 $0x120;
	s14 =	simm.s32 $0x200;
	[sflag:s18] =	ssyncadd.s32 $0xFFFFF800  }
.LBB2_18:
0x167: {  	[tilespmem:s31], [sflag:$0x2] =	stream.indirect.gather [spmem:s5], $0x40, s1, s24, $0xb8;
	[tilespmem:$0x1D5A0] =	vst v63  }
0x168: {  	s1 =	smov.u32 s14  }
0x169: {  	p0 =	sne.s32 s14, $0x9C00;
	s14 =	sadd.s32 $0x200, s14;
	_ =	swait.ge [sflag:s0], $0x800  }
0x16a: {  	s15 =	sshra.s32 s1, $0x2;
	[sflag:s0] =	ssyncset.done $0x0  }
0x16b: {  	s1 =	sadd.s32 $0x2900, s15;
	[sflag:s0] =	ssyncadd.s32 $0xFFFFF800  }
0x16c: {  	[spmem:s3] =	stream.indirect.scatter.add.f32 [tilespmem:s30], [sflag:$0x5], $0x40, s1, s24, $0xb8;
	[tilespmem:$0x1D5A0] =	vst v63  }
0x16d: {  	_ =	swait.ge [sflag:s12], $0x800  }
0x16e: {  	[sflag:s12] =	ssyncset.done $0x0  }
0x16f: {  	s1 =	sadd.s32 $0xC0, s15;
	[sflag:s12] =	ssyncadd.s32 $0xFFFFF800  }
0x170: {  	[tilespmem:s13], [sflag:$0x3] =	stream.indirect.gather [spmem:s5], $0x40, s1, s24, $0xb8;
	[tilespmem:$0x1D5A0] =	vst v63  }
0x171: {  	_ =	swait.ge [sflag:s19], $0x800  }
0x172: {  	[sflag:s19] =	ssyncset.done $0x0  }
0x173: {  	s1 =	sadd.s32 $0x2920, s15;
	[sflag:s19] =	ssyncadd.s32 $0xFFFFF800  }
0x174: {  	[spmem:s3] =	stream.indirect.scatter.add.f32 [tilespmem:s31], [sflag:$0x6], $0x40, s1, s24, $0xb8;
	[tilespmem:$0x1D5A0] =	vst v63  }
0x175: {  	_ =	swait.ge [sflag:s2], $0x800  }
0x176: {  	[sflag:s2] =	ssyncset.done $0x0  }
0x177: {  	s1 =	sadd.s32 $0xE0, s15;
	[sflag:s2] =	ssyncadd.s32 $0xFFFFF800  }
0x178: {  	[tilespmem:s10], [sflag:$0x4] =	stream.indirect.gather [spmem:s5], $0x40, s1, s24, $0xb8;
	[tilespmem:$0x1D5A0] =	vst v63  }
0x179: {  	_ =	swait.ge [sflag:s17], $0x800  }
0x17a: {  	[sflag:s17] =	ssyncset.done $0x0  }
0x17b: {  	s1 =	sadd.s32 $0x2940, s15;
	[sflag:s17] =	ssyncadd.s32 $0xFFFFF800  }
0x17c: {  	[spmem:s3] =	stream.indirect.scatter.add.f32 [tilespmem:s13], [sflag:$0x7], $0x40, s1, s24, $0xb8;
	[tilespmem:$0x1D5A0] =	vst v63  }
0x17d: {  	_ =	swait.ge [sflag:s20], $0x800  }
0x17e: {  	[sflag:s20] =	ssyncset.done $0x0  }
0x17f: {  	s1 =	sadd.s32 $0x100, s15;
	[sflag:s20] =	ssyncadd.s32 $0xFFFFF800  }
0x180: {  	[tilespmem:s30], [sflag:$0x1] =	stream.indirect.gather [spmem:s5], $0x40, s1, s24, $0xb8;
	[tilespmem:$0x1D5A0] =	vst v63  }
0x181: {  	_ =	swait.ge [sflag:s22], $0x800  }
0x182: {  	[sflag:s22] =	ssyncset.done $0x0  }
.Ltmp8:
0x183: {  	s1 =	sadd.s32 $0x2960, s15;
	[sflag:s22] =	ssyncadd.s32 $0xFFFFF800;
	(pc) =	sbr.rel @p0 .LBB2_18-.Ltmp8, $4  }
0x184: {  	[spmem:s3] =	stream.indirect.scatter.add.f32 [tilespmem:s10], [sflag:$0x8], $0x40, s1, s24, $0xb8;
	[tilespmem:$0x1D5A0] =	vst v63  }
0x185: {  	_ =	swait.ge [sflag:s18], $0x800  }
0x186: {  	[sflag:s18] =	ssyncset.done $0x0  }
0x187: {  	s1 =	sadd.s32 $0x120, s15;
	[sflag:s18] =	ssyncadd.s32 $0xFFFFF800  }
0x188: {  	[tilespmem:s31], [sflag:$0x2] =	stream.indirect.gather [spmem:s5], $0x40, s1, s24, $0xb8;
	[tilespmem:$0x1D5A0] =	vst v63  }
0x189: {  	_ =	swait.ge [sflag:s12], $0x800  }
0x18a: {  	[sflag:s12] =	ssyncset.done $0x0  }
0x18b: {  	[sflag:s12] =	ssyncadd.s32 $0xFFFFF800  }
0x18c: {  	_ =	swait.ge [sflag:s2], $0x800  }
0x18d: {  	[sflag:s2] =	ssyncset.done $0x0  }
0x18e: {  	[sflag:s2] =	ssyncadd.s32 $0xFFFFF800  }
0x18f: {  	_ =	swait.ge [sflag:s0], $0x800  }
0x190: {  	[sflag:s0] =	ssyncset.done $0x0  }
0x191: {  	[sflag:s0] =	ssyncadd.s32 $0xFFFFF800  }
0x192: {  	_ =	swait.ge [sflag:s19], $0x800  }
0x193: {  	[sflag:s19] =	ssyncset.done $0x0  }
0x194: {  	[sflag:s19] =	ssyncadd.s32 $0xFFFFF800  }
0x195: {  	s14 =	simm.s32 $0x0;
	s15 =	simm.s32 $0x0;
	[bflag:$0x0] =	sbarrier.arrive $0xFFFF  }
.LBB2_20:
0x196: {  	s1 =	sadd.s32 $0x0, s14  }
0x197: {  	s1 =	scvt.s32.f32 s1;
	_ =	sdelay $0x1  }
0x198: {  	v1 =	vmov s1  }
0x199: {  	s4 =	sshll.u32 s15, $0x7;
	v1 =	vtrunc.f32 v1  }
0x19a: {  	s1 =	sadd.s32 s7, s4;
	v1 =	vcvt.f32.s32 v1  }
0x19b: {  	s23 =	sshll.u32 s1, $0x6  }
0x19c: {  	s1 =	sadd.s32 s23, s3;
	v1 =	vbroadcast v1, $0x0  }
0x19d: {  	[tilespmem:s29], [sflag:$0xA] =	stream.linear.gather [spmem:s1], $0x2000, $0x38;
	[tilespmem:$0x1D5A0] =	vst v63  }
0x19e: {  	_ =	swait.ge [sflag:s21], $0x2000  }
0x19f: {  	[sflag:s21] =	ssyncset.done $0x0  }
0x1a0: {  	s11 =	simm.s32 $0x70A0;
	[sflag:s21] =	ssyncadd.s32 $0xFFFFE000  }
0x1a1: {  	v4 =	vld [tilespmem:s11+$0x10]  }
0x1a2: {  	s6 =	sadd.s32 $0x1, s14;
	v2 =	vld.idx.msk [tilespmem:v1+s28+$0x0], $0xffff  }
0x1a3: {  	s1 =	scvt.s32.f32 s6  }
0x1a4: {  	v3 =	vld [tilespmem:s11+$0xFFFFFFF0]  }
0x1a5: {  	v6 =	vld [tilespmem:s11+$0x0];
	v1 =	vmov s1  }
0x1a6: {  	v1 =	vtrunc.f32 v1  }
0x1a7: {  	v1 =	vcvt.f32.s32 v1;
	v5 =	vmul.f32 v4, v2;
	v4 =	vld [tilespmem:s11+$0xFFFFFFE0];
	_ =	sdelay $0x1  }
0x1a8: {  	v1 =	vbroadcast v1, $0x0  }
0x1a9: {  	s6 =	simm.s32 $0x2;
	s1 =	simm.s32 $0x70A0;
	v3 =	vmul.f32 v3, v2;
	v6 =	vmul.f32 v6, v2  }
.LBB2_21:
0x1aa: {  	p0 =	sne.s32 s6, $0x7F  }
0x1ab: {  	v2 =	vmul.f32 v4, v2;
	[tilespmem:s11+$0x10] =	vst v5;
	s1 =	sadd.s32 $0x40, s1;
	s4 =	smov.u32 s6;
	s6 =	sadd.s32 $0x1, s6  }
0x1ac: {  	[tilespmem:s11+$0x0] =	vst v6  }
0x1ad: {  	[tilespmem:s11+$0xFFFFFFE0] =	vst v2  }
0x1ae: {  	s4 =	sadd.s32 s4, s14;
	v6 =	vld [tilespmem:s1+$0xFFFFFFF0];
	[tilespmem:s11+$0xFFFFFFF0] =	vst v3;
	s11 =	smov.u32 s1  }
0x1af: {  	s4 =	scvt.s32.f32 s4;
	v2 =	vld.idx.msk [tilespmem:v1+s28+$0x0], $0xffff  }
0x1b0: {  	v3 =	vld [tilespmem:s1+$0x10]  }
0x1b1: {  	v1 =	vmov s4;
	v7 =	vld [tilespmem:s1+$0x0]  }
.Ltmp9:
0x1b2: {  	v1 =	vtrunc.f32 v1;
	v4 =	vld [tilespmem:s1+$0xFFFFFFE0];
	(pc) =	sbr.rel @p0 .LBB2_21-.Ltmp9, $3  }
0x1b3: {  	v1 =	vcvt.f32.s32 v1;
	_ =	sdelay $0x1  }
0x1b4: {  	v1 =	vbroadcast v1, $0x0;
	v5 =	vmul.f32 v3, v2  }
0x1b5: {  	v3 =	vmul.f32 v6, v2;
	v6 =	vmul.f32 v7, v2  }
0x1b6: {  	v2 =	vmul.f32 v4, v2;
	[tilespmem:s11+$0x10] =	vst v5  }
0x1b7: {  	[tilespmem:s11+$0x0] =	vst v6  }
0x1b8: {  	s1 =	sadd.s32 $0x40, s1;
	[tilespmem:s11+$0xFFFFFFE0] =	vst v2  }
0x1b9: {  	v2 =	vld [tilespmem:s1+$0xFFFFFFF0];
	[tilespmem:s11+$0xFFFFFFF0] =	vst v3  }
0x1ba: {  	v1 =	vld.idx.msk [tilespmem:v1+s28+$0x0], $0xffff  }
0x1bb: {  	v3 =	vld [tilespmem:s1+$0x10]  }
0x1bc: {  	v4 =	vld [tilespmem:s1+$0x0]  }
0x1bd: {  	v5 =	vld [tilespmem:s1+$0xFFFFFFE0]  }
0x1be: {  	s4 =	sadd.s32 $0x0, s14  }
0x1bf: {  	s4 =	scvt.s32.f32 s4  }
0x1c0: {  	v3 =	vmul.f32 v3, v1  }
0x1c1: {  	v6 =	vmov s4;
	v4 =	vmul.f32 v4, v1  }
0x1c2: {  	v5 =	vmul.f32 v5, v1;
	[tilespmem:s1+$0x10] =	vst v3;
	v3 =	vtrunc.f32 v6  }
0x1c3: {  	s11 =	sadd.s32 s16, s23;
	v1 =	vmul.f32 v2, v1;
	[tilespmem:s1+$0x0] =	vst v4;
	v2 =	vcvt.f32.s32 v3  }
0x1c4: {  	s4 =	sshrl.u32 s11, $0x3;
	[tilespmem:s1+$0xFFFFFFE0] =	vst v5  }
0x1c5: {  	s11 =	simm.s32 $0x0;
	s6 =	sadd.s32 s8, s4;
	[tilespmem:s1+$0xFFFFFFF0] =	vst v1;
	v1 =	vbroadcast v2, $0x0  }
0x1c6: {  	[hbm4b:s6+s11] =	stream.linear.scatter [tilespmem:s29], [sflag:$0xA], $0x2000, $0x38;
	[tilespmem:$0x1D5A0] =	vst v63  }
0x1c7: {  	_ =	swait.ge [sflag:s21], $0x2000  }
0x1c8: {  	[sflag:s21] =	ssyncset.done $0x0  }
0x1c9: {  	s11 =	simm.s32 $0x70A0;
	[sflag:s21] =	ssyncadd.s32 $0xFFFFE000  }
0x1ca: {  	v4 =	vld [tilespmem:s11+$0x10]  }
0x1cb: {  	s6 =	sadd.s32 $0x1, s14;
	v2 =	vld.idx.msk [tilespmem:v1+s28+$0x0], $0xffff  }
0x1cc: {  	s1 =	scvt.s32.f32 s6  }
0x1cd: {  	v3 =	vld [tilespmem:s11+$0xFFFFFFF0]  }
0x1ce: {  	v6 =	vld [tilespmem:s11+$0x0];
	v1 =	vmov s1  }
0x1cf: {  	v1 =	vtrunc.f32 v1  }
0x1d0: {  	v1 =	vcvt.f32.s32 v1;
	v5 =	vmul.f32 v4, v2;
	v4 =	vld [tilespmem:s11+$0xFFFFFFE0];
	_ =	sdelay $0x1  }
0x1d1: {  	v1 =	vbroadcast v1, $0x0  }
0x1d2: {  	s6 =	simm.s32 $0x2;
	s1 =	simm.s32 $0x70A0;
	v3 =	vmul.f32 v3, v2;
	v6 =	vmul.f32 v6, v2  }
.LBB2_23:
0x1d3: {  	p0 =	sne.s32 s6, $0x7F  }
0x1d4: {  	v2 =	vmul.f32 v4, v2;
	[tilespmem:s11+$0x10] =	vst v5;
	s1 =	sadd.s32 $0x40, s1;
	s4 =	smov.u32 s6;
	s6 =	sadd.s32 $0x1, s6  }
0x1d5: {  	[tilespmem:s11+$0x0] =	vst v6  }
0x1d6: {  	[tilespmem:s11+$0xFFFFFFE0] =	vst v2  }
0x1d7: {  	s4 =	sadd.s32 s4, s14;
	v6 =	vld [tilespmem:s1+$0xFFFFFFF0];
	[tilespmem:s11+$0xFFFFFFF0] =	vst v3;
	s11 =	smov.u32 s1  }
0x1d8: {  	s4 =	scvt.s32.f32 s4;
	v2 =	vld.idx.msk [tilespmem:v1+s28+$0x0], $0xffff  }
0x1d9: {  	v3 =	vld [tilespmem:s1+$0x10]  }
0x1da: {  	v1 =	vmov s4;
	v7 =	vld [tilespmem:s1+$0x0]  }
.Ltmp10:
0x1db: {  	v1 =	vtrunc.f32 v1;
	v4 =	vld [tilespmem:s1+$0xFFFFFFE0];
	(pc) =	sbr.rel @p0 .LBB2_23-.Ltmp10, $3  }
0x1dc: {  	v1 =	vcvt.f32.s32 v1;
	_ =	sdelay $0x1  }
0x1dd: {  	v1 =	vbroadcast v1, $0x0;
	v5 =	vmul.f32 v3, v2  }
0x1de: {  	v3 =	vmul.f32 v6, v2;
	v6 =	vmul.f32 v7, v2  }
0x1df: {  	v2 =	vmul.f32 v4, v2;
	[tilespmem:s11+$0x10] =	vst v5  }
0x1e0: {  	[tilespmem:s11+$0x0] =	vst v6  }
0x1e1: {  	s1 =	sadd.s32 $0x40, s1;
	[tilespmem:s11+$0xFFFFFFE0] =	vst v2  }
0x1e2: {  	v2 =	vld [tilespmem:s1+$0xFFFFFFF0];
	[tilespmem:s11+$0xFFFFFFF0] =	vst v3  }
0x1e3: {  	v1 =	vld.idx.msk [tilespmem:v1+s28+$0x0], $0xffff  }
0x1e4: {  	v3 =	vld [tilespmem:s1+$0x10]  }
0x1e5: {  	v63 =	vld [tilespmem:s1+$0x0]  }
0x1e6: {  	v5 =	vld [tilespmem:s1+$0xFFFFFFE0];
	_ =	sdelay $0x2  }
0x1e7: {  	v3 =	vmul.f32 v3, v1  }
0x1e8: {  	v4 =	vmul.f32 v63, v1  }
0x1e9: {  	v5 =	vmul.f32 v5, v1;
	[tilespmem:s1+$0x10] =	vst v3  }
0x1ea: {  	s15 =	sadd.s32 $0x1, s15;
	v1 =	vmul.f32 v2, v1;
	[tilespmem:s1+$0x0] =	vst v4  }
0x1eb: {  	p0 =	sne.s32 s15, $0x5;
	[tilespmem:s1+$0xFFFFFFE0] =	vst v5  }
.Ltmp11:
0x1ec: {  	s23 =	sadd.s32 s23, s5;
	[tilespmem:s1+$0xFFFFFFF0] =	vst v1;
	(pc) =	sbr.rel @p0 .LBB2_20-.Ltmp11, $4  }
0x1ed: {  	[spmem:s23] =	stream.linear.scatter [tilespmem:s29], [sflag:$0xA], $0x2000, $0x38;
	[tilespmem:$0x1D5A0] =	vst v63  }
0x1ee: {  	_ =	swait.ge [sflag:s21], $0x2000  }
0x1ef: {  	[sflag:s21] =	ssyncset.done $0x0  }
0x1f0: {  	s14 =	sadd.s32 $0x80, s14;
	[sflag:s21] =	ssyncadd.s32 $0xFFFFE000  }
0x1f1: {  	s1 =	rddreg [dreg:$0x6]  }
0x1f2: {  	s4 =	rddreg [dreg:$0x7]  }
0x1f3: {  	s6 =	rddreg [dreg:$0xf]  }
0x1f4: {  	[spmem:s6], [sflag:s4] =	dma.local [hbm:s1], $0x1400  }
0x1f5: {  	_ =	swait.ge [sflag:s21], $0x1400  }
0x1f6: {  	[sflag:s21] =	ssyncset.done $0x0  }
0x1f7: {  	[sflag:s21] =	ssyncadd.s32 $0xFFFFEC00  }
0x1f8: {  	[bflag:$0x0] =	sbarrier.arrive $0xFFFF  }
0x1f9: {  	s14 =	simm.s32 $0x0;
	s15 =	rddreg [dreg:$0xc]  }
0x1fa: {  	[tilespmem:s14], [sflag:$0xA] =	stream.linear.gather [hbm4b:s15+s14], $0x2880, $0x38;
	[tilespmem:$0x1D5A0] =	vst v63  }
0x1fb: {  	_ =	swait.ge [sflag:s21], $0x2880  }
0x1fc: {  	[sflag:s21] =	ssyncset.done $0x0  }
0x1fd: {  	s6 =	simm.s32 $0x2880;
	s23 =	rddreg [dreg:$0xa];
	[sflag:s21] =	ssyncadd.s32 $0xFFFFD780  }
0x1fe: {  	[tilespmem:s6], [sflag:$0xA] =	stream.linear.gather [hbm4b:s23+s14], $0x2800, $0x38;
	[tilespmem:$0x1D5A0] =	vst v63  }
0x1ff: {  	_ =	swait.ge [sflag:s21], $0x2800  }
0x200: {  	[sflag:s21] =	ssyncset.done $0x0  }
0x201: {  	[sflag:s21] =	ssyncadd.s32 $0xFFFFD800  }
0x202: {  	[tilespmem:s30], [sflag:$0x1] =	stream.indirect.gather [spmem:s5], $0x40, s14, s24, $0xb8;
	[tilespmem:$0x1D5A0] =	vst v63  }
0x203: {  	_ = 	snop  }
0x204: {  	[tilespmem:s31], [sflag:$0x2] =	stream.indirect.gather [spmem:s5], $0x40, s24, s24, $0xb8;
	[tilespmem:$0x1D5A0] =	vst v63  }
0x205: {  	_ =	swait.ge [sflag:s0], $0x800  }
0x206: {  	[sflag:s0] =	ssyncset.done $0x0  }
0x207: {  	[sflag:s0] =	ssyncadd.s32 $0xFFFFF800  }
0x208: {  	[spmem:s3] =	stream.indirect.scatter.add.f32 [tilespmem:s30], [sflag:$0x5], $0x40, s6, s24, $0xb8;
	[tilespmem:$0x1D5A0] =	vst v63  }
0x209: {  	s11 =	simm.s32 $0x40  }
0x20a: {  	[tilespmem:s13], [sflag:$0x3] =	stream.indirect.gather [spmem:s5], $0x40, s11, s24, $0xb8;
	[tilespmem:$0x1D5A0] =	vst v63  }
0x20b: {  	_ =	swait.ge [sflag:s19], $0x800  }
0x20c: {  	[sflag:s19] =	ssyncset.done $0x0  }
0x20d: {  	s14 =	simm.s32 $0x28A0;
	[sflag:s19] =	ssyncadd.s32 $0xFFFFF800  }
0x20e: {  	[spmem:s3] =	stream.indirect.scatter.add.f32 [tilespmem:s31], [sflag:$0x6], $0x40, s14, s24, $0xb8;
	[tilespmem:$0x1D5A0] =	vst v63  }
0x20f: {  	s15 =	simm.s32 $0x60  }
0x210: {  	[tilespmem:s10], [sflag:$0x4] =	stream.indirect.gather [spmem:s5], $0x40, s15, s24, $0xb8;
	[tilespmem:$0x1D5A0] =	vst v63  }
0x211: {  	_ =	swait.ge [sflag:s17], $0x800  }
0x212: {  	[sflag:s17] =	ssyncset.done $0x0  }
0x213: {  	s23 =	simm.s32 $0x28C0;
	[sflag:s17] =	ssyncadd.s32 $0xFFFFF800  }
0x214: {  	[spmem:s3] =	stream.indirect.scatter.add.f32 [tilespmem:s13], [sflag:$0x7], $0x40, s23, s24, $0xb8;
	[tilespmem:$0x1D5A0] =	vst v63  }
0x215: {  	_ =	swait.ge [sflag:s20], $0x800  }
0x216: {  	[sflag:s20] =	ssyncset.done $0x0  }
0x217: {  	s4 =	simm.s32 $0x80;
	[sflag:s20] =	ssyncadd.s32 $0xFFFFF800  }
0x218: {  	[tilespmem:s30], [sflag:$0x1] =	stream.indirect.gather [spmem:s5], $0x40, s4, s24, $0xb8;
	[tilespmem:$0x1D5A0] =	vst v63  }
0x219: {  	_ =	swait.ge [sflag:s22], $0x800  }
0x21a: {  	[sflag:s22] =	ssyncset.done $0x0  }
0x21b: {  	s11 =	simm.s32 $0x28E0;
	[sflag:s22] =	ssyncadd.s32 $0xFFFFF800  }
0x21c: {  	[spmem:s3] =	stream.indirect.scatter.add.f32 [tilespmem:s10], [sflag:$0x8], $0x40, s11, s24, $0xb8;
	[tilespmem:$0x1D5A0] =	vst v63  }
0x21d: {  	_ =	swait.ge [sflag:s18], $0x800  }
0x21e: {  	[sflag:s18] =	ssyncset.done $0x0  }
0x21f: {  	s14 =	simm.s32 $0xA0;
	[sflag:s18] =	ssyncadd.s32 $0xFFFFF800  }
0x220: {  	[tilespmem:s31], [sflag:$0x2] =	stream.indirect.gather [spmem:s5], $0x40, s14, s24, $0xb8;
	[tilespmem:$0x1D5A0] =	vst v63  }
0x221: {  	_ =	swait.ge [sflag:s0], $0x800  }
0x222: {  	[sflag:s0] =	ssyncset.done $0x0  }
0x223: {  	s15 =	simm.s32 $0x2900;
	[sflag:s0] =	ssyncadd.s32 $0xFFFFF800  }
0x224: {  	[spmem:s3] =	stream.indirect.scatter.add.f32 [tilespmem:s30], [sflag:$0x5], $0x40, s15, s24, $0xb8;
	[tilespmem:$0x1D5A0] =	vst v63  }
0x225: {  	_ =	swait.ge [sflag:s12], $0x800  }
0x226: {  	[sflag:s12] =	ssyncset.done $0x0  }
0x227: {  	s23 =	simm.s32 $0xC0;
	[sflag:s12] =	ssyncadd.s32 $0xFFFFF800  }
0x228: {  	[tilespmem:s13], [sflag:$0x3] =	stream.indirect.gather [spmem:s5], $0x40, s23, s24, $0xb8;
	[tilespmem:$0x1D5A0] =	vst v63  }
0x229: {  	_ =	swait.ge [sflag:s19], $0x800  }
0x22a: {  	[sflag:s19] =	ssyncset.done $0x0  }
0x22b: {  	s4 =	simm.s32 $0x2920;
	[sflag:s19] =	ssyncadd.s32 $0xFFFFF800  }
0x22c: {  	[spmem:s3] =	stream.indirect.scatter.add.f32 [tilespmem:s31], [sflag:$0x6], $0x40, s4, s24, $0xb8;
	[tilespmem:$0x1D5A0] =	vst v63  }
0x22d: {  	_ =	swait.ge [sflag:s2], $0x800  }
0x22e: {  	[sflag:s2] =	ssyncset.done $0x0  }
0x22f: {  	s11 =	simm.s32 $0xE0;
	[sflag:s2] =	ssyncadd.s32 $0xFFFFF800  }
0x230: {  	[tilespmem:s10], [sflag:$0x4] =	stream.indirect.gather [spmem:s5], $0x40, s11, s24, $0xb8;
	[tilespmem:$0x1D5A0] =	vst v63  }
0x231: {  	_ =	swait.ge [sflag:s17], $0x800  }
0x232: {  	[sflag:s17] =	ssyncset.done $0x0  }
0x233: {  	s14 =	simm.s32 $0x2940;
	[sflag:s17] =	ssyncadd.s32 $0xFFFFF800  }
0x234: {  	[spmem:s3] =	stream.indirect.scatter.add.f32 [tilespmem:s13], [sflag:$0x7], $0x40, s14, s24, $0xb8;
	[tilespmem:$0x1D5A0] =	vst v63  }
0x235: {  	_ =	swait.ge [sflag:s20], $0x800  }
0x236: {  	[sflag:s20] =	ssyncset.done $0x0  }
0x237: {  	s15 =	simm.s32 $0x100;
	[sflag:s20] =	ssyncadd.s32 $0xFFFFF800  }
0x238: {  	[tilespmem:s30], [sflag:$0x1] =	stream.indirect.gather [spmem:s5], $0x40, s15, s24, $0xb8;
	[tilespmem:$0x1D5A0] =	vst v63  }
0x239: {  	_ =	swait.ge [sflag:s22], $0x800  }
0x23a: {  	[sflag:s22] =	ssyncset.done $0x0  }
0x23b: {  	s23 =	simm.s32 $0x2960;
	[sflag:s22] =	ssyncadd.s32 $0xFFFFF800  }
0x23c: {  	[spmem:s3] =	stream.indirect.scatter.add.f32 [tilespmem:s10], [sflag:$0x8], $0x40, s23, s24, $0xb8;
	[tilespmem:$0x1D5A0] =	vst v63  }
0x23d: {  	_ =	swait.ge [sflag:s18], $0x800  }
0x23e: {  	[sflag:s18] =	ssyncset.done $0x0  }
0x23f: {  	s1 =	simm.s32 $0x120;
	s14 =	simm.s32 $0x200;
	[sflag:s18] =	ssyncadd.s32 $0xFFFFF800  }
.LBB2_26:
0x240: {  	[tilespmem:s31], [sflag:$0x2] =	stream.indirect.gather [spmem:s5], $0x40, s1, s24, $0xb8;
	[tilespmem:$0x1D5A0] =	vst v63  }
0x241: {  	s1 =	smov.u32 s14  }
0x242: {  	p0 =	sne.s32 s14, $0x9C00;
	s14 =	sadd.s32 $0x200, s14;
	_ =	swait.ge [sflag:s0], $0x800  }
0x243: {  	s15 =	sshra.s32 s1, $0x2;
	[sflag:s0] =	ssyncset.done $0x0  }
0x244: {  	s1 =	sadd.s32 $0x2900, s15;
	[sflag:s0] =	ssyncadd.s32 $0xFFFFF800  }
0x245: {  	[spmem:s3] =	stream.indirect.scatter.add.f32 [tilespmem:s30], [sflag:$0x5], $0x40, s1, s24, $0xb8;
	[tilespmem:$0x1D5A0] =	vst v63  }
0x246: {  	_ =	swait.ge [sflag:s12], $0x800  }
0x247: {  	[sflag:s12] =	ssyncset.done $0x0  }
0x248: {  	s1 =	sadd.s32 $0xC0, s15;
	[sflag:s12] =	ssyncadd.s32 $0xFFFFF800  }
0x249: {  	[tilespmem:s13], [sflag:$0x3] =	stream.indirect.gather [spmem:s5], $0x40, s1, s24, $0xb8;
	[tilespmem:$0x1D5A0] =	vst v63  }
0x24a: {  	_ =	swait.ge [sflag:s19], $0x800  }
0x24b: {  	[sflag:s19] =	ssyncset.done $0x0  }
0x24c: {  	s1 =	sadd.s32 $0x2920, s15;
	[sflag:s19] =	ssyncadd.s32 $0xFFFFF800  }
0x24d: {  	[spmem:s3] =	stream.indirect.scatter.add.f32 [tilespmem:s31], [sflag:$0x6], $0x40, s1, s24, $0xb8;
	[tilespmem:$0x1D5A0] =	vst v63  }
0x24e: {  	_ =	swait.ge [sflag:s2], $0x800  }
0x24f: {  	[sflag:s2] =	ssyncset.done $0x0  }
0x250: {  	s1 =	sadd.s32 $0xE0, s15;
	[sflag:s2] =	ssyncadd.s32 $0xFFFFF800  }
0x251: {  	[tilespmem:s10], [sflag:$0x4] =	stream.indirect.gather [spmem:s5], $0x40, s1, s24, $0xb8;
	[tilespmem:$0x1D5A0] =	vst v63  }
0x252: {  	_ =	swait.ge [sflag:s17], $0x800  }
0x253: {  	[sflag:s17] =	ssyncset.done $0x0  }
0x254: {  	s1 =	sadd.s32 $0x2940, s15;
	[sflag:s17] =	ssyncadd.s32 $0xFFFFF800  }
0x255: {  	[spmem:s3] =	stream.indirect.scatter.add.f32 [tilespmem:s13], [sflag:$0x7], $0x40, s1, s24, $0xb8;
	[tilespmem:$0x1D5A0] =	vst v63  }
0x256: {  	_ =	swait.ge [sflag:s20], $0x800  }
0x257: {  	[sflag:s20] =	ssyncset.done $0x0  }
0x258: {  	s1 =	sadd.s32 $0x100, s15;
	[sflag:s20] =	ssyncadd.s32 $0xFFFFF800  }
0x259: {  	[tilespmem:s30], [sflag:$0x1] =	stream.indirect.gather [spmem:s5], $0x40, s1, s24, $0xb8;
	[tilespmem:$0x1D5A0] =	vst v63  }
0x25a: {  	_ =	swait.ge [sflag:s22], $0x800  }
0x25b: {  	[sflag:s22] =	ssyncset.done $0x0  }
.Ltmp12:
0x25c: {  	s1 =	sadd.s32 $0x2960, s15;
	[sflag:s22] =	ssyncadd.s32 $0xFFFFF800;
	(pc) =	sbr.rel @p0 .LBB2_26-.Ltmp12, $4  }
0x25d: {  	[spmem:s3] =	stream.indirect.scatter.add.f32 [tilespmem:s10], [sflag:$0x8], $0x40, s1, s24, $0xb8;
	[tilespmem:$0x1D5A0] =	vst v63  }
0x25e: {  	_ =	swait.ge [sflag:s18], $0x800  }
0x25f: {  	[sflag:s18] =	ssyncset.done $0x0  }
0x260: {  	s1 =	sadd.s32 $0x120, s15;
	[sflag:s18] =	ssyncadd.s32 $0xFFFFF800  }
0x261: {  	[tilespmem:s31], [sflag:$0x2] =	stream.indirect.gather [spmem:s5], $0x40, s1, s24, $0xb8;
	[tilespmem:$0x1D5A0] =	vst v63  }
0x262: {  	_ =	swait.ge [sflag:s12], $0x800  }
0x263: {  	[sflag:s12] =	ssyncset.done $0x0  }
0x264: {  	[sflag:s12] =	ssyncadd.s32 $0xFFFFF800  }
0x265: {  	_ =	swait.ge [sflag:s2], $0x800  }
0x266: {  	[sflag:s2] =	ssyncset.done $0x0  }
0x267: {  	[sflag:s2] =	ssyncadd.s32 $0xFFFFF800  }
0x268: {  	_ =	swait.ge [sflag:s0], $0x800  }
0x269: {  	[sflag:s0] =	ssyncset.done $0x0  }
0x26a: {  	[sflag:s0] =	ssyncadd.s32 $0xFFFFF800  }
0x26b: {  	_ =	swait.ge [sflag:s19], $0x800  }
0x26c: {  	[sflag:s19] =	ssyncset.done $0x0  }
0x26d: {  	s11 =	simm.s32 $0x0;
	s4 =	rddreg [dreg:$0xd];
	[sflag:s19] =	ssyncadd.s32 $0xFFFFF800  }
0x26e: {  	[tilespmem:s11], [sflag:$0xA] =	stream.linear.gather [hbm4b:s4+s11], $0x2880, $0x38;
	[tilespmem:$0x1D5A0] =	vst v63  }
0x26f: {  	_ =	swait.ge [sflag:s21], $0x2880  }
0x270: {  	[sflag:s21] =	ssyncset.done $0x0  }
0x271: {  	s14 =	rddreg [dreg:$0xb];
	[sflag:s21] =	ssyncadd.s32 $0xFFFFD780  }
0x272: {  	[tilespmem:s6], [sflag:$0xA] =	stream.linear.gather [hbm4b:s14+s11], $0x2800, $0x38;
	[tilespmem:$0x1D5A0] =	vst v63  }
0x273: {  	_ =	swait.ge [sflag:s21], $0x2800  }
0x274: {  	[sflag:s21] =	ssyncset.done $0x0  }
0x275: {  	[sflag:s21] =	ssyncadd.s32 $0xFFFFD800  }
0x276: {  	[tilespmem:s30], [sflag:$0x1] =	stream.indirect.gather [spmem:s5], $0x40, s11, s24, $0xb8;
	[tilespmem:$0x1D5A0] =	vst v63  }
0x277: {  	_ = 	snop  }
0x278: {  	[tilespmem:s31], [sflag:$0x2] =	stream.indirect.gather [spmem:s5], $0x40, s24, s24, $0xb8;
	[tilespmem:$0x1D5A0] =	vst v63  }
0x279: {  	_ =	swait.ge [sflag:s0], $0x800  }
0x27a: {  	[sflag:s0] =	ssyncset.done $0x0  }
0x27b: {  	[sflag:s0] =	ssyncadd.s32 $0xFFFFF800  }
0x27c: {  	[spmem:s3] =	stream.indirect.scatter.add.f32 [tilespmem:s30], [sflag:$0x5], $0x40, s6, s24, $0xb8;
	[tilespmem:$0x1D5A0] =	vst v63  }
0x27d: {  	s15 =	simm.s32 $0x40  }
0x27e: {  	[tilespmem:s13], [sflag:$0x3] =	stream.indirect.gather [spmem:s5], $0x40, s15, s24, $0xb8;
	[tilespmem:$0x1D5A0] =	vst v63  }
0x27f: {  	_ =	swait.ge [sflag:s19], $0x800  }
0x280: {  	[sflag:s19] =	ssyncset.done $0x0  }
0x281: {  	s23 =	simm.s32 $0x28A0;
	[sflag:s19] =	ssyncadd.s32 $0xFFFFF800  }
0x282: {  	[spmem:s3] =	stream.indirect.scatter.add.f32 [tilespmem:s31], [sflag:$0x6], $0x40, s23, s24, $0xb8;
	[tilespmem:$0x1D5A0] =	vst v63  }
0x283: {  	s4 =	simm.s32 $0x60  }
0x284: {  	[tilespmem:s10], [sflag:$0x4] =	stream.indirect.gather [spmem:s5], $0x40, s4, s24, $0xb8;
	[tilespmem:$0x1D5A0] =	vst v63  }
0x285: {  	_ =	swait.ge [sflag:s17], $0x800  }
0x286: {  	[sflag:s17] =	ssyncset.done $0x0  }
0x287: {  	s6 =	simm.s32 $0x28C0;
	[sflag:s17] =	ssyncadd.s32 $0xFFFFF800  }
0x288: {  	[spmem:s3] =	stream.indirect.scatter.add.f32 [tilespmem:s13], [sflag:$0x7], $0x40, s6, s24, $0xb8;
	[tilespmem:$0x1D5A0] =	vst v63  }
0x289: {  	_ =	swait.ge [sflag:s20], $0x800  }
0x28a: {  	[sflag:s20] =	ssyncset.done $0x0  }
0x28b: {  	s11 =	simm.s32 $0x80;
	[sflag:s20] =	ssyncadd.s32 $0xFFFFF800  }
0x28c: {  	[tilespmem:s30], [sflag:$0x1] =	stream.indirect.gather [spmem:s5], $0x40, s11, s24, $0xb8;
	[tilespmem:$0x1D5A0] =	vst v63  }
0x28d: {  	_ =	swait.ge [sflag:s22], $0x800  }
0x28e: {  	[sflag:s22] =	ssyncset.done $0x0  }
0x28f: {  	s14 =	simm.s32 $0x28E0;
	[sflag:s22] =	ssyncadd.s32 $0xFFFFF800  }
0x290: {  	[spmem:s3] =	stream.indirect.scatter.add.f32 [tilespmem:s10], [sflag:$0x8], $0x40, s14, s24, $0xb8;
	[tilespmem:$0x1D5A0] =	vst v63  }
0x291: {  	_ =	swait.ge [sflag:s18], $0x800  }
0x292: {  	[sflag:s18] =	ssyncset.done $0x0  }
0x293: {  	s15 =	simm.s32 $0xA0;
	[sflag:s18] =	ssyncadd.s32 $0xFFFFF800  }
0x294: {  	[tilespmem:s31], [sflag:$0x2] =	stream.indirect.gather [spmem:s5], $0x40, s15, s24, $0xb8;
	[tilespmem:$0x1D5A0] =	vst v63  }
0x295: {  	_ =	swait.ge [sflag:s0], $0x800  }
0x296: {  	[sflag:s0] =	ssyncset.done $0x0  }
0x297: {  	s23 =	simm.s32 $0x2900;
	[sflag:s0] =	ssyncadd.s32 $0xFFFFF800  }
0x298: {  	[spmem:s3] =	stream.indirect.scatter.add.f32 [tilespmem:s30], [sflag:$0x5], $0x40, s23, s24, $0xb8;
	[tilespmem:$0x1D5A0] =	vst v63  }
0x299: {  	_ =	swait.ge [sflag:s12], $0x800  }
0x29a: {  	[sflag:s12] =	ssyncset.done $0x0  }
0x29b: {  	s4 =	simm.s32 $0xC0;
	[sflag:s12] =	ssyncadd.s32 $0xFFFFF800  }
0x29c: {  	[tilespmem:s13], [sflag:$0x3] =	stream.indirect.gather [spmem:s5], $0x40, s4, s24, $0xb8;
	[tilespmem:$0x1D5A0] =	vst v63  }
0x29d: {  	_ =	swait.ge [sflag:s19], $0x800  }
0x29e: {  	[sflag:s19] =	ssyncset.done $0x0  }
0x29f: {  	s6 =	simm.s32 $0x2920;
	[sflag:s19] =	ssyncadd.s32 $0xFFFFF800  }
0x2a0: {  	[spmem:s3] =	stream.indirect.scatter.add.f32 [tilespmem:s31], [sflag:$0x6], $0x40, s6, s24, $0xb8;
	[tilespmem:$0x1D5A0] =	vst v63  }
0x2a1: {  	_ =	swait.ge [sflag:s2], $0x800  }
0x2a2: {  	[sflag:s2] =	ssyncset.done $0x0  }
0x2a3: {  	s11 =	simm.s32 $0xE0;
	[sflag:s2] =	ssyncadd.s32 $0xFFFFF800  }
0x2a4: {  	[tilespmem:s10], [sflag:$0x4] =	stream.indirect.gather [spmem:s5], $0x40, s11, s24, $0xb8;
	[tilespmem:$0x1D5A0] =	vst v63  }
0x2a5: {  	_ =	swait.ge [sflag:s17], $0x800  }
0x2a6: {  	[sflag:s17] =	ssyncset.done $0x0  }
0x2a7: {  	s14 =	simm.s32 $0x2940;
	[sflag:s17] =	ssyncadd.s32 $0xFFFFF800  }
0x2a8: {  	[spmem:s3] =	stream.indirect.scatter.add.f32 [tilespmem:s13], [sflag:$0x7], $0x40, s14, s24, $0xb8;
	[tilespmem:$0x1D5A0] =	vst v63  }
0x2a9: {  	_ =	swait.ge [sflag:s20], $0x800  }
0x2aa: {  	[sflag:s20] =	ssyncset.done $0x0  }
0x2ab: {  	s15 =	simm.s32 $0x100;
	[sflag:s20] =	ssyncadd.s32 $0xFFFFF800  }
0x2ac: {  	[tilespmem:s30], [sflag:$0x1] =	stream.indirect.gather [spmem:s5], $0x40, s15, s24, $0xb8;
	[tilespmem:$0x1D5A0] =	vst v63  }
0x2ad: {  	_ =	swait.ge [sflag:s22], $0x800  }
0x2ae: {  	[sflag:s22] =	ssyncset.done $0x0  }
0x2af: {  	s23 =	simm.s32 $0x2960;
	[sflag:s22] =	ssyncadd.s32 $0xFFFFF800  }
0x2b0: {  	[spmem:s3] =	stream.indirect.scatter.add.f32 [tilespmem:s10], [sflag:$0x8], $0x40, s23, s24, $0xb8;
	[tilespmem:$0x1D5A0] =	vst v63  }
0x2b1: {  	_ =	swait.ge [sflag:s18], $0x800  }
0x2b2: {  	[sflag:s18] =	ssyncset.done $0x0  }
0x2b3: {  	s1 =	simm.s32 $0x120;
	s14 =	simm.s32 $0x200;
	[sflag:s18] =	ssyncadd.s32 $0xFFFFF800  }
.LBB2_28:
0x2b4: {  	[tilespmem:s31], [sflag:$0x2] =	stream.indirect.gather [spmem:s5], $0x40, s1, s24, $0xb8;
	[tilespmem:$0x1D5A0] =	vst v63  }
0x2b5: {  	s1 =	smov.u32 s14  }
0x2b6: {  	p0 =	sne.s32 s14, $0x9C00;
	s14 =	sadd.s32 $0x200, s14;
	_ =	swait.ge [sflag:s0], $0x800  }
0x2b7: {  	s15 =	sshra.s32 s1, $0x2;
	[sflag:s0] =	ssyncset.done $0x0  }
0x2b8: {  	s1 =	sadd.s32 $0x2900, s15;
	[sflag:s0] =	ssyncadd.s32 $0xFFFFF800  }
0x2b9: {  	[spmem:s3] =	stream.indirect.scatter.add.f32 [tilespmem:s30], [sflag:$0x5], $0x40, s1, s24, $0xb8;
	[tilespmem:$0x1D5A0] =	vst v63  }
0x2ba: {  	_ =	swait.ge [sflag:s12], $0x800  }
0x2bb: {  	[sflag:s12] =	ssyncset.done $0x0  }
0x2bc: {  	s1 =	sadd.s32 $0xC0, s15;
	[sflag:s12] =	ssyncadd.s32 $0xFFFFF800  }
0x2bd: {  	[tilespmem:s13], [sflag:$0x3] =	stream.indirect.gather [spmem:s5], $0x40, s1, s24, $0xb8;
	[tilespmem:$0x1D5A0] =	vst v63  }
0x2be: {  	_ =	swait.ge [sflag:s19], $0x800  }
0x2bf: {  	[sflag:s19] =	ssyncset.done $0x0  }
0x2c0: {  	s1 =	sadd.s32 $0x2920, s15;
	[sflag:s19] =	ssyncadd.s32 $0xFFFFF800  }
0x2c1: {  	[spmem:s3] =	stream.indirect.scatter.add.f32 [tilespmem:s31], [sflag:$0x6], $0x40, s1, s24, $0xb8;
	[tilespmem:$0x1D5A0] =	vst v63  }
0x2c2: {  	_ =	swait.ge [sflag:s2], $0x800  }
0x2c3: {  	[sflag:s2] =	ssyncset.done $0x0  }
0x2c4: {  	s1 =	sadd.s32 $0xE0, s15;
	[sflag:s2] =	ssyncadd.s32 $0xFFFFF800  }
0x2c5: {  	[tilespmem:s10], [sflag:$0x4] =	stream.indirect.gather [spmem:s5], $0x40, s1, s24, $0xb8;
	[tilespmem:$0x1D5A0] =	vst v63  }
0x2c6: {  	_ =	swait.ge [sflag:s17], $0x800  }
0x2c7: {  	[sflag:s17] =	ssyncset.done $0x0  }
0x2c8: {  	s1 =	sadd.s32 $0x2940, s15;
	[sflag:s17] =	ssyncadd.s32 $0xFFFFF800  }
0x2c9: {  	[spmem:s3] =	stream.indirect.scatter.add.f32 [tilespmem:s13], [sflag:$0x7], $0x40, s1, s24, $0xb8;
	[tilespmem:$0x1D5A0] =	vst v63  }
0x2ca: {  	_ =	swait.ge [sflag:s20], $0x800  }
0x2cb: {  	[sflag:s20] =	ssyncset.done $0x0  }
0x2cc: {  	s1 =	sadd.s32 $0x100, s15;
	[sflag:s20] =	ssyncadd.s32 $0xFFFFF800  }
0x2cd: {  	[tilespmem:s30], [sflag:$0x1] =	stream.indirect.gather [spmem:s5], $0x40, s1, s24, $0xb8;
	[tilespmem:$0x1D5A0] =	vst v63  }
0x2ce: {  	_ =	swait.ge [sflag:s22], $0x800  }
0x2cf: {  	[sflag:s22] =	ssyncset.done $0x0  }
.Ltmp13:
0x2d0: {  	s1 =	sadd.s32 $0x2960, s15;
	[sflag:s22] =	ssyncadd.s32 $0xFFFFF800;
	(pc) =	sbr.rel @p0 .LBB2_28-.Ltmp13, $4  }
0x2d1: {  	[spmem:s3] =	stream.indirect.scatter.add.f32 [tilespmem:s10], [sflag:$0x8], $0x40, s1, s24, $0xb8;
	[tilespmem:$0x1D5A0] =	vst v63  }
0x2d2: {  	_ =	swait.ge [sflag:s18], $0x800  }
0x2d3: {  	[sflag:s18] =	ssyncset.done $0x0  }
0x2d4: {  	s1 =	sadd.s32 $0x120, s15;
	[sflag:s18] =	ssyncadd.s32 $0xFFFFF800  }
0x2d5: {  	[tilespmem:s31], [sflag:$0x2] =	stream.indirect.gather [spmem:s5], $0x40, s1, s24, $0xb8;
	[tilespmem:$0x1D5A0] =	vst v63  }
0x2d6: {  	_ =	swait.ge [sflag:s12], $0x800  }
0x2d7: {  	[sflag:s12] =	ssyncset.done $0x0  }
0x2d8: {  	[sflag:s12] =	ssyncadd.s32 $0xFFFFF800  }
0x2d9: {  	_ =	swait.ge [sflag:s2], $0x800  }
0x2da: {  	[sflag:s2] =	ssyncset.done $0x0  }
0x2db: {  	[sflag:s2] =	ssyncadd.s32 $0xFFFFF800  }
0x2dc: {  	_ =	swait.ge [sflag:s0], $0x800  }
0x2dd: {  	[sflag:s0] =	ssyncset.done $0x0  }
0x2de: {  	[sflag:s0] =	ssyncadd.s32 $0xFFFFF800  }
0x2df: {  	_ =	swait.ge [sflag:s19], $0x800  }
0x2e0: {  	[sflag:s19] =	ssyncset.done $0x0  }
0x2e1: {  	[sflag:s19] =	ssyncadd.s32 $0xFFFFF800  }
0x2e2: {  	s14 =	simm.s32 $0x0;
	s15 =	simm.s32 $0x0;
	[bflag:$0x0] =	sbarrier.arrive $0xFFFF  }
.LBB2_30:
0x2e3: {  	s1 =	sadd.s32 $0x0, s14  }
0x2e4: {  	s1 =	scvt.s32.f32 s1;
	_ =	sdelay $0x1  }
0x2e5: {  	v1 =	vmov s1  }
0x2e6: {  	s4 =	sshll.u32 s15, $0x7;
	v1 =	vtrunc.f32 v1  }
0x2e7: {  	s1 =	sadd.s32 s7, s4;
	v1 =	vcvt.f32.s32 v1  }
0x2e8: {  	s23 =	sshll.u32 s1, $0x6  }
0x2e9: {  	s1 =	sadd.s32 s23, s3;
	v1 =	vbroadcast v1, $0x0  }
0x2ea: {  	[tilespmem:s29], [sflag:$0xA] =	stream.linear.gather [spmem:s1], $0x2000, $0x38;
	[tilespmem:$0x1D5A0] =	vst v63  }
0x2eb: {  	_ =	swait.ge [sflag:s21], $0x2000  }
0x2ec: {  	[sflag:s21] =	ssyncset.done $0x0  }
0x2ed: {  	s11 =	simm.s32 $0x70A0;
	[sflag:s21] =	ssyncadd.s32 $0xFFFFE000  }
0x2ee: {  	v4 =	vld [tilespmem:s11+$0x10]  }
0x2ef: {  	s6 =	sadd.s32 $0x1, s14;
	v2 =	vld.idx.msk [tilespmem:v1+s28+$0x0], $0xffff  }
0x2f0: {  	s1 =	scvt.s32.f32 s6  }
0x2f1: {  	v3 =	vld [tilespmem:s11+$0xFFFFFFF0]  }
0x2f2: {  	v6 =	vld [tilespmem:s11+$0x0];
	v1 =	vmov s1  }
0x2f3: {  	v1 =	vtrunc.f32 v1  }
0x2f4: {  	v1 =	vcvt.f32.s32 v1;
	v5 =	vmul.f32 v4, v2;
	v4 =	vld [tilespmem:s11+$0xFFFFFFE0];
	_ =	sdelay $0x1  }
0x2f5: {  	v1 =	vbroadcast v1, $0x0  }
0x2f6: {  	s6 =	simm.s32 $0x2;
	s1 =	simm.s32 $0x70A0;
	v3 =	vmul.f32 v3, v2;
	v6 =	vmul.f32 v6, v2  }
.LBB2_31:
0x2f7: {  	p0 =	sne.s32 s6, $0x7F  }
0x2f8: {  	v2 =	vmul.f32 v4, v2;
	[tilespmem:s11+$0x10] =	vst v5;
	s1 =	sadd.s32 $0x40, s1;
	s4 =	smov.u32 s6;
	s6 =	sadd.s32 $0x1, s6  }
0x2f9: {  	[tilespmem:s11+$0x0] =	vst v6  }
0x2fa: {  	[tilespmem:s11+$0xFFFFFFE0] =	vst v2  }
0x2fb: {  	s4 =	sadd.s32 s4, s14;
	v6 =	vld [tilespmem:s1+$0xFFFFFFF0];
	[tilespmem:s11+$0xFFFFFFF0] =	vst v3;
	s11 =	smov.u32 s1  }
0x2fc: {  	s4 =	scvt.s32.f32 s4;
	v2 =	vld.idx.msk [tilespmem:v1+s28+$0x0], $0xffff  }
0x2fd: {  	v3 =	vld [tilespmem:s1+$0x10]  }
0x2fe: {  	v1 =	vmov s4;
	v7 =	vld [tilespmem:s1+$0x0]  }
.Ltmp14:
0x2ff: {  	v1 =	vtrunc.f32 v1;
	v4 =	vld [tilespmem:s1+$0xFFFFFFE0];
	(pc) =	sbr.rel @p0 .LBB2_31-.Ltmp14, $3  }
0x300: {  	v1 =	vcvt.f32.s32 v1;
	_ =	sdelay $0x1  }
0x301: {  	v1 =	vbroadcast v1, $0x0;
	v5 =	vmul.f32 v3, v2  }
0x302: {  	v3 =	vmul.f32 v6, v2;
	v6 =	vmul.f32 v7, v2  }
0x303: {  	v2 =	vmul.f32 v4, v2;
	[tilespmem:s11+$0x10] =	vst v5  }
0x304: {  	[tilespmem:s11+$0x0] =	vst v6  }
0x305: {  	s1 =	sadd.s32 $0x40, s1;
	[tilespmem:s11+$0xFFFFFFE0] =	vst v2  }
0x306: {  	v2 =	vld [tilespmem:s1+$0xFFFFFFF0];
	[tilespmem:s11+$0xFFFFFFF0] =	vst v3  }
0x307: {  	v1 =	vld.idx.msk [tilespmem:v1+s28+$0x0], $0xffff  }
0x308: {  	v3 =	vld [tilespmem:s1+$0x10]  }
0x309: {  	v63 =	vld [tilespmem:s1+$0x0]  }
0x30a: {  	v5 =	vld [tilespmem:s1+$0xFFFFFFE0];
	_ =	sdelay $0x2  }
0x30b: {  	v3 =	vmul.f32 v3, v1  }
0x30c: {  	v4 =	vmul.f32 v63, v1  }
0x30d: {  	v5 =	vmul.f32 v5, v1;
	[tilespmem:s1+$0x10] =	vst v3  }
0x30e: {  	s4 =	sadd.s32 s16, s23;
	s15 =	sadd.s32 $0x1, s15;
	v1 =	vmul.f32 v2, v1;
	[tilespmem:s1+$0x0] =	vst v4  }
0x30f: {  	s4 =	sshrl.u32 s4, $0x3;
	p0 =	sne.s32 s15, $0x5;
	[tilespmem:s1+$0xFFFFFFE0] =	vst v5  }
.Ltmp15:
0x310: {  	s23 =	simm.s32 $0x0;
	s11 =	sadd.s32 s9, s4;
	[tilespmem:s1+$0xFFFFFFF0] =	vst v1;
	(pc) =	sbr.rel @p0 .LBB2_30-.Ltmp15, $4  }
0x311: {  	[hbm4b:s11+s23] =	stream.linear.scatter [tilespmem:s29], [sflag:$0xA], $0x2000, $0x38;
	[tilespmem:$0x1D5A0] =	vst v63  }
0x312: {  	_ =	swait.ge [sflag:s21], $0x2000  }
0x313: {  	[sflag:s21] =	ssyncset.done $0x0  }
0x314: {  	s14 =	sadd.s32 $0x80, s14;
	[sflag:s21] =	ssyncadd.s32 $0xFFFFE000  }
0x315: {  	s4 =	rddreg [dreg:$0x11]  }
0x316: {  	s1 =	rddreg [dreg:$0xe];
	s4 =	sadd.s32 $0x1, s4  }
0x317: {  	p0 =	sne.s32 s4, s1  }
.Ltmp16:
0x318: {  	_ = 	snop;
	(pc) =	sbr.rel @p0 .LBB2_1-.Ltmp16, $2  }
0x319: {  	_ =	sdelay $0x2  }
0x31a: {  	s14 =	rddreg [dreg:$0x3];
	s11 =	simm.s32 $0x2880  }
0x31b: {  	_ =	sfence.sel $0x180000  }
0x31c: {  	[bflag:$0x0] =	sbarrier.arrive $0xFFFF  }
0x31d: {  	_ =	strace $0x90000047  }
0x31e: {  	s0 =	stileid.u32;
	[bflag:$0x2] =	sbarrier.arrive $0xFFFF  }
0x31f: {  	p0 =	sne.s32 s0, $0x0;
	s0 =	rddreg [dreg:$0x5]  }
0x320: {  	s0 =	sadd.s32 @!p0 $0x100000, s0  }
0x321: {  	[sflag:s0] =	ssyncadd.tile.s32 @!p0 $0x1;
	_ =	shalt  }
.Lfunc_end2:
_tile_overlayer_lowered:
.L_overlay_start_2:
0x322: {  	(tag) =	ssettag $0x2  }
0x323: {  	s0 =	rddreg [dreg:$0x0];
	s2 =	stileid.u32  }
0x324: {  	s1 =	rddreg [dreg:$0x1];
	p0 =	sne.s32 s2, $0x0  }
0x325: {  	s3 =	rddreg [dreg:$0x2];
	[bflag:$0x3] =	sbarrier.arrive $0xFFFF;
	s2 =	simm.s32 @!p0 $0x1C0A  }
0x326: {  	[timem:s3], [sflag:s2] =	dma.local @!p0 [hbm:s0], s1  }
0x327: {  	s0 =	simm.s32 @!p0 $0xA  }
0x328: {  	_ =	swait.ge @!p0 [sflag:s0], s1  }
0x329: {  	s1 =	ssub.s32 @!p0 $0x0, s1;
	[sflag:s0] =	ssyncset.done @!p0 $0x0  }
0x32a: {  	[sflag:s0] =	ssyncadd.s32 @!p0 s1  }
0x32b: {  	[bflag:$0x3] =	sbarrier.arrive $0xFFFF  }
0x32c: {  	_ =	shalt  }

</sc_bundles>
